<compile_context>
chip_gen: v7x
topology: tpu7x:2x2x1
jax: 0.10.2.dev20260603
libtpu: 0.0.44.dev20260713+nightly
codegen_flags: <defaults>
</compile_context>

<pallas_src>
import functools
import jax
import jax.numpy as jnp
from jax import lax
from jax.experimental import pallas as pl
from jax.experimental.pallas import tpu as pltpu
from jax.experimental.pallas import tpu_sc as plsc

N = 10000
NNEI = 64
RCUT = 6.0
RCUT_SMTH = 0.5
NE = N * NNEI

B = 40
NB = N // B
E = B * NNEI

NC = 2
NS = 16
NW = NC * NS
EPW = NE // NW
SUB = 80
NSUB = 25
CH = SUB * NSUB
NCHUNK = EPW // CH
NPAD = 10240
RPT = NPAD // NS

_MESH = dict(core_axis_name="c", subcore_axis_name="s", num_cores=NC,
             num_subcores=NS)


@functools.cache
def _get_sc_gather():
  return functools.partial(
      pl.kernel,
      out_type=jax.ShapeDtypeStruct((NE, 8), jnp.float32),
      mesh=plsc.VectorSubcoreMesh(**_MESH),
      compiler_params=pltpu.CompilerParams(use_tc_tiling_on_sc=False),
      scratch_types=[
          pltpu.VMEM((NSUB, SUB), jnp.int32),
          pltpu.VMEM((CH, 8), jnp.float32),
          pltpu.SemaphoreType.DMA,
          pltpu.SemaphoreType.DMA,
      ],
  )(_sc_gather_body)


def _sc_gather_body(coordp_hbm, nlist_hbm, out_hbm, idx_v, rows_v, gsem, osem):
  c = lax.axis_index("c")
  s = lax.axis_index("s")
  wid = s * NC + c

  def chunk_body(j, carry):
    cb = wid * EPW + j * CH
    pltpu.sync_copy(nlist_hbm.at[wid, j], idx_v)
    descs = []
    for j2 in range(NSUB):
      descs.append(
          pltpu.async_copy(coordp_hbm.at[idx_v.at[j2]],
                           rows_v.at[pl.ds(j2 * SUB, SUB)], gsem))
    for d in descs:
      d.wait()
    pltpu.async_copy(rows_v, out_hbm.at[pl.ds(cb, CH)], osem).wait()
    return carry

  lax.fori_loop(0, NCHUNK, chunk_body, 0)


@functools.cache
def _get_sc_scatter():
  return functools.partial(
      pl.kernel,
      out_type=jax.ShapeDtypeStruct((NC * NPAD, 8), jnp.float32),
      mesh=plsc.VectorSubcoreMesh(**_MESH),
      compiler_params=pltpu.CompilerParams(use_tc_tiling_on_sc=False),
      scratch_types=[
          pltpu.VMEM((NSUB, SUB), jnp.int32),
          pltpu.VMEM((CH, 8), jnp.float32),
          pltpu.VMEM_SHARED((NPAD, 8), jnp.float32),
          pltpu.SemaphoreType.DMA,
      ],
  )(_sc_scatter_body)


def _sc_scatter_body(grows_hbm, nlist_hbm, zeros_hbm, out_hbm,
                     idx_v, rows_v, acc_sh, sem):
  c = lax.axis_index("c")
  s = lax.axis_index("s")
  wid = s * NC + c

  @pl.when(s == 0)
  def _():
    pltpu.sync_copy(zeros_hbm, acc_sh)

  plsc.subcore_barrier()

  def chunk_body(j, carry):
    cb = wid * EPW + j * CH
    pltpu.sync_copy(nlist_hbm.at[wid, j], idx_v)
    pltpu.async_copy(grows_hbm.at[pl.ds(cb, CH)], rows_v, sem).wait()
    for j2 in range(NSUB):
      pltpu.sync_copy(rows_v.at[pl.ds(j2 * SUB, SUB)],
                      acc_sh.at[idx_v.at[j2]], add=True)
    return carry

  lax.fori_loop(0, NCHUNK, chunk_body, 0)
  plsc.subcore_barrier()
  pltpu.sync_copy(acc_sh.at[pl.ds(s * RPT, RPT)],
                  out_hbm.at[pl.ds(c * NPAD + s * RPT, RPT)])


def _dense_kernel(rows_ref, coordb_ref, davg_ref, dstd_ref,
                  ew0_ref, ew0c_ref, eb0_ref, ew1_ref, eb1_ref, ew2_ref,
                  eb2_ref, ew1t_ref, ew2t_ref,
                  fw0p_ref, fb0_ref, fw0pt_ref,
                  fw1_ref, fb1_ref, fw1t_ref,
                  fw2_ref, fb2_ref, fw2t_ref,
                  fwot_ref, fbo_ref,
                  ae_ref, esum_ref, selfsum_ref, grows_ref):
  f32 = jnp.float32

  def mm(a, b, prec=lax.Precision.HIGHEST):
    return jnp.dot(a, b, preferred_element_type=f32, precision=prec)

  DEF = lax.Precision.DEFAULT

  def bf(x):
    return x.astype(jnp.bfloat16).astype(f32)

  lane_b = lax.broadcasted_iota(jnp.int32, (1, B), 1)
  lane_n = lax.broadcasted_iota(jnp.int32, (1, NNEI), 1)
  lane_e = lax.broadcasted_iota(jnp.int32, (1, E), 1)
  sub_e = lax.broadcasted_iota(jnp.int32, (E, 1), 0)
  sub_b = lax.broadcasted_iota(jnp.int32, (B, 1), 0)
  atom_of_e = sub_e // NNEI
  k_of_e = sub_e - atom_of_e * NNEI
  one = f32(1.0)
  zero = f32(0.0)
  A = jnp.where(atom_of_e == lane_b, one, zero)
  M = jnp.where(k_of_e == lane_n, one, zero)
  AT = jnp.where(sub_b == lane_e // NNEI, one, zero)
  ones_n32 = jnp.ones((NNEI, 32), f32)
  ones_32n = jnp.ones((32, NNEI), f32)

  def plane_to_q(p, prec=lax.Precision.HIGHEST):
    return mm(A, p, prec) * M

  def rows_to_plane(ec):
    return mm(AT, ec)

  r8 = rows_ref[...]
  xg = rows_to_plane(jnp.broadcast_to(r8[:, 0:1], (E, NNEI)) * M)
  yg = rows_to_plane(jnp.broadcast_to(r8[:, 1:2], (E, NNEI)) * M)
  zg = rows_to_plane(jnp.broadcast_to(r8[:, 2:3], (E, NNEI)) * M)
  cb = coordb_ref[...]
  rx = xg - cb[:, 0:1]
  ry = yg - cb[:, 1:2]
  rz = zg - cb[:, 2:3]
  rr2 = (rx * rx + ry * ry) + rz * rz
  rr = jnp.sqrt(rr2 + 1e-12)
  u_raw = (rr - RCUT_SMTH) / (RCUT - RCUT_SMTH)
  uu = jnp.clip(u_raw, 0.0, 1.0)
  uu2 = uu * uu
  uu3 = uu2 * uu
  sw = uu3 * ((-6.0 * uu2 + 15.0 * uu) - 10.0) + 1.0
  inv_r = 1.0 / jnp.maximum(rr, 1e-2)
  sr = sw * inv_r
  sx = sr * inv_r
  dv = davg_ref[...]
  sd = dstd_ref[...]
  R0 = (sr - dv[:, 0:1]) / sd[:, 0:1]
  R1 = ((sr * rx) * inv_r - dv[:, 1:2]) / sd[:, 1:2]
  R2 = ((sr * ry) * inv_r - dv[:, 2:3]) / sd[:, 2:3]
  R3 = ((sr * rz) * inv_r - dv[:, 3:4]) / sd[:, 3:4]

  Q = [plane_to_q(R0), plane_to_q(R1, DEF), plane_to_q(R2, DEF),
       plane_to_q(R3, DEF)]

  w0e = jnp.broadcast_to(ew0_ref[...], (NNEI, 8))
  h0 = jnp.tanh(mm(Q[0], w0e) + eb0_ref[...])
  z1t = jnp.tanh(mm(h0, ew1_ref[...], DEF) + eb1_ref[...])
  h1 = jnp.concatenate([h0, h0], axis=1) + z1t
  z2t = jnp.tanh(mm(h1, ew2_ref[...], DEF) + eb2_ref[...])
  G = jnp.concatenate([h1, h1], axis=1) + z2t

  inv_n = f32(1.0 / NNEI)
  rnb = [mm(q, ones_n32, DEF) for q in Q]
  Gb = bf(G)
  gra = [mm(AT, Gb * rnb[a]) * inv_n for a in range(4)]
  gb = [bf(g) for g in gra]
  dks = []
  for k in range(4):
    acc = gb[0] * gb[0][:, k:k + 1]
    for a in range(1, 4):
      acc = acc + gb[a] * gb[a][:, k:k + 1]
    dks.append(acc)
  dd = jnp.concatenate(dks, axis=1)

  f0 = jnp.tanh(mm(dd, fw0p_ref[...], DEF) + fb0_ref[...])
  t1 = jnp.tanh(mm(f0, fw1_ref[...], DEF) + fb1_ref[...])
  f1 = f0 + t1
  t2 = jnp.tanh(mm(f1, fw2_ref[...], DEF) + fb2_ref[...])
  f2 = f1 + t2
  aev = jnp.sum(bf(f2) * fwot_ref[...], axis=1, keepdims=True) + fbo_ref[...]
  ae_ref[...] = aev

  @pl.when(pl.program_id(0) == 0)
  def _():
    esum_ref[...] = jnp.zeros_like(esum_ref)

  esum_ref[...] += jnp.sum(aev).reshape(1, 1)

  g_f2 = jnp.broadcast_to(fwot_ref[...], (B, 64))
  g_f1 = g_f2 + mm((1.0 - t2 * t2) * g_f2, fw2t_ref[...], DEF)
  g_f0 = g_f1 + mm((1.0 - t1 * t1) * g_f1, fw1t_ref[...], DEF)
  g_dd = mm((1.0 - f0 * f0) * g_f0, fw0pt_ref[...], DEF)

  iota32 = lax.broadcasted_iota(jnp.int32, (1, 32), 1)
  g_ddb = bf(g_dd)
  g_gra = []
  for a in range(4):
    acc = None
    for k in range(4):
      g_dk = g_ddb[:, 32 * k:32 * k + 32]
      term = g_dk * gb[a][:, k:k + 1]
      s_ak = jnp.sum(g_dk * gb[a], axis=1, keepdims=True)
      term = term + jnp.where(iota32 == k, s_ak, f32(0.0))
      acc = term if acc is None else acc + term
    g_gra.append(acc)

  bg = [mm(A, g, DEF) for g in g_gra]
  g_G = (rnb[0] * bg[0] + rnb[1] * bg[1] + rnb[2] * bg[2]
         + rnb[3] * bg[3]) * inv_n

  q2 = (1.0 - z2t * z2t) * g_G
  g_h1 = g_G[:, :16] + g_G[:, 16:] + mm(q2, ew2t_ref[...], DEF)
  q1 = (1.0 - z1t * z1t) * g_h1
  g_h0 = g_h1[:, :8] + g_h1[:, 8:] + mm(q1, ew1t_ref[...], DEF)
  q0 = (1.0 - h0 * h0) * g_h0

  w0b = jnp.broadcast_to(ew0c_ref[...], (8, NNEI))
  sg = [mm(Gb * bg[a], ones_32n) for a in range(4)]
  gm0 = (sg[0] * inv_n + mm(q0, w0b)) * M
  g0 = rows_to_plane(gm0) / sd[:, 0:1]
  g1 = rows_to_plane(sg[1] * M) * inv_n / sd[:, 1:2]
  g2 = rows_to_plane(sg[2] * M) * inv_n / sd[:, 2:3]
  g3 = rows_to_plane(sg[3] * M) * inv_n / sd[:, 3:4]

  g_sr = g0 + inv_r * (g1 * rx + g2 * ry + g3 * rz)
  g_invr = sr * (g1 * rx + g2 * ry + g3 * rz) + g_sr * sw
  g_sw = g_sr * inv_r
  dinvr = jnp.where(rr > 1e-2, -inv_r * inv_r, f32(0.0))
  um1 = uu - 1.0
  dsw_duu = -30.0 * uu2 * um1 * um1
  duu = jnp.where((u_raw > 0.0) & (u_raw < 1.0), f32(1.0 / (RCUT - RCUT_SMTH)),
                  f32(0.0))
  g_rr = g_sw * dsw_duu * duu + g_invr * dinvr
  grr_over = g_rr / rr
  gxp = g1 * sx + rx * grr_over
  gyp = g2 * sx + ry * grr_over
  gzp = g3 * sx + rz * grr_over

  selfsum_ref[...] = jnp.concatenate(
      [jnp.sum(gxp, axis=1, keepdims=True),
       jnp.sum(gyp, axis=1, keepdims=True),
       jnp.sum(gzp, axis=1, keepdims=True),
       jnp.zeros((B, 1), f32)], axis=1)
  lane8 = lax.broadcasted_iota(jnp.int32, (1, 8), 1)
  wsel = [jnp.broadcast_to(jnp.where(lane8 == c, one, zero), (NNEI, 8))
          for c in range(3)]
  grows_ref[...] = (mm(plane_to_q(gxp), wsel[0])
                    + mm(plane_to_q(gyp), wsel[1])
                    + mm(plane_to_q(gzp), wsel[2]))


def _full(shape):
  return pl.BlockSpec(shape, lambda i: tuple(0 for _ in shape))


DENSE_GRID = (NB,)
DENSE_IN_SPECS = [
    pl.BlockSpec((E, 8), lambda i: (i, 0)),
    pl.BlockSpec((B, 8), lambda i: (i, 0)),
    _full((1, 4)), _full((1, 4)),
    _full((1, 8)), _full((8, 1)), _full((1, 8)),
    _full((8, 16)), _full((1, 16)),
    _full((16, 32)), _full((1, 32)),
    _full((16, 8)), _full((32, 16)),
    _full((128, 64)), _full((1, 64)), _full((64, 128)),
    _full((64, 64)), _full((1, 64)), _full((64, 64)),
    _full((64, 64)), _full((1, 64)), _full((64, 64)),
    _full((1, 64)), _full((1, 1)),
]
DENSE_OUT_SPECS = [
    pl.BlockSpec((B, 1), lambda i: (i, 0)),
    pl.BlockSpec((1, 1), lambda i: (0, 0)),
    pl.BlockSpec((B, 4), lambda i: (i, 0)),
    pl.BlockSpec((E, 8), lambda i: (i, 0)),
]
DENSE_OUT_SHAPES = [
    jax.ShapeDtypeStruct((N, 1), jnp.float32),
    jax.ShapeDtypeStruct((1, 1), jnp.float32),
    jax.ShapeDtypeStruct((N, 4), jnp.float32),
    jax.ShapeDtypeStruct((NE, 8), jnp.float32),
]

_dense_call = pl.pallas_call(
    _dense_kernel,
    grid=DENSE_GRID,
    in_specs=DENSE_IN_SPECS,
    out_specs=DENSE_OUT_SPECS,
    out_shape=DENSE_OUT_SHAPES,
)


def _combine_kernel(selfsum_ref, parts_ref, force_ref):
  p = parts_ref[...]
  force_ref[...] = (selfsum_ref[...] - p[:N, :4] - p[NPAD:NPAD + N, :4])


_combine_call = pl.pallas_call(
    _combine_kernel,
    out_shape=jax.ShapeDtypeStruct((N, 4), jnp.float32),
)


@jax.jit
def kernel(coord, nlist, davg, dstd, ew0, eb0, ew1, eb1, ew2, eb2,
           fw0, fb0, fw1, fb1, fw2, fb2, fwo, fbo):
  f32 = jnp.float32
  coordp = jnp.zeros((N, 8), f32).at[:, :3].set(coord.astype(f32))
  nlist_i = nlist.astype(jnp.int32).reshape(NW, NCHUNK, NSUB, SUB)

  rows = _get_sc_gather()(coordp, nlist_i)

  def bt(w):
    return w.astype(jnp.bfloat16).astype(f32)

  fw0p = bt(fw0).reshape(32, 4, 64).transpose(1, 0, 2).reshape(128, 64)
  ew1b, ew2b = bt(ew1), bt(ew2)
  fw1b, fw2b, fwob = bt(fw1), bt(fw2), bt(fwo)
  args = (
      rows, coordp,
      davg.reshape(1, 4), dstd.reshape(1, 4),
      ew0, ew0.reshape(8, 1), eb0.reshape(1, 8),
      ew1b, eb1.reshape(1, 16),
      ew2b, eb2.reshape(1, 32),
      ew1b.T, ew2b.T,
      fw0p, fb0.reshape(1, 64), fw0p.T,
      fw1b, fb1.reshape(1, 64), fw1b.T,
      fw2b, fb2.reshape(1, 64), fw2b.T,
      fwob.reshape(1, 64), fbo.reshape(1, 1),
  )
  ae2, esum, selfsum, grows = _dense_call(*args)

  parts = _get_sc_scatter()(grows, nlist_i, jnp.zeros((NPAD, 8), f32))
  force4 = _combine_call(selfsum, parts)

  return (esum[0, 0], ae2.reshape(N), force4[:, :3])

# --- scband reference (transcript-rebuilt; emitter-appended) ---
"""Pipeline reference for scband-model-se-a-45913200394893 (READ-ONLY COPY).

The authoritative reference and input builder live on the scoring server;
editing this copy changes nothing except your own understanding.
"""

import jax, jax.numpy as jnp
import numpy as np

N = 10000
NNEI = 64
RCUT = 6.0
RCUT_SMTH = 0.5
AXIS = 4


def setup_inputs(seed: int = 0) -> dict:
    key = jax.random.key(seed)
    ks = jax.random.split(key, 20)
    coord = jax.random.normal(ks[0], (N, 3), dtype=jnp.float32) * 8.0
    # neighbor list: random neighbors excluding self (offset trick keeps indices in-range)
    offs = jax.random.randint(ks[1], (N, NNEI), 1, N)
    nlist = (jnp.arange(N, dtype=jnp.int64)[:, None] + offs.astype(jnp.int64)) % N
    davg = jnp.zeros((4,), dtype=jnp.float32)
    dstd = jnp.ones((4,), dtype=jnp.float32)

    def w(k, shape):
        return jax.random.normal(k, shape, dtype=jnp.float32) * 0.1

    return {
        'coord': coord, 'nlist': nlist, 'davg': davg, 'dstd': dstd,
        'ew0': w(ks[2], (1, 8)), 'eb0': w(ks[3], (8,)),
        'ew1': w(ks[4], (8, 16)), 'eb1': w(ks[5], (16,)),
        'ew2': w(ks[6], (16, 32)), 'eb2': w(ks[7], (32,)),
        'fw0': w(ks[8], (128, 64)), 'fb0': w(ks[9], (64,)),
        'fw1': w(ks[10], (64, 64)), 'fb1': w(ks[11], (64,)),
        'fw2': w(ks[12], (64, 64)), 'fb2': w(ks[13], (64,)),
        'fwo': w(ks[14], (64, 1)), 'fbo': w(ks[15], (1,)),
    }


def _atom_energy(coord, nlist, davg, dstd, ew0, eb0, ew1, eb1, ew2, eb2,
                 fw0, fb0, fw1, fb1, fw2, fb2, fwo, fbo):
    # --- descrpt_norot (se_a environment matrix) ---
    rij = coord[nlist] - coord[:, None, :]           # gather: [N, NNEI, 3]
    rr2 = jnp.sum(rij * rij, axis=-1)
    rr = jnp.sqrt(rr2 + 1e-12)
    # smooth switching function between rcut_smth and rcut
    uu = jnp.clip((rr - RCUT_SMTH) / (RCUT - RCUT_SMTH), 0.0, 1.0)
    sw = uu ** 3 * (-6.0 * uu ** 2 + 15.0 * uu - 10.0) + 1.0
    inv_r = 1.0 / jnp.maximum(rr, 1e-2)
    sr = sw * inv_r
    desc = jnp.stack([sr,
                      sr * rij[..., 0] * inv_r,
                      sr * rij[..., 1] * inv_r,
                      sr * rij[..., 2] * inv_r], axis=-1)  # [N, NNEI, 4]
    desc = (desc - davg) / dstd                       # normalize by t_avg / t_std
    # --- embedding (filter) net on s(r), resnet doubling [1->8->16->32] ---
    xx = desc[..., 0:1]
    h = jnp.tanh(xx @ ew0 + eb0)
    h = jnp.concatenate([h, h], axis=-1) + jnp.tanh(h @ ew1 + eb1)
    h = jnp.concatenate([h, h], axis=-1) + jnp.tanh(h @ ew2 + eb2)  # G: [N, NNEI, 32]
    # --- D = (G^T R)(R^T G[:, :axis]) ---
    gr = jnp.einsum('nia,nim->nam', desc, h) / NNEI   # [N, 4, 32]
    gr2 = gr[:, :, :AXIS]
    d = jnp.einsum('nam,nak->nmk', gr, gr2).reshape(coord.shape[0], -1)  # [N, 128]
    # --- fitting net with resnet (64-64-64) ---
    f = jnp.tanh(d @ fw0 + fb0)
    f = f + jnp.tanh(f @ fw1 + fb1)
    f = f + jnp.tanh(f @ fw2 + fb2)
    return (f @ fwo + fbo)[:, 0]                      # atom energies [N]


def reference(coord, nlist, davg, dstd, ew0, eb0, ew1, eb1, ew2, eb2,
              fw0, fb0, fw1, fb1, fw2, fb2, fwo, fbo):
    ae = _atom_energy(coord, nlist, davg, dstd, ew0, eb0, ew1, eb1, ew2, eb2,
                      fw0, fb0, fw1, fb1, fw2, fb2, fwo, fbo)
    energy = jnp.sum(ae)
    # prod_force_norot: force = -dE/d(coord), includes scatter-add onto neighbors
    force = -jax.grad(lambda c: jnp.sum(_atom_energy(c, nlist, davg, dstd,
                                                     ew0, eb0, ew1, eb1, ew2, eb2,
                                                     fw0, fb0, fw1, fb1, fw2, fb2,
                                                     fwo, fbo)))(coord)
    return (energy, ae, force)

if __name__ == "__main__":
    import jax
    _d = setup_inputs()
    print(jax.jit(kernel)(*tuple(_d.values())))

</pallas_src>

<mosaic_0001>
#map = affine_map<(d0, d1) -> (0, 0)>
#map1 = affine_map<(d0, d1) -> (0, 0, 0, 0)>
module attributes {stable_mosaic.version = 14 : i64} {
  func.func @_sc_gather_body(%arg0: i32, %arg1: i32, %arg2: memref<10000x8xf32, #tpu.memory_space<hbm>>, %arg3: memref<32x10x25x80xi32, #tpu.memory_space<hbm>>, %arg4: memref<640000x8xf32, #tpu.memory_space<hbm>>, %arg5: memref<25x80xi32, #tpu.memory_space<vmem>>, %arg6: memref<2000x8xf32, #tpu.memory_space<vmem>>, %arg7: memref<!tpu.dma_semaphore, #tpu.memory_space<semaphore_mem>>, %arg8: memref<!tpu.dma_semaphore, #tpu.memory_space<semaphore_mem>>) attributes {dimension_semantics = [#tpu.dimension_semantics<core_parallel>, #tpu.dimension_semantics<subcore_parallel>], iteration_bounds = array<i64: 2, 16>, scalar_prefetch = 0 : i64, scratch_operands = 4 : i64, tpu.core_type = #tpu.core_type<sc_vector_subcore>, window_params = [{transform_indices = #map}, {transform_indices = #map1}, {transform_indices = #map}]} {
    %mul3A = arith.constant 2 : i32
    %mul3A_0 = arith.muli %arg1, %mul3A : i32
    %add3A = arith.addi %mul3A_0, %arg0 : i32
    %scan3A = arith.constant 0 : i32
    %scan3A_1 = arith.constant 0 : i32
    %scan3A_2 = arith.constant 10 : i32
    %scan3A_3 = arith.addi %scan3A_1, %scan3A_2 : i32
    %scan3A_4 = arith.constant 1 : i32
    scf.for %scan3A_6 = %scan3A_1 to %scan3A_3 step %scan3A_4  : i32 {
      %mul3A_7 = arith.constant 20000 : i32
      %mul3A_8 = arith.muli %add3A, %mul3A_7 : i32
      %mul3A_9 = arith.constant 2000 : i32
      %mul3A_10 = arith.muli %scan3A_6, %mul3A_9 : i32
      %add3A_11 = arith.addi %mul3A_8, %mul3A_10 : i32
      "tpu.region"() ({
        %run_scoped3A = tpu.sem_alloc : memref<!tpu.dma_semaphore, #tpu.memory_space<semaphore_mem>>
        %dma_start3A_518 = arith.constant 0 : i32
        %dma_start3A_519 = arith.constant 0 : i32
        %dma_start3A_520 = tpu.memref_slice %arg3[%add3A, %scan3A_6, %dma_start3A_518, %dma_start3A_519] : memref<32x10x25x80xi32, #tpu.memory_space<hbm>> -> memref<1x1x25x80xi32, #tpu.memory_space<hbm>>
        %dma_start3A_521 = tpu.memref_squeeze %dma_start3A_520 : memref<1x1x25x80xi32, #tpu.memory_space<hbm>> -> memref<25x80xi32, #tpu.memory_space<hbm>>
        %dma_start3A_522 = arith.constant 0 : i32
        %dma_start3A_523 = arith.constant 0 : i32
        %dma_start3A_524 = tpu.memref_slice %arg3[%add3A, %scan3A_6, %dma_start3A_522, %dma_start3A_523] : memref<32x10x25x80xi32, #tpu.memory_space<hbm>> -> memref<1x1x25x80xi32, #tpu.memory_space<hbm>>
        %dma_start3A_525 = tpu.memref_squeeze %dma_start3A_524 : memref<1x1x25x80xi32, #tpu.memory_space<hbm>> -> memref<25x80xi32, #tpu.memory_space<hbm>>
        tpu.enqueue_dma source(%dma_start3A_525 : memref<25x80xi32, #tpu.memory_space<hbm>>) target(%arg5 : memref<25x80xi32, #tpu.memory_space<vmem>>) target_semaphore(%run_scoped3A : memref<!tpu.dma_semaphore, #tpu.memory_space<semaphore_mem>>)
        %dma_wait3A_526 = arith.constant 0 : i32
        %dma_wait3A_527 = arith.constant 0 : i32
        %dma_wait3A_528 = tpu.memref_slice %arg3[%add3A, %scan3A_6, %dma_wait3A_526, %dma_wait3A_527] : memref<32x10x25x80xi32, #tpu.memory_space<hbm>> -> memref<1x1x25x80xi32, #tpu.memory_space<hbm>>
        %dma_wait3A_529 = tpu.memref_squeeze %dma_wait3A_528 : memref<1x1x25x80xi32, #tpu.memory_space<hbm>> -> memref<25x80xi32, #tpu.memory_space<hbm>>
        %dma_wait3A_530 = arith.constant 0 : i32
        %dma_wait3A_531 = arith.constant 0 : i32
        %dma_wait3A_532 = tpu.memref_slice %arg3[%add3A, %scan3A_6, %dma_wait3A_530, %dma_wait3A_531] : memref<32x10x25x80xi32, #tpu.memory_space<hbm>> -> memref<1x1x25x80xi32, #tpu.memory_space<hbm>>
        %dma_wait3A_533 = tpu.memref_squeeze %dma_wait3A_532 : memref<1x1x25x80xi32, #tpu.memory_space<hbm>> -> memref<25x80xi32, #tpu.memory_space<hbm>>
        tpu.wait_dma2 semaphore(%run_scoped3A : memref<!tpu.dma_semaphore, #tpu.memory_space<semaphore_mem>>) src(%dma_wait3A_533 : memref<25x80xi32, #tpu.memory_space<hbm>>) dst(%arg5 : memref<25x80xi32, #tpu.memory_space<vmem>>)
        tpu.yield
      }) : () -> ()
      %dma_start3A = arith.constant 0 : i32
      %dma_start3A_12 = arith.constant 0 : i32
      %dma_start3A_13 = arith.constant 0 : i32
      %dma_start3A_14 = tpu.memref_slice %arg6[%dma_start3A_12, %dma_start3A_13] : memref<2000x8xf32, #tpu.memory_space<vmem>> -> memref<80x8xf32, #tpu.memory_space<vmem>>
      %dma_start3A_15 = arith.constant 0 : i32
      %dma_start3A_16 = tpu.memref_slice %arg5[%dma_start3A, %dma_start3A_15] : memref<25x80xi32, #tpu.memory_space<vmem>> -> memref<1x80xi32, #tpu.memory_space<vmem>>
      %dma_start3A_17 = tpu.memref_squeeze %dma_start3A_16 : memref<1x80xi32, #tpu.memory_space<vmem>> -> memref<80xi32, #tpu.memory_space<vmem>>
      %dma_start3A_18 = arith.constant 0 : i32
      %dma_start3A_19 = arith.constant 0 : i32
      %dma_start3A_20 = tpu.memref_slice %arg2[%dma_start3A_18, %dma_start3A_19] : memref<10000x8xf32, #tpu.memory_space<hbm>> -> memref<10000x8xf32, #tpu.memory_space<hbm>>
      tpu.enqueue_indirect_dma source(%dma_start3A_20 : memref<10000x8xf32, #tpu.memory_space<hbm>>) target(%dma_start3A_14 : memref<80x8xf32, #tpu.memory_space<vmem>>) offsets(%dma_start3A_17 : memref<80xi32, #tpu.memory_space<vmem>>) semaphore(%arg7 : memref<!tpu.dma_semaphore, #tpu.memory_space<semaphore_mem>>)
      %dma_start3A_21 = arith.constant 1 : i32
      %dma_start3A_22 = arith.constant 80 : i32
      %dma_start3A_23 = arith.constant 0 : i32
      %dma_start3A_24 = tpu.memref_slice %arg6[%dma_start3A_22, %dma_start3A_23] : memref<2000x8xf32, #tpu.memory_space<vmem>> -> memref<80x8xf32, #tpu.memory_space<vmem>>
      %dma_start3A_25 = arith.constant 0 : i32
      %dma_start3A_26 = tpu.memref_slice %arg5[%dma_start3A_21, %dma_start3A_25] : memref<25x80xi32, #tpu.memory_space<vmem>> -> memref<1x80xi32, #tpu.memory_space<vmem>>
      %dma_start3A_27 = tpu.memref_squeeze %dma_start3A_26 : memref<1x80xi32, #tpu.memory_space<vmem>> -> memref<80xi32, #tpu.memory_space<vmem>>
      %dma_start3A_28 = arith.constant 0 : i32
      %dma_start3A_29 = arith.constant 0 : i32
      %dma_start3A_30 = tpu.memref_slice %arg2[%dma_start3A_28, %dma_start3A_29] : memref<10000x8xf32, #tpu.memory_space<hbm>> -> memref<10000x8xf32, #tpu.memory_space<hbm>>
      tpu.enqueue_indirect_dma source(%dma_start3A_30 : memref<10000x8xf32, #tpu.memory_space<hbm>>) target(%dma_start3A_24 : memref<80x8xf32, #tpu.memory_space<vmem>>) offsets(%dma_start3A_27 : memref<80xi32, #tpu.memory_space<vmem>>) semaphore(%arg7 : memref<!tpu.dma_semaphore, #tpu.memory_space<semaphore_mem>>)
      %dma_start3A_31 = arith.constant 2 : i32
      %dma_start3A_32 = arith.constant 160 : i32
      %dma_start3A_33 = arith.constant 0 : i32
      %dma_start3A_34 = tpu.memref_slice %arg6[%dma_start3A_32, %dma_start3A_33] : memref<2000x8xf32, #tpu.memory_space<vmem>> -> memref<80x8xf32, #tpu.memory_space<vmem>>
      %dma_start3A_35 = arith.constant 0 : i32
      %dma_start3A_36 = tpu.memref_slice %arg5[%dma_start3A_31, %dma_start3A_35] : memref<25x80xi32, #tpu.memory_space<vmem>> -> memref<1x80xi32, #tpu.memory_space<vmem>>
      %dma_start3A_37 = tpu.memref_squeeze %dma_start3A_36 : memref<1x80xi32, #tpu.memory_space<vmem>> -> memref<80xi32, #tpu.memory_space<vmem>>
      %dma_start3A_38 = arith.constant 0 : i32
      %dma_start3A_39 = arith.constant 0 : i32
      %dma_start3A_40 = tpu.memref_slice %arg2[%dma_start3A_38, %dma_start3A_39] : memref<10000x8xf32, #tpu.memory_space<hbm>> -> memref<10000x8xf32, #tpu.memory_space<hbm>>
      tpu.enqueue_indirect_dma source(%dma_start3A_40 : memref<10000x8xf32, #tpu.memory_space<hbm>>) target(%dma_start3A_34 : memref<80x8xf32, #tpu.memory_space<vmem>>) offsets(%dma_start3A_37 : memref<80xi32, #tpu.memory_space<vmem>>) semaphore(%arg7 : memref<!tpu.dma_semaphore, #tpu.memory_space<semaphore_mem>>)
      %dma_start3A_41 = arith.constant 3 : i32
      %dma_start3A_42 = arith.constant 240 : i32
      %dma_start3A_43 = arith.constant 0 : i32
      %dma_start3A_44 = tpu.memref_slice %arg6[%dma_start3A_42, %dma_start3A_43] : memref<2000x8xf32, #tpu.memory_space<vmem>> -> memref<80x8xf32, #tpu.memory_space<vmem>>
      %dma_start3A_45 = arith.constant 0 : i32
      %dma_start3A_46 = tpu.memref_slice %arg5[%dma_start3A_41, %dma_start3A_45] : memref<25x80xi32, #tpu.memory_space<vmem>> -> memref<1x80xi32, #tpu.memory_space<vmem>>
      %dma_start3A_47 = tpu.memref_squeeze %dma_start3A_46 : memref<1x80xi32, #tpu.memory_space<vmem>> -> memref<80xi32, #tpu.memory_space<vmem>>
      %dma_start3A_48 = arith.constant 0 : i32
      %dma_start3A_49 = arith.constant 0 : i32
      %dma_start3A_50 = tpu.memref_slice %arg2[%dma_start3A_48, %dma_start3A_49] : memref<10000x8xf32, #tpu.memory_space<hbm>> -> memref<10000x8xf32, #tpu.memory_space<hbm>>
      tpu.enqueue_indirect_dma source(%dma_start3A_50 : memref<10000x8xf32, #tpu.memory_space<hbm>>) target(%dma_start3A_44 : memref<80x8xf32, #tpu.memory_space<vmem>>) offsets(%dma_start3A_47 : memref<80xi32, #tpu.memory_space<vmem>>) semaphore(%arg7 : memref<!tpu.dma_semaphore, #tpu.memory_space<semaphore_mem>>)
      %dma_start3A_51 = arith.constant 4 : i32
      %dma_start3A_52 = arith.constant 320 : i32
      %dma_start3A_53 = arith.constant 0 : i32
      %dma_start3A_54 = tpu.memref_slice %arg6[%dma_start3A_52, %dma_start3A_53] : memref<2000x8xf32, #tpu.memory_space<vmem>> -> memref<80x8xf32, #tpu.memory_space<vmem>>
      %dma_start3A_55 = arith.constant 0 : i32
      %dma_start3A_56 = tpu.memref_slice %arg5[%dma_start3A_51, %dma_start3A_55] : memref<25x80xi32, #tpu.memory_space<vmem>> -> memref<1x80xi32, #tpu.memory_space<vmem>>
      %dma_start3A_57 = tpu.memref_squeeze %dma_start3A_56 : memref<1x80xi32, #tpu.memory_space<vmem>> -> memref<80xi32, #tpu.memory_space<vmem>>
      %dma_start3A_58 = arith.constant 0 : i32
      %dma_start3A_59 = arith.constant 0 : i32
      %dma_start3A_60 = tpu.memref_slice %arg2[%dma_start3A_58, %dma_start3A_59] : memref<10000x8xf32, #tpu.memory_space<hbm>> -> memref<10000x8xf32, #tpu.memory_space<hbm>>
      tpu.enqueue_indirect_dma source(%dma_start3A_60 : memref<10000x8xf32, #tpu.memory_space<hbm>>) target(%dma_start3A_54 : memref<80x8xf32, #tpu.memory_space<vmem>>) offsets(%dma_start3A_57 : memref<80xi32, #tpu.memory_space<vmem>>) semaphore(%arg7 : memref<!tpu.dma_semaphore, #tpu.memory_space<semaphore_mem>>)
      %dma_start3A_61 = arith.constant 5 : i32
      %dma_start3A_62 = arith.constant 400 : i32
      %dma_start3A_63 = arith.constant 0 : i32
      %dma_start3A_64 = tpu.memref_slice %arg6[%dma_start3A_62, %dma_start3A_63] : memref<2000x8xf32, #tpu.memory_space<vmem>> -> memref<80x8xf32, #tpu.memory_space<vmem>>
      %dma_start3A_65 = arith.constant 0 : i32
      %dma_start3A_66 = tpu.memref_slice %arg5[%dma_start3A_61, %dma_start3A_65] : memref<25x80xi32, #tpu.memory_space<vmem>> -> memref<1x80xi32, #tpu.memory_space<vmem>>
      %dma_start3A_67 = tpu.memref_squeeze %dma_start3A_66 : memref<1x80xi32, #tpu.memory_space<vmem>> -> memref<80xi32, #tpu.memory_space<vmem>>
      %dma_start3A_68 = arith.constant 0 : i32
      %dma_start3A_69 = arith.constant 0 : i32
      %dma_start3A_70 = tpu.memref_slice %arg2[%dma_start3A_68, %dma_start3A_69] : memref<10000x8xf32, #tpu.memory_space<hbm>> -> memref<10000x8xf32, #tpu.memory_space<hbm>>
      tpu.enqueue_indirect_dma source(%dma_start3A_70 : memref<10000x8xf32, #tpu.memory_space<hbm>>) target(%dma_start3A_64 : memref<80x8xf32, #tpu.memory_space<vmem>>) offsets(%dma_start3A_67 : memref<80xi32, #tpu.memory_space<vmem>>) semaphore(%arg7 : memref<!tpu.dma_semaphore, #tpu.memory_space<semaphore_mem>>)
      %dma_start3A_71 = arith.constant 6 : i32
      %dma_start3A_72 = arith.constant 480 : i32
      %dma_start3A_73 = arith.constant 0 : i32
      %dma_start3A_74 = tpu.memref_slice %arg6[%dma_start3A_72, %dma_start3A_73] : memref<2000x8xf32, #tpu.memory_space<vmem>> -> memref<80x8xf32, #tpu.memory_space<vmem>>
      %dma_start3A_75 = arith.constant 0 : i32
      %dma_start3A_76 = tpu.memref_slice %arg5[%dma_start3A_71, %dma_start3A_75] : memref<25x80xi32, #tpu.memory_space<vmem>> -> memref<1x80xi32, #tpu.memory_space<vmem>>
      %dma_start3A_77 = tpu.memref_squeeze %dma_start3A_76 : memref<1x80xi32, #tpu.memory_space<vmem>> -> memref<80xi32, #tpu.memory_space<vmem>>
      %dma_start3A_78 = arith.constant 0 : i32
      %dma_start3A_79 = arith.constant 0 : i32
      %dma_start3A_80 = tpu.memref_slice %arg2[%dma_start3A_78, %dma_start3A_79] : memref<10000x8xf32, #tpu.memory_space<hbm>> -> memref<10000x8xf32, #tpu.memory_space<hbm>>
      tpu.enqueue_indirect_dma source(%dma_start3A_80 : memref<10000x8xf32, #tpu.memory_space<hbm>>) target(%dma_start3A_74 : memref<80x8xf32, #tpu.memory_space<vmem>>) offsets(%dma_start3A_77 : memref<80xi32, #tpu.memory_space<vmem>>) semaphore(%arg7 : memref<!tpu.dma_semaphore, #tpu.memory_space<semaphore_mem>>)
      %dma_start3A_81 = arith.constant 7 : i32
      %dma_start3A_82 = arith.constant 560 : i32
      %dma_start3A_83 = arith.constant 0 : i32
      %dma_start3A_84 = tpu.memref_slice %arg6[%dma_start3A_82, %dma_start3A_83] : memref<2000x8xf32, #tpu.memory_space<vmem>> -> memref<80x8xf32, #tpu.memory_space<vmem>>
      %dma_start3A_85 = arith.constant 0 : i32
      %dma_start3A_86 = tpu.memref_slice %arg5[%dma_start3A_81, %dma_start3A_85] : memref<25x80xi32, #tpu.memory_space<vmem>> -> memref<1x80xi32, #tpu.memory_space<vmem>>
      %dma_start3A_87 = tpu.memref_squeeze %dma_start3A_86 : memref<1x80xi32, #tpu.memory_space<vmem>> -> memref<80xi32, #tpu.memory_space<vmem>>
      %dma_start3A_88 = arith.constant 0 : i32
      %dma_start3A_89 = arith.constant 0 : i32
      %dma_start3A_90 = tpu.memref_slice %arg2[%dma_start3A_88, %dma_start3A_89] : memref<10000x8xf32, #tpu.memory_space<hbm>> -> memref<10000x8xf32, #tpu.memory_space<hbm>>
      tpu.enqueue_indirect_dma source(%dma_start3A_90 : memref<10000x8xf32, #tpu.memory_space<hbm>>) target(%dma_start3A_84 : memref<80x8xf32, #tpu.memory_space<vmem>>) offsets(%dma_start3A_87 : memref<80xi32, #tpu.memory_space<vmem>>) semaphore(%arg7 : memref<!tpu.dma_semaphore, #tpu.memory_space<semaphore_mem>>)
      %dma_start3A_91 = arith.constant 8 : i32
      %dma_start3A_92 = arith.constant 640 : i32
      %dma_start3A_93 = arith.constant 0 : i32
      %dma_start3A_94 = tpu.memref_slice %arg6[%dma_start3A_92, %dma_start3A_93] : memref<2000x8xf32, #tpu.memory_space<vmem>> -> memref<80x8xf32, #tpu.memory_space<vmem>>
      %dma_start3A_95 = arith.constant 0 : i32
      %dma_start3A_96 = tpu.memref_slice %arg5[%dma_start3A_91, %dma_start3A_95] : memref<25x80xi32, #tpu.memory_space<vmem>> -> memref<1x80xi32, #tpu.memory_space<vmem>>
      %dma_start3A_97 = tpu.memref_squeeze %dma_start3A_96 : memref<1x80xi32, #tpu.memory_space<vmem>> -> memref<80xi32, #tpu.memory_space<vmem>>
      %dma_start3A_98 = arith.constant 0 : i32
      %dma_start3A_99 = arith.constant 0 : i32
      %dma_start3A_100 = tpu.memref_slice %arg2[%dma_start3A_98, %dma_start3A_99] : memref<10000x8xf32, #tpu.memory_space<hbm>> -> memref<10000x8xf32, #tpu.memory_space<hbm>>
      tpu.enqueue_indirect_dma source(%dma_start3A_100 : memref<10000x8xf32, #tpu.memory_space<hbm>>) target(%dma_start3A_94 : memref<80x8xf32, #tpu.memory_space<vmem>>) offsets(%dma_start3A_97 : memref<80xi32, #tpu.memory_space<vmem>>) semaphore(%arg7 : memref<!tpu.dma_semaphore, #tpu.memory_space<semaphore_mem>>)
      %dma_start3A_101 = arith.constant 9 : i32
      %dma_start3A_102 = arith.constant 720 : i32
      %dma_start3A_103 = arith.constant 0 : i32
      %dma_start3A_104 = tpu.memref_slice %arg6[%dma_start3A_102, %dma_start3A_103] : memref<2000x8xf32, #tpu.memory_space<vmem>> -> memref<80x8xf32, #tpu.memory_space<vmem>>
      %dma_start3A_105 = arith.constant 0 : i32
      %dma_start3A_106 = tpu.memref_slice %arg5[%dma_start3A_101, %dma_start3A_105] : memref<25x80xi32, #tpu.memory_space<vmem>> -> memref<1x80xi32, #tpu.memory_space<vmem>>
      %dma_start3A_107 = tpu.memref_squeeze %dma_start3A_106 : memref<1x80xi32, #tpu.memory_space<vmem>> -> memref<80xi32, #tpu.memory_space<vmem>>
      %dma_start3A_108 = arith.constant 0 : i32
      %dma_start3A_109 = arith.constant 0 : i32
      %dma_start3A_110 = tpu.memref_slice %arg2[%dma_start3A_108, %dma_start3A_109] : memref<10000x8xf32, #tpu.memory_space<hbm>> -> memref<10000x8xf32, #tpu.memory_space<hbm>>
      tpu.enqueue_indirect_dma source(%dma_start3A_110 : memref<10000x8xf32, #tpu.memory_space<hbm>>) target(%dma_start3A_104 : memref<80x8xf32, #tpu.memory_space<vmem>>) offsets(%dma_start3A_107 : memref<80xi32, #tpu.memory_space<vmem>>) semaphore(%arg7 : memref<!tpu.dma_semaphore, #tpu.memory_space<semaphore_mem>>)
      %dma_start3A_111 = arith.constant 10 : i32
      %dma_start3A_112 = arith.constant 800 : i32
      %dma_start3A_113 = arith.constant 0 : i32
      %dma_start3A_114 = tpu.memref_slice %arg6[%dma_start3A_112, %dma_start3A_113] : memref<2000x8xf32, #tpu.memory_space<vmem>> -> memref<80x8xf32, #tpu.memory_space<vmem>>
      %dma_start3A_115 = arith.constant 0 : i32
      %dma_start3A_116 = tpu.memref_slice %arg5[%dma_start3A_111, %dma_start3A_115] : memref<25x80xi32, #tpu.memory_space<vmem>> -> memref<1x80xi32, #tpu.memory_space<vmem>>
      %dma_start3A_117 = tpu.memref_squeeze %dma_start3A_116 : memref<1x80xi32, #tpu.memory_space<vmem>> -> memref<80xi32, #tpu.memory_space<vmem>>
      %dma_start3A_118 = arith.constant 0 : i32
      %dma_start3A_119 = arith.constant 0 : i32
      %dma_start3A_120 = tpu.memref_slice %arg2[%dma_start3A_118, %dma_start3A_119] : memref<10000x8xf32, #tpu.memory_space<hbm>> -> memref<10000x8xf32, #tpu.memory_space<hbm>>
      tpu.enqueue_indirect_dma source(%dma_start3A_120 : memref<10000x8xf32, #tpu.memory_space<hbm>>) target(%dma_start3A_114 : memref<80x8xf32, #tpu.memory_space<vmem>>) offsets(%dma_start3A_117 : memref<80xi32, #tpu.memory_space<vmem>>) semaphore(%arg7 : memref<!tpu.dma_semaphore, #tpu.memory_space<semaphore_mem>>)
      %dma_start3A_121 = arith.constant 11 : i32
      %dma_start3A_122 = arith.constant 880 : i32
      %dma_start3A_123 = arith.constant 0 : i32
      %dma_start3A_124 = tpu.memref_slice %arg6[%dma_start3A_122, %dma_start3A_123] : memref<2000x8xf32, #tpu.memory_space<vmem>> -> memref<80x8xf32, #tpu.memory_space<vmem>>
      %dma_start3A_125 = arith.constant 0 : i32
      %dma_start3A_126 = tpu.memref_slice %arg5[%dma_start3A_121, %dma_start3A_125] : memref<25x80xi32, #tpu.memory_space<vmem>> -> memref<1x80xi32, #tpu.memory_space<vmem>>
      %dma_start3A_127 = tpu.memref_squeeze %dma_start3A_126 : memref<1x80xi32, #tpu.memory_space<vmem>> -> memref<80xi32, #tpu.memory_space<vmem>>
      %dma_start3A_128 = arith.constant 0 : i32
      %dma_start3A_129 = arith.constant 0 : i32
      %dma_start3A_130 = tpu.memref_slice %arg2[%dma_start3A_128, %dma_start3A_129] : memref<10000x8xf32, #tpu.memory_space<hbm>> -> memref<10000x8xf32, #tpu.memory_space<hbm>>
      tpu.enqueue_indirect_dma source(%dma_start3A_130 : memref<10000x8xf32, #tpu.memory_space<hbm>>) target(%dma_start3A_124 : memref<80x8xf32, #tpu.memory_space<vmem>>) offsets(%dma_start3A_127 : memref<80xi32, #tpu.memory_space<vmem>>) semaphore(%arg7 : memref<!tpu.dma_semaphore, #tpu.memory_space<semaphore_mem>>)
      %dma_start3A_131 = arith.constant 12 : i32
      %dma_start3A_132 = arith.constant 960 : i32
      %dma_start3A_133 = arith.constant 0 : i32
      %dma_start3A_134 = tpu.memref_slice %arg6[%dma_start3A_132, %dma_start3A_133] : memref<2000x8xf32, #tpu.memory_space<vmem>> -> memref<80x8xf32, #tpu.memory_space<vmem>>
      %dma_start3A_135 = arith.constant 0 : i32
      %dma_start3A_136 = tpu.memref_slice %arg5[%dma_start3A_131, %dma_start3A_135] : memref<25x80xi32, #tpu.memory_space<vmem>> -> memref<1x80xi32, #tpu.memory_space<vmem>>
      %dma_start3A_137 = tpu.memref_squeeze %dma_start3A_136 : memref<1x80xi32, #tpu.memory_space<vmem>> -> memref<80xi32, #tpu.memory_space<vmem>>
      %dma_start3A_138 = arith.constant 0 : i32
      %dma_start3A_139 = arith.constant 0 : i32
      %dma_start3A_140 = tpu.memref_slice %arg2[%dma_start3A_138, %dma_start3A_139] : memref<10000x8xf32, #tpu.memory_space<hbm>> -> memref<10000x8xf32, #tpu.memory_space<hbm>>
      tpu.enqueue_indirect_dma source(%dma_start3A_140 : memref<10000x8xf32, #tpu.memory_space<hbm>>) target(%dma_start3A_134 : memref<80x8xf32, #tpu.memory_space<vmem>>) offsets(%dma_start3A_137 : memref<80xi32, #tpu.memory_space<vmem>>) semaphore(%arg7 : memref<!tpu.dma_semaphore, #tpu.memory_space<semaphore_mem>>)
      %dma_start3A_141 = arith.constant 13 : i32
      %dma_start3A_142 = arith.constant 1040 : i32
      %dma_start3A_143 = arith.constant 0 : i32
      %dma_start3A_144 = tpu.memref_slice %arg6[%dma_start3A_142, %dma_start3A_143] : memref<2000x8xf32, #tpu.memory_space<vmem>> -> memref<80x8xf32, #tpu.memory_space<vmem>>
      %dma_start3A_145 = arith.constant 0 : i32
      %dma_start3A_146 = tpu.memref_slice %arg5[%dma_start3A_141, %dma_start3A_145] : memref<25x80xi32, #tpu.memory_space<vmem>> -> memref<1x80xi32, #tpu.memory_space<vmem>>
      %dma_start3A_147 = tpu.memref_squeeze %dma_start3A_146 : memref<1x80xi32, #tpu.memory_space<vmem>> -> memref<80xi32, #tpu.memory_space<vmem>>
      %dma_start3A_148 = arith.constant 0 : i32
      %dma_start3A_149 = arith.constant 0 : i32
      %dma_start3A_150 = tpu.memref_slice %arg2[%dma_start3A_148, %dma_start3A_149] : memref<10000x8xf32, #tpu.memory_space<hbm>> -> memref<10000x8xf32, #tpu.memory_space<hbm>>
      tpu.enqueue_indirect_dma source(%dma_start3A_150 : memref<10000x8xf32, #tpu.memory_space<hbm>>) target(%dma_start3A_144 : memref<80x8xf32, #tpu.memory_space<vmem>>) offsets(%dma_start3A_147 : memref<80xi32, #tpu.memory_space<vmem>>) semaphore(%arg7 : memref<!tpu.dma_semaphore, #tpu.memory_space<semaphore_mem>>)
      %dma_start3A_151 = arith.constant 14 : i32
      %dma_start3A_152 = arith.constant 1120 : i32
      %dma_start3A_153 = arith.constant 0 : i32
      %dma_start3A_154 = tpu.memref_slice %arg6[%dma_start3A_152, %dma_start3A_153] : memref<2000x8xf32, #tpu.memory_space<vmem>> -> memref<80x8xf32, #tpu.memory_space<vmem>>
      %dma_start3A_155 = arith.constant 0 : i32
      %dma_start3A_156 = tpu.memref_slice %arg5[%dma_start3A_151, %dma_start3A_155] : memref<25x80xi32, #tpu.memory_space<vmem>> -> memref<1x80xi32, #tpu.memory_space<vmem>>
      %dma_start3A_157 = tpu.memref_squeeze %dma_start3A_156 : memref<1x80xi32, #tpu.memory_space<vmem>> -> memref<80xi32, #tpu.memory_space<vmem>>
      %dma_start3A_158 = arith.constant 0 : i32
      %dma_start3A_159 = arith.constant 0 : i32
      %dma_start3A_160 = tpu.memref_slice %arg2[%dma_start3A_158, %dma_start3A_159] : memref<10000x8xf32, #tpu.memory_space<hbm>> -> memref<10000x8xf32, #tpu.memory_space<hbm>>
      tpu.enqueue_indirect_dma source(%dma_start3A_160 : memref<10000x8xf32, #tpu.memory_space<hbm>>) target(%dma_start3A_154 : memref<80x8xf32, #tpu.memory_space<vmem>>) offsets(%dma_start3A_157 : memref<80xi32, #tpu.memory_space<vmem>>) semaphore(%arg7 : memref<!tpu.dma_semaphore, #tpu.memory_space<semaphore_mem>>)
      %dma_start3A_161 = arith.constant 15 : i32
      %dma_start3A_162 = arith.constant 1200 : i32
      %dma_start3A_163 = arith.constant 0 : i32
      %dma_start3A_164 = tpu.memref_slice %arg6[%dma_start3A_162, %dma_start3A_163] : memref<2000x8xf32, #tpu.memory_space<vmem>> -> memref<80x8xf32, #tpu.memory_space<vmem>>
      %dma_start3A_165 = arith.constant 0 : i32
      %dma_start3A_166 = tpu.memref_slice %arg5[%dma_start3A_161, %dma_start3A_165] : memref<25x80xi32, #tpu.memory_space<vmem>> -> memref<1x80xi32, #tpu.memory_space<vmem>>
      %dma_start3A_167 = tpu.memref_squeeze %dma_start3A_166 : memref<1x80xi32, #tpu.memory_space<vmem>> -> memref<80xi32, #tpu.memory_space<vmem>>
      %dma_start3A_168 = arith.constant 0 : i32
      %dma_start3A_169 = arith.constant 0 : i32
      %dma_start3A_170 = tpu.memref_slice %arg2[%dma_start3A_168, %dma_start3A_169] : memref<10000x8xf32, #tpu.memory_space<hbm>> -> memref<10000x8xf32, #tpu.memory_space<hbm>>
      tpu.enqueue_indirect_dma source(%dma_start3A_170 : memref<10000x8xf32, #tpu.memory_space<hbm>>) target(%dma_start3A_164 : memref<80x8xf32, #tpu.memory_space<vmem>>) offsets(%dma_start3A_167 : memref<80xi32, #tpu.memory_space<vmem>>) semaphore(%arg7 : memref<!tpu.dma_semaphore, #tpu.memory_space<semaphore_mem>>)
      %dma_start3A_171 = arith.constant 16 : i32
      %dma_start3A_172 = arith.constant 1280 : i32
      %dma_start3A_173 = arith.constant 0 : i32
      %dma_start3A_174 = tpu.memref_slice %arg6[%dma_start3A_172, %dma_start3A_173] : memref<2000x8xf32, #tpu.memory_space<vmem>> -> memref<80x8xf32, #tpu.memory_space<vmem>>
      %dma_start3A_175 = arith.constant 0 : i32
      %dma_start3A_176 = tpu.memref_slice %arg5[%dma_start3A_171, %dma_start3A_175] : memref<25x80xi32, #tpu.memory_space<vmem>> -> memref<1x80xi32, #tpu.memory_space<vmem>>
      %dma_start3A_177 = tpu.memref_squeeze %dma_start3A_176 : memref<1x80xi32, #tpu.memory_space<vmem>> -> memref<80xi32, #tpu.memory_space<vmem>>
      %dma_start3A_178 = arith.constant 0 : i32
      %dma_start3A_179 = arith.constant 0 : i32
      %dma_start3A_180 = tpu.memref_slice %arg2[%dma_start3A_178, %dma_start3A_179] : memref<10000x8xf32, #tpu.memory_space<hbm>> -> memref<10000x8xf32, #tpu.memory_space<hbm>>
      tpu.enqueue_indirect_dma source(%dma_start3A_180 : memref<10000x8xf32, #tpu.memory_space<hbm>>) target(%dma_start3A_174 : memref<80x8xf32, #tpu.memory_space<vmem>>) offsets(%dma_start3A_177 : memref<80xi32, #tpu.memory_space<vmem>>) semaphore(%arg7 : memref<!tpu.dma_semaphore, #tpu.memory_space<semaphore_mem>>)
      %dma_start3A_181 = arith.constant 17 : i32
      %dma_start3A_182 = arith.constant 1360 : i32
      %dma_start3A_183 = arith.constant 0 : i32
      %dma_start3A_184 = tpu.memref_slice %arg6[%dma_start3A_182, %dma_start3A_183] : memref<2000x8xf32, #tpu.memory_space<vmem>> -> memref<80x8xf32, #tpu.memory_space<vmem>>
      %dma_start3A_185 = arith.constant 0 : i32
      %dma_start3A_186 = tpu.memref_slice %arg5[%dma_start3A_181, %dma_start3A_185] : memref<25x80xi32, #tpu.memory_space<vmem>> -> memref<1x80xi32, #tpu.memory_space<vmem>>
      %dma_start3A_187 = tpu.memref_squeeze %dma_start3A_186 : memref<1x80xi32, #tpu.memory_space<vmem>> -> memref<80xi32, #tpu.memory_space<vmem>>
      %dma_start3A_188 = arith.constant 0 : i32
      %dma_start3A_189 = arith.constant 0 : i32
      %dma_start3A_190 = tpu.memref_slice %arg2[%dma_start3A_188, %dma_start3A_189] : memref<10000x8xf32, #tpu.memory_space<hbm>> -> memref<10000x8xf32, #tpu.memory_space<hbm>>
      tpu.enqueue_indirect_dma source(%dma_start3A_190 : memref<10000x8xf32, #tpu.memory_space<hbm>>) target(%dma_start3A_184 : memref<80x8xf32, #tpu.memory_space<vmem>>) offsets(%dma_start3A_187 : memref<80xi32, #tpu.memory_space<vmem>>) semaphore(%arg7 : memref<!tpu.dma_semaphore, #tpu.memory_space<semaphore_mem>>)
      %dma_start3A_191 = arith.constant 18 : i32
      %dma_start3A_192 = arith.constant 1440 : i32
      %dma_start3A_193 = arith.constant 0 : i32
      %dma_start3A_194 = tpu.memref_slice %arg6[%dma_start3A_192, %dma_start3A_193] : memref<2000x8xf32, #tpu.memory_space<vmem>> -> memref<80x8xf32, #tpu.memory_space<vmem>>
      %dma_start3A_195 = arith.constant 0 : i32
      %dma_start3A_196 = tpu.memref_slice %arg5[%dma_start3A_191, %dma_start3A_195] : memref<25x80xi32, #tpu.memory_space<vmem>> -> memref<1x80xi32, #tpu.memory_space<vmem>>
      %dma_start3A_197 = tpu.memref_squeeze %dma_start3A_196 : memref<1x80xi32, #tpu.memory_space<vmem>> -> memref<80xi32, #tpu.memory_space<vmem>>
      %dma_start3A_198 = arith.constant 0 : i32
      %dma_start3A_199 = arith.constant 0 : i32
      %dma_start3A_200 = tpu.memref_slice %arg2[%dma_start3A_198, %dma_start3A_199] : memref<10000x8xf32, #tpu.memory_space<hbm>> -> memref<10000x8xf32, #tpu.memory_space<hbm>>
      tpu.enqueue_indirect_dma source(%dma_start3A_200 : memref<10000x8xf32, #tpu.memory_space<hbm>>) target(%dma_start3A_194 : memref<80x8xf32, #tpu.memory_space<vmem>>) offsets(%dma_start3A_197 : memref<80xi32, #tpu.memory_space<vmem>>) semaphore(%arg7 : memref<!tpu.dma_semaphore, #tpu.memory_space<semaphore_mem>>)
      %dma_start3A_201 = arith.constant 19 : i32
      %dma_start3A_202 = arith.constant 1520 : i32
      %dma_start3A_203 = arith.constant 0 : i32
      %dma_start3A_204 = tpu.memref_slice %arg6[%dma_start3A_202, %dma_start3A_203] : memref<2000x8xf32, #tpu.memory_space<vmem>> -> memref<80x8xf32, #tpu.memory_space<vmem>>
      %dma_start3A_205 = arith.constant 0 : i32
      %dma_start3A_206 = tpu.memref_slice %arg5[%dma_start3A_201, %dma_start3A_205] : memref<25x80xi32, #tpu.memory_space<vmem>> -> memref<1x80xi32, #tpu.memory_space<vmem>>
      %dma_start3A_207 = tpu.memref_squeeze %dma_start3A_206 : memref<1x80xi32, #tpu.memory_space<vmem>> -> memref<80xi32, #tpu.memory_space<vmem>>
      %dma_start3A_208 = arith.constant 0 : i32
      %dma_start3A_209 = arith.constant 0 : i32
      %dma_start3A_210 = tpu.memref_slice %arg2[%dma_start3A_208, %dma_start3A_209] : memref<10000x8xf32, #tpu.memory_space<hbm>> -> memref<10000x8xf32, #tpu.memory_space<hbm>>
      tpu.enqueue_indirect_dma source(%dma_start3A_210 : memref<10000x8xf32, #tpu.memory_space<hbm>>) target(%dma_start3A_204 : memref<80x8xf32, #tpu.memory_space<vmem>>) offsets(%dma_start3A_207 : memref<80xi32, #tpu.memory_space<vmem>>) semaphore(%arg7 : memref<!tpu.dma_semaphore, #tpu.memory_space<semaphore_mem>>)
      %dma_start3A_211 = arith.constant 20 : i32
      %dma_start3A_212 = arith.constant 1600 : i32
      %dma_start3A_213 = arith.constant 0 : i32
      %dma_start3A_214 = tpu.memref_slice %arg6[%dma_start3A_212, %dma_start3A_213] : memref<2000x8xf32, #tpu.memory_space<vmem>> -> memref<80x8xf32, #tpu.memory_space<vmem>>
      %dma_start3A_215 = arith.constant 0 : i32
      %dma_start3A_216 = tpu.memref_slice %arg5[%dma_start3A_211, %dma_start3A_215] : memref<25x80xi32, #tpu.memory_space<vmem>> -> memref<1x80xi32, #tpu.memory_space<vmem>>
      %dma_start3A_217 = tpu.memref_squeeze %dma_start3A_216 : memref<1x80xi32, #tpu.memory_space<vmem>> -> memref<80xi32, #tpu.memory_space<vmem>>
      %dma_start3A_218 = arith.constant 0 : i32
      %dma_start3A_219 = arith.constant 0 : i32
      %dma_start3A_220 = tpu.memref_slice %arg2[%dma_start3A_218, %dma_start3A_219] : memref<10000x8xf32, #tpu.memory_space<hbm>> -> memref<10000x8xf32, #tpu.memory_space<hbm>>
      tpu.enqueue_indirect_dma source(%dma_start3A_220 : memref<10000x8xf32, #tpu.memory_space<hbm>>) target(%dma_start3A_214 : memref<80x8xf32, #tpu.memory_space<vmem>>) offsets(%dma_start3A_217 : memref<80xi32, #tpu.memory_space<vmem>>) semaphore(%arg7 : memref<!tpu.dma_semaphore, #tpu.memory_space<semaphore_mem>>)
      %dma_start3A_221 = arith.constant 21 : i32
      %dma_start3A_222 = arith.constant 1680 : i32
      %dma_start3A_223 = arith.constant 0 : i32
      %dma_start3A_224 = tpu.memref_slice %arg6[%dma_start3A_222, %dma_start3A_223] : memref<2000x8xf32, #tpu.memory_space<vmem>> -> memref<80x8xf32, #tpu.memory_space<vmem>>
      %dma_start3A_225 = arith.constant 0 : i32
      %dma_start3A_226 = tpu.memref_slice %arg5[%dma_start3A_221, %dma_start3A_225] : memref<25x80xi32, #tpu.memory_space<vmem>> -> memref<1x80xi32, #tpu.memory_space<vmem>>
      %dma_start3A_227 = tpu.memref_squeeze %dma_start3A_226 : memref<1x80xi32, #tpu.memory_space<vmem>> -> memref<80xi32, #tpu.memory_space<vmem>>
      %dma_start3A_228 = arith.constant 0 : i32
      %dma_start3A_229 = arith.constant 0 : i32
      %dma_start3A_230 = tpu.memref_slice %arg2[%dma_start3A_228, %dma_start3A_229] : memref<10000x8xf32, #tpu.memory_space<hbm>> -> memref<10000x8xf32, #tpu.memory_space<hbm>>
      tpu.enqueue_indirect_dma source(%dma_start3A_230 : memref<10000x8xf32, #tpu.memory_space<hbm>>) target(%dma_start3A_224 : memref<80x8xf32, #tpu.memory_space<vmem>>) offsets(%dma_start3A_227 : memref<80xi32, #tpu.memory_space<vmem>>) semaphore(%arg7 : memref<!tpu.dma_semaphore, #tpu.memory_space<semaphore_mem>>)
      %dma_start3A_231 = arith.constant 22 : i32
      %dma_start3A_232 = arith.constant 1760 : i32
      %dma_start3A_233 = arith.constant 0 : i32
      %dma_start3A_234 = tpu.memref_slice %arg6[%dma_start3A_232, %dma_start3A_233] : memref<2000x8xf32, #tpu.memory_space<vmem>> -> memref<80x8xf32, #tpu.memory_space<vmem>>
      %dma_start3A_235 = arith.constant 0 : i32
      %dma_start3A_236 = tpu.memref_slice %arg5[%dma_start3A_231, %dma_start3A_235] : memref<25x80xi32, #tpu.memory_space<vmem>> -> memref<1x80xi32, #tpu.memory_space<vmem>>
      %dma_start3A_237 = tpu.memref_squeeze %dma_start3A_236 : memref<1x80xi32, #tpu.memory_space<vmem>> -> memref<80xi32, #tpu.memory_space<vmem>>
      %dma_start3A_238 = arith.constant 0 : i32
      %dma_start3A_239 = arith.constant 0 : i32
      %dma_start3A_240 = tpu.memref_slice %arg2[%dma_start3A_238, %dma_start3A_239] : memref<10000x8xf32, #tpu.memory_space<hbm>> -> memref<10000x8xf32, #tpu.memory_space<hbm>>
      tpu.enqueue_indirect_dma source(%dma_start3A_240 : memref<10000x8xf32, #tpu.memory_space<hbm>>) target(%dma_start3A_234 : memref<80x8xf32, #tpu.memory_space<vmem>>) offsets(%dma_start3A_237 : memref<80xi32, #tpu.memory_space<vmem>>) semaphore(%arg7 : memref<!tpu.dma_semaphore, #tpu.memory_space<semaphore_mem>>)
      %dma_start3A_241 = arith.constant 23 : i32
      %dma_start3A_242 = arith.constant 1840 : i32
      %dma_start3A_243 = arith.constant 0 : i32
      %dma_start3A_244 = tpu.memref_slice %arg6[%dma_start3A_242, %dma_start3A_243] : memref<2000x8xf32, #tpu.memory_space<vmem>> -> memref<80x8xf32, #tpu.memory_space<vmem>>
      %dma_start3A_245 = arith.constant 0 : i32
      %dma_start3A_246 = tpu.memref_slice %arg5[%dma_start3A_241, %dma_start3A_245] : memref<25x80xi32, #tpu.memory_space<vmem>> -> memref<1x80xi32, #tpu.memory_space<vmem>>
      %dma_start3A_247 = tpu.memref_squeeze %dma_start3A_246 : memref<1x80xi32, #tpu.memory_space<vmem>> -> memref<80xi32, #tpu.memory_space<vmem>>
      %dma_start3A_248 = arith.constant 0 : i32
      %dma_start3A_249 = arith.constant 0 : i32
      %dma_start3A_250 = tpu.memref_slice %arg2[%dma_start3A_248, %dma_start3A_249] : memref<10000x8xf32, #tpu.memory_space<hbm>> -> memref<10000x8xf32, #tpu.memory_space<hbm>>
      tpu.enqueue_indirect_dma source(%dma_start3A_250 : memref<10000x8xf32, #tpu.memory_space<hbm>>) target(%dma_start3A_244 : memref<80x8xf32, #tpu.memory_space<vmem>>) offsets(%dma_start3A_247 : memref<80xi32, #tpu.memory_space<vmem>>) semaphore(%arg7 : memref<!tpu.dma_semaphore, #tpu.memory_space<semaphore_mem>>)
      %dma_start3A_251 = arith.constant 24 : i32
      %dma_start3A_252 = arith.constant 1920 : i32
      %dma_start3A_253 = arith.constant 0 : i32
      %dma_start3A_254 = tpu.memref_slice %arg6[%dma_start3A_252, %dma_start3A_253] : memref<2000x8xf32, #tpu.memory_space<vmem>> -> memref<80x8xf32, #tpu.memory_space<vmem>>
      %dma_start3A_255 = arith.constant 0 : i32
      %dma_start3A_256 = tpu.memref_slice %arg5[%dma_start3A_251, %dma_start3A_255] : memref<25x80xi32, #tpu.memory_space<vmem>> -> memref<1x80xi32, #tpu.memory_space<vmem>>
      %dma_start3A_257 = tpu.memref_squeeze %dma_start3A_256 : memref<1x80xi32, #tpu.memory_space<vmem>> -> memref<80xi32, #tpu.memory_space<vmem>>
      %dma_start3A_258 = arith.constant 0 : i32
      %dma_start3A_259 = arith.constant 0 : i32
      %dma_start3A_260 = tpu.memref_slice %arg2[%dma_start3A_258, %dma_start3A_259] : memref<10000x8xf32, #tpu.memory_space<hbm>> -> memref<10000x8xf32, #tpu.memory_space<hbm>>
      tpu.enqueue_indirect_dma source(%dma_start3A_260 : memref<10000x8xf32, #tpu.memory_space<hbm>>) target(%dma_start3A_254 : memref<80x8xf32, #tpu.memory_space<vmem>>) offsets(%dma_start3A_257 : memref<80xi32, #tpu.memory_space<vmem>>) semaphore(%arg7 : memref<!tpu.dma_semaphore, #tpu.memory_space<semaphore_mem>>)
      %dma_wait3A = arith.constant 0 : i32
      %dma_wait3A_261 = arith.constant 0 : i32
      %dma_wait3A_262 = arith.constant 0 : i32
      %dma_wait3A_263 = tpu.memref_slice %arg6[%dma_wait3A_261, %dma_wait3A_262] : memref<2000x8xf32, #tpu.memory_space<vmem>> -> memref<80x8xf32, #tpu.memory_space<vmem>>
      %dma_wait3A_264 = arith.constant 0 : i32
      %dma_wait3A_265 = tpu.memref_slice %arg5[%dma_wait3A, %dma_wait3A_264] : memref<25x80xi32, #tpu.memory_space<vmem>> -> memref<1x80xi32, #tpu.memory_space<vmem>>
      %dma_wait3A_266 = tpu.memref_squeeze %dma_wait3A_265 : memref<1x80xi32, #tpu.memory_space<vmem>> -> memref<80xi32, #tpu.memory_space<vmem>>
      %dma_wait3A_267 = arith.constant 0 : i32
      %dma_wait3A_268 = arith.constant 0 : i32
      %dma_wait3A_269 = tpu.memref_slice %arg2[%dma_wait3A_267, %dma_wait3A_268] : memref<10000x8xf32, #tpu.memory_space<hbm>> -> memref<10000x8xf32, #tpu.memory_space<hbm>>
      tpu.wait_indirect_dma semaphore(%arg7 : memref<!tpu.dma_semaphore, #tpu.memory_space<semaphore_mem>>) src(%dma_wait3A_269 : memref<10000x8xf32, #tpu.memory_space<hbm>>) dst(%dma_wait3A_263 : memref<80x8xf32, #tpu.memory_space<vmem>>)
      %dma_wait3A_270 = arith.constant 1 : i32
      %dma_wait3A_271 = arith.constant 80 : i32
      %dma_wait3A_272 = arith.constant 0 : i32
      %dma_wait3A_273 = tpu.memref_slice %arg6[%dma_wait3A_271, %dma_wait3A_272] : memref<2000x8xf32, #tpu.memory_space<vmem>> -> memref<80x8xf32, #tpu.memory_space<vmem>>
      %dma_wait3A_274 = arith.constant 0 : i32
      %dma_wait3A_275 = tpu.memref_slice %arg5[%dma_wait3A_270, %dma_wait3A_274] : memref<25x80xi32, #tpu.memory_space<vmem>> -> memref<1x80xi32, #tpu.memory_space<vmem>>
      %dma_wait3A_276 = tpu.memref_squeeze %dma_wait3A_275 : memref<1x80xi32, #tpu.memory_space<vmem>> -> memref<80xi32, #tpu.memory_space<vmem>>
      %dma_wait3A_277 = arith.constant 0 : i32
      %dma_wait3A_278 = arith.constant 0 : i32
      %dma_wait3A_279 = tpu.memref_slice %arg2[%dma_wait3A_277, %dma_wait3A_278] : memref<10000x8xf32, #tpu.memory_space<hbm>> -> memref<10000x8xf32, #tpu.memory_space<hbm>>
      tpu.wait_indirect_dma semaphore(%arg7 : memref<!tpu.dma_semaphore, #tpu.memory_space<semaphore_mem>>) src(%dma_wait3A_279 : memref<10000x8xf32, #tpu.memory_space<hbm>>) dst(%dma_wait3A_273 : memref<80x8xf32, #tpu.memory_space<vmem>>)
      %dma_wait3A_280 = arith.constant 2 : i32
      %dma_wait3A_281 = arith.constant 160 : i32
      %dma_wait3A_282 = arith.constant 0 : i32
      %dma_wait3A_283 = tpu.memref_slice %arg6[%dma_wait3A_281, %dma_wait3A_282] : memref<2000x8xf32, #tpu.memory_space<vmem>> -> memref<80x8xf32, #tpu.memory_space<vmem>>
      %dma_wait3A_284 = arith.constant 0 : i32
      %dma_wait3A_285 = tpu.memref_slice %arg5[%dma_wait3A_280, %dma_wait3A_284] : memref<25x80xi32, #tpu.memory_space<vmem>> -> memref<1x80xi32, #tpu.memory_space<vmem>>
      %dma_wait3A_286 = tpu.memref_squeeze %dma_wait3A_285 : memref<1x80xi32, #tpu.memory_space<vmem>> -> memref<80xi32, #tpu.memory_space<vmem>>
      %dma_wait3A_287 = arith.constant 0 : i32
      %dma_wait3A_288 = arith.constant 0 : i32
      %dma_wait3A_289 = tpu.memref_slice %arg2[%dma_wait3A_287, %dma_wait3A_288] : memref<10000x8xf32, #tpu.memory_space<hbm>> -> memref<10000x8xf32, #tpu.memory_space<hbm>>
      tpu.wait_indirect_dma semaphore(%arg7 : memref<!tpu.dma_semaphore, #tpu.memory_space<semaphore_mem>>) src(%dma_wait3A_289 : memref<10000x8xf32, #tpu.memory_space<hbm>>) dst(%dma_wait3A_283 : memref<80x8xf32, #tpu.memory_space<vmem>>)
      %dma_wait3A_290 = arith.constant 3 : i32
      %dma_wait3A_291 = arith.constant 240 : i32
      %dma_wait3A_292 = arith.constant 0 : i32
      %dma_wait3A_293 = tpu.memref_slice %arg6[%dma_wait3A_291, %dma_wait3A_292] : memref<2000x8xf32, #tpu.memory_space<vmem>> -> memref<80x8xf32, #tpu.memory_space<vmem>>
      %dma_wait3A_294 = arith.constant 0 : i32
      %dma_wait3A_295 = tpu.memref_slice %arg5[%dma_wait3A_290, %dma_wait3A_294] : memref<25x80xi32, #tpu.memory_space<vmem>> -> memref<1x80xi32, #tpu.memory_space<vmem>>
      %dma_wait3A_296 = tpu.memref_squeeze %dma_wait3A_295 : memref<1x80xi32, #tpu.memory_space<vmem>> -> memref<80xi32, #tpu.memory_space<vmem>>
      %dma_wait3A_297 = arith.constant 0 : i32
      %dma_wait3A_298 = arith.constant 0 : i32
      %dma_wait3A_299 = tpu.memref_slice %arg2[%dma_wait3A_297, %dma_wait3A_298] : memref<10000x8xf32, #tpu.memory_space<hbm>> -> memref<10000x8xf32, #tpu.memory_space<hbm>>
      tpu.wait_indirect_dma semaphore(%arg7 : memref<!tpu.dma_semaphore, #tpu.memory_space<semaphore_mem>>) src(%dma_wait3A_299 : memref<10000x8xf32, #tpu.memory_space<hbm>>) dst(%dma_wait3A_293 : memref<80x8xf32, #tpu.memory_space<vmem>>)
      %dma_wait3A_300 = arith.constant 4 : i32
      %dma_wait3A_301 = arith.constant 320 : i32
      %dma_wait3A_302 = arith.constant 0 : i32
      %dma_wait3A_303 = tpu.memref_slice %arg6[%dma_wait3A_301, %dma_wait3A_302] : memref<2000x8xf32, #tpu.memory_space<vmem>> -> memref<80x8xf32, #tpu.memory_space<vmem>>
      %dma_wait3A_304 = arith.constant 0 : i32
      %dma_wait3A_305 = tpu.memref_slice %arg5[%dma_wait3A_300, %dma_wait3A_304] : memref<25x80xi32, #tpu.memory_space<vmem>> -> memref<1x80xi32, #tpu.memory_space<vmem>>
      %dma_wait3A_306 = tpu.memref_squeeze %dma_wait3A_305 : memref<1x80xi32, #tpu.memory_space<vmem>> -> memref<80xi32, #tpu.memory_space<vmem>>
      %dma_wait3A_307 = arith.constant 0 : i32
      %dma_wait3A_308 = arith.constant 0 : i32
      %dma_wait3A_309 = tpu.memref_slice %arg2[%dma_wait3A_307, %dma_wait3A_308] : memref<10000x8xf32, #tpu.memory_space<hbm>> -> memref<10000x8xf32, #tpu.memory_space<hbm>>
      tpu.wait_indirect_dma semaphore(%arg7 : memref<!tpu.dma_semaphore, #tpu.memory_space<semaphore_mem>>) src(%dma_wait3A_309 : memref<10000x8xf32, #tpu.memory_space<hbm>>) dst(%dma_wait3A_303 : memref<80x8xf32, #tpu.memory_space<vmem>>)
      %dma_wait3A_310 = arith.constant 5 : i32
      %dma_wait3A_311 = arith.constant 400 : i32
      %dma_wait3A_312 = arith.constant 0 : i32
      %dma_wait3A_313 = tpu.memref_slice %arg6[%dma_wait3A_311, %dma_wait3A_312] : memref<2000x8xf32, #tpu.memory_space<vmem>> -> memref<80x8xf32, #tpu.memory_space<vmem>>
      %dma_wait3A_314 = arith.constant 0 : i32
      %dma_wait3A_315 = tpu.memref_slice %arg5[%dma_wait3A_310, %dma_wait3A_314] : memref<25x80xi32, #tpu.memory_space<vmem>> -> memref<1x80xi32, #tpu.memory_space<vmem>>
      %dma_wait3A_316 = tpu.memref_squeeze %dma_wait3A_315 : memref<1x80xi32, #tpu.memory_space<vmem>> -> memref<80xi32, #tpu.memory_space<vmem>>
      %dma_wait3A_317 = arith.constant 0 : i32
      %dma_wait3A_318 = arith.constant 0 : i32
      %dma_wait3A_319 = tpu.memref_slice %arg2[%dma_wait3A_317, %dma_wait3A_318] : memref<10000x8xf32, #tpu.memory_space<hbm>> -> memref<10000x8xf32, #tpu.memory_space<hbm>>
      tpu.wait_indirect_dma semaphore(%arg7 : memref<!tpu.dma_semaphore, #tpu.memory_space<semaphore_mem>>) src(%dma_wait3A_319 : memref<10000x8xf32, #tpu.memory_space<hbm>>) dst(%dma_wait3A_313 : memref<80x8xf32, #tpu.memory_space<vmem>>)
      %dma_wait3A_320 = arith.constant 6 : i32
      %dma_wait3A_321 = arith.constant 480 : i32
      %dma_wait3A_322 = arith.constant 0 : i32
      %dma_wait3A_323 = tpu.memref_slice %arg6[%dma_wait3A_321, %dma_wait3A_322] : memref<2000x8xf32, #tpu.memory_space<vmem>> -> memref<80x8xf32, #tpu.memory_space<vmem>>
      %dma_wait3A_324 = arith.constant 0 : i32
      %dma_wait3A_325 = tpu.memref_slice %arg5[%dma_wait3A_320, %dma_wait3A_324] : memref<25x80xi32, #tpu.memory_space<vmem>> -> memref<1x80xi32, #tpu.memory_space<vmem>>
      %dma_wait3A_326 = tpu.memref_squeeze %dma_wait3A_325 : memref<1x80xi32, #tpu.memory_space<vmem>> -> memref<80xi32, #tpu.memory_space<vmem>>
      %dma_wait3A_327 = arith.constant 0 : i32
      %dma_wait3A_328 = arith.constant 0 : i32
      %dma_wait3A_329 = tpu.memref_slice %arg2[%dma_wait3A_327, %dma_wait3A_328] : memref<10000x8xf32, #tpu.memory_space<hbm>> -> memref<10000x8xf32, #tpu.memory_space<hbm>>
      tpu.wait_indirect_dma semaphore(%arg7 : memref<!tpu.dma_semaphore, #tpu.memory_space<semaphore_mem>>) src(%dma_wait3A_329 : memref<10000x8xf32, #tpu.memory_space<hbm>>) dst(%dma_wait3A_323 : memref<80x8xf32, #tpu.memory_space<vmem>>)
      %dma_wait3A_330 = arith.constant 7 : i32
      %dma_wait3A_331 = arith.constant 560 : i32
      %dma_wait3A_332 = arith.constant 0 : i32
      %dma_wait3A_333 = tpu.memref_slice %arg6[%dma_wait3A_331, %dma_wait3A_332] : memref<2000x8xf32, #tpu.memory_space<vmem>> -> memref<80x8xf32, #tpu.memory_space<vmem>>
      %dma_wait3A_334 = arith.constant 0 : i32
      %dma_wait3A_335 = tpu.memref_slice %arg5[%dma_wait3A_330, %dma_wait3A_334] : memref<25x80xi32, #tpu.memory_space<vmem>> -> memref<1x80xi32, #tpu.memory_space<vmem>>
      %dma_wait3A_336 = tpu.memref_squeeze %dma_wait3A_335 : memref<1x80xi32, #tpu.memory_space<vmem>> -> memref<80xi32, #tpu.memory_space<vmem>>
      %dma_wait3A_337 = arith.constant 0 : i32
      %dma_wait3A_338 = arith.constant 0 : i32
      %dma_wait3A_339 = tpu.memref_slice %arg2[%dma_wait3A_337, %dma_wait3A_338] : memref<10000x8xf32, #tpu.memory_space<hbm>> -> memref<10000x8xf32, #tpu.memory_space<hbm>>
      tpu.wait_indirect_dma semaphore(%arg7 : memref<!tpu.dma_semaphore, #tpu.memory_space<semaphore_mem>>) src(%dma_wait3A_339 : memref<10000x8xf32, #tpu.memory_space<hbm>>) dst(%dma_wait3A_333 : memref<80x8xf32, #tpu.memory_space<vmem>>)
      %dma_wait3A_340 = arith.constant 8 : i32
      %dma_wait3A_341 = arith.constant 640 : i32
      %dma_wait3A_342 = arith.constant 0 : i32
      %dma_wait3A_343 = tpu.memref_slice %arg6[%dma_wait3A_341, %dma_wait3A_342] : memref<2000x8xf32, #tpu.memory_space<vmem>> -> memref<80x8xf32, #tpu.memory_space<vmem>>
      %dma_wait3A_344 = arith.constant 0 : i32
      %dma_wait3A_345 = tpu.memref_slice %arg5[%dma_wait3A_340, %dma_wait3A_344] : memref<25x80xi32, #tpu.memory_space<vmem>> -> memref<1x80xi32, #tpu.memory_space<vmem>>
      %dma_wait3A_346 = tpu.memref_squeeze %dma_wait3A_345 : memref<1x80xi32, #tpu.memory_space<vmem>> -> memref<80xi32, #tpu.memory_space<vmem>>
      %dma_wait3A_347 = arith.constant 0 : i32
      %dma_wait3A_348 = arith.constant 0 : i32
      %dma_wait3A_349 = tpu.memref_slice %arg2[%dma_wait3A_347, %dma_wait3A_348] : memref<10000x8xf32, #tpu.memory_space<hbm>> -> memref<10000x8xf32, #tpu.memory_space<hbm>>
      tpu.wait_indirect_dma semaphore(%arg7 : memref<!tpu.dma_semaphore, #tpu.memory_space<semaphore_mem>>) src(%dma_wait3A_349 : memref<10000x8xf32, #tpu.memory_space<hbm>>) dst(%dma_wait3A_343 : memref<80x8xf32, #tpu.memory_space<vmem>>)
      %dma_wait3A_350 = arith.constant 9 : i32
      %dma_wait3A_351 = arith.constant 720 : i32
      %dma_wait3A_352 = arith.constant 0 : i32
      %dma_wait3A_353 = tpu.memref_slice %arg6[%dma_wait3A_351, %dma_wait3A_352] : memref<2000x8xf32, #tpu.memory_space<vmem>> -> memref<80x8xf32, #tpu.memory_space<vmem>>
      %dma_wait3A_354 = arith.constant 0 : i32
      %dma_wait3A_355 = tpu.memref_slice %arg5[%dma_wait3A_350, %dma_wait3A_354] : memref<25x80xi32, #tpu.memory_space<vmem>> -> memref<1x80xi32, #tpu.memory_space<vmem>>
      %dma_wait3A_356 = tpu.memref_squeeze %dma_wait3A_355 : memref<1x80xi32, #tpu.memory_space<vmem>> -> memref<80xi32, #tpu.memory_space<vmem>>
      %dma_wait3A_357 = arith.constant 0 : i32
      %dma_wait3A_358 = arith.constant 0 : i32
      %dma_wait3A_359 = tpu.memref_slice %arg2[%dma_wait3A_357, %dma_wait3A_358] : memref<10000x8xf32, #tpu.memory_space<hbm>> -> memref<10000x8xf32, #tpu.memory_space<hbm>>
      tpu.wait_indirect_dma semaphore(%arg7 : memref<!tpu.dma_semaphore, #tpu.memory_space<semaphore_mem>>) src(%dma_wait3A_359 : memref<10000x8xf32, #tpu.memory_space<hbm>>) dst(%dma_wait3A_353 : memref<80x8xf32, #tpu.memory_space<vmem>>)
      %dma_wait3A_360 = arith.constant 10 : i32
      %dma_wait3A_361 = arith.constant 800 : i32
      %dma_wait3A_362 = arith.constant 0 : i32
      %dma_wait3A_363 = tpu.memref_slice %arg6[%dma_wait3A_361, %dma_wait3A_362] : memref<2000x8xf32, #tpu.memory_space<vmem>> -> memref<80x8xf32, #tpu.memory_space<vmem>>
      %dma_wait3A_364 = arith.constant 0 : i32
      %dma_wait3A_365 = tpu.memref_slice %arg5[%dma_wait3A_360, %dma_wait3A_364] : memref<25x80xi32, #tpu.memory_space<vmem>> -> memref<1x80xi32, #tpu.memory_space<vmem>>
      %dma_wait3A_366 = tpu.memref_squeeze %dma_wait3A_365 : memref<1x80xi32, #tpu.memory_space<vmem>> -> memref<80xi32, #tpu.memory_space<vmem>>
      %dma_wait3A_367 = arith.constant 0 : i32
      %dma_wait3A_368 = arith.constant 0 : i32
      %dma_wait3A_369 = tpu.memref_slice %arg2[%dma_wait3A_367, %dma_wait3A_368] : memref<10000x8xf32, #tpu.memory_space<hbm>> -> memref<10000x8xf32, #tpu.memory_space<hbm>>
      tpu.wait_indirect_dma semaphore(%arg7 : memref<!tpu.dma_semaphore, #tpu.memory_space<semaphore_mem>>) src(%dma_wait3A_369 : memref<10000x8xf32, #tpu.memory_space<hbm>>) dst(%dma_wait3A_363 : memref<80x8xf32, #tpu.memory_space<vmem>>)
      %dma_wait3A_370 = arith.constant 11 : i32
      %dma_wait3A_371 = arith.constant 880 : i32
      %dma_wait3A_372 = arith.constant 0 : i32
      %dma_wait3A_373 = tpu.memref_slice %arg6[%dma_wait3A_371, %dma_wait3A_372] : memref<2000x8xf32, #tpu.memory_space<vmem>> -> memref<80x8xf32, #tpu.memory_space<vmem>>
      %dma_wait3A_374 = arith.constant 0 : i32
      %dma_wait3A_375 = tpu.memref_slice %arg5[%dma_wait3A_370, %dma_wait3A_374] : memref<25x80xi32, #tpu.memory_space<vmem>> -> memref<1x80xi32, #tpu.memory_space<vmem>>
      %dma_wait3A_376 = tpu.memref_squeeze %dma_wait3A_375 : memref<1x80xi32, #tpu.memory_space<vmem>> -> memref<80xi32, #tpu.memory_space<vmem>>
      %dma_wait3A_377 = arith.constant 0 : i32
      %dma_wait3A_378 = arith.constant 0 : i32
      %dma_wait3A_379 = tpu.memref_slice %arg2[%dma_wait3A_377, %dma_wait3A_378] : memref<10000x8xf32, #tpu.memory_space<hbm>> -> memref<10000x8xf32, #tpu.memory_space<hbm>>
      tpu.wait_indirect_dma semaphore(%arg7 : memref<!tpu.dma_semaphore, #tpu.memory_space<semaphore_mem>>) src(%dma_wait3A_379 : memref<10000x8xf32, #tpu.memory_space<hbm>>) dst(%dma_wait3A_373 : memref<80x8xf32, #tpu.memory_space<vmem>>)
      %dma_wait3A_380 = arith.constant 12 : i32
      %dma_wait3A_381 = arith.constant 960 : i32
      %dma_wait3A_382 = arith.constant 0 : i32
      %dma_wait3A_383 = tpu.memref_slice %arg6[%dma_wait3A_381, %dma_wait3A_382] : memref<2000x8xf32, #tpu.memory_space<vmem>> -> memref<80x8xf32, #tpu.memory_space<vmem>>
      %dma_wait3A_384 = arith.constant 0 : i32
      %dma_wait3A_385 = tpu.memref_slice %arg5[%dma_wait3A_380, %dma_wait3A_384] : memref<25x80xi32, #tpu.memory_space<vmem>> -> memref<1x80xi32, #tpu.memory_space<vmem>>
      %dma_wait3A_386 = tpu.memref_squeeze %dma_wait3A_385 : memref<1x80xi32, #tpu.memory_space<vmem>> -> memref<80xi32, #tpu.memory_space<vmem>>
      %dma_wait3A_387 = arith.constant 0 : i32
      %dma_wait3A_388 = arith.constant 0 : i32
      %dma_wait3A_389 = tpu.memref_slice %arg2[%dma_wait3A_387, %dma_wait3A_388] : memref<10000x8xf32, #tpu.memory_space<hbm>> -> memref<10000x8xf32, #tpu.memory_space<hbm>>
      tpu.wait_indirect_dma semaphore(%arg7 : memref<!tpu.dma_semaphore, #tpu.memory_space<semaphore_mem>>) src(%dma_wait3A_389 : memref<10000x8xf32, #tpu.memory_space<hbm>>) dst(%dma_wait3A_383 : memref<80x8xf32, #tpu.memory_space<vmem>>)
      %dma_wait3A_390 = arith.constant 13 : i32
      %dma_wait3A_391 = arith.constant 1040 : i32
      %dma_wait3A_392 = arith.constant 0 : i32
      %dma_wait3A_393 = tpu.memref_slice %arg6[%dma_wait3A_391, %dma_wait3A_392] : memref<2000x8xf32, #tpu.memory_space<vmem>> -> memref<80x8xf32, #tpu.memory_space<vmem>>
      %dma_wait3A_394 = arith.constant 0 : i32
      %dma_wait3A_395 = tpu.memref_slice %arg5[%dma_wait3A_390, %dma_wait3A_394] : memref<25x80xi32, #tpu.memory_space<vmem>> -> memref<1x80xi32, #tpu.memory_space<vmem>>
      %dma_wait3A_396 = tpu.memref_squeeze %dma_wait3A_395 : memref<1x80xi32, #tpu.memory_space<vmem>> -> memref<80xi32, #tpu.memory_space<vmem>>
      %dma_wait3A_397 = arith.constant 0 : i32
      %dma_wait3A_398 = arith.constant 0 : i32
      %dma_wait3A_399 = tpu.memref_slice %arg2[%dma_wait3A_397, %dma_wait3A_398] : memref<10000x8xf32, #tpu.memory_space<hbm>> -> memref<10000x8xf32, #tpu.memory_space<hbm>>
      tpu.wait_indirect_dma semaphore(%arg7 : memref<!tpu.dma_semaphore, #tpu.memory_space<semaphore_mem>>) src(%dma_wait3A_399 : memref<10000x8xf32, #tpu.memory_space<hbm>>) dst(%dma_wait3A_393 : memref<80x8xf32, #tpu.memory_space<vmem>>)
      %dma_wait3A_400 = arith.constant 14 : i32
      %dma_wait3A_401 = arith.constant 1120 : i32
      %dma_wait3A_402 = arith.constant 0 : i32
      %dma_wait3A_403 = tpu.memref_slice %arg6[%dma_wait3A_401, %dma_wait3A_402] : memref<2000x8xf32, #tpu.memory_space<vmem>> -> memref<80x8xf32, #tpu.memory_space<vmem>>
      %dma_wait3A_404 = arith.constant 0 : i32
      %dma_wait3A_405 = tpu.memref_slice %arg5[%dma_wait3A_400, %dma_wait3A_404] : memref<25x80xi32, #tpu.memory_space<vmem>> -> memref<1x80xi32, #tpu.memory_space<vmem>>
      %dma_wait3A_406 = tpu.memref_squeeze %dma_wait3A_405 : memref<1x80xi32, #tpu.memory_space<vmem>> -> memref<80xi32, #tpu.memory_space<vmem>>
      %dma_wait3A_407 = arith.constant 0 : i32
      %dma_wait3A_408 = arith.constant 0 : i32
      %dma_wait3A_409 = tpu.memref_slice %arg2[%dma_wait3A_407, %dma_wait3A_408] : memref<10000x8xf32, #tpu.memory_space<hbm>> -> memref<10000x8xf32, #tpu.memory_space<hbm>>
      tpu.wait_indirect_dma semaphore(%arg7 : memref<!tpu.dma_semaphore, #tpu.memory_space<semaphore_mem>>) src(%dma_wait3A_409 : memref<10000x8xf32, #tpu.memory_space<hbm>>) dst(%dma_wait3A_403 : memref<80x8xf32, #tpu.memory_space<vmem>>)
      %dma_wait3A_410 = arith.constant 15 : i32
      %dma_wait3A_411 = arith.constant 1200 : i32
      %dma_wait3A_412 = arith.constant 0 : i32
      %dma_wait3A_413 = tpu.memref_slice %arg6[%dma_wait3A_411, %dma_wait3A_412] : memref<2000x8xf32, #tpu.memory_space<vmem>> -> memref<80x8xf32, #tpu.memory_space<vmem>>
      %dma_wait3A_414 = arith.constant 0 : i32
      %dma_wait3A_415 = tpu.memref_slice %arg5[%dma_wait3A_410, %dma_wait3A_414] : memref<25x80xi32, #tpu.memory_space<vmem>> -> memref<1x80xi32, #tpu.memory_space<vmem>>
      %dma_wait3A_416 = tpu.memref_squeeze %dma_wait3A_415 : memref<1x80xi32, #tpu.memory_space<vmem>> -> memref<80xi32, #tpu.memory_space<vmem>>
      %dma_wait3A_417 = arith.constant 0 : i32
      %dma_wait3A_418 = arith.constant 0 : i32
      %dma_wait3A_419 = tpu.memref_slice %arg2[%dma_wait3A_417, %dma_wait3A_418] : memref<10000x8xf32, #tpu.memory_space<hbm>> -> memref<10000x8xf32, #tpu.memory_space<hbm>>
      tpu.wait_indirect_dma semaphore(%arg7 : memref<!tpu.dma_semaphore, #tpu.memory_space<semaphore_mem>>) src(%dma_wait3A_419 : memref<10000x8xf32, #tpu.memory_space<hbm>>) dst(%dma_wait3A_413 : memref<80x8xf32, #tpu.memory_space<vmem>>)
      %dma_wait3A_420 = arith.constant 16 : i32
      %dma_wait3A_421 = arith.constant 1280 : i32
      %dma_wait3A_422 = arith.constant 0 : i32
      %dma_wait3A_423 = tpu.memref_slice %arg6[%dma_wait3A_421, %dma_wait3A_422] : memref<2000x8xf32, #tpu.memory_space<vmem>> -> memref<80x8xf32, #tpu.memory_space<vmem>>
      %dma_wait3A_424 = arith.constant 0 : i32
      %dma_wait3A_425 = tpu.memref_slice %arg5[%dma_wait3A_420, %dma_wait3A_424] : memref<25x80xi32, #tpu.memory_space<vmem>> -> memref<1x80xi32, #tpu.memory_space<vmem>>
      %dma_wait3A_426 = tpu.memref_squeeze %dma_wait3A_425 : memref<1x80xi32, #tpu.memory_space<vmem>> -> memref<80xi32, #tpu.memory_space<vmem>>
      %dma_wait3A_427 = arith.constant 0 : i32
      %dma_wait3A_428 = arith.constant 0 : i32
      %dma_wait3A_429 = tpu.memref_slice %arg2[%dma_wait3A_427, %dma_wait3A_428] : memref<10000x8xf32, #tpu.memory_space<hbm>> -> memref<10000x8xf32, #tpu.memory_space<hbm>>
      tpu.wait_indirect_dma semaphore(%arg7 : memref<!tpu.dma_semaphore, #tpu.memory_space<semaphore_mem>>) src(%dma_wait3A_429 : memref<10000x8xf32, #tpu.memory_space<hbm>>) dst(%dma_wait3A_423 : memref<80x8xf32, #tpu.memory_space<vmem>>)
      %dma_wait3A_430 = arith.constant 17 : i32
      %dma_wait3A_431 = arith.constant 1360 : i32
      %dma_wait3A_432 = arith.constant 0 : i32
      %dma_wait3A_433 = tpu.memref_slice %arg6[%dma_wait3A_431, %dma_wait3A_432] : memref<2000x8xf32, #tpu.memory_space<vmem>> -> memref<80x8xf32, #tpu.memory_space<vmem>>
      %dma_wait3A_434 = arith.constant 0 : i32
      %dma_wait3A_435 = tpu.memref_slice %arg5[%dma_wait3A_430, %dma_wait3A_434] : memref<25x80xi32, #tpu.memory_space<vmem>> -> memref<1x80xi32, #tpu.memory_space<vmem>>
      %dma_wait3A_436 = tpu.memref_squeeze %dma_wait3A_435 : memref<1x80xi32, #tpu.memory_space<vmem>> -> memref<80xi32, #tpu.memory_space<vmem>>
      %dma_wait3A_437 = arith.constant 0 : i32
      %dma_wait3A_438 = arith.constant 0 : i32
      %dma_wait3A_439 = tpu.memref_slice %arg2[%dma_wait3A_437, %dma_wait3A_438] : memref<10000x8xf32, #tpu.memory_space<hbm>> -> memref<10000x8xf32, #tpu.memory_space<hbm>>
      tpu.wait_indirect_dma semaphore(%arg7 : memref<!tpu.dma_semaphore, #tpu.memory_space<semaphore_mem>>) src(%dma_wait3A_439 : memref<10000x8xf32, #tpu.memory_space<hbm>>) dst(%dma_wait3A_433 : memref<80x8xf32, #tpu.memory_space<vmem>>)
      %dma_wait3A_440 = arith.constant 18 : i32
      %dma_wait3A_441 = arith.constant 1440 : i32
      %dma_wait3A_442 = arith.constant 0 : i32
      %dma_wait3A_443 = tpu.memref_slice %arg6[%dma_wait3A_441, %dma_wait3A_442] : memref<2000x8xf32, #tpu.memory_space<vmem>> -> memref<80x8xf32, #tpu.memory_space<vmem>>
      %dma_wait3A_444 = arith.constant 0 : i32
      %dma_wait3A_445 = tpu.memref_slice %arg5[%dma_wait3A_440, %dma_wait3A_444] : memref<25x80xi32, #tpu.memory_space<vmem>> -> memref<1x80xi32, #tpu.memory_space<vmem>>
      %dma_wait3A_446 = tpu.memref_squeeze %dma_wait3A_445 : memref<1x80xi32, #tpu.memory_space<vmem>> -> memref<80xi32, #tpu.memory_space<vmem>>
      %dma_wait3A_447 = arith.constant 0 : i32
      %dma_wait3A_448 = arith.constant 0 : i32
      %dma_wait3A_449 = tpu.memref_slice %arg2[%dma_wait3A_447, %dma_wait3A_448] : memref<10000x8xf32, #tpu.memory_space<hbm>> -> memref<10000x8xf32, #tpu.memory_space<hbm>>
      tpu.wait_indirect_dma semaphore(%arg7 : memref<!tpu.dma_semaphore, #tpu.memory_space<semaphore_mem>>) src(%dma_wait3A_449 : memref<10000x8xf32, #tpu.memory_space<hbm>>) dst(%dma_wait3A_443 : memref<80x8xf32, #tpu.memory_space<vmem>>)
      %dma_wait3A_450 = arith.constant 19 : i32
      %dma_wait3A_451 = arith.constant 1520 : i32
      %dma_wait3A_452 = arith.constant 0 : i32
      %dma_wait3A_453 = tpu.memref_slice %arg6[%dma_wait3A_451, %dma_wait3A_452] : memref<2000x8xf32, #tpu.memory_space<vmem>> -> memref<80x8xf32, #tpu.memory_space<vmem>>
      %dma_wait3A_454 = arith.constant 0 : i32
      %dma_wait3A_455 = tpu.memref_slice %arg5[%dma_wait3A_450, %dma_wait3A_454] : memref<25x80xi32, #tpu.memory_space<vmem>> -> memref<1x80xi32, #tpu.memory_space<vmem>>
      %dma_wait3A_456 = tpu.memref_squeeze %dma_wait3A_455 : memref<1x80xi32, #tpu.memory_space<vmem>> -> memref<80xi32, #tpu.memory_space<vmem>>
      %dma_wait3A_457 = arith.constant 0 : i32
      %dma_wait3A_458 = arith.constant 0 : i32
      %dma_wait3A_459 = tpu.memref_slice %arg2[%dma_wait3A_457, %dma_wait3A_458] : memref<10000x8xf32, #tpu.memory_space<hbm>> -> memref<10000x8xf32, #tpu.memory_space<hbm>>
      tpu.wait_indirect_dma semaphore(%arg7 : memref<!tpu.dma_semaphore, #tpu.memory_space<semaphore_mem>>) src(%dma_wait3A_459 : memref<10000x8xf32, #tpu.memory_space<hbm>>) dst(%dma_wait3A_453 : memref<80x8xf32, #tpu.memory_space<vmem>>)
      %dma_wait3A_460 = arith.constant 20 : i32
      %dma_wait3A_461 = arith.constant 1600 : i32
      %dma_wait3A_462 = arith.constant 0 : i32
      %dma_wait3A_463 = tpu.memref_slice %arg6[%dma_wait3A_461, %dma_wait3A_462] : memref<2000x8xf32, #tpu.memory_space<vmem>> -> memref<80x8xf32, #tpu.memory_space<vmem>>
      %dma_wait3A_464 = arith.constant 0 : i32
      %dma_wait3A_465 = tpu.memref_slice %arg5[%dma_wait3A_460, %dma_wait3A_464] : memref<25x80xi32, #tpu.memory_space<vmem>> -> memref<1x80xi32, #tpu.memory_space<vmem>>
      %dma_wait3A_466 = tpu.memref_squeeze %dma_wait3A_465 : memref<1x80xi32, #tpu.memory_space<vmem>> -> memref<80xi32, #tpu.memory_space<vmem>>
      %dma_wait3A_467 = arith.constant 0 : i32
      %dma_wait3A_468 = arith.constant 0 : i32
      %dma_wait3A_469 = tpu.memref_slice %arg2[%dma_wait3A_467, %dma_wait3A_468] : memref<10000x8xf32, #tpu.memory_space<hbm>> -> memref<10000x8xf32, #tpu.memory_space<hbm>>
      tpu.wait_indirect_dma semaphore(%arg7 : memref<!tpu.dma_semaphore, #tpu.memory_space<semaphore_mem>>) src(%dma_wait3A_469 : memref<10000x8xf32, #tpu.memory_space<hbm>>) dst(%dma_wait3A_463 : memref<80x8xf32, #tpu.memory_space<vmem>>)
      %dma_wait3A_470 = arith.constant 21 : i32
      %dma_wait3A_471 = arith.constant 1680 : i32
      %dma_wait3A_472 = arith.constant 0 : i32
      %dma_wait3A_473 = tpu.memref_slice %arg6[%dma_wait3A_471, %dma_wait3A_472] : memref<2000x8xf32, #tpu.memory_space<vmem>> -> memref<80x8xf32, #tpu.memory_space<vmem>>
      %dma_wait3A_474 = arith.constant 0 : i32
      %dma_wait3A_475 = tpu.memref_slice %arg5[%dma_wait3A_470, %dma_wait3A_474] : memref<25x80xi32, #tpu.memory_space<vmem>> -> memref<1x80xi32, #tpu.memory_space<vmem>>
      %dma_wait3A_476 = tpu.memref_squeeze %dma_wait3A_475 : memref<1x80xi32, #tpu.memory_space<vmem>> -> memref<80xi32, #tpu.memory_space<vmem>>
      %dma_wait3A_477 = arith.constant 0 : i32
      %dma_wait3A_478 = arith.constant 0 : i32
      %dma_wait3A_479 = tpu.memref_slice %arg2[%dma_wait3A_477, %dma_wait3A_478] : memref<10000x8xf32, #tpu.memory_space<hbm>> -> memref<10000x8xf32, #tpu.memory_space<hbm>>
      tpu.wait_indirect_dma semaphore(%arg7 : memref<!tpu.dma_semaphore, #tpu.memory_space<semaphore_mem>>) src(%dma_wait3A_479 : memref<10000x8xf32, #tpu.memory_space<hbm>>) dst(%dma_wait3A_473 : memref<80x8xf32, #tpu.memory_space<vmem>>)
      %dma_wait3A_480 = arith.constant 22 : i32
      %dma_wait3A_481 = arith.constant 1760 : i32
      %dma_wait3A_482 = arith.constant 0 : i32
      %dma_wait3A_483 = tpu.memref_slice %arg6[%dma_wait3A_481, %dma_wait3A_482] : memref<2000x8xf32, #tpu.memory_space<vmem>> -> memref<80x8xf32, #tpu.memory_space<vmem>>
      %dma_wait3A_484 = arith.constant 0 : i32
      %dma_wait3A_485 = tpu.memref_slice %arg5[%dma_wait3A_480, %dma_wait3A_484] : memref<25x80xi32, #tpu.memory_space<vmem>> -> memref<1x80xi32, #tpu.memory_space<vmem>>
      %dma_wait3A_486 = tpu.memref_squeeze %dma_wait3A_485 : memref<1x80xi32, #tpu.memory_space<vmem>> -> memref<80xi32, #tpu.memory_space<vmem>>
      %dma_wait3A_487 = arith.constant 0 : i32
      %dma_wait3A_488 = arith.constant 0 : i32
      %dma_wait3A_489 = tpu.memref_slice %arg2[%dma_wait3A_487, %dma_wait3A_488] : memref<10000x8xf32, #tpu.memory_space<hbm>> -> memref<10000x8xf32, #tpu.memory_space<hbm>>
      tpu.wait_indirect_dma semaphore(%arg7 : memref<!tpu.dma_semaphore, #tpu.memory_space<semaphore_mem>>) src(%dma_wait3A_489 : memref<10000x8xf32, #tpu.memory_space<hbm>>) dst(%dma_wait3A_483 : memref<80x8xf32, #tpu.memory_space<vmem>>)
      %dma_wait3A_490 = arith.constant 23 : i32
      %dma_wait3A_491 = arith.constant 1840 : i32
      %dma_wait3A_492 = arith.constant 0 : i32
      %dma_wait3A_493 = tpu.memref_slice %arg6[%dma_wait3A_491, %dma_wait3A_492] : memref<2000x8xf32, #tpu.memory_space<vmem>> -> memref<80x8xf32, #tpu.memory_space<vmem>>
      %dma_wait3A_494 = arith.constant 0 : i32
      %dma_wait3A_495 = tpu.memref_slice %arg5[%dma_wait3A_490, %dma_wait3A_494] : memref<25x80xi32, #tpu.memory_space<vmem>> -> memref<1x80xi32, #tpu.memory_space<vmem>>
      %dma_wait3A_496 = tpu.memref_squeeze %dma_wait3A_495 : memref<1x80xi32, #tpu.memory_space<vmem>> -> memref<80xi32, #tpu.memory_space<vmem>>
      %dma_wait3A_497 = arith.constant 0 : i32
      %dma_wait3A_498 = arith.constant 0 : i32
      %dma_wait3A_499 = tpu.memref_slice %arg2[%dma_wait3A_497, %dma_wait3A_498] : memref<10000x8xf32, #tpu.memory_space<hbm>> -> memref<10000x8xf32, #tpu.memory_space<hbm>>
      tpu.wait_indirect_dma semaphore(%arg7 : memref<!tpu.dma_semaphore, #tpu.memory_space<semaphore_mem>>) src(%dma_wait3A_499 : memref<10000x8xf32, #tpu.memory_space<hbm>>) dst(%dma_wait3A_493 : memref<80x8xf32, #tpu.memory_space<vmem>>)
      %dma_wait3A_500 = arith.constant 24 : i32
      %dma_wait3A_501 = arith.constant 1920 : i32
      %dma_wait3A_502 = arith.constant 0 : i32
      %dma_wait3A_503 = tpu.memref_slice %arg6[%dma_wait3A_501, %dma_wait3A_502] : memref<2000x8xf32, #tpu.memory_space<vmem>> -> memref<80x8xf32, #tpu.memory_space<vmem>>
      %dma_wait3A_504 = arith.constant 0 : i32
      %dma_wait3A_505 = tpu.memref_slice %arg5[%dma_wait3A_500, %dma_wait3A_504] : memref<25x80xi32, #tpu.memory_space<vmem>> -> memref<1x80xi32, #tpu.memory_space<vmem>>
      %dma_wait3A_506 = tpu.memref_squeeze %dma_wait3A_505 : memref<1x80xi32, #tpu.memory_space<vmem>> -> memref<80xi32, #tpu.memory_space<vmem>>
      %dma_wait3A_507 = arith.constant 0 : i32
      %dma_wait3A_508 = arith.constant 0 : i32
      %dma_wait3A_509 = tpu.memref_slice %arg2[%dma_wait3A_507, %dma_wait3A_508] : memref<10000x8xf32, #tpu.memory_space<hbm>> -> memref<10000x8xf32, #tpu.memory_space<hbm>>
      tpu.wait_indirect_dma semaphore(%arg7 : memref<!tpu.dma_semaphore, #tpu.memory_space<semaphore_mem>>) src(%dma_wait3A_509 : memref<10000x8xf32, #tpu.memory_space<hbm>>) dst(%dma_wait3A_503 : memref<80x8xf32, #tpu.memory_space<vmem>>)
      %dma_start3A_510 = arith.constant 0 : i32
      %dma_start3A_511 = tpu.memref_slice %arg4[%add3A_11, %dma_start3A_510] : memref<640000x8xf32, #tpu.memory_space<hbm>> -> memref<2000x8xf32, #tpu.memory_space<hbm>>
      %dma_start3A_512 = arith.constant 0 : i32
      %dma_start3A_513 = tpu.memref_slice %arg4[%add3A_11, %dma_start3A_512] : memref<640000x8xf32, #tpu.memory_space<hbm>> -> memref<2000x8xf32, #tpu.memory_space<hbm>>
      tpu.enqueue_dma source(%arg6 : memref<2000x8xf32, #tpu.memory_space<vmem>>) target(%dma_start3A_513 : memref<2000x8xf32, #tpu.memory_space<hbm>>) target_semaphore(%arg8 : memref<!tpu.dma_semaphore, #tpu.memory_space<semaphore_mem>>)
      %dma_wait3A_514 = arith.constant 0 : i32
      %dma_wait3A_515 = tpu.memref_slice %arg4[%add3A_11, %dma_wait3A_514] : memref<640000x8xf32, #tpu.memory_space<hbm>> -> memref<2000x8xf32, #tpu.memory_space<hbm>>
      %dma_wait3A_516 = arith.constant 0 : i32
      %dma_wait3A_517 = tpu.memref_slice %arg4[%add3A_11, %dma_wait3A_516] : memref<640000x8xf32, #tpu.memory_space<hbm>> -> memref<2000x8xf32, #tpu.memory_space<hbm>>
      tpu.wait_dma2 semaphore(%arg8 : memref<!tpu.dma_semaphore, #tpu.memory_space<semaphore_mem>>) src(%arg6 : memref<2000x8xf32, #tpu.memory_space<vmem>>) dst(%dma_wait3A_517 : memref<2000x8xf32, #tpu.memory_space<hbm>>)
    }
    %scan3A_5 = arith.constant 10 : i32
    return
  }
}

#map = affine_map<(d0, d1) -> (0, 0)>
#map1 = affine_map<(d0, d1) -> (0, 0, 0, 0)>
module attributes {stable_mosaic.version = 14 : i64} {
  func.func @_sc_scatter_body(%arg0: i32, %arg1: i32, %arg2: memref<640000x8xf32, #tpu.memory_space<hbm>>, %arg3: memref<32x10x25x80xi32, #tpu.memory_space<hbm>>, %arg4: memref<10240x8xf32, #tpu.memory_space<hbm>>, %arg5: memref<20480x8xf32, #tpu.memory_space<hbm>>, %arg6: memref<25x80xi32, #tpu.memory_space<vmem>>, %arg7: memref<2000x8xf32, #tpu.memory_space<vmem>>, %arg8: memref<10240x8xf32, #tpu.memory_space<vmem_shared>>, %arg9: memref<!tpu.dma_semaphore, #tpu.memory_space<semaphore_mem>>) attributes {dimension_semantics = [#tpu.dimension_semantics<core_parallel>, #tpu.dimension_semantics<subcore_parallel>], iteration_bounds = array<i64: 2, 16>, scalar_prefetch = 0 : i64, scratch_operands = 4 : i64, tpu.core_type = #tpu.core_type<sc_vector_subcore>, window_params = [{transform_indices = #map}, {transform_indices = #map1}, {transform_indices = #map}, {transform_indices = #map}]} {
    %mul3A = arith.constant 2 : i32
    %mul3A_0 = arith.muli %arg1, %mul3A : i32
    %add3A = arith.addi %mul3A_0, %arg0 : i32
    %eq3A = arith.constant 0 : i32
    %eq3A_1 = arith.cmpi eq, %arg1, %eq3A : i32
    %convert_element_type3A = arith.extui %eq3A_1 : i1 to i32
    %cond3A = arith.constant 0 : i32
    %cond3A_2 = arith.cmpi ne, %convert_element_type3A, %cond3A : i32
    scf.if %cond3A_2 {
      "tpu.region"() ({
        %run_scoped3A = tpu.sem_alloc : memref<!tpu.dma_semaphore, #tpu.memory_space<semaphore_mem>>
        tpu.enqueue_dma source(%arg4 : memref<10240x8xf32, #tpu.memory_space<hbm>>) target(%arg8 : memref<10240x8xf32, #tpu.memory_space<vmem_shared>>) target_semaphore(%run_scoped3A : memref<!tpu.dma_semaphore, #tpu.memory_space<semaphore_mem>>)
        tpu.wait_dma2 semaphore(%run_scoped3A : memref<!tpu.dma_semaphore, #tpu.memory_space<semaphore_mem>>) src(%arg4 : memref<10240x8xf32, #tpu.memory_space<hbm>>) dst(%arg8 : memref<10240x8xf32, #tpu.memory_space<vmem_shared>>)
        tpu.yield
      }) : () -> ()
    } else {
    }
    %barrier3A = arith.constant 0 : index
    tpu.barrier barrier_id(%barrier3A)
    %scan3A = arith.constant 0 : i32
    %scan3A_3 = arith.constant 0 : i32
    %scan3A_4 = arith.constant 10 : i32
    %scan3A_5 = arith.addi %scan3A_3, %scan3A_4 : i32
    %scan3A_6 = arith.constant 1 : i32
    scf.for %scan3A_16 = %scan3A_3 to %scan3A_5 step %scan3A_6  : i32 {
      %mul3A_17 = arith.constant 20000 : i32
      %mul3A_18 = arith.muli %add3A, %mul3A_17 : i32
      %mul3A_19 = arith.constant 2000 : i32
      %mul3A_20 = arith.muli %scan3A_16, %mul3A_19 : i32
      %add3A_21 = arith.addi %mul3A_18, %mul3A_20 : i32
      "tpu.region"() ({
        %run_scoped3A_52 = tpu.sem_alloc : memref<!tpu.dma_semaphore, #tpu.memory_space<semaphore_mem>>
        %dma_start3A_53 = arith.constant 0 : i32
        %dma_start3A_54 = arith.constant 0 : i32
        %dma_start3A_55 = tpu.memref_slice %arg3[%add3A, %scan3A_16, %dma_start3A_53, %dma_start3A_54] : memref<32x10x25x80xi32, #tpu.memory_space<hbm>> -> memref<1x1x25x80xi32, #tpu.memory_space<hbm>>
        %dma_start3A_56 = tpu.memref_squeeze %dma_start3A_55 : memref<1x1x25x80xi32, #tpu.memory_space<hbm>> -> memref<25x80xi32, #tpu.memory_space<hbm>>
        %dma_start3A_57 = arith.constant 0 : i32
        %dma_start3A_58 = arith.constant 0 : i32
        %dma_start3A_59 = tpu.memref_slice %arg3[%add3A, %scan3A_16, %dma_start3A_57, %dma_start3A_58] : memref<32x10x25x80xi32, #tpu.memory_space<hbm>> -> memref<1x1x25x80xi32, #tpu.memory_space<hbm>>
        %dma_start3A_60 = tpu.memref_squeeze %dma_start3A_59 : memref<1x1x25x80xi32, #tpu.memory_space<hbm>> -> memref<25x80xi32, #tpu.memory_space<hbm>>
        tpu.enqueue_dma source(%dma_start3A_60 : memref<25x80xi32, #tpu.memory_space<hbm>>) target(%arg6 : memref<25x80xi32, #tpu.memory_space<vmem>>) target_semaphore(%run_scoped3A_52 : memref<!tpu.dma_semaphore, #tpu.memory_space<semaphore_mem>>)
        %dma_wait3A_61 = arith.constant 0 : i32
        %dma_wait3A_62 = arith.constant 0 : i32
        %dma_wait3A_63 = tpu.memref_slice %arg3[%add3A, %scan3A_16, %dma_wait3A_61, %dma_wait3A_62] : memref<32x10x25x80xi32, #tpu.memory_space<hbm>> -> memref<1x1x25x80xi32, #tpu.memory_space<hbm>>
        %dma_wait3A_64 = tpu.memref_squeeze %dma_wait3A_63 : memref<1x1x25x80xi32, #tpu.memory_space<hbm>> -> memref<25x80xi32, #tpu.memory_space<hbm>>
        %dma_wait3A_65 = arith.constant 0 : i32
        %dma_wait3A_66 = arith.constant 0 : i32
        %dma_wait3A_67 = tpu.memref_slice %arg3[%add3A, %scan3A_16, %dma_wait3A_65, %dma_wait3A_66] : memref<32x10x25x80xi32, #tpu.memory_space<hbm>> -> memref<1x1x25x80xi32, #tpu.memory_space<hbm>>
        %dma_wait3A_68 = tpu.memref_squeeze %dma_wait3A_67 : memref<1x1x25x80xi32, #tpu.memory_space<hbm>> -> memref<25x80xi32, #tpu.memory_space<hbm>>
        tpu.wait_dma2 semaphore(%run_scoped3A_52 : memref<!tpu.dma_semaphore, #tpu.memory_space<semaphore_mem>>) src(%dma_wait3A_68 : memref<25x80xi32, #tpu.memory_space<hbm>>) dst(%arg6 : memref<25x80xi32, #tpu.memory_space<vmem>>)
        tpu.yield
      }) : () -> ()
      %dma_start3A = arith.constant 0 : i32
      %dma_start3A_22 = tpu.memref_slice %arg2[%add3A_21, %dma_start3A] : memref<640000x8xf32, #tpu.memory_space<hbm>> -> memref<2000x8xf32, #tpu.memory_space<hbm>>
      %dma_start3A_23 = arith.constant 0 : i32
      %dma_start3A_24 = tpu.memref_slice %arg2[%add3A_21, %dma_start3A_23] : memref<640000x8xf32, #tpu.memory_space<hbm>> -> memref<2000x8xf32, #tpu.memory_space<hbm>>
      tpu.enqueue_dma source(%dma_start3A_24 : memref<2000x8xf32, #tpu.memory_space<hbm>>) target(%arg7 : memref<2000x8xf32, #tpu.memory_space<vmem>>) target_semaphore(%arg9 : memref<!tpu.dma_semaphore, #tpu.memory_space<semaphore_mem>>)
      %dma_wait3A = arith.constant 0 : i32
      %dma_wait3A_25 = tpu.memref_slice %arg2[%add3A_21, %dma_wait3A] : memref<640000x8xf32, #tpu.memory_space<hbm>> -> memref<2000x8xf32, #tpu.memory_space<hbm>>
      %dma_wait3A_26 = arith.constant 0 : i32
      %dma_wait3A_27 = tpu.memref_slice %arg2[%add3A_21, %dma_wait3A_26] : memref<640000x8xf32, #tpu.memory_space<hbm>> -> memref<2000x8xf32, #tpu.memory_space<hbm>>
      tpu.wait_dma2 semaphore(%arg9 : memref<!tpu.dma_semaphore, #tpu.memory_space<semaphore_mem>>) src(%dma_wait3A_27 : memref<2000x8xf32, #tpu.memory_space<hbm>>) dst(%arg7 : memref<2000x8xf32, #tpu.memory_space<vmem>>)
      %run_scoped3A = arith.constant 0 : i32
      "tpu.region"() ({
        %run_scoped3A_52 = tpu.sem_alloc : memref<!tpu.dma_semaphore, #tpu.memory_space<semaphore_mem>>
        %dma_start3A_53 = arith.constant 0 : i32
        %dma_start3A_54 = arith.constant 0 : i32
        %dma_start3A_55 = tpu.memref_slice %arg7[%dma_start3A_53, %dma_start3A_54] : memref<2000x8xf32, #tpu.memory_space<vmem>> -> memref<80x8xf32, #tpu.memory_space<vmem>>
        %dma_start3A_56 = arith.constant 0 : i32
        %dma_start3A_57 = tpu.memref_slice %arg6[%run_scoped3A, %dma_start3A_56] : memref<25x80xi32, #tpu.memory_space<vmem>> -> memref<1x80xi32, #tpu.memory_space<vmem>>
        %dma_start3A_58 = tpu.memref_squeeze %dma_start3A_57 : memref<1x80xi32, #tpu.memory_space<vmem>> -> memref<80xi32, #tpu.memory_space<vmem>>
        %dma_start3A_59 = arith.constant 0 : i32
        %dma_start3A_60 = arith.constant 0 : i32
        %dma_start3A_61 = tpu.memref_slice %arg8[%dma_start3A_59, %dma_start3A_60] : memref<10240x8xf32, #tpu.memory_space<vmem_shared>> -> memref<10240x8xf32, #tpu.memory_space<vmem_shared>>
        tpu.enqueue_indirect_dma source(%dma_start3A_55 : memref<80x8xf32, #tpu.memory_space<vmem>>) target(%dma_start3A_61 : memref<10240x8xf32, #tpu.memory_space<vmem_shared>>) offsets(%dma_start3A_58 : memref<80xi32, #tpu.memory_space<vmem>>) semaphore(%run_scoped3A_52 : memref<!tpu.dma_semaphore, #tpu.memory_space<semaphore_mem>>) {add = true}
        %dma_wait3A_62 = arith.constant 0 : i32
        %dma_wait3A_63 = arith.constant 0 : i32
        %dma_wait3A_64 = tpu.memref_slice %arg7[%dma_wait3A_62, %dma_wait3A_63] : memref<2000x8xf32, #tpu.memory_space<vmem>> -> memref<80x8xf32, #tpu.memory_space<vmem>>
        %dma_wait3A_65 = arith.constant 0 : i32
        %dma_wait3A_66 = tpu.memref_slice %arg6[%run_scoped3A, %dma_wait3A_65] : memref<25x80xi32, #tpu.memory_space<vmem>> -> memref<1x80xi32, #tpu.memory_space<vmem>>
        %dma_wait3A_67 = tpu.memref_squeeze %dma_wait3A_66 : memref<1x80xi32, #tpu.memory_space<vmem>> -> memref<80xi32, #tpu.memory_space<vmem>>
        %dma_wait3A_68 = arith.constant 0 : i32
        %dma_wait3A_69 = arith.constant 0 : i32
        %dma_wait3A_70 = tpu.memref_slice %arg8[%dma_wait3A_68, %dma_wait3A_69] : memref<10240x8xf32, #tpu.memory_space<vmem_shared>> -> memref<10240x8xf32, #tpu.memory_space<vmem_shared>>
        tpu.wait_indirect_dma semaphore(%run_scoped3A_52 : memref<!tpu.dma_semaphore, #tpu.memory_space<semaphore_mem>>) src(%dma_wait3A_64 : memref<80x8xf32, #tpu.memory_space<vmem>>) dst(%dma_wait3A_70 : memref<10240x8xf32, #tpu.memory_space<vmem_shared>>)
        tpu.yield
      }) : () -> ()
      %run_scoped3A_28 = arith.constant 1 : i32
      "tpu.region"() ({
        %run_scoped3A_52 = tpu.sem_alloc : memref<!tpu.dma_semaphore, #tpu.memory_space<semaphore_mem>>
        %dma_start3A_53 = arith.constant 80 : i32
        %dma_start3A_54 = arith.constant 0 : i32
        %dma_start3A_55 = tpu.memref_slice %arg7[%dma_start3A_53, %dma_start3A_54] : memref<2000x8xf32, #tpu.memory_space<vmem>> -> memref<80x8xf32, #tpu.memory_space<vmem>>
        %dma_start3A_56 = arith.constant 0 : i32
        %dma_start3A_57 = tpu.memref_slice %arg6[%run_scoped3A_28, %dma_start3A_56] : memref<25x80xi32, #tpu.memory_space<vmem>> -> memref<1x80xi32, #tpu.memory_space<vmem>>
        %dma_start3A_58 = tpu.memref_squeeze %dma_start3A_57 : memref<1x80xi32, #tpu.memory_space<vmem>> -> memref<80xi32, #tpu.memory_space<vmem>>
        %dma_start3A_59 = arith.constant 0 : i32
        %dma_start3A_60 = arith.constant 0 : i32
        %dma_start3A_61 = tpu.memref_slice %arg8[%dma_start3A_59, %dma_start3A_60] : memref<10240x8xf32, #tpu.memory_space<vmem_shared>> -> memref<10240x8xf32, #tpu.memory_space<vmem_shared>>
        tpu.enqueue_indirect_dma source(%dma_start3A_55 : memref<80x8xf32, #tpu.memory_space<vmem>>) target(%dma_start3A_61 : memref<10240x8xf32, #tpu.memory_space<vmem_shared>>) offsets(%dma_start3A_58 : memref<80xi32, #tpu.memory_space<vmem>>) semaphore(%run_scoped3A_52 : memref<!tpu.dma_semaphore, #tpu.memory_space<semaphore_mem>>) {add = true}
        %dma_wait3A_62 = arith.constant 80 : i32
        %dma_wait3A_63 = arith.constant 0 : i32
        %dma_wait3A_64 = tpu.memref_slice %arg7[%dma_wait3A_62, %dma_wait3A_63] : memref<2000x8xf32, #tpu.memory_space<vmem>> -> memref<80x8xf32, #tpu.memory_space<vmem>>
        %dma_wait3A_65 = arith.constant 0 : i32
        %dma_wait3A_66 = tpu.memref_slice %arg6[%run_scoped3A_28, %dma_wait3A_65] : memref<25x80xi32, #tpu.memory_space<vmem>> -> memref<1x80xi32, #tpu.memory_space<vmem>>
        %dma_wait3A_67 = tpu.memref_squeeze %dma_wait3A_66 : memref<1x80xi32, #tpu.memory_space<vmem>> -> memref<80xi32, #tpu.memory_space<vmem>>
        %dma_wait3A_68 = arith.constant 0 : i32
        %dma_wait3A_69 = arith.constant 0 : i32
        %dma_wait3A_70 = tpu.memref_slice %arg8[%dma_wait3A_68, %dma_wait3A_69] : memref<10240x8xf32, #tpu.memory_space<vmem_shared>> -> memref<10240x8xf32, #tpu.memory_space<vmem_shared>>
        tpu.wait_indirect_dma semaphore(%run_scoped3A_52 : memref<!tpu.dma_semaphore, #tpu.memory_space<semaphore_mem>>) src(%dma_wait3A_64 : memref<80x8xf32, #tpu.memory_space<vmem>>) dst(%dma_wait3A_70 : memref<10240x8xf32, #tpu.memory_space<vmem_shared>>)
        tpu.yield
      }) : () -> ()
      %run_scoped3A_29 = arith.constant 2 : i32
      "tpu.region"() ({
        %run_scoped3A_52 = tpu.sem_alloc : memref<!tpu.dma_semaphore, #tpu.memory_space<semaphore_mem>>
        %dma_start3A_53 = arith.constant 160 : i32
        %dma_start3A_54 = arith.constant 0 : i32
        %dma_start3A_55 = tpu.memref_slice %arg7[%dma_start3A_53, %dma_start3A_54] : memref<2000x8xf32, #tpu.memory_space<vmem>> -> memref<80x8xf32, #tpu.memory_space<vmem>>
        %dma_start3A_56 = arith.constant 0 : i32
        %dma_start3A_57 = tpu.memref_slice %arg6[%run_scoped3A_29, %dma_start3A_56] : memref<25x80xi32, #tpu.memory_space<vmem>> -> memref<1x80xi32, #tpu.memory_space<vmem>>
        %dma_start3A_58 = tpu.memref_squeeze %dma_start3A_57 : memref<1x80xi32, #tpu.memory_space<vmem>> -> memref<80xi32, #tpu.memory_space<vmem>>
        %dma_start3A_59 = arith.constant 0 : i32
        %dma_start3A_60 = arith.constant 0 : i32
        %dma_start3A_61 = tpu.memref_slice %arg8[%dma_start3A_59, %dma_start3A_60] : memref<10240x8xf32, #tpu.memory_space<vmem_shared>> -> memref<10240x8xf32, #tpu.memory_space<vmem_shared>>
        tpu.enqueue_indirect_dma source(%dma_start3A_55 : memref<80x8xf32, #tpu.memory_space<vmem>>) target(%dma_start3A_61 : memref<10240x8xf32, #tpu.memory_space<vmem_shared>>) offsets(%dma_start3A_58 : memref<80xi32, #tpu.memory_space<vmem>>) semaphore(%run_scoped3A_52 : memref<!tpu.dma_semaphore, #tpu.memory_space<semaphore_mem>>) {add = true}
        %dma_wait3A_62 = arith.constant 160 : i32
        %dma_wait3A_63 = arith.constant 0 : i32
        %dma_wait3A_64 = tpu.memref_slice %arg7[%dma_wait3A_62, %dma_wait3A_63] : memref<2000x8xf32, #tpu.memory_space<vmem>> -> memref<80x8xf32, #tpu.memory_space<vmem>>
        %dma_wait3A_65 = arith.constant 0 : i32
        %dma_wait3A_66 = tpu.memref_slice %arg6[%run_scoped3A_29, %dma_wait3A_65] : memref<25x80xi32, #tpu.memory_space<vmem>> -> memref<1x80xi32, #tpu.memory_space<vmem>>
        %dma_wait3A_67 = tpu.memref_squeeze %dma_wait3A_66 : memref<1x80xi32, #tpu.memory_space<vmem>> -> memref<80xi32, #tpu.memory_space<vmem>>
        %dma_wait3A_68 = arith.constant 0 : i32
        %dma_wait3A_69 = arith.constant 0 : i32
        %dma_wait3A_70 = tpu.memref_slice %arg8[%dma_wait3A_68, %dma_wait3A_69] : memref<10240x8xf32, #tpu.memory_space<vmem_shared>> -> memref<10240x8xf32, #tpu.memory_space<vmem_shared>>
        tpu.wait_indirect_dma semaphore(%run_scoped3A_52 : memref<!tpu.dma_semaphore, #tpu.memory_space<semaphore_mem>>) src(%dma_wait3A_64 : memref<80x8xf32, #tpu.memory_space<vmem>>) dst(%dma_wait3A_70 : memref<10240x8xf32, #tpu.memory_space<vmem_shared>>)
        tpu.yield
      }) : () -> ()
      %run_scoped3A_30 = arith.constant 3 : i32
      "tpu.region"() ({
        %run_scoped3A_52 = tpu.sem_alloc : memref<!tpu.dma_semaphore, #tpu.memory_space<semaphore_mem>>
        %dma_start3A_53 = arith.constant 240 : i32
        %dma_start3A_54 = arith.constant 0 : i32
        %dma_start3A_55 = tpu.memref_slice %arg7[%dma_start3A_53, %dma_start3A_54] : memref<2000x8xf32, #tpu.memory_space<vmem>> -> memref<80x8xf32, #tpu.memory_space<vmem>>
        %dma_start3A_56 = arith.constant 0 : i32
        %dma_start3A_57 = tpu.memref_slice %arg6[%run_scoped3A_30, %dma_start3A_56] : memref<25x80xi32, #tpu.memory_space<vmem>> -> memref<1x80xi32, #tpu.memory_space<vmem>>
        %dma_start3A_58 = tpu.memref_squeeze %dma_start3A_57 : memref<1x80xi32, #tpu.memory_space<vmem>> -> memref<80xi32, #tpu.memory_space<vmem>>
        %dma_start3A_59 = arith.constant 0 : i32
        %dma_start3A_60 = arith.constant 0 : i32
        %dma_start3A_61 = tpu.memref_slice %arg8[%dma_start3A_59, %dma_start3A_60] : memref<10240x8xf32, #tpu.memory_space<vmem_shared>> -> memref<10240x8xf32, #tpu.memory_space<vmem_shared>>
        tpu.enqueue_indirect_dma source(%dma_start3A_55 : memref<80x8xf32, #tpu.memory_space<vmem>>) target(%dma_start3A_61 : memref<10240x8xf32, #tpu.memory_space<vmem_shared>>) offsets(%dma_start3A_58 : memref<80xi32, #tpu.memory_space<vmem>>) semaphore(%run_scoped3A_52 : memref<!tpu.dma_semaphore, #tpu.memory_space<semaphore_mem>>) {add = true}
        %dma_wait3A_62 = arith.constant 240 : i32
        %dma_wait3A_63 = arith.constant 0 : i32
        %dma_wait3A_64 = tpu.memref_slice %arg7[%dma_wait3A_62, %dma_wait3A_63] : memref<2000x8xf32, #tpu.memory_space<vmem>> -> memref<80x8xf32, #tpu.memory_space<vmem>>
        %dma_wait3A_65 = arith.constant 0 : i32
        %dma_wait3A_66 = tpu.memref_slice %arg6[%run_scoped3A_30, %dma_wait3A_65] : memref<25x80xi32, #tpu.memory_space<vmem>> -> memref<1x80xi32, #tpu.memory_space<vmem>>
        %dma_wait3A_67 = tpu.memref_squeeze %dma_wait3A_66 : memref<1x80xi32, #tpu.memory_space<vmem>> -> memref<80xi32, #tpu.memory_space<vmem>>
        %dma_wait3A_68 = arith.constant 0 : i32
        %dma_wait3A_69 = arith.constant 0 : i32
        %dma_wait3A_70 = tpu.memref_slice %arg8[%dma_wait3A_68, %dma_wait3A_69] : memref<10240x8xf32, #tpu.memory_space<vmem_shared>> -> memref<10240x8xf32, #tpu.memory_space<vmem_shared>>
        tpu.wait_indirect_dma semaphore(%run_scoped3A_52 : memref<!tpu.dma_semaphore, #tpu.memory_space<semaphore_mem>>) src(%dma_wait3A_64 : memref<80x8xf32, #tpu.memory_space<vmem>>) dst(%dma_wait3A_70 : memref<10240x8xf32, #tpu.memory_space<vmem_shared>>)
        tpu.yield
      }) : () -> ()
      %run_scoped3A_31 = arith.constant 4 : i32
      "tpu.region"() ({
        %run_scoped3A_52 = tpu.sem_alloc : memref<!tpu.dma_semaphore, #tpu.memory_space<semaphore_mem>>
        %dma_start3A_53 = arith.constant 320 : i32
        %dma_start3A_54 = arith.constant 0 : i32
        %dma_start3A_55 = tpu.memref_slice %arg7[%dma_start3A_53, %dma_start3A_54] : memref<2000x8xf32, #tpu.memory_space<vmem>> -> memref<80x8xf32, #tpu.memory_space<vmem>>
        %dma_start3A_56 = arith.constant 0 : i32
        %dma_start3A_57 = tpu.memref_slice %arg6[%run_scoped3A_31, %dma_start3A_56] : memref<25x80xi32, #tpu.memory_space<vmem>> -> memref<1x80xi32, #tpu.memory_space<vmem>>
        %dma_start3A_58 = tpu.memref_squeeze %dma_start3A_57 : memref<1x80xi32, #tpu.memory_space<vmem>> -> memref<80xi32, #tpu.memory_space<vmem>>
        %dma_start3A_59 = arith.constant 0 : i32
        %dma_start3A_60 = arith.constant 0 : i32
        %dma_start3A_61 = tpu.memref_slice %arg8[%dma_start3A_59, %dma_start3A_60] : memref<10240x8xf32, #tpu.memory_space<vmem_shared>> -> memref<10240x8xf32, #tpu.memory_space<vmem_shared>>
        tpu.enqueue_indirect_dma source(%dma_start3A_55 : memref<80x8xf32, #tpu.memory_space<vmem>>) target(%dma_start3A_61 : memref<10240x8xf32, #tpu.memory_space<vmem_shared>>) offsets(%dma_start3A_58 : memref<80xi32, #tpu.memory_space<vmem>>) semaphore(%run_scoped3A_52 : memref<!tpu.dma_semaphore, #tpu.memory_space<semaphore_mem>>) {add = true}
        %dma_wait3A_62 = arith.constant 320 : i32
        %dma_wait3A_63 = arith.constant 0 : i32
        %dma_wait3A_64 = tpu.memref_slice %arg7[%dma_wait3A_62, %dma_wait3A_63] : memref<2000x8xf32, #tpu.memory_space<vmem>> -> memref<80x8xf32, #tpu.memory_space<vmem>>
        %dma_wait3A_65 = arith.constant 0 : i32
        %dma_wait3A_66 = tpu.memref_slice %arg6[%run_scoped3A_31, %dma_wait3A_65] : memref<25x80xi32, #tpu.memory_space<vmem>> -> memref<1x80xi32, #tpu.memory_space<vmem>>
        %dma_wait3A_67 = tpu.memref_squeeze %dma_wait3A_66 : memref<1x80xi32, #tpu.memory_space<vmem>> -> memref<80xi32, #tpu.memory_space<vmem>>
        %dma_wait3A_68 = arith.constant 0 : i32
        %dma_wait3A_69 = arith.constant 0 : i32
        %dma_wait3A_70 = tpu.memref_slice %arg8[%dma_wait3A_68, %dma_wait3A_69] : memref<10240x8xf32, #tpu.memory_space<vmem_shared>> -> memref<10240x8xf32, #tpu.memory_space<vmem_shared>>
        tpu.wait_indirect_dma semaphore(%run_scoped3A_52 : memref<!tpu.dma_semaphore, #tpu.memory_space<semaphore_mem>>) src(%dma_wait3A_64 : memref<80x8xf32, #tpu.memory_space<vmem>>) dst(%dma_wait3A_70 : memref<10240x8xf32, #tpu.memory_space<vmem_shared>>)
        tpu.yield
      }) : () -> ()
      %run_scoped3A_32 = arith.constant 5 : i32
      "tpu.region"() ({
        %run_scoped3A_52 = tpu.sem_alloc : memref<!tpu.dma_semaphore, #tpu.memory_space<semaphore_mem>>
        %dma_start3A_53 = arith.constant 400 : i32
        %dma_start3A_54 = arith.constant 0 : i32
        %dma_start3A_55 = tpu.memref_slice %arg7[%dma_start3A_53, %dma_start3A_54] : memref<2000x8xf32, #tpu.memory_space<vmem>> -> memref<80x8xf32, #tpu.memory_space<vmem>>
        %dma_start3A_56 = arith.constant 0 : i32
        %dma_start3A_57 = tpu.memref_slice %arg6[%run_scoped3A_32, %dma_start3A_56] : memref<25x80xi32, #tpu.memory_space<vmem>> -> memref<1x80xi32, #tpu.memory_space<vmem>>
        %dma_start3A_58 = tpu.memref_squeeze %dma_start3A_57 : memref<1x80xi32, #tpu.memory_space<vmem>> -> memref<80xi32, #tpu.memory_space<vmem>>
        %dma_start3A_59 = arith.constant 0 : i32
        %dma_start3A_60 = arith.constant 0 : i32
        %dma_start3A_61 = tpu.memref_slice %arg8[%dma_start3A_59, %dma_start3A_60] : memref<10240x8xf32, #tpu.memory_space<vmem_shared>> -> memref<10240x8xf32, #tpu.memory_space<vmem_shared>>
        tpu.enqueue_indirect_dma source(%dma_start3A_55 : memref<80x8xf32, #tpu.memory_space<vmem>>) target(%dma_start3A_61 : memref<10240x8xf32, #tpu.memory_space<vmem_shared>>) offsets(%dma_start3A_58 : memref<80xi32, #tpu.memory_space<vmem>>) semaphore(%run_scoped3A_52 : memref<!tpu.dma_semaphore, #tpu.memory_space<semaphore_mem>>) {add = true}
        %dma_wait3A_62 = arith.constant 400 : i32
        %dma_wait3A_63 = arith.constant 0 : i32
        %dma_wait3A_64 = tpu.memref_slice %arg7[%dma_wait3A_62, %dma_wait3A_63] : memref<2000x8xf32, #tpu.memory_space<vmem>> -> memref<80x8xf32, #tpu.memory_space<vmem>>
        %dma_wait3A_65 = arith.constant 0 : i32
        %dma_wait3A_66 = tpu.memref_slice %arg6[%run_scoped3A_32, %dma_wait3A_65] : memref<25x80xi32, #tpu.memory_space<vmem>> -> memref<1x80xi32, #tpu.memory_space<vmem>>
        %dma_wait3A_67 = tpu.memref_squeeze %dma_wait3A_66 : memref<1x80xi32, #tpu.memory_space<vmem>> -> memref<80xi32, #tpu.memory_space<vmem>>
        %dma_wait3A_68 = arith.constant 0 : i32
        %dma_wait3A_69 = arith.constant 0 : i32
        %dma_wait3A_70 = tpu.memref_slice %arg8[%dma_wait3A_68, %dma_wait3A_69] : memref<10240x8xf32, #tpu.memory_space<vmem_shared>> -> memref<10240x8xf32, #tpu.memory_space<vmem_shared>>
        tpu.wait_indirect_dma semaphore(%run_scoped3A_52 : memref<!tpu.dma_semaphore, #tpu.memory_space<semaphore_mem>>) src(%dma_wait3A_64 : memref<80x8xf32, #tpu.memory_space<vmem>>) dst(%dma_wait3A_70 : memref<10240x8xf32, #tpu.memory_space<vmem_shared>>)
        tpu.yield
      }) : () -> ()
      %run_scoped3A_33 = arith.constant 6 : i32
      "tpu.region"() ({
        %run_scoped3A_52 = tpu.sem_alloc : memref<!tpu.dma_semaphore, #tpu.memory_space<semaphore_mem>>
        %dma_start3A_53 = arith.constant 480 : i32
        %dma_start3A_54 = arith.constant 0 : i32
        %dma_start3A_55 = tpu.memref_slice %arg7[%dma_start3A_53, %dma_start3A_54] : memref<2000x8xf32, #tpu.memory_space<vmem>> -> memref<80x8xf32, #tpu.memory_space<vmem>>
        %dma_start3A_56 = arith.constant 0 : i32
        %dma_start3A_57 = tpu.memref_slice %arg6[%run_scoped3A_33, %dma_start3A_56] : memref<25x80xi32, #tpu.memory_space<vmem>> -> memref<1x80xi32, #tpu.memory_space<vmem>>
        %dma_start3A_58 = tpu.memref_squeeze %dma_start3A_57 : memref<1x80xi32, #tpu.memory_space<vmem>> -> memref<80xi32, #tpu.memory_space<vmem>>
        %dma_start3A_59 = arith.constant 0 : i32
        %dma_start3A_60 = arith.constant 0 : i32
        %dma_start3A_61 = tpu.memref_slice %arg8[%dma_start3A_59, %dma_start3A_60] : memref<10240x8xf32, #tpu.memory_space<vmem_shared>> -> memref<10240x8xf32, #tpu.memory_space<vmem_shared>>
        tpu.enqueue_indirect_dma source(%dma_start3A_55 : memref<80x8xf32, #tpu.memory_space<vmem>>) target(%dma_start3A_61 : memref<10240x8xf32, #tpu.memory_space<vmem_shared>>) offsets(%dma_start3A_58 : memref<80xi32, #tpu.memory_space<vmem>>) semaphore(%run_scoped3A_52 : memref<!tpu.dma_semaphore, #tpu.memory_space<semaphore_mem>>) {add = true}
        %dma_wait3A_62 = arith.constant 480 : i32
        %dma_wait3A_63 = arith.constant 0 : i32
        %dma_wait3A_64 = tpu.memref_slice %arg7[%dma_wait3A_62, %dma_wait3A_63] : memref<2000x8xf32, #tpu.memory_space<vmem>> -> memref<80x8xf32, #tpu.memory_space<vmem>>
        %dma_wait3A_65 = arith.constant 0 : i32
        %dma_wait3A_66 = tpu.memref_slice %arg6[%run_scoped3A_33, %dma_wait3A_65] : memref<25x80xi32, #tpu.memory_space<vmem>> -> memref<1x80xi32, #tpu.memory_space<vmem>>
        %dma_wait3A_67 = tpu.memref_squeeze %dma_wait3A_66 : memref<1x80xi32, #tpu.memory_space<vmem>> -> memref<80xi32, #tpu.memory_space<vmem>>
        %dma_wait3A_68 = arith.constant 0 : i32
        %dma_wait3A_69 = arith.constant 0 : i32
        %dma_wait3A_70 = tpu.memref_slice %arg8[%dma_wait3A_68, %dma_wait3A_69] : memref<10240x8xf32, #tpu.memory_space<vmem_shared>> -> memref<10240x8xf32, #tpu.memory_space<vmem_shared>>
        tpu.wait_indirect_dma semaphore(%run_scoped3A_52 : memref<!tpu.dma_semaphore, #tpu.memory_space<semaphore_mem>>) src(%dma_wait3A_64 : memref<80x8xf32, #tpu.memory_space<vmem>>) dst(%dma_wait3A_70 : memref<10240x8xf32, #tpu.memory_space<vmem_shared>>)
        tpu.yield
      }) : () -> ()
      %run_scoped3A_34 = arith.constant 7 : i32
      "tpu.region"() ({
        %run_scoped3A_52 = tpu.sem_alloc : memref<!tpu.dma_semaphore, #tpu.memory_space<semaphore_mem>>
        %dma_start3A_53 = arith.constant 560 : i32
        %dma_start3A_54 = arith.constant 0 : i32
        %dma_start3A_55 = tpu.memref_slice %arg7[%dma_start3A_53, %dma_start3A_54] : memref<2000x8xf32, #tpu.memory_space<vmem>> -> memref<80x8xf32, #tpu.memory_space<vmem>>
        %dma_start3A_56 = arith.constant 0 : i32
        %dma_start3A_57 = tpu.memref_slice %arg6[%run_scoped3A_34, %dma_start3A_56] : memref<25x80xi32, #tpu.memory_space<vmem>> -> memref<1x80xi32, #tpu.memory_space<vmem>>
        %dma_start3A_58 = tpu.memref_squeeze %dma_start3A_57 : memref<1x80xi32, #tpu.memory_space<vmem>> -> memref<80xi32, #tpu.memory_space<vmem>>
        %dma_start3A_59 = arith.constant 0 : i32
        %dma_start3A_60 = arith.constant 0 : i32
        %dma_start3A_61 = tpu.memref_slice %arg8[%dma_start3A_59, %dma_start3A_60] : memref<10240x8xf32, #tpu.memory_space<vmem_shared>> -> memref<10240x8xf32, #tpu.memory_space<vmem_shared>>
        tpu.enqueue_indirect_dma source(%dma_start3A_55 : memref<80x8xf32, #tpu.memory_space<vmem>>) target(%dma_start3A_61 : memref<10240x8xf32, #tpu.memory_space<vmem_shared>>) offsets(%dma_start3A_58 : memref<80xi32, #tpu.memory_space<vmem>>) semaphore(%run_scoped3A_52 : memref<!tpu.dma_semaphore, #tpu.memory_space<semaphore_mem>>) {add = true}
        %dma_wait3A_62 = arith.constant 560 : i32
        %dma_wait3A_63 = arith.constant 0 : i32
        %dma_wait3A_64 = tpu.memref_slice %arg7[%dma_wait3A_62, %dma_wait3A_63] : memref<2000x8xf32, #tpu.memory_space<vmem>> -> memref<80x8xf32, #tpu.memory_space<vmem>>
        %dma_wait3A_65 = arith.constant 0 : i32
        %dma_wait3A_66 = tpu.memref_slice %arg6[%run_scoped3A_34, %dma_wait3A_65] : memref<25x80xi32, #tpu.memory_space<vmem>> -> memref<1x80xi32, #tpu.memory_space<vmem>>
        %dma_wait3A_67 = tpu.memref_squeeze %dma_wait3A_66 : memref<1x80xi32, #tpu.memory_space<vmem>> -> memref<80xi32, #tpu.memory_space<vmem>>
        %dma_wait3A_68 = arith.constant 0 : i32
        %dma_wait3A_69 = arith.constant 0 : i32
        %dma_wait3A_70 = tpu.memref_slice %arg8[%dma_wait3A_68, %dma_wait3A_69] : memref<10240x8xf32, #tpu.memory_space<vmem_shared>> -> memref<10240x8xf32, #tpu.memory_space<vmem_shared>>
        tpu.wait_indirect_dma semaphore(%run_scoped3A_52 : memref<!tpu.dma_semaphore, #tpu.memory_space<semaphore_mem>>) src(%dma_wait3A_64 : memref<80x8xf32, #tpu.memory_space<vmem>>) dst(%dma_wait3A_70 : memref<10240x8xf32, #tpu.memory_space<vmem_shared>>)
        tpu.yield
      }) : () -> ()
      %run_scoped3A_35 = arith.constant 8 : i32
      "tpu.region"() ({
        %run_scoped3A_52 = tpu.sem_alloc : memref<!tpu.dma_semaphore, #tpu.memory_space<semaphore_mem>>
        %dma_start3A_53 = arith.constant 640 : i32
        %dma_start3A_54 = arith.constant 0 : i32
        %dma_start3A_55 = tpu.memref_slice %arg7[%dma_start3A_53, %dma_start3A_54] : memref<2000x8xf32, #tpu.memory_space<vmem>> -> memref<80x8xf32, #tpu.memory_space<vmem>>
        %dma_start3A_56 = arith.constant 0 : i32
        %dma_start3A_57 = tpu.memref_slice %arg6[%run_scoped3A_35, %dma_start3A_56] : memref<25x80xi32, #tpu.memory_space<vmem>> -> memref<1x80xi32, #tpu.memory_space<vmem>>
        %dma_start3A_58 = tpu.memref_squeeze %dma_start3A_57 : memref<1x80xi32, #tpu.memory_space<vmem>> -> memref<80xi32, #tpu.memory_space<vmem>>
        %dma_start3A_59 = arith.constant 0 : i32
        %dma_start3A_60 = arith.constant 0 : i32
        %dma_start3A_61 = tpu.memref_slice %arg8[%dma_start3A_59, %dma_start3A_60] : memref<10240x8xf32, #tpu.memory_space<vmem_shared>> -> memref<10240x8xf32, #tpu.memory_space<vmem_shared>>
        tpu.enqueue_indirect_dma source(%dma_start3A_55 : memref<80x8xf32, #tpu.memory_space<vmem>>) target(%dma_start3A_61 : memref<10240x8xf32, #tpu.memory_space<vmem_shared>>) offsets(%dma_start3A_58 : memref<80xi32, #tpu.memory_space<vmem>>) semaphore(%run_scoped3A_52 : memref<!tpu.dma_semaphore, #tpu.memory_space<semaphore_mem>>) {add = true}
        %dma_wait3A_62 = arith.constant 640 : i32
        %dma_wait3A_63 = arith.constant 0 : i32
        %dma_wait3A_64 = tpu.memref_slice %arg7[%dma_wait3A_62, %dma_wait3A_63] : memref<2000x8xf32, #tpu.memory_space<vmem>> -> memref<80x8xf32, #tpu.memory_space<vmem>>
        %dma_wait3A_65 = arith.constant 0 : i32
        %dma_wait3A_66 = tpu.memref_slice %arg6[%run_scoped3A_35, %dma_wait3A_65] : memref<25x80xi32, #tpu.memory_space<vmem>> -> memref<1x80xi32, #tpu.memory_space<vmem>>
        %dma_wait3A_67 = tpu.memref_squeeze %dma_wait3A_66 : memref<1x80xi32, #tpu.memory_space<vmem>> -> memref<80xi32, #tpu.memory_space<vmem>>
        %dma_wait3A_68 = arith.constant 0 : i32
        %dma_wait3A_69 = arith.constant 0 : i32
        %dma_wait3A_70 = tpu.memref_slice %arg8[%dma_wait3A_68, %dma_wait3A_69] : memref<10240x8xf32, #tpu.memory_space<vmem_shared>> -> memref<10240x8xf32, #tpu.memory_space<vmem_shared>>
        tpu.wait_indirect_dma semaphore(%run_scoped3A_52 : memref<!tpu.dma_semaphore, #tpu.memory_space<semaphore_mem>>) src(%dma_wait3A_64 : memref<80x8xf32, #tpu.memory_space<vmem>>) dst(%dma_wait3A_70 : memref<10240x8xf32, #tpu.memory_space<vmem_shared>>)
        tpu.yield
      }) : () -> ()
      %run_scoped3A_36 = arith.constant 9 : i32
      "tpu.region"() ({
        %run_scoped3A_52 = tpu.sem_alloc : memref<!tpu.dma_semaphore, #tpu.memory_space<semaphore_mem>>
        %dma_start3A_53 = arith.constant 720 : i32
        %dma_start3A_54 = arith.constant 0 : i32
        %dma_start3A_55 = tpu.memref_slice %arg7[%dma_start3A_53, %dma_start3A_54] : memref<2000x8xf32, #tpu.memory_space<vmem>> -> memref<80x8xf32, #tpu.memory_space<vmem>>
        %dma_start3A_56 = arith.constant 0 : i32
        %dma_start3A_57 = tpu.memref_slice %arg6[%run_scoped3A_36, %dma_start3A_56] : memref<25x80xi32, #tpu.memory_space<vmem>> -> memref<1x80xi32, #tpu.memory_space<vmem>>
        %dma_start3A_58 = tpu.memref_squeeze %dma_start3A_57 : memref<1x80xi32, #tpu.memory_space<vmem>> -> memref<80xi32, #tpu.memory_space<vmem>>
        %dma_start3A_59 = arith.constant 0 : i32
        %dma_start3A_60 = arith.constant 0 : i32
        %dma_start3A_61 = tpu.memref_slice %arg8[%dma_start3A_59, %dma_start3A_60] : memref<10240x8xf32, #tpu.memory_space<vmem_shared>> -> memref<10240x8xf32, #tpu.memory_space<vmem_shared>>
        tpu.enqueue_indirect_dma source(%dma_start3A_55 : memref<80x8xf32, #tpu.memory_space<vmem>>) target(%dma_start3A_61 : memref<10240x8xf32, #tpu.memory_space<vmem_shared>>) offsets(%dma_start3A_58 : memref<80xi32, #tpu.memory_space<vmem>>) semaphore(%run_scoped3A_52 : memref<!tpu.dma_semaphore, #tpu.memory_space<semaphore_mem>>) {add = true}
        %dma_wait3A_62 = arith.constant 720 : i32
        %dma_wait3A_63 = arith.constant 0 : i32
        %dma_wait3A_64 = tpu.memref_slice %arg7[%dma_wait3A_62, %dma_wait3A_63] : memref<2000x8xf32, #tpu.memory_space<vmem>> -> memref<80x8xf32, #tpu.memory_space<vmem>>
        %dma_wait3A_65 = arith.constant 0 : i32
        %dma_wait3A_66 = tpu.memref_slice %arg6[%run_scoped3A_36, %dma_wait3A_65] : memref<25x80xi32, #tpu.memory_space<vmem>> -> memref<1x80xi32, #tpu.memory_space<vmem>>
        %dma_wait3A_67 = tpu.memref_squeeze %dma_wait3A_66 : memref<1x80xi32, #tpu.memory_space<vmem>> -> memref<80xi32, #tpu.memory_space<vmem>>
        %dma_wait3A_68 = arith.constant 0 : i32
        %dma_wait3A_69 = arith.constant 0 : i32
        %dma_wait3A_70 = tpu.memref_slice %arg8[%dma_wait3A_68, %dma_wait3A_69] : memref<10240x8xf32, #tpu.memory_space<vmem_shared>> -> memref<10240x8xf32, #tpu.memory_space<vmem_shared>>
        tpu.wait_indirect_dma semaphore(%run_scoped3A_52 : memref<!tpu.dma_semaphore, #tpu.memory_space<semaphore_mem>>) src(%dma_wait3A_64 : memref<80x8xf32, #tpu.memory_space<vmem>>) dst(%dma_wait3A_70 : memref<10240x8xf32, #tpu.memory_space<vmem_shared>>)
        tpu.yield
      }) : () -> ()
      %run_scoped3A_37 = arith.constant 10 : i32
      "tpu.region"() ({
        %run_scoped3A_52 = tpu.sem_alloc : memref<!tpu.dma_semaphore, #tpu.memory_space<semaphore_mem>>
        %dma_start3A_53 = arith.constant 800 : i32
        %dma_start3A_54 = arith.constant 0 : i32
        %dma_start3A_55 = tpu.memref_slice %arg7[%dma_start3A_53, %dma_start3A_54] : memref<2000x8xf32, #tpu.memory_space<vmem>> -> memref<80x8xf32, #tpu.memory_space<vmem>>
        %dma_start3A_56 = arith.constant 0 : i32
        %dma_start3A_57 = tpu.memref_slice %arg6[%run_scoped3A_37, %dma_start3A_56] : memref<25x80xi32, #tpu.memory_space<vmem>> -> memref<1x80xi32, #tpu.memory_space<vmem>>
        %dma_start3A_58 = tpu.memref_squeeze %dma_start3A_57 : memref<1x80xi32, #tpu.memory_space<vmem>> -> memref<80xi32, #tpu.memory_space<vmem>>
        %dma_start3A_59 = arith.constant 0 : i32
        %dma_start3A_60 = arith.constant 0 : i32
        %dma_start3A_61 = tpu.memref_slice %arg8[%dma_start3A_59, %dma_start3A_60] : memref<10240x8xf32, #tpu.memory_space<vmem_shared>> -> memref<10240x8xf32, #tpu.memory_space<vmem_shared>>
        tpu.enqueue_indirect_dma source(%dma_start3A_55 : memref<80x8xf32, #tpu.memory_space<vmem>>) target(%dma_start3A_61 : memref<10240x8xf32, #tpu.memory_space<vmem_shared>>) offsets(%dma_start3A_58 : memref<80xi32, #tpu.memory_space<vmem>>) semaphore(%run_scoped3A_52 : memref<!tpu.dma_semaphore, #tpu.memory_space<semaphore_mem>>) {add = true}
        %dma_wait3A_62 = arith.constant 800 : i32
        %dma_wait3A_63 = arith.constant 0 : i32
        %dma_wait3A_64 = tpu.memref_slice %arg7[%dma_wait3A_62, %dma_wait3A_63] : memref<2000x8xf32, #tpu.memory_space<vmem>> -> memref<80x8xf32, #tpu.memory_space<vmem>>
        %dma_wait3A_65 = arith.constant 0 : i32
        %dma_wait3A_66 = tpu.memref_slice %arg6[%run_scoped3A_37, %dma_wait3A_65] : memref<25x80xi32, #tpu.memory_space<vmem>> -> memref<1x80xi32, #tpu.memory_space<vmem>>
        %dma_wait3A_67 = tpu.memref_squeeze %dma_wait3A_66 : memref<1x80xi32, #tpu.memory_space<vmem>> -> memref<80xi32, #tpu.memory_space<vmem>>
        %dma_wait3A_68 = arith.constant 0 : i32
        %dma_wait3A_69 = arith.constant 0 : i32
        %dma_wait3A_70 = tpu.memref_slice %arg8[%dma_wait3A_68, %dma_wait3A_69] : memref<10240x8xf32, #tpu.memory_space<vmem_shared>> -> memref<10240x8xf32, #tpu.memory_space<vmem_shared>>
        tpu.wait_indirect_dma semaphore(%run_scoped3A_52 : memref<!tpu.dma_semaphore, #tpu.memory_space<semaphore_mem>>) src(%dma_wait3A_64 : memref<80x8xf32, #tpu.memory_space<vmem>>) dst(%dma_wait3A_70 : memref<10240x8xf32, #tpu.memory_space<vmem_shared>>)
        tpu.yield
      }) : () -> ()
      %run_scoped3A_38 = arith.constant 11 : i32
      "tpu.region"() ({
        %run_scoped3A_52 = tpu.sem_alloc : memref<!tpu.dma_semaphore, #tpu.memory_space<semaphore_mem>>
        %dma_start3A_53 = arith.constant 880 : i32
        %dma_start3A_54 = arith.constant 0 : i32
        %dma_start3A_55 = tpu.memref_slice %arg7[%dma_start3A_53, %dma_start3A_54] : memref<2000x8xf32, #tpu.memory_space<vmem>> -> memref<80x8xf32, #tpu.memory_space<vmem>>
        %dma_start3A_56 = arith.constant 0 : i32
        %dma_start3A_57 = tpu.memref_slice %arg6[%run_scoped3A_38, %dma_start3A_56] : memref<25x80xi32, #tpu.memory_space<vmem>> -> memref<1x80xi32, #tpu.memory_space<vmem>>
        %dma_start3A_58 = tpu.memref_squeeze %dma_start3A_57 : memref<1x80xi32, #tpu.memory_space<vmem>> -> memref<80xi32, #tpu.memory_space<vmem>>
        %dma_start3A_59 = arith.constant 0 : i32
        %dma_start3A_60 = arith.constant 0 : i32
        %dma_start3A_61 = tpu.memref_slice %arg8[%dma_start3A_59, %dma_start3A_60] : memref<10240x8xf32, #tpu.memory_space<vmem_shared>> -> memref<10240x8xf32, #tpu.memory_space<vmem_shared>>
        tpu.enqueue_indirect_dma source(%dma_start3A_55 : memref<80x8xf32, #tpu.memory_space<vmem>>) target(%dma_start3A_61 : memref<10240x8xf32, #tpu.memory_space<vmem_shared>>) offsets(%dma_start3A_58 : memref<80xi32, #tpu.memory_space<vmem>>) semaphore(%run_scoped3A_52 : memref<!tpu.dma_semaphore, #tpu.memory_space<semaphore_mem>>) {add = true}
        %dma_wait3A_62 = arith.constant 880 : i32
        %dma_wait3A_63 = arith.constant 0 : i32
        %dma_wait3A_64 = tpu.memref_slice %arg7[%dma_wait3A_62, %dma_wait3A_63] : memref<2000x8xf32, #tpu.memory_space<vmem>> -> memref<80x8xf32, #tpu.memory_space<vmem>>
        %dma_wait3A_65 = arith.constant 0 : i32
        %dma_wait3A_66 = tpu.memref_slice %arg6[%run_scoped3A_38, %dma_wait3A_65] : memref<25x80xi32, #tpu.memory_space<vmem>> -> memref<1x80xi32, #tpu.memory_space<vmem>>
        %dma_wait3A_67 = tpu.memref_squeeze %dma_wait3A_66 : memref<1x80xi32, #tpu.memory_space<vmem>> -> memref<80xi32, #tpu.memory_space<vmem>>
        %dma_wait3A_68 = arith.constant 0 : i32
        %dma_wait3A_69 = arith.constant 0 : i32
        %dma_wait3A_70 = tpu.memref_slice %arg8[%dma_wait3A_68, %dma_wait3A_69] : memref<10240x8xf32, #tpu.memory_space<vmem_shared>> -> memref<10240x8xf32, #tpu.memory_space<vmem_shared>>
        tpu.wait_indirect_dma semaphore(%run_scoped3A_52 : memref<!tpu.dma_semaphore, #tpu.memory_space<semaphore_mem>>) src(%dma_wait3A_64 : memref<80x8xf32, #tpu.memory_space<vmem>>) dst(%dma_wait3A_70 : memref<10240x8xf32, #tpu.memory_space<vmem_shared>>)
        tpu.yield
      }) : () -> ()
      %run_scoped3A_39 = arith.constant 12 : i32
      "tpu.region"() ({
        %run_scoped3A_52 = tpu.sem_alloc : memref<!tpu.dma_semaphore, #tpu.memory_space<semaphore_mem>>
        %dma_start3A_53 = arith.constant 960 : i32
        %dma_start3A_54 = arith.constant 0 : i32
        %dma_start3A_55 = tpu.memref_slice %arg7[%dma_start3A_53, %dma_start3A_54] : memref<2000x8xf32, #tpu.memory_space<vmem>> -> memref<80x8xf32, #tpu.memory_space<vmem>>
        %dma_start3A_56 = arith.constant 0 : i32
        %dma_start3A_57 = tpu.memref_slice %arg6[%run_scoped3A_39, %dma_start3A_56] : memref<25x80xi32, #tpu.memory_space<vmem>> -> memref<1x80xi32, #tpu.memory_space<vmem>>
        %dma_start3A_58 = tpu.memref_squeeze %dma_start3A_57 : memref<1x80xi32, #tpu.memory_space<vmem>> -> memref<80xi32, #tpu.memory_space<vmem>>
        %dma_start3A_59 = arith.constant 0 : i32
        %dma_start3A_60 = arith.constant 0 : i32
        %dma_start3A_61 = tpu.memref_slice %arg8[%dma_start3A_59, %dma_start3A_60] : memref<10240x8xf32, #tpu.memory_space<vmem_shared>> -> memref<10240x8xf32, #tpu.memory_space<vmem_shared>>
        tpu.enqueue_indirect_dma source(%dma_start3A_55 : memref<80x8xf32, #tpu.memory_space<vmem>>) target(%dma_start3A_61 : memref<10240x8xf32, #tpu.memory_space<vmem_shared>>) offsets(%dma_start3A_58 : memref<80xi32, #tpu.memory_space<vmem>>) semaphore(%run_scoped3A_52 : memref<!tpu.dma_semaphore, #tpu.memory_space<semaphore_mem>>) {add = true}
        %dma_wait3A_62 = arith.constant 960 : i32
        %dma_wait3A_63 = arith.constant 0 : i32
        %dma_wait3A_64 = tpu.memref_slice %arg7[%dma_wait3A_62, %dma_wait3A_63] : memref<2000x8xf32, #tpu.memory_space<vmem>> -> memref<80x8xf32, #tpu.memory_space<vmem>>
        %dma_wait3A_65 = arith.constant 0 : i32
        %dma_wait3A_66 = tpu.memref_slice %arg6[%run_scoped3A_39, %dma_wait3A_65] : memref<25x80xi32, #tpu.memory_space<vmem>> -> memref<1x80xi32, #tpu.memory_space<vmem>>
        %dma_wait3A_67 = tpu.memref_squeeze %dma_wait3A_66 : memref<1x80xi32, #tpu.memory_space<vmem>> -> memref<80xi32, #tpu.memory_space<vmem>>
        %dma_wait3A_68 = arith.constant 0 : i32
        %dma_wait3A_69 = arith.constant 0 : i32
        %dma_wait3A_70 = tpu.memref_slice %arg8[%dma_wait3A_68, %dma_wait3A_69] : memref<10240x8xf32, #tpu.memory_space<vmem_shared>> -> memref<10240x8xf32, #tpu.memory_space<vmem_shared>>
        tpu.wait_indirect_dma semaphore(%run_scoped3A_52 : memref<!tpu.dma_semaphore, #tpu.memory_space<semaphore_mem>>) src(%dma_wait3A_64 : memref<80x8xf32, #tpu.memory_space<vmem>>) dst(%dma_wait3A_70 : memref<10240x8xf32, #tpu.memory_space<vmem_shared>>)
        tpu.yield
      }) : () -> ()
      %run_scoped3A_40 = arith.constant 13 : i32
      "tpu.region"() ({
        %run_scoped3A_52 = tpu.sem_alloc : memref<!tpu.dma_semaphore, #tpu.memory_space<semaphore_mem>>
        %dma_start3A_53 = arith.constant 1040 : i32
        %dma_start3A_54 = arith.constant 0 : i32
        %dma_start3A_55 = tpu.memref_slice %arg7[%dma_start3A_53, %dma_start3A_54] : memref<2000x8xf32, #tpu.memory_space<vmem>> -> memref<80x8xf32, #tpu.memory_space<vmem>>
        %dma_start3A_56 = arith.constant 0 : i32
        %dma_start3A_57 = tpu.memref_slice %arg6[%run_scoped3A_40, %dma_start3A_56] : memref<25x80xi32, #tpu.memory_space<vmem>> -> memref<1x80xi32, #tpu.memory_space<vmem>>
        %dma_start3A_58 = tpu.memref_squeeze %dma_start3A_57 : memref<1x80xi32, #tpu.memory_space<vmem>> -> memref<80xi32, #tpu.memory_space<vmem>>
        %dma_start3A_59 = arith.constant 0 : i32
        %dma_start3A_60 = arith.constant 0 : i32
        %dma_start3A_61 = tpu.memref_slice %arg8[%dma_start3A_59, %dma_start3A_60] : memref<10240x8xf32, #tpu.memory_space<vmem_shared>> -> memref<10240x8xf32, #tpu.memory_space<vmem_shared>>
        tpu.enqueue_indirect_dma source(%dma_start3A_55 : memref<80x8xf32, #tpu.memory_space<vmem>>) target(%dma_start3A_61 : memref<10240x8xf32, #tpu.memory_space<vmem_shared>>) offsets(%dma_start3A_58 : memref<80xi32, #tpu.memory_space<vmem>>) semaphore(%run_scoped3A_52 : memref<!tpu.dma_semaphore, #tpu.memory_space<semaphore_mem>>) {add = true}
        %dma_wait3A_62 = arith.constant 1040 : i32
        %dma_wait3A_63 = arith.constant 0 : i32
        %dma_wait3A_64 = tpu.memref_slice %arg7[%dma_wait3A_62, %dma_wait3A_63] : memref<2000x8xf32, #tpu.memory_space<vmem>> -> memref<80x8xf32, #tpu.memory_space<vmem>>
        %dma_wait3A_65 = arith.constant 0 : i32
        %dma_wait3A_66 = tpu.memref_slice %arg6[%run_scoped3A_40, %dma_wait3A_65] : memref<25x80xi32, #tpu.memory_space<vmem>> -> memref<1x80xi32, #tpu.memory_space<vmem>>
        %dma_wait3A_67 = tpu.memref_squeeze %dma_wait3A_66 : memref<1x80xi32, #tpu.memory_space<vmem>> -> memref<80xi32, #tpu.memory_space<vmem>>
        %dma_wait3A_68 = arith.constant 0 : i32
        %dma_wait3A_69 = arith.constant 0 : i32
        %dma_wait3A_70 = tpu.memref_slice %arg8[%dma_wait3A_68, %dma_wait3A_69] : memref<10240x8xf32, #tpu.memory_space<vmem_shared>> -> memref<10240x8xf32, #tpu.memory_space<vmem_shared>>
        tpu.wait_indirect_dma semaphore(%run_scoped3A_52 : memref<!tpu.dma_semaphore, #tpu.memory_space<semaphore_mem>>) src(%dma_wait3A_64 : memref<80x8xf32, #tpu.memory_space<vmem>>) dst(%dma_wait3A_70 : memref<10240x8xf32, #tpu.memory_space<vmem_shared>>)
        tpu.yield
      }) : () -> ()
      %run_scoped3A_41 = arith.constant 14 : i32
      "tpu.region"() ({
        %run_scoped3A_52 = tpu.sem_alloc : memref<!tpu.dma_semaphore, #tpu.memory_space<semaphore_mem>>
        %dma_start3A_53 = arith.constant 1120 : i32
        %dma_start3A_54 = arith.constant 0 : i32
        %dma_start3A_55 = tpu.memref_slice %arg7[%dma_start3A_53, %dma_start3A_54] : memref<2000x8xf32, #tpu.memory_space<vmem>> -> memref<80x8xf32, #tpu.memory_space<vmem>>
        %dma_start3A_56 = arith.constant 0 : i32
        %dma_start3A_57 = tpu.memref_slice %arg6[%run_scoped3A_41, %dma_start3A_56] : memref<25x80xi32, #tpu.memory_space<vmem>> -> memref<1x80xi32, #tpu.memory_space<vmem>>
        %dma_start3A_58 = tpu.memref_squeeze %dma_start3A_57 : memref<1x80xi32, #tpu.memory_space<vmem>> -> memref<80xi32, #tpu.memory_space<vmem>>
        %dma_start3A_59 = arith.constant 0 : i32
        %dma_start3A_60 = arith.constant 0 : i32
        %dma_start3A_61 = tpu.memref_slice %arg8[%dma_start3A_59, %dma_start3A_60] : memref<10240x8xf32, #tpu.memory_space<vmem_shared>> -> memref<10240x8xf32, #tpu.memory_space<vmem_shared>>
        tpu.enqueue_indirect_dma source(%dma_start3A_55 : memref<80x8xf32, #tpu.memory_space<vmem>>) target(%dma_start3A_61 : memref<10240x8xf32, #tpu.memory_space<vmem_shared>>) offsets(%dma_start3A_58 : memref<80xi32, #tpu.memory_space<vmem>>) semaphore(%run_scoped3A_52 : memref<!tpu.dma_semaphore, #tpu.memory_space<semaphore_mem>>) {add = true}
        %dma_wait3A_62 = arith.constant 1120 : i32
        %dma_wait3A_63 = arith.constant 0 : i32
        %dma_wait3A_64 = tpu.memref_slice %arg7[%dma_wait3A_62, %dma_wait3A_63] : memref<2000x8xf32, #tpu.memory_space<vmem>> -> memref<80x8xf32, #tpu.memory_space<vmem>>
        %dma_wait3A_65 = arith.constant 0 : i32
        %dma_wait3A_66 = tpu.memref_slice %arg6[%run_scoped3A_41, %dma_wait3A_65] : memref<25x80xi32, #tpu.memory_space<vmem>> -> memref<1x80xi32, #tpu.memory_space<vmem>>
        %dma_wait3A_67 = tpu.memref_squeeze %dma_wait3A_66 : memref<1x80xi32, #tpu.memory_space<vmem>> -> memref<80xi32, #tpu.memory_space<vmem>>
        %dma_wait3A_68 = arith.constant 0 : i32
        %dma_wait3A_69 = arith.constant 0 : i32
        %dma_wait3A_70 = tpu.memref_slice %arg8[%dma_wait3A_68, %dma_wait3A_69] : memref<10240x8xf32, #tpu.memory_space<vmem_shared>> -> memref<10240x8xf32, #tpu.memory_space<vmem_shared>>
        tpu.wait_indirect_dma semaphore(%run_scoped3A_52 : memref<!tpu.dma_semaphore, #tpu.memory_space<semaphore_mem>>) src(%dma_wait3A_64 : memref<80x8xf32, #tpu.memory_space<vmem>>) dst(%dma_wait3A_70 : memref<10240x8xf32, #tpu.memory_space<vmem_shared>>)
        tpu.yield
      }) : () -> ()
      %run_scoped3A_42 = arith.constant 15 : i32
      "tpu.region"() ({
        %run_scoped3A_52 = tpu.sem_alloc : memref<!tpu.dma_semaphore, #tpu.memory_space<semaphore_mem>>
        %dma_start3A_53 = arith.constant 1200 : i32
        %dma_start3A_54 = arith.constant 0 : i32
        %dma_start3A_55 = tpu.memref_slice %arg7[%dma_start3A_53, %dma_start3A_54] : memref<2000x8xf32, #tpu.memory_space<vmem>> -> memref<80x8xf32, #tpu.memory_space<vmem>>
        %dma_start3A_56 = arith.constant 0 : i32
        %dma_start3A_57 = tpu.memref_slice %arg6[%run_scoped3A_42, %dma_start3A_56] : memref<25x80xi32, #tpu.memory_space<vmem>> -> memref<1x80xi32, #tpu.memory_space<vmem>>
        %dma_start3A_58 = tpu.memref_squeeze %dma_start3A_57 : memref<1x80xi32, #tpu.memory_space<vmem>> -> memref<80xi32, #tpu.memory_space<vmem>>
        %dma_start3A_59 = arith.constant 0 : i32
        %dma_start3A_60 = arith.constant 0 : i32
        %dma_start3A_61 = tpu.memref_slice %arg8[%dma_start3A_59, %dma_start3A_60] : memref<10240x8xf32, #tpu.memory_space<vmem_shared>> -> memref<10240x8xf32, #tpu.memory_space<vmem_shared>>
        tpu.enqueue_indirect_dma source(%dma_start3A_55 : memref<80x8xf32, #tpu.memory_space<vmem>>) target(%dma_start3A_61 : memref<10240x8xf32, #tpu.memory_space<vmem_shared>>) offsets(%dma_start3A_58 : memref<80xi32, #tpu.memory_space<vmem>>) semaphore(%run_scoped3A_52 : memref<!tpu.dma_semaphore, #tpu.memory_space<semaphore_mem>>) {add = true}
        %dma_wait3A_62 = arith.constant 1200 : i32
        %dma_wait3A_63 = arith.constant 0 : i32
        %dma_wait3A_64 = tpu.memref_slice %arg7[%dma_wait3A_62, %dma_wait3A_63] : memref<2000x8xf32, #tpu.memory_space<vmem>> -> memref<80x8xf32, #tpu.memory_space<vmem>>
        %dma_wait3A_65 = arith.constant 0 : i32
        %dma_wait3A_66 = tpu.memref_slice %arg6[%run_scoped3A_42, %dma_wait3A_65] : memref<25x80xi32, #tpu.memory_space<vmem>> -> memref<1x80xi32, #tpu.memory_space<vmem>>
        %dma_wait3A_67 = tpu.memref_squeeze %dma_wait3A_66 : memref<1x80xi32, #tpu.memory_space<vmem>> -> memref<80xi32, #tpu.memory_space<vmem>>
        %dma_wait3A_68 = arith.constant 0 : i32
        %dma_wait3A_69 = arith.constant 0 : i32
        %dma_wait3A_70 = tpu.memref_slice %arg8[%dma_wait3A_68, %dma_wait3A_69] : memref<10240x8xf32, #tpu.memory_space<vmem_shared>> -> memref<10240x8xf32, #tpu.memory_space<vmem_shared>>
        tpu.wait_indirect_dma semaphore(%run_scoped3A_52 : memref<!tpu.dma_semaphore, #tpu.memory_space<semaphore_mem>>) src(%dma_wait3A_64 : memref<80x8xf32, #tpu.memory_space<vmem>>) dst(%dma_wait3A_70 : memref<10240x8xf32, #tpu.memory_space<vmem_shared>>)
        tpu.yield
      }) : () -> ()
      %run_scoped3A_43 = arith.constant 16 : i32
      "tpu.region"() ({
        %run_scoped3A_52 = tpu.sem_alloc : memref<!tpu.dma_semaphore, #tpu.memory_space<semaphore_mem>>
        %dma_start3A_53 = arith.constant 1280 : i32
        %dma_start3A_54 = arith.constant 0 : i32
        %dma_start3A_55 = tpu.memref_slice %arg7[%dma_start3A_53, %dma_start3A_54] : memref<2000x8xf32, #tpu.memory_space<vmem>> -> memref<80x8xf32, #tpu.memory_space<vmem>>
        %dma_start3A_56 = arith.constant 0 : i32
        %dma_start3A_57 = tpu.memref_slice %arg6[%run_scoped3A_43, %dma_start3A_56] : memref<25x80xi32, #tpu.memory_space<vmem>> -> memref<1x80xi32, #tpu.memory_space<vmem>>
        %dma_start3A_58 = tpu.memref_squeeze %dma_start3A_57 : memref<1x80xi32, #tpu.memory_space<vmem>> -> memref<80xi32, #tpu.memory_space<vmem>>
        %dma_start3A_59 = arith.constant 0 : i32
        %dma_start3A_60 = arith.constant 0 : i32
        %dma_start3A_61 = tpu.memref_slice %arg8[%dma_start3A_59, %dma_start3A_60] : memref<10240x8xf32, #tpu.memory_space<vmem_shared>> -> memref<10240x8xf32, #tpu.memory_space<vmem_shared>>
        tpu.enqueue_indirect_dma source(%dma_start3A_55 : memref<80x8xf32, #tpu.memory_space<vmem>>) target(%dma_start3A_61 : memref<10240x8xf32, #tpu.memory_space<vmem_shared>>) offsets(%dma_start3A_58 : memref<80xi32, #tpu.memory_space<vmem>>) semaphore(%run_scoped3A_52 : memref<!tpu.dma_semaphore, #tpu.memory_space<semaphore_mem>>) {add = true}
        %dma_wait3A_62 = arith.constant 1280 : i32
        %dma_wait3A_63 = arith.constant 0 : i32
        %dma_wait3A_64 = tpu.memref_slice %arg7[%dma_wait3A_62, %dma_wait3A_63] : memref<2000x8xf32, #tpu.memory_space<vmem>> -> memref<80x8xf32, #tpu.memory_space<vmem>>
        %dma_wait3A_65 = arith.constant 0 : i32
        %dma_wait3A_66 = tpu.memref_slice %arg6[%run_scoped3A_43, %dma_wait3A_65] : memref<25x80xi32, #tpu.memory_space<vmem>> -> memref<1x80xi32, #tpu.memory_space<vmem>>
        %dma_wait3A_67 = tpu.memref_squeeze %dma_wait3A_66 : memref<1x80xi32, #tpu.memory_space<vmem>> -> memref<80xi32, #tpu.memory_space<vmem>>
        %dma_wait3A_68 = arith.constant 0 : i32
        %dma_wait3A_69 = arith.constant 0 : i32
        %dma_wait3A_70 = tpu.memref_slice %arg8[%dma_wait3A_68, %dma_wait3A_69] : memref<10240x8xf32, #tpu.memory_space<vmem_shared>> -> memref<10240x8xf32, #tpu.memory_space<vmem_shared>>
        tpu.wait_indirect_dma semaphore(%run_scoped3A_52 : memref<!tpu.dma_semaphore, #tpu.memory_space<semaphore_mem>>) src(%dma_wait3A_64 : memref<80x8xf32, #tpu.memory_space<vmem>>) dst(%dma_wait3A_70 : memref<10240x8xf32, #tpu.memory_space<vmem_shared>>)
        tpu.yield
      }) : () -> ()
      %run_scoped3A_44 = arith.constant 17 : i32
      "tpu.region"() ({
        %run_scoped3A_52 = tpu.sem_alloc : memref<!tpu.dma_semaphore, #tpu.memory_space<semaphore_mem>>
        %dma_start3A_53 = arith.constant 1360 : i32
        %dma_start3A_54 = arith.constant 0 : i32
        %dma_start3A_55 = tpu.memref_slice %arg7[%dma_start3A_53, %dma_start3A_54] : memref<2000x8xf32, #tpu.memory_space<vmem>> -> memref<80x8xf32, #tpu.memory_space<vmem>>
        %dma_start3A_56 = arith.constant 0 : i32
        %dma_start3A_57 = tpu.memref_slice %arg6[%run_scoped3A_44, %dma_start3A_56] : memref<25x80xi32, #tpu.memory_space<vmem>> -> memref<1x80xi32, #tpu.memory_space<vmem>>
        %dma_start3A_58 = tpu.memref_squeeze %dma_start3A_57 : memref<1x80xi32, #tpu.memory_space<vmem>> -> memref<80xi32, #tpu.memory_space<vmem>>
        %dma_start3A_59 = arith.constant 0 : i32
        %dma_start3A_60 = arith.constant 0 : i32
        %dma_start3A_61 = tpu.memref_slice %arg8[%dma_start3A_59, %dma_start3A_60] : memref<10240x8xf32, #tpu.memory_space<vmem_shared>> -> memref<10240x8xf32, #tpu.memory_space<vmem_shared>>
        tpu.enqueue_indirect_dma source(%dma_start3A_55 : memref<80x8xf32, #tpu.memory_space<vmem>>) target(%dma_start3A_61 : memref<10240x8xf32, #tpu.memory_space<vmem_shared>>) offsets(%dma_start3A_58 : memref<80xi32, #tpu.memory_space<vmem>>) semaphore(%run_scoped3A_52 : memref<!tpu.dma_semaphore, #tpu.memory_space<semaphore_mem>>) {add = true}
        %dma_wait3A_62 = arith.constant 1360 : i32
        %dma_wait3A_63 = arith.constant 0 : i32
        %dma_wait3A_64 = tpu.memref_slice %arg7[%dma_wait3A_62, %dma_wait3A_63] : memref<2000x8xf32, #tpu.memory_space<vmem>> -> memref<80x8xf32, #tpu.memory_space<vmem>>
        %dma_wait3A_65 = arith.constant 0 : i32
        %dma_wait3A_66 = tpu.memref_slice %arg6[%run_scoped3A_44, %dma_wait3A_65] : memref<25x80xi32, #tpu.memory_space<vmem>> -> memref<1x80xi32, #tpu.memory_space<vmem>>
        %dma_wait3A_67 = tpu.memref_squeeze %dma_wait3A_66 : memref<1x80xi32, #tpu.memory_space<vmem>> -> memref<80xi32, #tpu.memory_space<vmem>>
        %dma_wait3A_68 = arith.constant 0 : i32
        %dma_wait3A_69 = arith.constant 0 : i32
        %dma_wait3A_70 = tpu.memref_slice %arg8[%dma_wait3A_68, %dma_wait3A_69] : memref<10240x8xf32, #tpu.memory_space<vmem_shared>> -> memref<10240x8xf32, #tpu.memory_space<vmem_shared>>
        tpu.wait_indirect_dma semaphore(%run_scoped3A_52 : memref<!tpu.dma_semaphore, #tpu.memory_space<semaphore_mem>>) src(%dma_wait3A_64 : memref<80x8xf32, #tpu.memory_space<vmem>>) dst(%dma_wait3A_70 : memref<10240x8xf32, #tpu.memory_space<vmem_shared>>)
        tpu.yield
      }) : () -> ()
      %run_scoped3A_45 = arith.constant 18 : i32
      "tpu.region"() ({
        %run_scoped3A_52 = tpu.sem_alloc : memref<!tpu.dma_semaphore, #tpu.memory_space<semaphore_mem>>
        %dma_start3A_53 = arith.constant 1440 : i32
        %dma_start3A_54 = arith.constant 0 : i32
        %dma_start3A_55 = tpu.memref_slice %arg7[%dma_start3A_53, %dma_start3A_54] : memref<2000x8xf32, #tpu.memory_space<vmem>> -> memref<80x8xf32, #tpu.memory_space<vmem>>
        %dma_start3A_56 = arith.constant 0 : i32
        %dma_start3A_57 = tpu.memref_slice %arg6[%run_scoped3A_45, %dma_start3A_56] : memref<25x80xi32, #tpu.memory_space<vmem>> -> memref<1x80xi32, #tpu.memory_space<vmem>>
        %dma_start3A_58 = tpu.memref_squeeze %dma_start3A_57 : memref<1x80xi32, #tpu.memory_space<vmem>> -> memref<80xi32, #tpu.memory_space<vmem>>
        %dma_start3A_59 = arith.constant 0 : i32
        %dma_start3A_60 = arith.constant 0 : i32
        %dma_start3A_61 = tpu.memref_slice %arg8[%dma_start3A_59, %dma_start3A_60] : memref<10240x8xf32, #tpu.memory_space<vmem_shared>> -> memref<10240x8xf32, #tpu.memory_space<vmem_shared>>
        tpu.enqueue_indirect_dma source(%dma_start3A_55 : memref<80x8xf32, #tpu.memory_space<vmem>>) target(%dma_start3A_61 : memref<10240x8xf32, #tpu.memory_space<vmem_shared>>) offsets(%dma_start3A_58 : memref<80xi32, #tpu.memory_space<vmem>>) semaphore(%run_scoped3A_52 : memref<!tpu.dma_semaphore, #tpu.memory_space<semaphore_mem>>) {add = true}
        %dma_wait3A_62 = arith.constant 1440 : i32
        %dma_wait3A_63 = arith.constant 0 : i32
        %dma_wait3A_64 = tpu.memref_slice %arg7[%dma_wait3A_62, %dma_wait3A_63] : memref<2000x8xf32, #tpu.memory_space<vmem>> -> memref<80x8xf32, #tpu.memory_space<vmem>>
        %dma_wait3A_65 = arith.constant 0 : i32
        %dma_wait3A_66 = tpu.memref_slice %arg6[%run_scoped3A_45, %dma_wait3A_65] : memref<25x80xi32, #tpu.memory_space<vmem>> -> memref<1x80xi32, #tpu.memory_space<vmem>>
        %dma_wait3A_67 = tpu.memref_squeeze %dma_wait3A_66 : memref<1x80xi32, #tpu.memory_space<vmem>> -> memref<80xi32, #tpu.memory_space<vmem>>
        %dma_wait3A_68 = arith.constant 0 : i32
        %dma_wait3A_69 = arith.constant 0 : i32
        %dma_wait3A_70 = tpu.memref_slice %arg8[%dma_wait3A_68, %dma_wait3A_69] : memref<10240x8xf32, #tpu.memory_space<vmem_shared>> -> memref<10240x8xf32, #tpu.memory_space<vmem_shared>>
        tpu.wait_indirect_dma semaphore(%run_scoped3A_52 : memref<!tpu.dma_semaphore, #tpu.memory_space<semaphore_mem>>) src(%dma_wait3A_64 : memref<80x8xf32, #tpu.memory_space<vmem>>) dst(%dma_wait3A_70 : memref<10240x8xf32, #tpu.memory_space<vmem_shared>>)
        tpu.yield
      }) : () -> ()
      %run_scoped3A_46 = arith.constant 19 : i32
      "tpu.region"() ({
        %run_scoped3A_52 = tpu.sem_alloc : memref<!tpu.dma_semaphore, #tpu.memory_space<semaphore_mem>>
        %dma_start3A_53 = arith.constant 1520 : i32
        %dma_start3A_54 = arith.constant 0 : i32
        %dma_start3A_55 = tpu.memref_slice %arg7[%dma_start3A_53, %dma_start3A_54] : memref<2000x8xf32, #tpu.memory_space<vmem>> -> memref<80x8xf32, #tpu.memory_space<vmem>>
        %dma_start3A_56 = arith.constant 0 : i32
        %dma_start3A_57 = tpu.memref_slice %arg6[%run_scoped3A_46, %dma_start3A_56] : memref<25x80xi32, #tpu.memory_space<vmem>> -> memref<1x80xi32, #tpu.memory_space<vmem>>
        %dma_start3A_58 = tpu.memref_squeeze %dma_start3A_57 : memref<1x80xi32, #tpu.memory_space<vmem>> -> memref<80xi32, #tpu.memory_space<vmem>>
        %dma_start3A_59 = arith.constant 0 : i32
        %dma_start3A_60 = arith.constant 0 : i32
        %dma_start3A_61 = tpu.memref_slice %arg8[%dma_start3A_59, %dma_start3A_60] : memref<10240x8xf32, #tpu.memory_space<vmem_shared>> -> memref<10240x8xf32, #tpu.memory_space<vmem_shared>>
        tpu.enqueue_indirect_dma source(%dma_start3A_55 : memref<80x8xf32, #tpu.memory_space<vmem>>) target(%dma_start3A_61 : memref<10240x8xf32, #tpu.memory_space<vmem_shared>>) offsets(%dma_start3A_58 : memref<80xi32, #tpu.memory_space<vmem>>) semaphore(%run_scoped3A_52 : memref<!tpu.dma_semaphore, #tpu.memory_space<semaphore_mem>>) {add = true}
        %dma_wait3A_62 = arith.constant 1520 : i32
        %dma_wait3A_63 = arith.constant 0 : i32
        %dma_wait3A_64 = tpu.memref_slice %arg7[%dma_wait3A_62, %dma_wait3A_63] : memref<2000x8xf32, #tpu.memory_space<vmem>> -> memref<80x8xf32, #tpu.memory_space<vmem>>
        %dma_wait3A_65 = arith.constant 0 : i32
        %dma_wait3A_66 = tpu.memref_slice %arg6[%run_scoped3A_46, %dma_wait3A_65] : memref<25x80xi32, #tpu.memory_space<vmem>> -> memref<1x80xi32, #tpu.memory_space<vmem>>
        %dma_wait3A_67 = tpu.memref_squeeze %dma_wait3A_66 : memref<1x80xi32, #tpu.memory_space<vmem>> -> memref<80xi32, #tpu.memory_space<vmem>>
        %dma_wait3A_68 = arith.constant 0 : i32
        %dma_wait3A_69 = arith.constant 0 : i32
        %dma_wait3A_70 = tpu.memref_slice %arg8[%dma_wait3A_68, %dma_wait3A_69] : memref<10240x8xf32, #tpu.memory_space<vmem_shared>> -> memref<10240x8xf32, #tpu.memory_space<vmem_shared>>
        tpu.wait_indirect_dma semaphore(%run_scoped3A_52 : memref<!tpu.dma_semaphore, #tpu.memory_space<semaphore_mem>>) src(%dma_wait3A_64 : memref<80x8xf32, #tpu.memory_space<vmem>>) dst(%dma_wait3A_70 : memref<10240x8xf32, #tpu.memory_space<vmem_shared>>)
        tpu.yield
      }) : () -> ()
      %run_scoped3A_47 = arith.constant 20 : i32
      "tpu.region"() ({
        %run_scoped3A_52 = tpu.sem_alloc : memref<!tpu.dma_semaphore, #tpu.memory_space<semaphore_mem>>
        %dma_start3A_53 = arith.constant 1600 : i32
        %dma_start3A_54 = arith.constant 0 : i32
        %dma_start3A_55 = tpu.memref_slice %arg7[%dma_start3A_53, %dma_start3A_54] : memref<2000x8xf32, #tpu.memory_space<vmem>> -> memref<80x8xf32, #tpu.memory_space<vmem>>
        %dma_start3A_56 = arith.constant 0 : i32
        %dma_start3A_57 = tpu.memref_slice %arg6[%run_scoped3A_47, %dma_start3A_56] : memref<25x80xi32, #tpu.memory_space<vmem>> -> memref<1x80xi32, #tpu.memory_space<vmem>>
        %dma_start3A_58 = tpu.memref_squeeze %dma_start3A_57 : memref<1x80xi32, #tpu.memory_space<vmem>> -> memref<80xi32, #tpu.memory_space<vmem>>
        %dma_start3A_59 = arith.constant 0 : i32
        %dma_start3A_60 = arith.constant 0 : i32
        %dma_start3A_61 = tpu.memref_slice %arg8[%dma_start3A_59, %dma_start3A_60] : memref<10240x8xf32, #tpu.memory_space<vmem_shared>> -> memref<10240x8xf32, #tpu.memory_space<vmem_shared>>
        tpu.enqueue_indirect_dma source(%dma_start3A_55 : memref<80x8xf32, #tpu.memory_space<vmem>>) target(%dma_start3A_61 : memref<10240x8xf32, #tpu.memory_space<vmem_shared>>) offsets(%dma_start3A_58 : memref<80xi32, #tpu.memory_space<vmem>>) semaphore(%run_scoped3A_52 : memref<!tpu.dma_semaphore, #tpu.memory_space<semaphore_mem>>) {add = true}
        %dma_wait3A_62 = arith.constant 1600 : i32
        %dma_wait3A_63 = arith.constant 0 : i32
        %dma_wait3A_64 = tpu.memref_slice %arg7[%dma_wait3A_62, %dma_wait3A_63] : memref<2000x8xf32, #tpu.memory_space<vmem>> -> memref<80x8xf32, #tpu.memory_space<vmem>>
        %dma_wait3A_65 = arith.constant 0 : i32
        %dma_wait3A_66 = tpu.memref_slice %arg6[%run_scoped3A_47, %dma_wait3A_65] : memref<25x80xi32, #tpu.memory_space<vmem>> -> memref<1x80xi32, #tpu.memory_space<vmem>>
        %dma_wait3A_67 = tpu.memref_squeeze %dma_wait3A_66 : memref<1x80xi32, #tpu.memory_space<vmem>> -> memref<80xi32, #tpu.memory_space<vmem>>
        %dma_wait3A_68 = arith.constant 0 : i32
        %dma_wait3A_69 = arith.constant 0 : i32
        %dma_wait3A_70 = tpu.memref_slice %arg8[%dma_wait3A_68, %dma_wait3A_69] : memref<10240x8xf32, #tpu.memory_space<vmem_shared>> -> memref<10240x8xf32, #tpu.memory_space<vmem_shared>>
        tpu.wait_indirect_dma semaphore(%run_scoped3A_52 : memref<!tpu.dma_semaphore, #tpu.memory_space<semaphore_mem>>) src(%dma_wait3A_64 : memref<80x8xf32, #tpu.memory_space<vmem>>) dst(%dma_wait3A_70 : memref<10240x8xf32, #tpu.memory_space<vmem_shared>>)
        tpu.yield
      }) : () -> ()
      %run_scoped3A_48 = arith.constant 21 : i32
      "tpu.region"() ({
        %run_scoped3A_52 = tpu.sem_alloc : memref<!tpu.dma_semaphore, #tpu.memory_space<semaphore_mem>>
        %dma_start3A_53 = arith.constant 1680 : i32
        %dma_start3A_54 = arith.constant 0 : i32
        %dma_start3A_55 = tpu.memref_slice %arg7[%dma_start3A_53, %dma_start3A_54] : memref<2000x8xf32, #tpu.memory_space<vmem>> -> memref<80x8xf32, #tpu.memory_space<vmem>>
        %dma_start3A_56 = arith.constant 0 : i32
        %dma_start3A_57 = tpu.memref_slice %arg6[%run_scoped3A_48, %dma_start3A_56] : memref<25x80xi32, #tpu.memory_space<vmem>> -> memref<1x80xi32, #tpu.memory_space<vmem>>
        %dma_start3A_58 = tpu.memref_squeeze %dma_start3A_57 : memref<1x80xi32, #tpu.memory_space<vmem>> -> memref<80xi32, #tpu.memory_space<vmem>>
        %dma_start3A_59 = arith.constant 0 : i32
        %dma_start3A_60 = arith.constant 0 : i32
        %dma_start3A_61 = tpu.memref_slice %arg8[%dma_start3A_59, %dma_start3A_60] : memref<10240x8xf32, #tpu.memory_space<vmem_shared>> -> memref<10240x8xf32, #tpu.memory_space<vmem_shared>>
        tpu.enqueue_indirect_dma source(%dma_start3A_55 : memref<80x8xf32, #tpu.memory_space<vmem>>) target(%dma_start3A_61 : memref<10240x8xf32, #tpu.memory_space<vmem_shared>>) offsets(%dma_start3A_58 : memref<80xi32, #tpu.memory_space<vmem>>) semaphore(%run_scoped3A_52 : memref<!tpu.dma_semaphore, #tpu.memory_space<semaphore_mem>>) {add = true}
        %dma_wait3A_62 = arith.constant 1680 : i32
        %dma_wait3A_63 = arith.constant 0 : i32
        %dma_wait3A_64 = tpu.memref_slice %arg7[%dma_wait3A_62, %dma_wait3A_63] : memref<2000x8xf32, #tpu.memory_space<vmem>> -> memref<80x8xf32, #tpu.memory_space<vmem>>
        %dma_wait3A_65 = arith.constant 0 : i32
        %dma_wait3A_66 = tpu.memref_slice %arg6[%run_scoped3A_48, %dma_wait3A_65] : memref<25x80xi32, #tpu.memory_space<vmem>> -> memref<1x80xi32, #tpu.memory_space<vmem>>
        %dma_wait3A_67 = tpu.memref_squeeze %dma_wait3A_66 : memref<1x80xi32, #tpu.memory_space<vmem>> -> memref<80xi32, #tpu.memory_space<vmem>>
        %dma_wait3A_68 = arith.constant 0 : i32
        %dma_wait3A_69 = arith.constant 0 : i32
        %dma_wait3A_70 = tpu.memref_slice %arg8[%dma_wait3A_68, %dma_wait3A_69] : memref<10240x8xf32, #tpu.memory_space<vmem_shared>> -> memref<10240x8xf32, #tpu.memory_space<vmem_shared>>
        tpu.wait_indirect_dma semaphore(%run_scoped3A_52 : memref<!tpu.dma_semaphore, #tpu.memory_space<semaphore_mem>>) src(%dma_wait3A_64 : memref<80x8xf32, #tpu.memory_space<vmem>>) dst(%dma_wait3A_70 : memref<10240x8xf32, #tpu.memory_space<vmem_shared>>)
        tpu.yield
      }) : () -> ()
      %run_scoped3A_49 = arith.constant 22 : i32
      "tpu.region"() ({
        %run_scoped3A_52 = tpu.sem_alloc : memref<!tpu.dma_semaphore, #tpu.memory_space<semaphore_mem>>
        %dma_start3A_53 = arith.constant 1760 : i32
        %dma_start3A_54 = arith.constant 0 : i32
        %dma_start3A_55 = tpu.memref_slice %arg7[%dma_start3A_53, %dma_start3A_54] : memref<2000x8xf32, #tpu.memory_space<vmem>> -> memref<80x8xf32, #tpu.memory_space<vmem>>
        %dma_start3A_56 = arith.constant 0 : i32
        %dma_start3A_57 = tpu.memref_slice %arg6[%run_scoped3A_49, %dma_start3A_56] : memref<25x80xi32, #tpu.memory_space<vmem>> -> memref<1x80xi32, #tpu.memory_space<vmem>>
        %dma_start3A_58 = tpu.memref_squeeze %dma_start3A_57 : memref<1x80xi32, #tpu.memory_space<vmem>> -> memref<80xi32, #tpu.memory_space<vmem>>
        %dma_start3A_59 = arith.constant 0 : i32
        %dma_start3A_60 = arith.constant 0 : i32
        %dma_start3A_61 = tpu.memref_slice %arg8[%dma_start3A_59, %dma_start3A_60] : memref<10240x8xf32, #tpu.memory_space<vmem_shared>> -> memref<10240x8xf32, #tpu.memory_space<vmem_shared>>
        tpu.enqueue_indirect_dma source(%dma_start3A_55 : memref<80x8xf32, #tpu.memory_space<vmem>>) target(%dma_start3A_61 : memref<10240x8xf32, #tpu.memory_space<vmem_shared>>) offsets(%dma_start3A_58 : memref<80xi32, #tpu.memory_space<vmem>>) semaphore(%run_scoped3A_52 : memref<!tpu.dma_semaphore, #tpu.memory_space<semaphore_mem>>) {add = true}
        %dma_wait3A_62 = arith.constant 1760 : i32
        %dma_wait3A_63 = arith.constant 0 : i32
        %dma_wait3A_64 = tpu.memref_slice %arg7[%dma_wait3A_62, %dma_wait3A_63] : memref<2000x8xf32, #tpu.memory_space<vmem>> -> memref<80x8xf32, #tpu.memory_space<vmem>>
        %dma_wait3A_65 = arith.constant 0 : i32
        %dma_wait3A_66 = tpu.memref_slice %arg6[%run_scoped3A_49, %dma_wait3A_65] : memref<25x80xi32, #tpu.memory_space<vmem>> -> memref<1x80xi32, #tpu.memory_space<vmem>>
        %dma_wait3A_67 = tpu.memref_squeeze %dma_wait3A_66 : memref<1x80xi32, #tpu.memory_space<vmem>> -> memref<80xi32, #tpu.memory_space<vmem>>
        %dma_wait3A_68 = arith.constant 0 : i32
        %dma_wait3A_69 = arith.constant 0 : i32
        %dma_wait3A_70 = tpu.memref_slice %arg8[%dma_wait3A_68, %dma_wait3A_69] : memref<10240x8xf32, #tpu.memory_space<vmem_shared>> -> memref<10240x8xf32, #tpu.memory_space<vmem_shared>>
        tpu.wait_indirect_dma semaphore(%run_scoped3A_52 : memref<!tpu.dma_semaphore, #tpu.memory_space<semaphore_mem>>) src(%dma_wait3A_64 : memref<80x8xf32, #tpu.memory_space<vmem>>) dst(%dma_wait3A_70 : memref<10240x8xf32, #tpu.memory_space<vmem_shared>>)
        tpu.yield
      }) : () -> ()
      %run_scoped3A_50 = arith.constant 23 : i32
      "tpu.region"() ({
        %run_scoped3A_52 = tpu.sem_alloc : memref<!tpu.dma_semaphore, #tpu.memory_space<semaphore_mem>>
        %dma_start3A_53 = arith.constant 1840 : i32
        %dma_start3A_54 = arith.constant 0 : i32
        %dma_start3A_55 = tpu.memref_slice %arg7[%dma_start3A_53, %dma_start3A_54] : memref<2000x8xf32, #tpu.memory_space<vmem>> -> memref<80x8xf32, #tpu.memory_space<vmem>>
        %dma_start3A_56 = arith.constant 0 : i32
        %dma_start3A_57 = tpu.memref_slice %arg6[%run_scoped3A_50, %dma_start3A_56] : memref<25x80xi32, #tpu.memory_space<vmem>> -> memref<1x80xi32, #tpu.memory_space<vmem>>
        %dma_start3A_58 = tpu.memref_squeeze %dma_start3A_57 : memref<1x80xi32, #tpu.memory_space<vmem>> -> memref<80xi32, #tpu.memory_space<vmem>>
        %dma_start3A_59 = arith.constant 0 : i32
        %dma_start3A_60 = arith.constant 0 : i32
        %dma_start3A_61 = tpu.memref_slice %arg8[%dma_start3A_59, %dma_start3A_60] : memref<10240x8xf32, #tpu.memory_space<vmem_shared>> -> memref<10240x8xf32, #tpu.memory_space<vmem_shared>>
        tpu.enqueue_indirect_dma source(%dma_start3A_55 : memref<80x8xf32, #tpu.memory_space<vmem>>) target(%dma_start3A_61 : memref<10240x8xf32, #tpu.memory_space<vmem_shared>>) offsets(%dma_start3A_58 : memref<80xi32, #tpu.memory_space<vmem>>) semaphore(%run_scoped3A_52 : memref<!tpu.dma_semaphore, #tpu.memory_space<semaphore_mem>>) {add = true}
        %dma_wait3A_62 = arith.constant 1840 : i32
        %dma_wait3A_63 = arith.constant 0 : i32
        %dma_wait3A_64 = tpu.memref_slice %arg7[%dma_wait3A_62, %dma_wait3A_63] : memref<2000x8xf32, #tpu.memory_space<vmem>> -> memref<80x8xf32, #tpu.memory_space<vmem>>
        %dma_wait3A_65 = arith.constant 0 : i32
        %dma_wait3A_66 = tpu.memref_slice %arg6[%run_scoped3A_50, %dma_wait3A_65] : memref<25x80xi32, #tpu.memory_space<vmem>> -> memref<1x80xi32, #tpu.memory_space<vmem>>
        %dma_wait3A_67 = tpu.memref_squeeze %dma_wait3A_66 : memref<1x80xi32, #tpu.memory_space<vmem>> -> memref<80xi32, #tpu.memory_space<vmem>>
        %dma_wait3A_68 = arith.constant 0 : i32
        %dma_wait3A_69 = arith.constant 0 : i32
        %dma_wait3A_70 = tpu.memref_slice %arg8[%dma_wait3A_68, %dma_wait3A_69] : memref<10240x8xf32, #tpu.memory_space<vmem_shared>> -> memref<10240x8xf32, #tpu.memory_space<vmem_shared>>
        tpu.wait_indirect_dma semaphore(%run_scoped3A_52 : memref<!tpu.dma_semaphore, #tpu.memory_space<semaphore_mem>>) src(%dma_wait3A_64 : memref<80x8xf32, #tpu.memory_space<vmem>>) dst(%dma_wait3A_70 : memref<10240x8xf32, #tpu.memory_space<vmem_shared>>)
        tpu.yield
      }) : () -> ()
      %run_scoped3A_51 = arith.constant 24 : i32
      "tpu.region"() ({
        %run_scoped3A_52 = tpu.sem_alloc : memref<!tpu.dma_semaphore, #tpu.memory_space<semaphore_mem>>
        %dma_start3A_53 = arith.constant 1920 : i32
        %dma_start3A_54 = arith.constant 0 : i32
        %dma_start3A_55 = tpu.memref_slice %arg7[%dma_start3A_53, %dma_start3A_54] : memref<2000x8xf32, #tpu.memory_space<vmem>> -> memref<80x8xf32, #tpu.memory_space<vmem>>
        %dma_start3A_56 = arith.constant 0 : i32
        %dma_start3A_57 = tpu.memref_slice %arg6[%run_scoped3A_51, %dma_start3A_56] : memref<25x80xi32, #tpu.memory_space<vmem>> -> memref<1x80xi32, #tpu.memory_space<vmem>>
        %dma_start3A_58 = tpu.memref_squeeze %dma_start3A_57 : memref<1x80xi32, #tpu.memory_space<vmem>> -> memref<80xi32, #tpu.memory_space<vmem>>
        %dma_start3A_59 = arith.constant 0 : i32
        %dma_start3A_60 = arith.constant 0 : i32
        %dma_start3A_61 = tpu.memref_slice %arg8[%dma_start3A_59, %dma_start3A_60] : memref<10240x8xf32, #tpu.memory_space<vmem_shared>> -> memref<10240x8xf32, #tpu.memory_space<vmem_shared>>
        tpu.enqueue_indirect_dma source(%dma_start3A_55 : memref<80x8xf32, #tpu.memory_space<vmem>>) target(%dma_start3A_61 : memref<10240x8xf32, #tpu.memory_space<vmem_shared>>) offsets(%dma_start3A_58 : memref<80xi32, #tpu.memory_space<vmem>>) semaphore(%run_scoped3A_52 : memref<!tpu.dma_semaphore, #tpu.memory_space<semaphore_mem>>) {add = true}
        %dma_wait3A_62 = arith.constant 1920 : i32
        %dma_wait3A_63 = arith.constant 0 : i32
        %dma_wait3A_64 = tpu.memref_slice %arg7[%dma_wait3A_62, %dma_wait3A_63] : memref<2000x8xf32, #tpu.memory_space<vmem>> -> memref<80x8xf32, #tpu.memory_space<vmem>>
        %dma_wait3A_65 = arith.constant 0 : i32
        %dma_wait3A_66 = tpu.memref_slice %arg6[%run_scoped3A_51, %dma_wait3A_65] : memref<25x80xi32, #tpu.memory_space<vmem>> -> memref<1x80xi32, #tpu.memory_space<vmem>>
        %dma_wait3A_67 = tpu.memref_squeeze %dma_wait3A_66 : memref<1x80xi32, #tpu.memory_space<vmem>> -> memref<80xi32, #tpu.memory_space<vmem>>
        %dma_wait3A_68 = arith.constant 0 : i32
        %dma_wait3A_69 = arith.constant 0 : i32
        %dma_wait3A_70 = tpu.memref_slice %arg8[%dma_wait3A_68, %dma_wait3A_69] : memref<10240x8xf32, #tpu.memory_space<vmem_shared>> -> memref<10240x8xf32, #tpu.memory_space<vmem_shared>>
        tpu.wait_indirect_dma semaphore(%run_scoped3A_52 : memref<!tpu.dma_semaphore, #tpu.memory_space<semaphore_mem>>) src(%dma_wait3A_64 : memref<80x8xf32, #tpu.memory_space<vmem>>) dst(%dma_wait3A_70 : memref<10240x8xf32, #tpu.memory_space<vmem_shared>>)
        tpu.yield
      }) : () -> ()
    }
    %scan3A_7 = arith.constant 10 : i32
    %barrier3A_8 = arith.constant 0 : index
    tpu.barrier barrier_id(%barrier3A_8)
    %mul3A_9 = arith.constant 640 : i32
    %mul3A_10 = arith.muli %arg1, %mul3A_9 : i32
    %mul3A_11 = arith.constant 10240 : i32
    %mul3A_12 = arith.muli %arg0, %mul3A_11 : i32
    %mul3A_13 = arith.constant 640 : i32
    %mul3A_14 = arith.muli %arg1, %mul3A_13 : i32
    %add3A_15 = arith.addi %mul3A_12, %mul3A_14 : i32
    "tpu.region"() ({
      %run_scoped3A = tpu.sem_alloc : memref<!tpu.dma_semaphore, #tpu.memory_space<semaphore_mem>>
      %dma_start3A = arith.constant 0 : i32
      %dma_start3A_16 = tpu.memref_slice %arg5[%add3A_15, %dma_start3A] : memref<20480x8xf32, #tpu.memory_space<hbm>> -> memref<640x8xf32, #tpu.memory_space<hbm>>
      %dma_start3A_17 = arith.constant 0 : i32
      %dma_start3A_18 = tpu.memref_slice %arg8[%mul3A_10, %dma_start3A_17] : memref<10240x8xf32, #tpu.memory_space<vmem_shared>> -> memref<640x8xf32, #tpu.memory_space<vmem_shared>>
      tpu.enqueue_dma source(%dma_start3A_18 : memref<640x8xf32, #tpu.memory_space<vmem_shared>>) target(%dma_start3A_16 : memref<640x8xf32, #tpu.memory_space<hbm>>) target_semaphore(%run_scoped3A : memref<!tpu.dma_semaphore, #tpu.memory_space<semaphore_mem>>)
      %dma_wait3A = arith.constant 0 : i32
      %dma_wait3A_19 = tpu.memref_slice %arg5[%add3A_15, %dma_wait3A] : memref<20480x8xf32, #tpu.memory_space<hbm>> -> memref<640x8xf32, #tpu.memory_space<hbm>>
      %dma_wait3A_20 = arith.constant 0 : i32
      %dma_wait3A_21 = tpu.memref_slice %arg8[%mul3A_10, %dma_wait3A_20] : memref<10240x8xf32, #tpu.memory_space<vmem_shared>> -> memref<640x8xf32, #tpu.memory_space<vmem_shared>>
      tpu.wait_dma2 semaphore(%run_scoped3A : memref<!tpu.dma_semaphore, #tpu.memory_space<semaphore_mem>>) src(%dma_wait3A_21 : memref<640x8xf32, #tpu.memory_space<vmem_shared>>) dst(%dma_wait3A_19 : memref<640x8xf32, #tpu.memory_space<hbm>>)
      tpu.yield
    }) : () -> ()
    return
  }
}

module attributes {stable_mosaic.version = 14 : i64} {
  func.func @_dense_kernel(%arg0: i32, %arg1: memref<2560x8xf32, #tpu.memory_space<vmem>>, %arg2: memref<40x8xf32, #tpu.memory_space<vmem>>, %arg3: memref<1x4xf32, #tpu.memory_space<vmem>>, %arg4: memref<1x4xf32, #tpu.memory_space<vmem>>, %arg5: memref<1x8xf32, #tpu.memory_space<vmem>>, %arg6: memref<8x1xf32, #tpu.memory_space<vmem>>, %arg7: memref<1x8xf32, #tpu.memory_space<vmem>>, %arg8: memref<8x16xf32, #tpu.memory_space<vmem>>, %arg9: memref<1x16xf32, #tpu.memory_space<vmem>>, %arg10: memref<16x32xf32, #tpu.memory_space<vmem>>, %arg11: memref<1x32xf32, #tpu.memory_space<vmem>>, %arg12: memref<16x8xf32, #tpu.memory_space<vmem>>, %arg13: memref<32x16xf32, #tpu.memory_space<vmem>>, %arg14: memref<128x64xf32, #tpu.memory_space<vmem>>, %arg15: memref<1x64xf32, #tpu.memory_space<vmem>>, %arg16: memref<64x128xf32, #tpu.memory_space<vmem>>, %arg17: memref<64x64xf32, #tpu.memory_space<vmem>>, %arg18: memref<1x64xf32, #tpu.memory_space<vmem>>, %arg19: memref<64x64xf32, #tpu.memory_space<vmem>>, %arg20: memref<64x64xf32, #tpu.memory_space<vmem>>, %arg21: memref<1x64xf32, #tpu.memory_space<vmem>>, %arg22: memref<64x64xf32, #tpu.memory_space<vmem>>, %arg23: memref<1x64xf32, #tpu.memory_space<vmem>>, %arg24: memref<1x1xf32, #tpu.memory_space<vmem>>, %arg25: memref<40x1xf32, #tpu.memory_space<vmem>>, %arg26: memref<1x1xf32, #tpu.memory_space<vmem>>, %arg27: memref<40x4xf32, #tpu.memory_space<vmem>>, %arg28: memref<2560x8xf32, #tpu.memory_space<vmem>>) attributes {dimension_semantics = [#tpu.dimension_semantics<arbitrary>], iteration_bounds = array<i64: 250>, scalar_prefetch = 0 : i64, scratch_operands = 0 : i64, tpu.core_type = #tpu.core_type<tc>, window_params = [{transform_indices = @transform_0, window_bounds = array<i64: 2560, 8>}, {transform_indices = @transform_1, window_bounds = array<i64: 40, 8>}, {pipeline_mode = #tpu.pipeline_mode<synchronous>, transform_indices = @transform_2, window_bounds = array<i64: 1, 4>}, {pipeline_mode = #tpu.pipeline_mode<synchronous>, transform_indices = @transform_3, window_bounds = array<i64: 1, 4>}, {pipeline_mode = #tpu.pipeline_mode<synchronous>, transform_indices = @transform_4, window_bounds = array<i64: 1, 8>}, {pipeline_mode = #tpu.pipeline_mode<synchronous>, transform_indices = @transform_5, window_bounds = array<i64: 8, 1>}, {pipeline_mode = #tpu.pipeline_mode<synchronous>, transform_indices = @transform_6, window_bounds = array<i64: 1, 8>}, {pipeline_mode = #tpu.pipeline_mode<synchronous>, transform_indices = @transform_7, window_bounds = array<i64: 8, 16>}, {pipeline_mode = #tpu.pipeline_mode<synchronous>, transform_indices = @transform_8, window_bounds = array<i64: 1, 16>}, {pipeline_mode = #tpu.pipeline_mode<synchronous>, transform_indices = @transform_9, window_bounds = array<i64: 16, 32>}, {pipeline_mode = #tpu.pipeline_mode<synchronous>, transform_indices = @transform_10, window_bounds = array<i64: 1, 32>}, {pipeline_mode = #tpu.pipeline_mode<synchronous>, transform_indices = @transform_11, window_bounds = array<i64: 16, 8>}, {pipeline_mode = #tpu.pipeline_mode<synchronous>, transform_indices = @transform_12, window_bounds = array<i64: 32, 16>}, {pipeline_mode = #tpu.pipeline_mode<synchronous>, transform_indices = @transform_13, window_bounds = array<i64: 128, 64>}, {pipeline_mode = #tpu.pipeline_mode<synchronous>, transform_indices = @transform_14, window_bounds = array<i64: 1, 64>}, {pipeline_mode = #tpu.pipeline_mode<synchronous>, transform_indices = @transform_15, window_bounds = array<i64: 64, 128>}, {pipeline_mode = #tpu.pipeline_mode<synchronous>, transform_indices = @transform_16, window_bounds = array<i64: 64, 64>}, {pipeline_mode = #tpu.pipeline_mode<synchronous>, transform_indices = @transform_17, window_bounds = array<i64: 1, 64>}, {pipeline_mode = #tpu.pipeline_mode<synchronous>, transform_indices = @transform_18, window_bounds = array<i64: 64, 64>}, {pipeline_mode = #tpu.pipeline_mode<synchronous>, transform_indices = @transform_19, window_bounds = array<i64: 64, 64>}, {pipeline_mode = #tpu.pipeline_mode<synchronous>, transform_indices = @transform_20, window_bounds = array<i64: 1, 64>}, {pipeline_mode = #tpu.pipeline_mode<synchronous>, transform_indices = @transform_21, window_bounds = array<i64: 64, 64>}, {pipeline_mode = #tpu.pipeline_mode<synchronous>, transform_indices = @transform_22, window_bounds = array<i64: 1, 64>}, {pipeline_mode = #tpu.pipeline_mode<synchronous>, transform_indices = @transform_23, window_bounds = array<i64: 1, 1>}, {transform_indices = @transform_24, window_bounds = array<i64: 40, 1>}, {pipeline_mode = #tpu.pipeline_mode<synchronous>, transform_indices = @transform_25, window_bounds = array<i64: 1, 1>}, {transform_indices = @transform_26, window_bounds = array<i64: 40, 4>}, {transform_indices = @transform_27, window_bounds = array<i64: 2560, 8>}]} {
    %iota3A = tpu.iota {dimensions = array<i32: 1>} : vector<1x40xi32>
    %iota3A_0 = tpu.iota {dimensions = array<i32: 1>} : vector<1x64xi32>
    %iota3A_1 = tpu.iota {dimensions = array<i32: 1>} : vector<1x2560xi32>
    %iota3A_2 = tpu.iota {dimensions = array<i32: 0>} : vector<2560x1xi32>
    %iota3A_3 = tpu.iota {dimensions = array<i32: 0>} : vector<40x1xi32>
    %jit3A = arith.constant 64 : i32
    %div3A = vector.broadcast %jit3A : i32 to vector<2560x1xi32>
    %div3A_4 = arith.divsi %iota3A_2, %div3A : vector<2560x1xi32>
    %sign3A = arith.constant 0 : i32
    %sign3A_5 = vector.broadcast %sign3A : i32 to vector<2560x1xi32>
    %sign3A_6 = arith.cmpi sgt, %iota3A_2, %sign3A_5 : vector<2560x1xi32>
    %sign3A_7 = arith.extui %sign3A_6 : vector<2560x1xi1> to vector<2560x1xi32>
    %sign3A_8 = arith.constant 0 : i32
    %sign3A_9 = vector.broadcast %sign3A_8 : i32 to vector<2560x1xi32>
    %sign3A_10 = arith.cmpi slt, %iota3A_2, %sign3A_9 : vector<2560x1xi32>
    %sign3A_11 = arith.extui %sign3A_10 : vector<2560x1xi1> to vector<2560x1xi32>
    %sign3A_12 = arith.subi %sign3A_7, %sign3A_11 : vector<2560x1xi32>
    %sign3A_13 = arith.constant 0 : i32
    %sign3A_14 = arith.cmpi sgt, %jit3A, %sign3A_13 : i32
    %sign3A_15 = arith.extui %sign3A_14 : i1 to i32
    %sign3A_16 = arith.constant 0 : i32
    %sign3A_17 = arith.cmpi slt, %jit3A, %sign3A_16 : i32
    %sign3A_18 = arith.extui %sign3A_17 : i1 to i32
    %sign3A_19 = arith.subi %sign3A_15, %sign3A_18 : i32
    %ne3A = vector.broadcast %sign3A_19 : i32 to vector<2560x1xi32>
    %ne3A_20 = arith.cmpi ne, %sign3A_12, %ne3A : vector<2560x1xi32>
    %rem3A = vector.broadcast %jit3A : i32 to vector<2560x1xi32>
    %rem3A_21 = arith.remsi %iota3A_2, %rem3A : vector<2560x1xi32>
    %ne3A_22 = arith.constant 0 : i32
    %ne3A_23 = vector.broadcast %ne3A_22 : i32 to vector<2560x1xi32>
    %ne3A_24 = arith.cmpi ne, %rem3A_21, %ne3A_23 : vector<2560x1xi32>
    %and3A = arith.andi %ne3A_20, %ne3A_24 : vector<2560x1xi1>
    %sub3A = arith.constant 1 : i32
    %sub3A_25 = vector.broadcast %sub3A : i32 to vector<2560x1xi32>
    %sub3A_26 = arith.subi %div3A_4, %sub3A_25 : vector<2560x1xi32>
    %select_n3A = arith.select %and3A, %sub3A_26, %div3A_4 : vector<2560x1xi1>, vector<2560x1xi32>
    %mul3A = arith.constant 64 : i32
    %mul3A_27 = vector.broadcast %mul3A : i32 to vector<2560x1xi32>
    %mul3A_28 = arith.muli %select_n3A, %mul3A_27 : vector<2560x1xi32>
    %sub3A_29 = arith.subi %iota3A_2, %mul3A_28 : vector<2560x1xi32>
    %eq3A = vector.broadcast %select_n3A : vector<2560x1xi32> to vector<2560x40xi32>
    %eq3A_30 = vector.broadcast %iota3A : vector<1x40xi32> to vector<2560x40xi32>
    %eq3A_31 = arith.cmpi eq, %eq3A, %eq3A_30 : vector<2560x40xi32>
    %jit3A_32 = arith.constant 1.000000e+00 : f32
    %jit3A_33 = arith.constant 0.000000e+00 : f32
    %broadcast_in_dim3A = vector.broadcast %jit3A_32 : f32 to vector<2560x40xf32>
    %broadcast_in_dim3A_34 = vector.broadcast %jit3A_33 : f32 to vector<2560x40xf32>
    %select_n3A_35 = arith.select %eq3A_31, %broadcast_in_dim3A, %broadcast_in_dim3A_34 : vector<2560x40xi1>, vector<2560x40xf32>
    %eq3A_36 = vector.broadcast %sub3A_29 : vector<2560x1xi32> to vector<2560x64xi32>
    %eq3A_37 = vector.broadcast %iota3A_0 : vector<1x64xi32> to vector<2560x64xi32>
    %eq3A_38 = arith.cmpi eq, %eq3A_36, %eq3A_37 : vector<2560x64xi32>
    %jit3A_39 = arith.constant 1.000000e+00 : f32
    %jit3A_40 = arith.constant 0.000000e+00 : f32
    %broadcast_in_dim3A_41 = vector.broadcast %jit3A_39 : f32 to vector<2560x64xf32>
    %broadcast_in_dim3A_42 = vector.broadcast %jit3A_40 : f32 to vector<2560x64xf32>
    %select_n3A_43 = arith.select %eq3A_38, %broadcast_in_dim3A_41, %broadcast_in_dim3A_42 : vector<2560x64xi1>, vector<2560x64xf32>
    %jit3A_44 = arith.constant 64 : i32
    %div3A_45 = vector.broadcast %jit3A_44 : i32 to vector<1x2560xi32>
    %div3A_46 = arith.divsi %iota3A_1, %div3A_45 : vector<1x2560xi32>
    %sign3A_47 = arith.constant 0 : i32
    %sign3A_48 = vector.broadcast %sign3A_47 : i32 to vector<1x2560xi32>
    %sign3A_49 = arith.cmpi sgt, %iota3A_1, %sign3A_48 : vector<1x2560xi32>
    %sign3A_50 = arith.extui %sign3A_49 : vector<1x2560xi1> to vector<1x2560xi32>
    %sign3A_51 = arith.constant 0 : i32
    %sign3A_52 = vector.broadcast %sign3A_51 : i32 to vector<1x2560xi32>
    %sign3A_53 = arith.cmpi slt, %iota3A_1, %sign3A_52 : vector<1x2560xi32>
    %sign3A_54 = arith.extui %sign3A_53 : vector<1x2560xi1> to vector<1x2560xi32>
    %sign3A_55 = arith.subi %sign3A_50, %sign3A_54 : vector<1x2560xi32>
    %sign3A_56 = arith.constant 0 : i32
    %sign3A_57 = arith.cmpi sgt, %jit3A_44, %sign3A_56 : i32
    %sign3A_58 = arith.extui %sign3A_57 : i1 to i32
    %sign3A_59 = arith.constant 0 : i32
    %sign3A_60 = arith.cmpi slt, %jit3A_44, %sign3A_59 : i32
    %sign3A_61 = arith.extui %sign3A_60 : i1 to i32
    %sign3A_62 = arith.subi %sign3A_58, %sign3A_61 : i32
    %ne3A_63 = vector.broadcast %sign3A_62 : i32 to vector<1x2560xi32>
    %ne3A_64 = arith.cmpi ne, %sign3A_55, %ne3A_63 : vector<1x2560xi32>
    %rem3A_65 = vector.broadcast %jit3A_44 : i32 to vector<1x2560xi32>
    %rem3A_66 = arith.remsi %iota3A_1, %rem3A_65 : vector<1x2560xi32>
    %ne3A_67 = arith.constant 0 : i32
    %ne3A_68 = vector.broadcast %ne3A_67 : i32 to vector<1x2560xi32>
    %ne3A_69 = arith.cmpi ne, %rem3A_66, %ne3A_68 : vector<1x2560xi32>
    %and3A_70 = arith.andi %ne3A_64, %ne3A_69 : vector<1x2560xi1>
    %sub3A_71 = arith.constant 1 : i32
    %sub3A_72 = vector.broadcast %sub3A_71 : i32 to vector<1x2560xi32>
    %sub3A_73 = arith.subi %div3A_46, %sub3A_72 : vector<1x2560xi32>
    %select_n3A_74 = arith.select %and3A_70, %sub3A_73, %div3A_46 : vector<1x2560xi1>, vector<1x2560xi32>
    %eq3A_75 = vector.broadcast %iota3A_3 : vector<40x1xi32> to vector<40x2560xi32>
    %eq3A_76 = vector.broadcast %select_n3A_74 : vector<1x2560xi32> to vector<40x2560xi32>
    %eq3A_77 = arith.cmpi eq, %eq3A_75, %eq3A_76 : vector<40x2560xi32>
    %jit3A_78 = arith.constant 1.000000e+00 : f32
    %jit3A_79 = arith.constant 0.000000e+00 : f32
    %broadcast_in_dim3A_80 = vector.broadcast %jit3A_78 : f32 to vector<40x2560xf32>
    %broadcast_in_dim3A_81 = vector.broadcast %jit3A_79 : f32 to vector<40x2560xf32>
    %select_n3A_82 = arith.select %eq3A_77, %broadcast_in_dim3A_80, %broadcast_in_dim3A_81 : vector<40x2560xi1>, vector<40x2560xf32>
    %broadcast_in_dim3A_83 = arith.constant 1.000000e+00 : f32
    %broadcast_in_dim3A_84 = vector.broadcast %broadcast_in_dim3A_83 : f32 to vector<64x32xf32>
    %broadcast_in_dim3A_85 = arith.constant 1.000000e+00 : f32
    %broadcast_in_dim3A_86 = vector.broadcast %broadcast_in_dim3A_85 : f32 to vector<32x64xf32>
    %get3A = arith.constant 0 : index
    %get3A_87 = arith.constant 0 : index
    %get3A_88 = vector.load %arg1[%get3A, %get3A_87] : memref<2560x8xf32, #tpu.memory_space<vmem>>, vector<2560x8xf32>
    %slice3A = vector.extract_strided_slice %get3A_88 {offsets = [0, 0], sizes = [2560, 1], strides = [1, 1]} : vector<2560x8xf32> to vector<2560x1xf32>
    %broadcast_in_dim3A_89 = vector.shape_cast %slice3A : vector<2560x1xf32> to vector<2560x1xf32>
    %broadcast_in_dim3A_90 = vector.broadcast %broadcast_in_dim3A_89 : vector<2560x1xf32> to vector<2560x64xf32>
    %mul3A_91 = arith.mulf %broadcast_in_dim3A_90, %select_n3A_43 : vector<2560x64xf32>
    %dot_general3A = arith.constant dense<0.000000e+00> : vector<40x64xf32>
    %dot_general3A_92 = tpu.matmul %select_n3A_82, %mul3A_91, %dot_general3A {dimension_numbers = #tpu.dot_dimension_numbers<[1], [0], [0], [1], [0, 0, 1, 1], [], []>, precision = #tpu.contract_precision<fp32>, transpose_lhs_hint = false} : vector<40x2560xf32>, vector<2560x64xf32>, vector<40x64xf32> -> vector<40x64xf32>
    %slice3A_93 = vector.extract_strided_slice %get3A_88 {offsets = [0, 1], sizes = [2560, 1], strides = [1, 1]} : vector<2560x8xf32> to vector<2560x1xf32>
    %broadcast_in_dim3A_94 = vector.shape_cast %slice3A_93 : vector<2560x1xf32> to vector<2560x1xf32>
    %broadcast_in_dim3A_95 = vector.broadcast %broadcast_in_dim3A_94 : vector<2560x1xf32> to vector<2560x64xf32>
    %mul3A_96 = arith.mulf %broadcast_in_dim3A_95, %select_n3A_43 : vector<2560x64xf32>
    %dot_general3A_97 = arith.constant dense<0.000000e+00> : vector<40x64xf32>
    %dot_general3A_98 = tpu.matmul %select_n3A_82, %mul3A_96, %dot_general3A_97 {dimension_numbers = #tpu.dot_dimension_numbers<[1], [0], [0], [1], [0, 0, 1, 1], [], []>, precision = #tpu.contract_precision<fp32>, transpose_lhs_hint = false} : vector<40x2560xf32>, vector<2560x64xf32>, vector<40x64xf32> -> vector<40x64xf32>
    %slice3A_99 = vector.extract_strided_slice %get3A_88 {offsets = [0, 2], sizes = [2560, 1], strides = [1, 1]} : vector<2560x8xf32> to vector<2560x1xf32>
    %broadcast_in_dim3A_100 = vector.shape_cast %slice3A_99 : vector<2560x1xf32> to vector<2560x1xf32>
    %broadcast_in_dim3A_101 = vector.broadcast %broadcast_in_dim3A_100 : vector<2560x1xf32> to vector<2560x64xf32>
    %mul3A_102 = arith.mulf %broadcast_in_dim3A_101, %select_n3A_43 : vector<2560x64xf32>
    %dot_general3A_103 = arith.constant dense<0.000000e+00> : vector<40x64xf32>
    %dot_general3A_104 = tpu.matmul %select_n3A_82, %mul3A_102, %dot_general3A_103 {dimension_numbers = #tpu.dot_dimension_numbers<[1], [0], [0], [1], [0, 0, 1, 1], [], []>, precision = #tpu.contract_precision<fp32>, transpose_lhs_hint = false} : vector<40x2560xf32>, vector<2560x64xf32>, vector<40x64xf32> -> vector<40x64xf32>
    %get3A_105 = arith.constant 0 : index
    %get3A_106 = arith.constant 0 : index
    %get3A_107 = vector.load %arg2[%get3A_105, %get3A_106] : memref<40x8xf32, #tpu.memory_space<vmem>>, vector<40x8xf32>
    %slice3A_108 = vector.extract_strided_slice %get3A_107 {offsets = [0, 0], sizes = [40, 1], strides = [1, 1]} : vector<40x8xf32> to vector<40x1xf32>
    %sub3A_109 = vector.broadcast %slice3A_108 : vector<40x1xf32> to vector<40x64xf32>
    %sub3A_110 = arith.subf %dot_general3A_92, %sub3A_109 : vector<40x64xf32>
    %slice3A_111 = vector.extract_strided_slice %get3A_107 {offsets = [0, 1], sizes = [40, 1], strides = [1, 1]} : vector<40x8xf32> to vector<40x1xf32>
    %sub3A_112 = vector.broadcast %slice3A_111 : vector<40x1xf32> to vector<40x64xf32>
    %sub3A_113 = arith.subf %dot_general3A_98, %sub3A_112 : vector<40x64xf32>
    %slice3A_114 = vector.extract_strided_slice %get3A_107 {offsets = [0, 2], sizes = [40, 1], strides = [1, 1]} : vector<40x8xf32> to vector<40x1xf32>
    %sub3A_115 = vector.broadcast %slice3A_114 : vector<40x1xf32> to vector<40x64xf32>
    %sub3A_116 = arith.subf %dot_general3A_104, %sub3A_115 : vector<40x64xf32>
    %mul3A_117 = arith.mulf %sub3A_110, %sub3A_110 : vector<40x64xf32>
    %mul3A_118 = arith.mulf %sub3A_113, %sub3A_113 : vector<40x64xf32>
    %add3A = arith.addf %mul3A_117, %mul3A_118 : vector<40x64xf32>
    %mul3A_119 = arith.mulf %sub3A_116, %sub3A_116 : vector<40x64xf32>
    %add3A_120 = arith.addf %add3A, %mul3A_119 : vector<40x64xf32>
    %add3A_121 = arith.constant 9.99999996E-13 : f32
    %add3A_122 = vector.broadcast %add3A_121 : f32 to vector<40x64xf32>
    %add3A_123 = arith.addf %add3A_120, %add3A_122 : vector<40x64xf32>
    %sqrt3A = math.sqrt %add3A_123 : vector<40x64xf32>
    %sub3A_124 = arith.constant 5.000000e-01 : f32
    %sub3A_125 = vector.broadcast %sub3A_124 : f32 to vector<40x64xf32>
    %sub3A_126 = arith.subf %sqrt3A, %sub3A_125 : vector<40x64xf32>
    %div3A_127 = arith.constant 5.500000e+00 : f32
    %div3A_128 = vector.broadcast %div3A_127 : f32 to vector<40x64xf32>
    %div3A_129 = arith.divf %sub3A_126, %div3A_128 : vector<40x64xf32>
    %jit3A_130 = arith.constant 0.000000e+00 : f32
    %jit3A_131 = arith.constant 1.000000e+00 : f32
    %max3A = vector.broadcast %jit3A_130 : f32 to vector<40x64xf32>
    %max3A_132 = arith.maximumf %max3A, %div3A_129 : vector<40x64xf32>
    %min3A = vector.broadcast %jit3A_131 : f32 to vector<40x64xf32>
    %min3A_133 = arith.minimumf %min3A, %max3A_132 : vector<40x64xf32>
    %mul3A_134 = arith.mulf %min3A_133, %min3A_133 : vector<40x64xf32>
    %mul3A_135 = arith.mulf %mul3A_134, %min3A_133 : vector<40x64xf32>
    %mul3A_136 = arith.constant -6.000000e+00 : f32
    %mul3A_137 = vector.broadcast %mul3A_136 : f32 to vector<40x64xf32>
    %mul3A_138 = arith.mulf %mul3A_137, %mul3A_134 : vector<40x64xf32>
    %mul3A_139 = arith.constant 1.500000e+01 : f32
    %mul3A_140 = vector.broadcast %mul3A_139 : f32 to vector<40x64xf32>
    %mul3A_141 = arith.mulf %mul3A_140, %min3A_133 : vector<40x64xf32>
    %add3A_142 = arith.addf %mul3A_138, %mul3A_141 : vector<40x64xf32>
    %sub3A_143 = arith.constant 1.000000e+01 : f32
    %sub3A_144 = vector.broadcast %sub3A_143 : f32 to vector<40x64xf32>
    %sub3A_145 = arith.subf %add3A_142, %sub3A_144 : vector<40x64xf32>
    %mul3A_146 = arith.mulf %mul3A_135, %sub3A_145 : vector<40x64xf32>
    %add3A_147 = arith.constant 1.000000e+00 : f32
    %add3A_148 = vector.broadcast %add3A_147 : f32 to vector<40x64xf32>
    %add3A_149 = arith.addf %mul3A_146, %add3A_148 : vector<40x64xf32>
    %max3A_150 = arith.constant 0.00999999977 : f32
    %max3A_151 = vector.broadcast %max3A_150 : f32 to vector<40x64xf32>
    %max3A_152 = arith.maximumf %sqrt3A, %max3A_151 : vector<40x64xf32>
    %div3A_153 = arith.constant 1.000000e+00 : f32
    %div3A_154 = vector.broadcast %div3A_153 : f32 to vector<40x64xf32>
    %div3A_155 = arith.divf %div3A_154, %max3A_152 : vector<40x64xf32>
    %mul3A_156 = arith.mulf %add3A_149, %div3A_155 : vector<40x64xf32>
    %mul3A_157 = arith.mulf %mul3A_156, %div3A_155 : vector<40x64xf32>
    %get3A_158 = arith.constant 0 : index
    %get3A_159 = arith.constant 0 : index
    %get3A_160 = vector.load %arg3[%get3A_158, %get3A_159] : memref<1x4xf32, #tpu.memory_space<vmem>>, vector<1x4xf32>
    %get3A_161 = arith.constant 0 : index
    %get3A_162 = arith.constant 0 : index
    %get3A_163 = vector.load %arg4[%get3A_161, %get3A_162] : memref<1x4xf32, #tpu.memory_space<vmem>>, vector<1x4xf32>
    %slice3A_164 = vector.extract_strided_slice %get3A_160 {offsets = [0, 0], sizes = [1, 1], strides = [1, 1]} : vector<1x4xf32> to vector<1x1xf32>
    %sub3A_165 = vector.broadcast %slice3A_164 : vector<1x1xf32> to vector<40x64xf32>
    %sub3A_166 = arith.subf %mul3A_156, %sub3A_165 : vector<40x64xf32>
    %slice3A_167 = vector.extract_strided_slice %get3A_163 {offsets = [0, 0], sizes = [1, 1], strides = [1, 1]} : vector<1x4xf32> to vector<1x1xf32>
    %div3A_168 = vector.broadcast %slice3A_167 : vector<1x1xf32> to vector<40x64xf32>
    %div3A_169 = arith.divf %sub3A_166, %div3A_168 : vector<40x64xf32>
    %mul3A_170 = arith.mulf %mul3A_156, %sub3A_110 : vector<40x64xf32>
    %mul3A_171 = arith.mulf %mul3A_170, %div3A_155 : vector<40x64xf32>
    %slice3A_172 = vector.extract_strided_slice %get3A_160 {offsets = [0, 1], sizes = [1, 1], strides = [1, 1]} : vector<1x4xf32> to vector<1x1xf32>
    %sub3A_173 = vector.broadcast %slice3A_172 : vector<1x1xf32> to vector<40x64xf32>
    %sub3A_174 = arith.subf %mul3A_171, %sub3A_173 : vector<40x64xf32>
    %slice3A_175 = vector.extract_strided_slice %get3A_163 {offsets = [0, 1], sizes = [1, 1], strides = [1, 1]} : vector<1x4xf32> to vector<1x1xf32>
    %div3A_176 = vector.broadcast %slice3A_175 : vector<1x1xf32> to vector<40x64xf32>
    %div3A_177 = arith.divf %sub3A_174, %div3A_176 : vector<40x64xf32>
    %mul3A_178 = arith.mulf %mul3A_156, %sub3A_113 : vector<40x64xf32>
    %mul3A_179 = arith.mulf %mul3A_178, %div3A_155 : vector<40x64xf32>
    %slice3A_180 = vector.extract_strided_slice %get3A_160 {offsets = [0, 2], sizes = [1, 1], strides = [1, 1]} : vector<1x4xf32> to vector<1x1xf32>
    %sub3A_181 = vector.broadcast %slice3A_180 : vector<1x1xf32> to vector<40x64xf32>
    %sub3A_182 = arith.subf %mul3A_179, %sub3A_181 : vector<40x64xf32>
    %slice3A_183 = vector.extract_strided_slice %get3A_163 {offsets = [0, 2], sizes = [1, 1], strides = [1, 1]} : vector<1x4xf32> to vector<1x1xf32>
    %div3A_184 = vector.broadcast %slice3A_183 : vector<1x1xf32> to vector<40x64xf32>
    %div3A_185 = arith.divf %sub3A_182, %div3A_184 : vector<40x64xf32>
    %mul3A_186 = arith.mulf %mul3A_156, %sub3A_116 : vector<40x64xf32>
    %mul3A_187 = arith.mulf %mul3A_186, %div3A_155 : vector<40x64xf32>
    %slice3A_188 = vector.extract_strided_slice %get3A_160 {offsets = [0, 3], sizes = [1, 1], strides = [1, 1]} : vector<1x4xf32> to vector<1x1xf32>
    %sub3A_189 = vector.broadcast %slice3A_188 : vector<1x1xf32> to vector<40x64xf32>
    %sub3A_190 = arith.subf %mul3A_187, %sub3A_189 : vector<40x64xf32>
    %slice3A_191 = vector.extract_strided_slice %get3A_163 {offsets = [0, 3], sizes = [1, 1], strides = [1, 1]} : vector<1x4xf32> to vector<1x1xf32>
    %div3A_192 = vector.broadcast %slice3A_191 : vector<1x1xf32> to vector<40x64xf32>
    %div3A_193 = arith.divf %sub3A_190, %div3A_192 : vector<40x64xf32>
    %dot_general3A_194 = arith.constant dense<0.000000e+00> : vector<2560x64xf32>
    %dot_general3A_195 = tpu.matmul %select_n3A_35, %div3A_169, %dot_general3A_194 {dimension_numbers = #tpu.dot_dimension_numbers<[1], [0], [0], [1], [0, 0, 1, 1], [], []>, precision = #tpu.contract_precision<fp32>, transpose_lhs_hint = false} : vector<2560x40xf32>, vector<40x64xf32>, vector<2560x64xf32> -> vector<2560x64xf32>
    %mul3A_196 = arith.mulf %dot_general3A_195, %select_n3A_43 : vector<2560x64xf32>
    %dot_general3A_197 = arith.constant dense<0.000000e+00> : vector<2560x64xf32>
    %dot_general3A_198 = tpu.matmul %select_n3A_35, %div3A_177, %dot_general3A_197 {dimension_numbers = #tpu.dot_dimension_numbers<[1], [0], [0], [1], [0, 0, 1, 1], [], []>, transpose_lhs_hint = false} : vector<2560x40xf32>, vector<40x64xf32>, vector<2560x64xf32> -> vector<2560x64xf32>
    %mul3A_199 = arith.mulf %dot_general3A_198, %select_n3A_43 : vector<2560x64xf32>
    %dot_general3A_200 = arith.constant dense<0.000000e+00> : vector<2560x64xf32>
    %dot_general3A_201 = tpu.matmul %select_n3A_35, %div3A_185, %dot_general3A_200 {dimension_numbers = #tpu.dot_dimension_numbers<[1], [0], [0], [1], [0, 0, 1, 1], [], []>, transpose_lhs_hint = false} : vector<2560x40xf32>, vector<40x64xf32>, vector<2560x64xf32> -> vector<2560x64xf32>
    %mul3A_202 = arith.mulf %dot_general3A_201, %select_n3A_43 : vector<2560x64xf32>
    %dot_general3A_203 = arith.constant dense<0.000000e+00> : vector<2560x64xf32>
    %dot_general3A_204 = tpu.matmul %select_n3A_35, %div3A_193, %dot_general3A_203 {dimension_numbers = #tpu.dot_dimension_numbers<[1], [0], [0], [1], [0, 0, 1, 1], [], []>, transpose_lhs_hint = false} : vector<2560x40xf32>, vector<40x64xf32>, vector<2560x64xf32> -> vector<2560x64xf32>
    %mul3A_205 = arith.mulf %dot_general3A_204, %select_n3A_43 : vector<2560x64xf32>
    %get3A_206 = arith.constant 0 : index
    %get3A_207 = arith.constant 0 : index
    %get3A_208 = vector.load %arg5[%get3A_206, %get3A_207] : memref<1x8xf32, #tpu.memory_space<vmem>>, vector<1x8xf32>
    %broadcast_in_dim3A_209 = vector.shape_cast %get3A_208 : vector<1x8xf32> to vector<1x8xf32>
    %broadcast_in_dim3A_210 = vector.broadcast %broadcast_in_dim3A_209 : vector<1x8xf32> to vector<64x8xf32>
    %dot_general3A_211 = arith.constant dense<0.000000e+00> : vector<2560x8xf32>
    %dot_general3A_212 = tpu.matmul %mul3A_196, %broadcast_in_dim3A_210, %dot_general3A_211 {dimension_numbers = #tpu.dot_dimension_numbers<[1], [0], [0], [1], [0, 0, 1, 1], [], []>, precision = #tpu.contract_precision<fp32>, transpose_lhs_hint = false} : vector<2560x64xf32>, vector<64x8xf32>, vector<2560x8xf32> -> vector<2560x8xf32>
    %get3A_213 = arith.constant 0 : index
    %get3A_214 = arith.constant 0 : index
    %get3A_215 = vector.load %arg7[%get3A_213, %get3A_214] : memref<1x8xf32, #tpu.memory_space<vmem>>, vector<1x8xf32>
    %add3A_216 = vector.broadcast %get3A_215 : vector<1x8xf32> to vector<2560x8xf32>
    %add3A_217 = arith.addf %dot_general3A_212, %add3A_216 : vector<2560x8xf32>
    %tanh3A = math.tanh %add3A_217 : vector<2560x8xf32>
    %get3A_218 = arith.constant 0 : index
    %get3A_219 = arith.constant 0 : index
    %get3A_220 = vector.load %arg8[%get3A_218, %get3A_219] : memref<8x16xf32, #tpu.memory_space<vmem>>, vector<8x16xf32>
    %dot_general3A_221 = arith.constant dense<0.000000e+00> : vector<2560x16xf32>
    %dot_general3A_222 = tpu.matmul %tanh3A, %get3A_220, %dot_general3A_221 {dimension_numbers = #tpu.dot_dimension_numbers<[1], [0], [0], [1], [0, 0, 1, 1], [], []>, transpose_lhs_hint = false} : vector<2560x8xf32>, vector<8x16xf32>, vector<2560x16xf32> -> vector<2560x16xf32>
    %get3A_223 = arith.constant 0 : index
    %get3A_224 = arith.constant 0 : index
    %get3A_225 = vector.load %arg9[%get3A_223, %get3A_224] : memref<1x16xf32, #tpu.memory_space<vmem>>, vector<1x16xf32>
    %add3A_226 = vector.broadcast %get3A_225 : vector<1x16xf32> to vector<2560x16xf32>
    %add3A_227 = arith.addf %dot_general3A_222, %add3A_226 : vector<2560x16xf32>
    %tanh3A_228 = math.tanh %add3A_227 : vector<2560x16xf32>
    %concatenate3A = tpu.concatenate %tanh3A, %tanh3A in 1 : vector<2560x8xf32>, vector<2560x8xf32> -> vector<2560x16xf32>
    %add3A_229 = arith.addf %concatenate3A, %tanh3A_228 : vector<2560x16xf32>
    %get3A_230 = arith.constant 0 : index
    %get3A_231 = arith.constant 0 : index
    %get3A_232 = vector.load %arg10[%get3A_230, %get3A_231] : memref<16x32xf32, #tpu.memory_space<vmem>>, vector<16x32xf32>
    %dot_general3A_233 = arith.constant dense<0.000000e+00> : vector<2560x32xf32>
    %dot_general3A_234 = tpu.matmul %add3A_229, %get3A_232, %dot_general3A_233 {dimension_numbers = #tpu.dot_dimension_numbers<[1], [0], [0], [1], [0, 0, 1, 1], [], []>, transpose_lhs_hint = false} : vector<2560x16xf32>, vector<16x32xf32>, vector<2560x32xf32> -> vector<2560x32xf32>
    %get3A_235 = arith.constant 0 : index
    %get3A_236 = arith.constant 0 : index
    %get3A_237 = vector.load %arg11[%get3A_235, %get3A_236] : memref<1x32xf32, #tpu.memory_space<vmem>>, vector<1x32xf32>
    %add3A_238 = vector.broadcast %get3A_237 : vector<1x32xf32> to vector<2560x32xf32>
    %add3A_239 = arith.addf %dot_general3A_234, %add3A_238 : vector<2560x32xf32>
    %tanh3A_240 = math.tanh %add3A_239 : vector<2560x32xf32>
    %concatenate3A_241 = tpu.concatenate %add3A_229, %add3A_229 in 1 : vector<2560x16xf32>, vector<2560x16xf32> -> vector<2560x32xf32>
    %add3A_242 = arith.addf %concatenate3A_241, %tanh3A_240 : vector<2560x32xf32>
    %dot_general3A_243 = arith.constant dense<0.000000e+00> : vector<2560x32xf32>
    %dot_general3A_244 = tpu.matmul %mul3A_196, %broadcast_in_dim3A_84, %dot_general3A_243 {dimension_numbers = #tpu.dot_dimension_numbers<[1], [0], [0], [1], [0, 0, 1, 1], [], []>, transpose_lhs_hint = false} : vector<2560x64xf32>, vector<64x32xf32>, vector<2560x32xf32> -> vector<2560x32xf32>
    %dot_general3A_245 = arith.constant dense<0.000000e+00> : vector<2560x32xf32>
    %dot_general3A_246 = tpu.matmul %mul3A_199, %broadcast_in_dim3A_84, %dot_general3A_245 {dimension_numbers = #tpu.dot_dimension_numbers<[1], [0], [0], [1], [0, 0, 1, 1], [], []>, transpose_lhs_hint = false} : vector<2560x64xf32>, vector<64x32xf32>, vector<2560x32xf32> -> vector<2560x32xf32>
    %dot_general3A_247 = arith.constant dense<0.000000e+00> : vector<2560x32xf32>
    %dot_general3A_248 = tpu.matmul %mul3A_202, %broadcast_in_dim3A_84, %dot_general3A_247 {dimension_numbers = #tpu.dot_dimension_numbers<[1], [0], [0], [1], [0, 0, 1, 1], [], []>, transpose_lhs_hint = false} : vector<2560x64xf32>, vector<64x32xf32>, vector<2560x32xf32> -> vector<2560x32xf32>
    %dot_general3A_249 = arith.constant dense<0.000000e+00> : vector<2560x32xf32>
    %dot_general3A_250 = tpu.matmul %mul3A_205, %broadcast_in_dim3A_84, %dot_general3A_249 {dimension_numbers = #tpu.dot_dimension_numbers<[1], [0], [0], [1], [0, 0, 1, 1], [], []>, transpose_lhs_hint = false} : vector<2560x64xf32>, vector<64x32xf32>, vector<2560x32xf32> -> vector<2560x32xf32>
    %convert_element_type3A = arith.truncf %add3A_242 : vector<2560x32xf32> to vector<2560x32xbf16>
    %convert_element_type3A_251 = arith.extf %convert_element_type3A : vector<2560x32xbf16> to vector<2560x32xf32>
    %mul3A_252 = arith.mulf %convert_element_type3A_251, %dot_general3A_244 : vector<2560x32xf32>
    %dot_general3A_253 = arith.constant dense<0.000000e+00> : vector<40x32xf32>
    %dot_general3A_254 = tpu.matmul %select_n3A_82, %mul3A_252, %dot_general3A_253 {dimension_numbers = #tpu.dot_dimension_numbers<[1], [0], [0], [1], [0, 0, 1, 1], [], []>, precision = #tpu.contract_precision<fp32>, transpose_lhs_hint = false} : vector<40x2560xf32>, vector<2560x32xf32>, vector<40x32xf32> -> vector<40x32xf32>
    %mul3A_255 = arith.constant 1.562500e-02 : f32
    %mul3A_256 = vector.broadcast %mul3A_255 : f32 to vector<40x32xf32>
    %mul3A_257 = arith.mulf %dot_general3A_254, %mul3A_256 : vector<40x32xf32>
    %mul3A_258 = arith.mulf %convert_element_type3A_251, %dot_general3A_246 : vector<2560x32xf32>
    %dot_general3A_259 = arith.constant dense<0.000000e+00> : vector<40x32xf32>
    %dot_general3A_260 = tpu.matmul %select_n3A_82, %mul3A_258, %dot_general3A_259 {dimension_numbers = #tpu.dot_dimension_numbers<[1], [0], [0], [1], [0, 0, 1, 1], [], []>, precision = #tpu.contract_precision<fp32>, transpose_lhs_hint = false} : vector<40x2560xf32>, vector<2560x32xf32>, vector<40x32xf32> -> vector<40x32xf32>
    %mul3A_261 = arith.constant 1.562500e-02 : f32
    %mul3A_262 = vector.broadcast %mul3A_261 : f32 to vector<40x32xf32>
    %mul3A_263 = arith.mulf %dot_general3A_260, %mul3A_262 : vector<40x32xf32>
    %mul3A_264 = arith.mulf %convert_element_type3A_251, %dot_general3A_248 : vector<2560x32xf32>
    %dot_general3A_265 = arith.constant dense<0.000000e+00> : vector<40x32xf32>
    %dot_general3A_266 = tpu.matmul %select_n3A_82, %mul3A_264, %dot_general3A_265 {dimension_numbers = #tpu.dot_dimension_numbers<[1], [0], [0], [1], [0, 0, 1, 1], [], []>, precision = #tpu.contract_precision<fp32>, transpose_lhs_hint = false} : vector<40x2560xf32>, vector<2560x32xf32>, vector<40x32xf32> -> vector<40x32xf32>
    %mul3A_267 = arith.constant 1.562500e-02 : f32
    %mul3A_268 = vector.broadcast %mul3A_267 : f32 to vector<40x32xf32>
    %mul3A_269 = arith.mulf %dot_general3A_266, %mul3A_268 : vector<40x32xf32>
    %mul3A_270 = arith.mulf %convert_element_type3A_251, %dot_general3A_250 : vector<2560x32xf32>
    %dot_general3A_271 = arith.constant dense<0.000000e+00> : vector<40x32xf32>
    %dot_general3A_272 = tpu.matmul %select_n3A_82, %mul3A_270, %dot_general3A_271 {dimension_numbers = #tpu.dot_dimension_numbers<[1], [0], [0], [1], [0, 0, 1, 1], [], []>, precision = #tpu.contract_precision<fp32>, transpose_lhs_hint = false} : vector<40x2560xf32>, vector<2560x32xf32>, vector<40x32xf32> -> vector<40x32xf32>
    %mul3A_273 = arith.constant 1.562500e-02 : f32
    %mul3A_274 = vector.broadcast %mul3A_273 : f32 to vector<40x32xf32>
    %mul3A_275 = arith.mulf %dot_general3A_272, %mul3A_274 : vector<40x32xf32>
    %convert_element_type3A_276 = arith.truncf %mul3A_257 : vector<40x32xf32> to vector<40x32xbf16>
    %convert_element_type3A_277 = arith.extf %convert_element_type3A_276 : vector<40x32xbf16> to vector<40x32xf32>
    %convert_element_type3A_278 = arith.truncf %mul3A_263 : vector<40x32xf32> to vector<40x32xbf16>
    %convert_element_type3A_279 = arith.extf %convert_element_type3A_278 : vector<40x32xbf16> to vector<40x32xf32>
    %convert_element_type3A_280 = arith.truncf %mul3A_269 : vector<40x32xf32> to vector<40x32xbf16>
    %convert_element_type3A_281 = arith.extf %convert_element_type3A_280 : vector<40x32xbf16> to vector<40x32xf32>
    %convert_element_type3A_282 = arith.truncf %mul3A_275 : vector<40x32xf32> to vector<40x32xbf16>
    %convert_element_type3A_283 = arith.extf %convert_element_type3A_282 : vector<40x32xbf16> to vector<40x32xf32>
    %slice3A_284 = vector.extract_strided_slice %convert_element_type3A_277 {offsets = [0, 0], sizes = [40, 1], strides = [1, 1]} : vector<40x32xf32> to vector<40x1xf32>
    %mul3A_285 = vector.broadcast %slice3A_284 : vector<40x1xf32> to vector<40x32xf32>
    %mul3A_286 = arith.mulf %convert_element_type3A_277, %mul3A_285 : vector<40x32xf32>
    %slice3A_287 = vector.extract_strided_slice %convert_element_type3A_279 {offsets = [0, 0], sizes = [40, 1], strides = [1, 1]} : vector<40x32xf32> to vector<40x1xf32>
    %mul3A_288 = vector.broadcast %slice3A_287 : vector<40x1xf32> to vector<40x32xf32>
    %mul3A_289 = arith.mulf %convert_element_type3A_279, %mul3A_288 : vector<40x32xf32>
    %add3A_290 = arith.addf %mul3A_286, %mul3A_289 : vector<40x32xf32>
    %slice3A_291 = vector.extract_strided_slice %convert_element_type3A_281 {offsets = [0, 0], sizes = [40, 1], strides = [1, 1]} : vector<40x32xf32> to vector<40x1xf32>
    %mul3A_292 = vector.broadcast %slice3A_291 : vector<40x1xf32> to vector<40x32xf32>
    %mul3A_293 = arith.mulf %convert_element_type3A_281, %mul3A_292 : vector<40x32xf32>
    %add3A_294 = arith.addf %add3A_290, %mul3A_293 : vector<40x32xf32>
    %slice3A_295 = vector.extract_strided_slice %convert_element_type3A_283 {offsets = [0, 0], sizes = [40, 1], strides = [1, 1]} : vector<40x32xf32> to vector<40x1xf32>
    %mul3A_296 = vector.broadcast %slice3A_295 : vector<40x1xf32> to vector<40x32xf32>
    %mul3A_297 = arith.mulf %convert_element_type3A_283, %mul3A_296 : vector<40x32xf32>
    %add3A_298 = arith.addf %add3A_294, %mul3A_297 : vector<40x32xf32>
    %slice3A_299 = vector.extract_strided_slice %convert_element_type3A_277 {offsets = [0, 1], sizes = [40, 1], strides = [1, 1]} : vector<40x32xf32> to vector<40x1xf32>
    %mul3A_300 = vector.broadcast %slice3A_299 : vector<40x1xf32> to vector<40x32xf32>
    %mul3A_301 = arith.mulf %convert_element_type3A_277, %mul3A_300 : vector<40x32xf32>
    %slice3A_302 = vector.extract_strided_slice %convert_element_type3A_279 {offsets = [0, 1], sizes = [40, 1], strides = [1, 1]} : vector<40x32xf32> to vector<40x1xf32>
    %mul3A_303 = vector.broadcast %slice3A_302 : vector<40x1xf32> to vector<40x32xf32>
    %mul3A_304 = arith.mulf %convert_element_type3A_279, %mul3A_303 : vector<40x32xf32>
    %add3A_305 = arith.addf %mul3A_301, %mul3A_304 : vector<40x32xf32>
    %slice3A_306 = vector.extract_strided_slice %convert_element_type3A_281 {offsets = [0, 1], sizes = [40, 1], strides = [1, 1]} : vector<40x32xf32> to vector<40x1xf32>
    %mul3A_307 = vector.broadcast %slice3A_306 : vector<40x1xf32> to vector<40x32xf32>
    %mul3A_308 = arith.mulf %convert_element_type3A_281, %mul3A_307 : vector<40x32xf32>
    %add3A_309 = arith.addf %add3A_305, %mul3A_308 : vector<40x32xf32>
    %slice3A_310 = vector.extract_strided_slice %convert_element_type3A_283 {offsets = [0, 1], sizes = [40, 1], strides = [1, 1]} : vector<40x32xf32> to vector<40x1xf32>
    %mul3A_311 = vector.broadcast %slice3A_310 : vector<40x1xf32> to vector<40x32xf32>
    %mul3A_312 = arith.mulf %convert_element_type3A_283, %mul3A_311 : vector<40x32xf32>
    %add3A_313 = arith.addf %add3A_309, %mul3A_312 : vector<40x32xf32>
    %slice3A_314 = vector.extract_strided_slice %convert_element_type3A_277 {offsets = [0, 2], sizes = [40, 1], strides = [1, 1]} : vector<40x32xf32> to vector<40x1xf32>
    %mul3A_315 = vector.broadcast %slice3A_314 : vector<40x1xf32> to vector<40x32xf32>
    %mul3A_316 = arith.mulf %convert_element_type3A_277, %mul3A_315 : vector<40x32xf32>
    %slice3A_317 = vector.extract_strided_slice %convert_element_type3A_279 {offsets = [0, 2], sizes = [40, 1], strides = [1, 1]} : vector<40x32xf32> to vector<40x1xf32>
    %mul3A_318 = vector.broadcast %slice3A_317 : vector<40x1xf32> to vector<40x32xf32>
    %mul3A_319 = arith.mulf %convert_element_type3A_279, %mul3A_318 : vector<40x32xf32>
    %add3A_320 = arith.addf %mul3A_316, %mul3A_319 : vector<40x32xf32>
    %slice3A_321 = vector.extract_strided_slice %convert_element_type3A_281 {offsets = [0, 2], sizes = [40, 1], strides = [1, 1]} : vector<40x32xf32> to vector<40x1xf32>
    %mul3A_322 = vector.broadcast %slice3A_321 : vector<40x1xf32> to vector<40x32xf32>
    %mul3A_323 = arith.mulf %convert_element_type3A_281, %mul3A_322 : vector<40x32xf32>
    %add3A_324 = arith.addf %add3A_320, %mul3A_323 : vector<40x32xf32>
    %slice3A_325 = vector.extract_strided_slice %convert_element_type3A_283 {offsets = [0, 2], sizes = [40, 1], strides = [1, 1]} : vector<40x32xf32> to vector<40x1xf32>
    %mul3A_326 = vector.broadcast %slice3A_325 : vector<40x1xf32> to vector<40x32xf32>
    %mul3A_327 = arith.mulf %convert_element_type3A_283, %mul3A_326 : vector<40x32xf32>
    %add3A_328 = arith.addf %add3A_324, %mul3A_327 : vector<40x32xf32>
    %slice3A_329 = vector.extract_strided_slice %convert_element_type3A_277 {offsets = [0, 3], sizes = [40, 1], strides = [1, 1]} : vector<40x32xf32> to vector<40x1xf32>
    %mul3A_330 = vector.broadcast %slice3A_329 : vector<40x1xf32> to vector<40x32xf32>
    %mul3A_331 = arith.mulf %convert_element_type3A_277, %mul3A_330 : vector<40x32xf32>
    %slice3A_332 = vector.extract_strided_slice %convert_element_type3A_279 {offsets = [0, 3], sizes = [40, 1], strides = [1, 1]} : vector<40x32xf32> to vector<40x1xf32>
    %mul3A_333 = vector.broadcast %slice3A_332 : vector<40x1xf32> to vector<40x32xf32>
    %mul3A_334 = arith.mulf %convert_element_type3A_279, %mul3A_333 : vector<40x32xf32>
    %add3A_335 = arith.addf %mul3A_331, %mul3A_334 : vector<40x32xf32>
    %slice3A_336 = vector.extract_strided_slice %convert_element_type3A_281 {offsets = [0, 3], sizes = [40, 1], strides = [1, 1]} : vector<40x32xf32> to vector<40x1xf32>
    %mul3A_337 = vector.broadcast %slice3A_336 : vector<40x1xf32> to vector<40x32xf32>
    %mul3A_338 = arith.mulf %convert_element_type3A_281, %mul3A_337 : vector<40x32xf32>
    %add3A_339 = arith.addf %add3A_335, %mul3A_338 : vector<40x32xf32>
    %slice3A_340 = vector.extract_strided_slice %convert_element_type3A_283 {offsets = [0, 3], sizes = [40, 1], strides = [1, 1]} : vector<40x32xf32> to vector<40x1xf32>
    %mul3A_341 = vector.broadcast %slice3A_340 : vector<40x1xf32> to vector<40x32xf32>
    %mul3A_342 = arith.mulf %convert_element_type3A_283, %mul3A_341 : vector<40x32xf32>
    %add3A_343 = arith.addf %add3A_339, %mul3A_342 : vector<40x32xf32>
    %concatenate3A_344 = tpu.concatenate %add3A_298, %add3A_313, %add3A_328, %add3A_343 in 1 : vector<40x32xf32>, vector<40x32xf32>, vector<40x32xf32>, vector<40x32xf32> -> vector<40x128xf32>
    %get3A_345 = arith.constant 0 : index
    %get3A_346 = arith.constant 0 : index
    %get3A_347 = vector.load %arg14[%get3A_345, %get3A_346] : memref<128x64xf32, #tpu.memory_space<vmem>>, vector<128x64xf32>
    %dot_general3A_348 = arith.constant dense<0.000000e+00> : vector<40x64xf32>
    %dot_general3A_349 = tpu.matmul %concatenate3A_344, %get3A_347, %dot_general3A_348 {dimension_numbers = #tpu.dot_dimension_numbers<[1], [0], [0], [1], [0, 0, 1, 1], [], []>, transpose_lhs_hint = false} : vector<40x128xf32>, vector<128x64xf32>, vector<40x64xf32> -> vector<40x64xf32>
    %get3A_350 = arith.constant 0 : index
    %get3A_351 = arith.constant 0 : index
    %get3A_352 = vector.load %arg15[%get3A_350, %get3A_351] : memref<1x64xf32, #tpu.memory_space<vmem>>, vector<1x64xf32>
    %add3A_353 = vector.broadcast %get3A_352 : vector<1x64xf32> to vector<40x64xf32>
    %add3A_354 = arith.addf %dot_general3A_349, %add3A_353 : vector<40x64xf32>
    %tanh3A_355 = math.tanh %add3A_354 : vector<40x64xf32>
    %get3A_356 = arith.constant 0 : index
    %get3A_357 = arith.constant 0 : index
    %get3A_358 = vector.load %arg17[%get3A_356, %get3A_357] : memref<64x64xf32, #tpu.memory_space<vmem>>, vector<64x64xf32>
    %dot_general3A_359 = arith.constant dense<0.000000e+00> : vector<40x64xf32>
    %dot_general3A_360 = tpu.matmul %tanh3A_355, %get3A_358, %dot_general3A_359 {dimension_numbers = #tpu.dot_dimension_numbers<[1], [0], [0], [1], [0, 0, 1, 1], [], []>, transpose_lhs_hint = false} : vector<40x64xf32>, vector<64x64xf32>, vector<40x64xf32> -> vector<40x64xf32>
    %get3A_361 = arith.constant 0 : index
    %get3A_362 = arith.constant 0 : index
    %get3A_363 = vector.load %arg18[%get3A_361, %get3A_362] : memref<1x64xf32, #tpu.memory_space<vmem>>, vector<1x64xf32>
    %add3A_364 = vector.broadcast %get3A_363 : vector<1x64xf32> to vector<40x64xf32>
    %add3A_365 = arith.addf %dot_general3A_360, %add3A_364 : vector<40x64xf32>
    %tanh3A_366 = math.tanh %add3A_365 : vector<40x64xf32>
    %add3A_367 = arith.addf %tanh3A_355, %tanh3A_366 : vector<40x64xf32>
    %get3A_368 = arith.constant 0 : index
    %get3A_369 = arith.constant 0 : index
    %get3A_370 = vector.load %arg20[%get3A_368, %get3A_369] : memref<64x64xf32, #tpu.memory_space<vmem>>, vector<64x64xf32>
    %dot_general3A_371 = arith.constant dense<0.000000e+00> : vector<40x64xf32>
    %dot_general3A_372 = tpu.matmul %add3A_367, %get3A_370, %dot_general3A_371 {dimension_numbers = #tpu.dot_dimension_numbers<[1], [0], [0], [1], [0, 0, 1, 1], [], []>, transpose_lhs_hint = false} : vector<40x64xf32>, vector<64x64xf32>, vector<40x64xf32> -> vector<40x64xf32>
    %get3A_373 = arith.constant 0 : index
    %get3A_374 = arith.constant 0 : index
    %get3A_375 = vector.load %arg21[%get3A_373, %get3A_374] : memref<1x64xf32, #tpu.memory_space<vmem>>, vector<1x64xf32>
    %add3A_376 = vector.broadcast %get3A_375 : vector<1x64xf32> to vector<40x64xf32>
    %add3A_377 = arith.addf %dot_general3A_372, %add3A_376 : vector<40x64xf32>
    %tanh3A_378 = math.tanh %add3A_377 : vector<40x64xf32>
    %add3A_379 = arith.addf %add3A_367, %tanh3A_378 : vector<40x64xf32>
    %convert_element_type3A_380 = arith.truncf %add3A_379 : vector<40x64xf32> to vector<40x64xbf16>
    %convert_element_type3A_381 = arith.extf %convert_element_type3A_380 : vector<40x64xbf16> to vector<40x64xf32>
    %get3A_382 = arith.constant 0 : index
    %get3A_383 = arith.constant 0 : index
    %get3A_384 = vector.load %arg23[%get3A_382, %get3A_383] : memref<1x64xf32, #tpu.memory_space<vmem>>, vector<1x64xf32>
    %mul3A_385 = vector.broadcast %get3A_384 : vector<1x64xf32> to vector<40x64xf32>
    %mul3A_386 = arith.mulf %convert_element_type3A_381, %mul3A_385 : vector<40x64xf32>
    %reduce_sum3A = arith.constant dense<0.000000e+00> : vector<40xf32>
    %reduce_sum3A_387 = vector.multi_reduction <add>, %mul3A_386, %reduce_sum3A [1] : vector<40x64xf32> to vector<40xf32>
    %broadcast_in_dim3A_388 = vector.shape_cast %reduce_sum3A_387 : vector<40xf32> to vector<40x1xf32>
    %get3A_389 = arith.constant 0 : index
    %get3A_390 = arith.constant 0 : index
    %get3A_391 = vector.load %arg24[%get3A_389, %get3A_390] : memref<1x1xf32, #tpu.memory_space<vmem>>, vector<1x1xf32>
    %add3A_392 = vector.broadcast %get3A_391 : vector<1x1xf32> to vector<40x1xf32>
    %add3A_393 = arith.addf %broadcast_in_dim3A_388, %add3A_392 : vector<40x1xf32>
    %swap3A = arith.constant 0 : index
    %swap3A_394 = arith.constant 0 : index
    %swap3A_395 = vector.load %arg25[%swap3A, %swap3A_394] : memref<40x1xf32, #tpu.memory_space<vmem>>, vector<40x1xf32>
    tpu.vector_store %arg25[%swap3A, %swap3A_394], %add3A_393 {strides = array<i32>} : memref<40x1xf32, #tpu.memory_space<vmem>>, vector<40x1xf32>,
    %eq3A_396 = arith.constant 0 : i32
    %eq3A_397 = arith.cmpi eq, %arg0, %eq3A_396 : i32
    %convert_element_type3A_398 = arith.extui %eq3A_397 : i1 to i32
    %cond3A = arith.constant 0 : i32
    %cond3A_399 = arith.cmpi ne, %convert_element_type3A_398, %cond3A : i32
    scf.if %cond3A_399 {
      %broadcast_in_dim3A_998 = arith.constant 0.000000e+00 : f32
      %broadcast_in_dim3A_999 = vector.broadcast %broadcast_in_dim3A_998 : f32 to vector<1x1xf32>
      %swap3A_1000 = arith.constant 0 : index
      %swap3A_1001 = arith.constant 0 : index
      %swap3A_1002 = vector.load %arg26[%swap3A_1000, %swap3A_1001] : memref<1x1xf32, #tpu.memory_space<vmem>>, vector<1x1xf32>
      tpu.vector_store %arg26[%swap3A_1000, %swap3A_1001], %broadcast_in_dim3A_999 {strides = array<i32>} : memref<1x1xf32, #tpu.memory_space<vmem>>, vector<1x1xf32>,
    } else {
    }
    %get3A_400 = arith.constant 0 : index
    %get3A_401 = arith.constant 0 : index
    %get3A_402 = vector.load %arg26[%get3A_400, %get3A_401] : memref<1x1xf32, #tpu.memory_space<vmem>>, vector<1x1xf32>
    %reduce_sum3A_403 = vector.shape_cast %add3A_393 : vector<40x1xf32> to vector<1x40x1xf32>
    %reduce_sum3A_404 = arith.constant dense<0.000000e+00> : vector<1xf32>
    %reduce_sum3A_405 = vector.multi_reduction <add>, %reduce_sum3A_403, %reduce_sum3A_404 [1, 2] : vector<1x40x1xf32> to vector<1xf32>
    %reduce_sum3A_406 = vector.shape_cast %reduce_sum3A_405 : vector<1xf32> to vector<1x1x1xf32>
    %reduce_sum3A_407 = vector.extract %reduce_sum3A_406[0, 0, 0] : f32 from vector<1x1x1xf32>
    %reshape3A = vector.broadcast %reduce_sum3A_407 : f32 to vector<1x1xf32>
    %add3A_408 = arith.addf %get3A_402, %reshape3A : vector<1x1xf32>
    %swap3A_409 = arith.constant 0 : index
    %swap3A_410 = arith.constant 0 : index
    %swap3A_411 = vector.load %arg26[%swap3A_409, %swap3A_410] : memref<1x1xf32, #tpu.memory_space<vmem>>, vector<1x1xf32>
    tpu.vector_store %arg26[%swap3A_409, %swap3A_410], %add3A_408 {strides = array<i32>} : memref<1x1xf32, #tpu.memory_space<vmem>>, vector<1x1xf32>,
    %get3A_412 = arith.constant 0 : index
    %get3A_413 = arith.constant 0 : index
    %get3A_414 = vector.load %arg23[%get3A_412, %get3A_413] : memref<1x64xf32, #tpu.memory_space<vmem>>, vector<1x64xf32>
    %broadcast_in_dim3A_415 = vector.shape_cast %get3A_414 : vector<1x64xf32> to vector<1x64xf32>
    %broadcast_in_dim3A_416 = vector.broadcast %broadcast_in_dim3A_415 : vector<1x64xf32> to vector<40x64xf32>
    %mul3A_417 = arith.mulf %tanh3A_378, %tanh3A_378 : vector<40x64xf32>
    %sub3A_418 = arith.constant 1.000000e+00 : f32
    %sub3A_419 = vector.broadcast %sub3A_418 : f32 to vector<40x64xf32>
    %sub3A_420 = arith.subf %sub3A_419, %mul3A_417 : vector<40x64xf32>
    %mul3A_421 = arith.mulf %sub3A_420, %broadcast_in_dim3A_416 : vector<40x64xf32>
    %get3A_422 = arith.constant 0 : index
    %get3A_423 = arith.constant 0 : index
    %get3A_424 = vector.load %arg22[%get3A_422, %get3A_423] : memref<64x64xf32, #tpu.memory_space<vmem>>, vector<64x64xf32>
    %dot_general3A_425 = arith.constant dense<0.000000e+00> : vector<40x64xf32>
    %dot_general3A_426 = tpu.matmul %mul3A_421, %get3A_424, %dot_general3A_425 {dimension_numbers = #tpu.dot_dimension_numbers<[1], [0], [0], [1], [0, 0, 1, 1], [], []>, transpose_lhs_hint = false} : vector<40x64xf32>, vector<64x64xf32>, vector<40x64xf32> -> vector<40x64xf32>
    %add3A_427 = arith.addf %broadcast_in_dim3A_416, %dot_general3A_426 : vector<40x64xf32>
    %mul3A_428 = arith.mulf %tanh3A_366, %tanh3A_366 : vector<40x64xf32>
    %sub3A_429 = arith.constant 1.000000e+00 : f32
    %sub3A_430 = vector.broadcast %sub3A_429 : f32 to vector<40x64xf32>
    %sub3A_431 = arith.subf %sub3A_430, %mul3A_428 : vector<40x64xf32>
    %mul3A_432 = arith.mulf %sub3A_431, %add3A_427 : vector<40x64xf32>
    %get3A_433 = arith.constant 0 : index
    %get3A_434 = arith.constant 0 : index
    %get3A_435 = vector.load %arg19[%get3A_433, %get3A_434] : memref<64x64xf32, #tpu.memory_space<vmem>>, vector<64x64xf32>
    %dot_general3A_436 = arith.constant dense<0.000000e+00> : vector<40x64xf32>
    %dot_general3A_437 = tpu.matmul %mul3A_432, %get3A_435, %dot_general3A_436 {dimension_numbers = #tpu.dot_dimension_numbers<[1], [0], [0], [1], [0, 0, 1, 1], [], []>, transpose_lhs_hint = false} : vector<40x64xf32>, vector<64x64xf32>, vector<40x64xf32> -> vector<40x64xf32>
    %add3A_438 = arith.addf %add3A_427, %dot_general3A_437 : vector<40x64xf32>
    %mul3A_439 = arith.mulf %tanh3A_355, %tanh3A_355 : vector<40x64xf32>
    %sub3A_440 = arith.constant 1.000000e+00 : f32
    %sub3A_441 = vector.broadcast %sub3A_440 : f32 to vector<40x64xf32>
    %sub3A_442 = arith.subf %sub3A_441, %mul3A_439 : vector<40x64xf32>
    %mul3A_443 = arith.mulf %sub3A_442, %add3A_438 : vector<40x64xf32>
    %get3A_444 = arith.constant 0 : index
    %get3A_445 = arith.constant 0 : index
    %get3A_446 = vector.load %arg16[%get3A_444, %get3A_445] : memref<64x128xf32, #tpu.memory_space<vmem>>, vector<64x128xf32>
    %dot_general3A_447 = arith.constant dense<0.000000e+00> : vector<40x128xf32>
    %dot_general3A_448 = tpu.matmul %mul3A_443, %get3A_446, %dot_general3A_447 {dimension_numbers = #tpu.dot_dimension_numbers<[1], [0], [0], [1], [0, 0, 1, 1], [], []>, transpose_lhs_hint = false} : vector<40x64xf32>, vector<64x128xf32>, vector<40x128xf32> -> vector<40x128xf32>
    %iota3A_449 = tpu.iota {dimensions = array<i32: 1>} : vector<1x32xi32>
    %convert_element_type3A_450 = arith.truncf %dot_general3A_448 : vector<40x128xf32> to vector<40x128xbf16>
    %convert_element_type3A_451 = arith.extf %convert_element_type3A_450 : vector<40x128xbf16> to vector<40x128xf32>
    %slice3A_452 = vector.extract_strided_slice %convert_element_type3A_451 {offsets = [0, 0], sizes = [40, 32], strides = [1, 1]} : vector<40x128xf32> to vector<40x32xf32>
    %slice3A_453 = vector.extract_strided_slice %convert_element_type3A_277 {offsets = [0, 0], sizes = [40, 1], strides = [1, 1]} : vector<40x32xf32> to vector<40x1xf32>
    %mul3A_454 = vector.broadcast %slice3A_453 : vector<40x1xf32> to vector<40x32xf32>
    %mul3A_455 = arith.mulf %slice3A_452, %mul3A_454 : vector<40x32xf32>
    %mul3A_456 = arith.mulf %slice3A_452, %convert_element_type3A_277 : vector<40x32xf32>
    %reduce_sum3A_457 = arith.constant dense<0.000000e+00> : vector<40xf32>
    %reduce_sum3A_458 = vector.multi_reduction <add>, %mul3A_456, %reduce_sum3A_457 [1] : vector<40x32xf32> to vector<40xf32>
    %broadcast_in_dim3A_459 = vector.shape_cast %reduce_sum3A_458 : vector<40xf32> to vector<40x1xf32>
    %eq3A_460 = arith.constant 0 : i32
    %eq3A_461 = vector.broadcast %eq3A_460 : i32 to vector<1x32xi32>
    %eq3A_462 = arith.cmpi eq, %iota3A_449, %eq3A_461 : vector<1x32xi32>
    %jit3A_463 = arith.constant 0.000000e+00 : f32
    %broadcast_in_dim3A_464 = vector.shape_cast %eq3A_462 : vector<1x32xi1> to vector<1x32xi1>
    %broadcast_in_dim3A_465 = vector.broadcast %broadcast_in_dim3A_464 : vector<1x32xi1> to vector<40x32xi1>
    %broadcast_in_dim3A_466 = vector.shape_cast %broadcast_in_dim3A_459 : vector<40x1xf32> to vector<40x1xf32>
    %broadcast_in_dim3A_467 = vector.broadcast %broadcast_in_dim3A_466 : vector<40x1xf32> to vector<40x32xf32>
    %broadcast_in_dim3A_468 = vector.broadcast %jit3A_463 : f32 to vector<40x32xf32>
    %select_n3A_469 = arith.select %broadcast_in_dim3A_465, %broadcast_in_dim3A_467, %broadcast_in_dim3A_468 : vector<40x32xi1>, vector<40x32xf32>
    %add3A_470 = arith.addf %mul3A_455, %select_n3A_469 : vector<40x32xf32>
    %slice3A_471 = vector.extract_strided_slice %convert_element_type3A_451 {offsets = [0, 32], sizes = [40, 32], strides = [1, 1]} : vector<40x128xf32> to vector<40x32xf32>
    %slice3A_472 = vector.extract_strided_slice %convert_element_type3A_277 {offsets = [0, 1], sizes = [40, 1], strides = [1, 1]} : vector<40x32xf32> to vector<40x1xf32>
    %mul3A_473 = vector.broadcast %slice3A_472 : vector<40x1xf32> to vector<40x32xf32>
    %mul3A_474 = arith.mulf %slice3A_471, %mul3A_473 : vector<40x32xf32>
    %mul3A_475 = arith.mulf %slice3A_471, %convert_element_type3A_277 : vector<40x32xf32>
    %reduce_sum3A_476 = arith.constant dense<0.000000e+00> : vector<40xf32>
    %reduce_sum3A_477 = vector.multi_reduction <add>, %mul3A_475, %reduce_sum3A_476 [1] : vector<40x32xf32> to vector<40xf32>
    %broadcast_in_dim3A_478 = vector.shape_cast %reduce_sum3A_477 : vector<40xf32> to vector<40x1xf32>
    %eq3A_479 = arith.constant 1 : i32
    %eq3A_480 = vector.broadcast %eq3A_479 : i32 to vector<1x32xi32>
    %eq3A_481 = arith.cmpi eq, %iota3A_449, %eq3A_480 : vector<1x32xi32>
    %jit3A_482 = arith.constant 0.000000e+00 : f32
    %broadcast_in_dim3A_483 = vector.shape_cast %eq3A_481 : vector<1x32xi1> to vector<1x32xi1>
    %broadcast_in_dim3A_484 = vector.broadcast %broadcast_in_dim3A_483 : vector<1x32xi1> to vector<40x32xi1>
    %broadcast_in_dim3A_485 = vector.shape_cast %broadcast_in_dim3A_478 : vector<40x1xf32> to vector<40x1xf32>
    %broadcast_in_dim3A_486 = vector.broadcast %broadcast_in_dim3A_485 : vector<40x1xf32> to vector<40x32xf32>
    %broadcast_in_dim3A_487 = vector.broadcast %jit3A_482 : f32 to vector<40x32xf32>
    %select_n3A_488 = arith.select %broadcast_in_dim3A_484, %broadcast_in_dim3A_486, %broadcast_in_dim3A_487 : vector<40x32xi1>, vector<40x32xf32>
    %add3A_489 = arith.addf %mul3A_474, %select_n3A_488 : vector<40x32xf32>
    %add3A_490 = arith.addf %add3A_470, %add3A_489 : vector<40x32xf32>
    %slice3A_491 = vector.extract_strided_slice %convert_element_type3A_451 {offsets = [0, 64], sizes = [40, 32], strides = [1, 1]} : vector<40x128xf32> to vector<40x32xf32>
    %slice3A_492 = vector.extract_strided_slice %convert_element_type3A_277 {offsets = [0, 2], sizes = [40, 1], strides = [1, 1]} : vector<40x32xf32> to vector<40x1xf32>
    %mul3A_493 = vector.broadcast %slice3A_492 : vector<40x1xf32> to vector<40x32xf32>
    %mul3A_494 = arith.mulf %slice3A_491, %mul3A_493 : vector<40x32xf32>
    %mul3A_495 = arith.mulf %slice3A_491, %convert_element_type3A_277 : vector<40x32xf32>
    %reduce_sum3A_496 = arith.constant dense<0.000000e+00> : vector<40xf32>
    %reduce_sum3A_497 = vector.multi_reduction <add>, %mul3A_495, %reduce_sum3A_496 [1] : vector<40x32xf32> to vector<40xf32>
    %broadcast_in_dim3A_498 = vector.shape_cast %reduce_sum3A_497 : vector<40xf32> to vector<40x1xf32>
    %eq3A_499 = arith.constant 2 : i32
    %eq3A_500 = vector.broadcast %eq3A_499 : i32 to vector<1x32xi32>
    %eq3A_501 = arith.cmpi eq, %iota3A_449, %eq3A_500 : vector<1x32xi32>
    %jit3A_502 = arith.constant 0.000000e+00 : f32
    %broadcast_in_dim3A_503 = vector.shape_cast %eq3A_501 : vector<1x32xi1> to vector<1x32xi1>
    %broadcast_in_dim3A_504 = vector.broadcast %broadcast_in_dim3A_503 : vector<1x32xi1> to vector<40x32xi1>
    %broadcast_in_dim3A_505 = vector.shape_cast %broadcast_in_dim3A_498 : vector<40x1xf32> to vector<40x1xf32>
    %broadcast_in_dim3A_506 = vector.broadcast %broadcast_in_dim3A_505 : vector<40x1xf32> to vector<40x32xf32>
    %broadcast_in_dim3A_507 = vector.broadcast %jit3A_502 : f32 to vector<40x32xf32>
    %select_n3A_508 = arith.select %broadcast_in_dim3A_504, %broadcast_in_dim3A_506, %broadcast_in_dim3A_507 : vector<40x32xi1>, vector<40x32xf32>
    %add3A_509 = arith.addf %mul3A_494, %select_n3A_508 : vector<40x32xf32>
    %add3A_510 = arith.addf %add3A_490, %add3A_509 : vector<40x32xf32>
    %slice3A_511 = vector.extract_strided_slice %convert_element_type3A_451 {offsets = [0, 96], sizes = [40, 32], strides = [1, 1]} : vector<40x128xf32> to vector<40x32xf32>
    %slice3A_512 = vector.extract_strided_slice %convert_element_type3A_277 {offsets = [0, 3], sizes = [40, 1], strides = [1, 1]} : vector<40x32xf32> to vector<40x1xf32>
    %mul3A_513 = vector.broadcast %slice3A_512 : vector<40x1xf32> to vector<40x32xf32>
    %mul3A_514 = arith.mulf %slice3A_511, %mul3A_513 : vector<40x32xf32>
    %mul3A_515 = arith.mulf %slice3A_511, %convert_element_type3A_277 : vector<40x32xf32>
    %reduce_sum3A_516 = arith.constant dense<0.000000e+00> : vector<40xf32>
    %reduce_sum3A_517 = vector.multi_reduction <add>, %mul3A_515, %reduce_sum3A_516 [1] : vector<40x32xf32> to vector<40xf32>
    %broadcast_in_dim3A_518 = vector.shape_cast %reduce_sum3A_517 : vector<40xf32> to vector<40x1xf32>
    %eq3A_519 = arith.constant 3 : i32
    %eq3A_520 = vector.broadcast %eq3A_519 : i32 to vector<1x32xi32>
    %eq3A_521 = arith.cmpi eq, %iota3A_449, %eq3A_520 : vector<1x32xi32>
    %jit3A_522 = arith.constant 0.000000e+00 : f32
    %broadcast_in_dim3A_523 = vector.shape_cast %eq3A_521 : vector<1x32xi1> to vector<1x32xi1>
    %broadcast_in_dim3A_524 = vector.broadcast %broadcast_in_dim3A_523 : vector<1x32xi1> to vector<40x32xi1>
    %broadcast_in_dim3A_525 = vector.shape_cast %broadcast_in_dim3A_518 : vector<40x1xf32> to vector<40x1xf32>
    %broadcast_in_dim3A_526 = vector.broadcast %broadcast_in_dim3A_525 : vector<40x1xf32> to vector<40x32xf32>
    %broadcast_in_dim3A_527 = vector.broadcast %jit3A_522 : f32 to vector<40x32xf32>
    %select_n3A_528 = arith.select %broadcast_in_dim3A_524, %broadcast_in_dim3A_526, %broadcast_in_dim3A_527 : vector<40x32xi1>, vector<40x32xf32>
    %add3A_529 = arith.addf %mul3A_514, %select_n3A_528 : vector<40x32xf32>
    %add3A_530 = arith.addf %add3A_510, %add3A_529 : vector<40x32xf32>
    %slice3A_531 = vector.extract_strided_slice %convert_element_type3A_451 {offsets = [0, 0], sizes = [40, 32], strides = [1, 1]} : vector<40x128xf32> to vector<40x32xf32>
    %slice3A_532 = vector.extract_strided_slice %convert_element_type3A_279 {offsets = [0, 0], sizes = [40, 1], strides = [1, 1]} : vector<40x32xf32> to vector<40x1xf32>
    %mul3A_533 = vector.broadcast %slice3A_532 : vector<40x1xf32> to vector<40x32xf32>
    %mul3A_534 = arith.mulf %slice3A_531, %mul3A_533 : vector<40x32xf32>
    %mul3A_535 = arith.mulf %slice3A_531, %convert_element_type3A_279 : vector<40x32xf32>
    %reduce_sum3A_536 = arith.constant dense<0.000000e+00> : vector<40xf32>
    %reduce_sum3A_537 = vector.multi_reduction <add>, %mul3A_535, %reduce_sum3A_536 [1] : vector<40x32xf32> to vector<40xf32>
    %broadcast_in_dim3A_538 = vector.shape_cast %reduce_sum3A_537 : vector<40xf32> to vector<40x1xf32>
    %eq3A_539 = arith.constant 0 : i32
    %eq3A_540 = vector.broadcast %eq3A_539 : i32 to vector<1x32xi32>
    %eq3A_541 = arith.cmpi eq, %iota3A_449, %eq3A_540 : vector<1x32xi32>
    %jit3A_542 = arith.constant 0.000000e+00 : f32
    %broadcast_in_dim3A_543 = vector.shape_cast %eq3A_541 : vector<1x32xi1> to vector<1x32xi1>
    %broadcast_in_dim3A_544 = vector.broadcast %broadcast_in_dim3A_543 : vector<1x32xi1> to vector<40x32xi1>
    %broadcast_in_dim3A_545 = vector.shape_cast %broadcast_in_dim3A_538 : vector<40x1xf32> to vector<40x1xf32>
    %broadcast_in_dim3A_546 = vector.broadcast %broadcast_in_dim3A_545 : vector<40x1xf32> to vector<40x32xf32>
    %broadcast_in_dim3A_547 = vector.broadcast %jit3A_542 : f32 to vector<40x32xf32>
    %select_n3A_548 = arith.select %broadcast_in_dim3A_544, %broadcast_in_dim3A_546, %broadcast_in_dim3A_547 : vector<40x32xi1>, vector<40x32xf32>
    %add3A_549 = arith.addf %mul3A_534, %select_n3A_548 : vector<40x32xf32>
    %slice3A_550 = vector.extract_strided_slice %convert_element_type3A_451 {offsets = [0, 32], sizes = [40, 32], strides = [1, 1]} : vector<40x128xf32> to vector<40x32xf32>
    %slice3A_551 = vector.extract_strided_slice %convert_element_type3A_279 {offsets = [0, 1], sizes = [40, 1], strides = [1, 1]} : vector<40x32xf32> to vector<40x1xf32>
    %mul3A_552 = vector.broadcast %slice3A_551 : vector<40x1xf32> to vector<40x32xf32>
    %mul3A_553 = arith.mulf %slice3A_550, %mul3A_552 : vector<40x32xf32>
    %mul3A_554 = arith.mulf %slice3A_550, %convert_element_type3A_279 : vector<40x32xf32>
    %reduce_sum3A_555 = arith.constant dense<0.000000e+00> : vector<40xf32>
    %reduce_sum3A_556 = vector.multi_reduction <add>, %mul3A_554, %reduce_sum3A_555 [1] : vector<40x32xf32> to vector<40xf32>
    %broadcast_in_dim3A_557 = vector.shape_cast %reduce_sum3A_556 : vector<40xf32> to vector<40x1xf32>
    %eq3A_558 = arith.constant 1 : i32
    %eq3A_559 = vector.broadcast %eq3A_558 : i32 to vector<1x32xi32>
    %eq3A_560 = arith.cmpi eq, %iota3A_449, %eq3A_559 : vector<1x32xi32>
    %jit3A_561 = arith.constant 0.000000e+00 : f32
    %broadcast_in_dim3A_562 = vector.shape_cast %eq3A_560 : vector<1x32xi1> to vector<1x32xi1>
    %broadcast_in_dim3A_563 = vector.broadcast %broadcast_in_dim3A_562 : vector<1x32xi1> to vector<40x32xi1>
    %broadcast_in_dim3A_564 = vector.shape_cast %broadcast_in_dim3A_557 : vector<40x1xf32> to vector<40x1xf32>
    %broadcast_in_dim3A_565 = vector.broadcast %broadcast_in_dim3A_564 : vector<40x1xf32> to vector<40x32xf32>
    %broadcast_in_dim3A_566 = vector.broadcast %jit3A_561 : f32 to vector<40x32xf32>
    %select_n3A_567 = arith.select %broadcast_in_dim3A_563, %broadcast_in_dim3A_565, %broadcast_in_dim3A_566 : vector<40x32xi1>, vector<40x32xf32>
    %add3A_568 = arith.addf %mul3A_553, %select_n3A_567 : vector<40x32xf32>
    %add3A_569 = arith.addf %add3A_549, %add3A_568 : vector<40x32xf32>
    %slice3A_570 = vector.extract_strided_slice %convert_element_type3A_451 {offsets = [0, 64], sizes = [40, 32], strides = [1, 1]} : vector<40x128xf32> to vector<40x32xf32>
    %slice3A_571 = vector.extract_strided_slice %convert_element_type3A_279 {offsets = [0, 2], sizes = [40, 1], strides = [1, 1]} : vector<40x32xf32> to vector<40x1xf32>
    %mul3A_572 = vector.broadcast %slice3A_571 : vector<40x1xf32> to vector<40x32xf32>
    %mul3A_573 = arith.mulf %slice3A_570, %mul3A_572 : vector<40x32xf32>
    %mul3A_574 = arith.mulf %slice3A_570, %convert_element_type3A_279 : vector<40x32xf32>
    %reduce_sum3A_575 = arith.constant dense<0.000000e+00> : vector<40xf32>
    %reduce_sum3A_576 = vector.multi_reduction <add>, %mul3A_574, %reduce_sum3A_575 [1] : vector<40x32xf32> to vector<40xf32>
    %broadcast_in_dim3A_577 = vector.shape_cast %reduce_sum3A_576 : vector<40xf32> to vector<40x1xf32>
    %eq3A_578 = arith.constant 2 : i32
    %eq3A_579 = vector.broadcast %eq3A_578 : i32 to vector<1x32xi32>
    %eq3A_580 = arith.cmpi eq, %iota3A_449, %eq3A_579 : vector<1x32xi32>
    %jit3A_581 = arith.constant 0.000000e+00 : f32
    %broadcast_in_dim3A_582 = vector.shape_cast %eq3A_580 : vector<1x32xi1> to vector<1x32xi1>
    %broadcast_in_dim3A_583 = vector.broadcast %broadcast_in_dim3A_582 : vector<1x32xi1> to vector<40x32xi1>
    %broadcast_in_dim3A_584 = vector.shape_cast %broadcast_in_dim3A_577 : vector<40x1xf32> to vector<40x1xf32>
    %broadcast_in_dim3A_585 = vector.broadcast %broadcast_in_dim3A_584 : vector<40x1xf32> to vector<40x32xf32>
    %broadcast_in_dim3A_586 = vector.broadcast %jit3A_581 : f32 to vector<40x32xf32>
    %select_n3A_587 = arith.select %broadcast_in_dim3A_583, %broadcast_in_dim3A_585, %broadcast_in_dim3A_586 : vector<40x32xi1>, vector<40x32xf32>
    %add3A_588 = arith.addf %mul3A_573, %select_n3A_587 : vector<40x32xf32>
    %add3A_589 = arith.addf %add3A_569, %add3A_588 : vector<40x32xf32>
    %slice3A_590 = vector.extract_strided_slice %convert_element_type3A_451 {offsets = [0, 96], sizes = [40, 32], strides = [1, 1]} : vector<40x128xf32> to vector<40x32xf32>
    %slice3A_591 = vector.extract_strided_slice %convert_element_type3A_279 {offsets = [0, 3], sizes = [40, 1], strides = [1, 1]} : vector<40x32xf32> to vector<40x1xf32>
    %mul3A_592 = vector.broadcast %slice3A_591 : vector<40x1xf32> to vector<40x32xf32>
    %mul3A_593 = arith.mulf %slice3A_590, %mul3A_592 : vector<40x32xf32>
    %mul3A_594 = arith.mulf %slice3A_590, %convert_element_type3A_279 : vector<40x32xf32>
    %reduce_sum3A_595 = arith.constant dense<0.000000e+00> : vector<40xf32>
    %reduce_sum3A_596 = vector.multi_reduction <add>, %mul3A_594, %reduce_sum3A_595 [1] : vector<40x32xf32> to vector<40xf32>
    %broadcast_in_dim3A_597 = vector.shape_cast %reduce_sum3A_596 : vector<40xf32> to vector<40x1xf32>
    %eq3A_598 = arith.constant 3 : i32
    %eq3A_599 = vector.broadcast %eq3A_598 : i32 to vector<1x32xi32>
    %eq3A_600 = arith.cmpi eq, %iota3A_449, %eq3A_599 : vector<1x32xi32>
    %jit3A_601 = arith.constant 0.000000e+00 : f32
    %broadcast_in_dim3A_602 = vector.shape_cast %eq3A_600 : vector<1x32xi1> to vector<1x32xi1>
    %broadcast_in_dim3A_603 = vector.broadcast %broadcast_in_dim3A_602 : vector<1x32xi1> to vector<40x32xi1>
    %broadcast_in_dim3A_604 = vector.shape_cast %broadcast_in_dim3A_597 : vector<40x1xf32> to vector<40x1xf32>
    %broadcast_in_dim3A_605 = vector.broadcast %broadcast_in_dim3A_604 : vector<40x1xf32> to vector<40x32xf32>
    %broadcast_in_dim3A_606 = vector.broadcast %jit3A_601 : f32 to vector<40x32xf32>
    %select_n3A_607 = arith.select %broadcast_in_dim3A_603, %broadcast_in_dim3A_605, %broadcast_in_dim3A_606 : vector<40x32xi1>, vector<40x32xf32>
    %add3A_608 = arith.addf %mul3A_593, %select_n3A_607 : vector<40x32xf32>
    %add3A_609 = arith.addf %add3A_589, %add3A_608 : vector<40x32xf32>
    %slice3A_610 = vector.extract_strided_slice %convert_element_type3A_451 {offsets = [0, 0], sizes = [40, 32], strides = [1, 1]} : vector<40x128xf32> to vector<40x32xf32>
    %slice3A_611 = vector.extract_strided_slice %convert_element_type3A_281 {offsets = [0, 0], sizes = [40, 1], strides = [1, 1]} : vector<40x32xf32> to vector<40x1xf32>
    %mul3A_612 = vector.broadcast %slice3A_611 : vector<40x1xf32> to vector<40x32xf32>
    %mul3A_613 = arith.mulf %slice3A_610, %mul3A_612 : vector<40x32xf32>
    %mul3A_614 = arith.mulf %slice3A_610, %convert_element_type3A_281 : vector<40x32xf32>
    %reduce_sum3A_615 = arith.constant dense<0.000000e+00> : vector<40xf32>
    %reduce_sum3A_616 = vector.multi_reduction <add>, %mul3A_614, %reduce_sum3A_615 [1] : vector<40x32xf32> to vector<40xf32>
    %broadcast_in_dim3A_617 = vector.shape_cast %reduce_sum3A_616 : vector<40xf32> to vector<40x1xf32>
    %eq3A_618 = arith.constant 0 : i32
    %eq3A_619 = vector.broadcast %eq3A_618 : i32 to vector<1x32xi32>
    %eq3A_620 = arith.cmpi eq, %iota3A_449, %eq3A_619 : vector<1x32xi32>
    %jit3A_621 = arith.constant 0.000000e+00 : f32
    %broadcast_in_dim3A_622 = vector.shape_cast %eq3A_620 : vector<1x32xi1> to vector<1x32xi1>
    %broadcast_in_dim3A_623 = vector.broadcast %broadcast_in_dim3A_622 : vector<1x32xi1> to vector<40x32xi1>
    %broadcast_in_dim3A_624 = vector.shape_cast %broadcast_in_dim3A_617 : vector<40x1xf32> to vector<40x1xf32>
    %broadcast_in_dim3A_625 = vector.broadcast %broadcast_in_dim3A_624 : vector<40x1xf32> to vector<40x32xf32>
    %broadcast_in_dim3A_626 = vector.broadcast %jit3A_621 : f32 to vector<40x32xf32>
    %select_n3A_627 = arith.select %broadcast_in_dim3A_623, %broadcast_in_dim3A_625, %broadcast_in_dim3A_626 : vector<40x32xi1>, vector<40x32xf32>
    %add3A_628 = arith.addf %mul3A_613, %select_n3A_627 : vector<40x32xf32>
    %slice3A_629 = vector.extract_strided_slice %convert_element_type3A_451 {offsets = [0, 32], sizes = [40, 32], strides = [1, 1]} : vector<40x128xf32> to vector<40x32xf32>
    %slice3A_630 = vector.extract_strided_slice %convert_element_type3A_281 {offsets = [0, 1], sizes = [40, 1], strides = [1, 1]} : vector<40x32xf32> to vector<40x1xf32>
    %mul3A_631 = vector.broadcast %slice3A_630 : vector<40x1xf32> to vector<40x32xf32>
    %mul3A_632 = arith.mulf %slice3A_629, %mul3A_631 : vector<40x32xf32>
    %mul3A_633 = arith.mulf %slice3A_629, %convert_element_type3A_281 : vector<40x32xf32>
    %reduce_sum3A_634 = arith.constant dense<0.000000e+00> : vector<40xf32>
    %reduce_sum3A_635 = vector.multi_reduction <add>, %mul3A_633, %reduce_sum3A_634 [1] : vector<40x32xf32> to vector<40xf32>
    %broadcast_in_dim3A_636 = vector.shape_cast %reduce_sum3A_635 : vector<40xf32> to vector<40x1xf32>
    %eq3A_637 = arith.constant 1 : i32
    %eq3A_638 = vector.broadcast %eq3A_637 : i32 to vector<1x32xi32>
    %eq3A_639 = arith.cmpi eq, %iota3A_449, %eq3A_638 : vector<1x32xi32>
    %jit3A_640 = arith.constant 0.000000e+00 : f32
    %broadcast_in_dim3A_641 = vector.shape_cast %eq3A_639 : vector<1x32xi1> to vector<1x32xi1>
    %broadcast_in_dim3A_642 = vector.broadcast %broadcast_in_dim3A_641 : vector<1x32xi1> to vector<40x32xi1>
    %broadcast_in_dim3A_643 = vector.shape_cast %broadcast_in_dim3A_636 : vector<40x1xf32> to vector<40x1xf32>
    %broadcast_in_dim3A_644 = vector.broadcast %broadcast_in_dim3A_643 : vector<40x1xf32> to vector<40x32xf32>
    %broadcast_in_dim3A_645 = vector.broadcast %jit3A_640 : f32 to vector<40x32xf32>
    %select_n3A_646 = arith.select %broadcast_in_dim3A_642, %broadcast_in_dim3A_644, %broadcast_in_dim3A_645 : vector<40x32xi1>, vector<40x32xf32>
    %add3A_647 = arith.addf %mul3A_632, %select_n3A_646 : vector<40x32xf32>
    %add3A_648 = arith.addf %add3A_628, %add3A_647 : vector<40x32xf32>
    %slice3A_649 = vector.extract_strided_slice %convert_element_type3A_451 {offsets = [0, 64], sizes = [40, 32], strides = [1, 1]} : vector<40x128xf32> to vector<40x32xf32>
    %slice3A_650 = vector.extract_strided_slice %convert_element_type3A_281 {offsets = [0, 2], sizes = [40, 1], strides = [1, 1]} : vector<40x32xf32> to vector<40x1xf32>
    %mul3A_651 = vector.broadcast %slice3A_650 : vector<40x1xf32> to vector<40x32xf32>
    %mul3A_652 = arith.mulf %slice3A_649, %mul3A_651 : vector<40x32xf32>
    %mul3A_653 = arith.mulf %slice3A_649, %convert_element_type3A_281 : vector<40x32xf32>
    %reduce_sum3A_654 = arith.constant dense<0.000000e+00> : vector<40xf32>
    %reduce_sum3A_655 = vector.multi_reduction <add>, %mul3A_653, %reduce_sum3A_654 [1] : vector<40x32xf32> to vector<40xf32>
    %broadcast_in_dim3A_656 = vector.shape_cast %reduce_sum3A_655 : vector<40xf32> to vector<40x1xf32>
    %eq3A_657 = arith.constant 2 : i32
    %eq3A_658 = vector.broadcast %eq3A_657 : i32 to vector<1x32xi32>
    %eq3A_659 = arith.cmpi eq, %iota3A_449, %eq3A_658 : vector<1x32xi32>
    %jit3A_660 = arith.constant 0.000000e+00 : f32
    %broadcast_in_dim3A_661 = vector.shape_cast %eq3A_659 : vector<1x32xi1> to vector<1x32xi1>
    %broadcast_in_dim3A_662 = vector.broadcast %broadcast_in_dim3A_661 : vector<1x32xi1> to vector<40x32xi1>
    %broadcast_in_dim3A_663 = vector.shape_cast %broadcast_in_dim3A_656 : vector<40x1xf32> to vector<40x1xf32>
    %broadcast_in_dim3A_664 = vector.broadcast %broadcast_in_dim3A_663 : vector<40x1xf32> to vector<40x32xf32>
    %broadcast_in_dim3A_665 = vector.broadcast %jit3A_660 : f32 to vector<40x32xf32>
    %select_n3A_666 = arith.select %broadcast_in_dim3A_662, %broadcast_in_dim3A_664, %broadcast_in_dim3A_665 : vector<40x32xi1>, vector<40x32xf32>
    %add3A_667 = arith.addf %mul3A_652, %select_n3A_666 : vector<40x32xf32>
    %add3A_668 = arith.addf %add3A_648, %add3A_667 : vector<40x32xf32>
    %slice3A_669 = vector.extract_strided_slice %convert_element_type3A_451 {offsets = [0, 96], sizes = [40, 32], strides = [1, 1]} : vector<40x128xf32> to vector<40x32xf32>
    %slice3A_670 = vector.extract_strided_slice %convert_element_type3A_281 {offsets = [0, 3], sizes = [40, 1], strides = [1, 1]} : vector<40x32xf32> to vector<40x1xf32>
    %mul3A_671 = vector.broadcast %slice3A_670 : vector<40x1xf32> to vector<40x32xf32>
    %mul3A_672 = arith.mulf %slice3A_669, %mul3A_671 : vector<40x32xf32>
    %mul3A_673 = arith.mulf %slice3A_669, %convert_element_type3A_281 : vector<40x32xf32>
    %reduce_sum3A_674 = arith.constant dense<0.000000e+00> : vector<40xf32>
    %reduce_sum3A_675 = vector.multi_reduction <add>, %mul3A_673, %reduce_sum3A_674 [1] : vector<40x32xf32> to vector<40xf32>
    %broadcast_in_dim3A_676 = vector.shape_cast %reduce_sum3A_675 : vector<40xf32> to vector<40x1xf32>
    %eq3A_677 = arith.constant 3 : i32
    %eq3A_678 = vector.broadcast %eq3A_677 : i32 to vector<1x32xi32>
    %eq3A_679 = arith.cmpi eq, %iota3A_449, %eq3A_678 : vector<1x32xi32>
    %jit3A_680 = arith.constant 0.000000e+00 : f32
    %broadcast_in_dim3A_681 = vector.shape_cast %eq3A_679 : vector<1x32xi1> to vector<1x32xi1>
    %broadcast_in_dim3A_682 = vector.broadcast %broadcast_in_dim3A_681 : vector<1x32xi1> to vector<40x32xi1>
    %broadcast_in_dim3A_683 = vector.shape_cast %broadcast_in_dim3A_676 : vector<40x1xf32> to vector<40x1xf32>
    %broadcast_in_dim3A_684 = vector.broadcast %broadcast_in_dim3A_683 : vector<40x1xf32> to vector<40x32xf32>
    %broadcast_in_dim3A_685 = vector.broadcast %jit3A_680 : f32 to vector<40x32xf32>
    %select_n3A_686 = arith.select %broadcast_in_dim3A_682, %broadcast_in_dim3A_684, %broadcast_in_dim3A_685 : vector<40x32xi1>, vector<40x32xf32>
    %add3A_687 = arith.addf %mul3A_672, %select_n3A_686 : vector<40x32xf32>
    %add3A_688 = arith.addf %add3A_668, %add3A_687 : vector<40x32xf32>
    %slice3A_689 = vector.extract_strided_slice %convert_element_type3A_451 {offsets = [0, 0], sizes = [40, 32], strides = [1, 1]} : vector<40x128xf32> to vector<40x32xf32>
    %slice3A_690 = vector.extract_strided_slice %convert_element_type3A_283 {offsets = [0, 0], sizes = [40, 1], strides = [1, 1]} : vector<40x32xf32> to vector<40x1xf32>
    %mul3A_691 = vector.broadcast %slice3A_690 : vector<40x1xf32> to vector<40x32xf32>
    %mul3A_692 = arith.mulf %slice3A_689, %mul3A_691 : vector<40x32xf32>
    %mul3A_693 = arith.mulf %slice3A_689, %convert_element_type3A_283 : vector<40x32xf32>
    %reduce_sum3A_694 = arith.constant dense<0.000000e+00> : vector<40xf32>
    %reduce_sum3A_695 = vector.multi_reduction <add>, %mul3A_693, %reduce_sum3A_694 [1] : vector<40x32xf32> to vector<40xf32>
    %broadcast_in_dim3A_696 = vector.shape_cast %reduce_sum3A_695 : vector<40xf32> to vector<40x1xf32>
    %eq3A_697 = arith.constant 0 : i32
    %eq3A_698 = vector.broadcast %eq3A_697 : i32 to vector<1x32xi32>
    %eq3A_699 = arith.cmpi eq, %iota3A_449, %eq3A_698 : vector<1x32xi32>
    %jit3A_700 = arith.constant 0.000000e+00 : f32
    %broadcast_in_dim3A_701 = vector.shape_cast %eq3A_699 : vector<1x32xi1> to vector<1x32xi1>
    %broadcast_in_dim3A_702 = vector.broadcast %broadcast_in_dim3A_701 : vector<1x32xi1> to vector<40x32xi1>
    %broadcast_in_dim3A_703 = vector.shape_cast %broadcast_in_dim3A_696 : vector<40x1xf32> to vector<40x1xf32>
    %broadcast_in_dim3A_704 = vector.broadcast %broadcast_in_dim3A_703 : vector<40x1xf32> to vector<40x32xf32>
    %broadcast_in_dim3A_705 = vector.broadcast %jit3A_700 : f32 to vector<40x32xf32>
    %select_n3A_706 = arith.select %broadcast_in_dim3A_702, %broadcast_in_dim3A_704, %broadcast_in_dim3A_705 : vector<40x32xi1>, vector<40x32xf32>
    %add3A_707 = arith.addf %mul3A_692, %select_n3A_706 : vector<40x32xf32>
    %slice3A_708 = vector.extract_strided_slice %convert_element_type3A_451 {offsets = [0, 32], sizes = [40, 32], strides = [1, 1]} : vector<40x128xf32> to vector<40x32xf32>
    %slice3A_709 = vector.extract_strided_slice %convert_element_type3A_283 {offsets = [0, 1], sizes = [40, 1], strides = [1, 1]} : vector<40x32xf32> to vector<40x1xf32>
    %mul3A_710 = vector.broadcast %slice3A_709 : vector<40x1xf32> to vector<40x32xf32>
    %mul3A_711 = arith.mulf %slice3A_708, %mul3A_710 : vector<40x32xf32>
    %mul3A_712 = arith.mulf %slice3A_708, %convert_element_type3A_283 : vector<40x32xf32>
    %reduce_sum3A_713 = arith.constant dense<0.000000e+00> : vector<40xf32>
    %reduce_sum3A_714 = vector.multi_reduction <add>, %mul3A_712, %reduce_sum3A_713 [1] : vector<40x32xf32> to vector<40xf32>
    %broadcast_in_dim3A_715 = vector.shape_cast %reduce_sum3A_714 : vector<40xf32> to vector<40x1xf32>
    %eq3A_716 = arith.constant 1 : i32
    %eq3A_717 = vector.broadcast %eq3A_716 : i32 to vector<1x32xi32>
    %eq3A_718 = arith.cmpi eq, %iota3A_449, %eq3A_717 : vector<1x32xi32>
    %jit3A_719 = arith.constant 0.000000e+00 : f32
    %broadcast_in_dim3A_720 = vector.shape_cast %eq3A_718 : vector<1x32xi1> to vector<1x32xi1>
    %broadcast_in_dim3A_721 = vector.broadcast %broadcast_in_dim3A_720 : vector<1x32xi1> to vector<40x32xi1>
    %broadcast_in_dim3A_722 = vector.shape_cast %broadcast_in_dim3A_715 : vector<40x1xf32> to vector<40x1xf32>
    %broadcast_in_dim3A_723 = vector.broadcast %broadcast_in_dim3A_722 : vector<40x1xf32> to vector<40x32xf32>
    %broadcast_in_dim3A_724 = vector.broadcast %jit3A_719 : f32 to vector<40x32xf32>
    %select_n3A_725 = arith.select %broadcast_in_dim3A_721, %broadcast_in_dim3A_723, %broadcast_in_dim3A_724 : vector<40x32xi1>, vector<40x32xf32>
    %add3A_726 = arith.addf %mul3A_711, %select_n3A_725 : vector<40x32xf32>
    %add3A_727 = arith.addf %add3A_707, %add3A_726 : vector<40x32xf32>
    %slice3A_728 = vector.extract_strided_slice %convert_element_type3A_451 {offsets = [0, 64], sizes = [40, 32], strides = [1, 1]} : vector<40x128xf32> to vector<40x32xf32>
    %slice3A_729 = vector.extract_strided_slice %convert_element_type3A_283 {offsets = [0, 2], sizes = [40, 1], strides = [1, 1]} : vector<40x32xf32> to vector<40x1xf32>
    %mul3A_730 = vector.broadcast %slice3A_729 : vector<40x1xf32> to vector<40x32xf32>
    %mul3A_731 = arith.mulf %slice3A_728, %mul3A_730 : vector<40x32xf32>
    %mul3A_732 = arith.mulf %slice3A_728, %convert_element_type3A_283 : vector<40x32xf32>
    %reduce_sum3A_733 = arith.constant dense<0.000000e+00> : vector<40xf32>
    %reduce_sum3A_734 = vector.multi_reduction <add>, %mul3A_732, %reduce_sum3A_733 [1] : vector<40x32xf32> to vector<40xf32>
    %broadcast_in_dim3A_735 = vector.shape_cast %reduce_sum3A_734 : vector<40xf32> to vector<40x1xf32>
    %eq3A_736 = arith.constant 2 : i32
    %eq3A_737 = vector.broadcast %eq3A_736 : i32 to vector<1x32xi32>
    %eq3A_738 = arith.cmpi eq, %iota3A_449, %eq3A_737 : vector<1x32xi32>
    %jit3A_739 = arith.constant 0.000000e+00 : f32
    %broadcast_in_dim3A_740 = vector.shape_cast %eq3A_738 : vector<1x32xi1> to vector<1x32xi1>
    %broadcast_in_dim3A_741 = vector.broadcast %broadcast_in_dim3A_740 : vector<1x32xi1> to vector<40x32xi1>
    %broadcast_in_dim3A_742 = vector.shape_cast %broadcast_in_dim3A_735 : vector<40x1xf32> to vector<40x1xf32>
    %broadcast_in_dim3A_743 = vector.broadcast %broadcast_in_dim3A_742 : vector<40x1xf32> to vector<40x32xf32>
    %broadcast_in_dim3A_744 = vector.broadcast %jit3A_739 : f32 to vector<40x32xf32>
    %select_n3A_745 = arith.select %broadcast_in_dim3A_741, %broadcast_in_dim3A_743, %broadcast_in_dim3A_744 : vector<40x32xi1>, vector<40x32xf32>
    %add3A_746 = arith.addf %mul3A_731, %select_n3A_745 : vector<40x32xf32>
    %add3A_747 = arith.addf %add3A_727, %add3A_746 : vector<40x32xf32>
    %slice3A_748 = vector.extract_strided_slice %convert_element_type3A_451 {offsets = [0, 96], sizes = [40, 32], strides = [1, 1]} : vector<40x128xf32> to vector<40x32xf32>
    %slice3A_749 = vector.extract_strided_slice %convert_element_type3A_283 {offsets = [0, 3], sizes = [40, 1], strides = [1, 1]} : vector<40x32xf32> to vector<40x1xf32>
    %mul3A_750 = vector.broadcast %slice3A_749 : vector<40x1xf32> to vector<40x32xf32>
    %mul3A_751 = arith.mulf %slice3A_748, %mul3A_750 : vector<40x32xf32>
    %mul3A_752 = arith.mulf %slice3A_748, %convert_element_type3A_283 : vector<40x32xf32>
    %reduce_sum3A_753 = arith.constant dense<0.000000e+00> : vector<40xf32>
    %reduce_sum3A_754 = vector.multi_reduction <add>, %mul3A_752, %reduce_sum3A_753 [1] : vector<40x32xf32> to vector<40xf32>
    %broadcast_in_dim3A_755 = vector.shape_cast %reduce_sum3A_754 : vector<40xf32> to vector<40x1xf32>
    %eq3A_756 = arith.constant 3 : i32
    %eq3A_757 = vector.broadcast %eq3A_756 : i32 to vector<1x32xi32>
    %eq3A_758 = arith.cmpi eq, %iota3A_449, %eq3A_757 : vector<1x32xi32>
    %jit3A_759 = arith.constant 0.000000e+00 : f32
    %broadcast_in_dim3A_760 = vector.shape_cast %eq3A_758 : vector<1x32xi1> to vector<1x32xi1>
    %broadcast_in_dim3A_761 = vector.broadcast %broadcast_in_dim3A_760 : vector<1x32xi1> to vector<40x32xi1>
    %broadcast_in_dim3A_762 = vector.shape_cast %broadcast_in_dim3A_755 : vector<40x1xf32> to vector<40x1xf32>
    %broadcast_in_dim3A_763 = vector.broadcast %broadcast_in_dim3A_762 : vector<40x1xf32> to vector<40x32xf32>
    %broadcast_in_dim3A_764 = vector.broadcast %jit3A_759 : f32 to vector<40x32xf32>
    %select_n3A_765 = arith.select %broadcast_in_dim3A_761, %broadcast_in_dim3A_763, %broadcast_in_dim3A_764 : vector<40x32xi1>, vector<40x32xf32>
    %add3A_766 = arith.addf %mul3A_751, %select_n3A_765 : vector<40x32xf32>
    %add3A_767 = arith.addf %add3A_747, %add3A_766 : vector<40x32xf32>
    %dot_general3A_768 = arith.constant dense<0.000000e+00> : vector<2560x32xf32>
    %dot_general3A_769 = tpu.matmul %select_n3A_35, %add3A_530, %dot_general3A_768 {dimension_numbers = #tpu.dot_dimension_numbers<[1], [0], [0], [1], [0, 0, 1, 1], [], []>, transpose_lhs_hint = false} : vector<2560x40xf32>, vector<40x32xf32>, vector<2560x32xf32> -> vector<2560x32xf32>
    %dot_general3A_770 = arith.constant dense<0.000000e+00> : vector<2560x32xf32>
    %dot_general3A_771 = tpu.matmul %select_n3A_35, %add3A_609, %dot_general3A_770 {dimension_numbers = #tpu.dot_dimension_numbers<[1], [0], [0], [1], [0, 0, 1, 1], [], []>, transpose_lhs_hint = false} : vector<2560x40xf32>, vector<40x32xf32>, vector<2560x32xf32> -> vector<2560x32xf32>
    %dot_general3A_772 = arith.constant dense<0.000000e+00> : vector<2560x32xf32>
    %dot_general3A_773 = tpu.matmul %select_n3A_35, %add3A_688, %dot_general3A_772 {dimension_numbers = #tpu.dot_dimension_numbers<[1], [0], [0], [1], [0, 0, 1, 1], [], []>, transpose_lhs_hint = false} : vector<2560x40xf32>, vector<40x32xf32>, vector<2560x32xf32> -> vector<2560x32xf32>
    %dot_general3A_774 = arith.constant dense<0.000000e+00> : vector<2560x32xf32>
    %dot_general3A_775 = tpu.matmul %select_n3A_35, %add3A_767, %dot_general3A_774 {dimension_numbers = #tpu.dot_dimension_numbers<[1], [0], [0], [1], [0, 0, 1, 1], [], []>, transpose_lhs_hint = false} : vector<2560x40xf32>, vector<40x32xf32>, vector<2560x32xf32> -> vector<2560x32xf32>
    %mul3A_776 = arith.mulf %dot_general3A_244, %dot_general3A_769 : vector<2560x32xf32>
    %mul3A_777 = arith.mulf %dot_general3A_246, %dot_general3A_771 : vector<2560x32xf32>
    %add3A_778 = arith.addf %mul3A_776, %mul3A_777 : vector<2560x32xf32>
    %mul3A_779 = arith.mulf %dot_general3A_248, %dot_general3A_773 : vector<2560x32xf32>
    %add3A_780 = arith.addf %add3A_778, %mul3A_779 : vector<2560x32xf32>
    %mul3A_781 = arith.mulf %dot_general3A_250, %dot_general3A_775 : vector<2560x32xf32>
    %add3A_782 = arith.addf %add3A_780, %mul3A_781 : vector<2560x32xf32>
    %mul3A_783 = arith.constant 1.562500e-02 : f32
    %mul3A_784 = vector.broadcast %mul3A_783 : f32 to vector<2560x32xf32>
    %mul3A_785 = arith.mulf %add3A_782, %mul3A_784 : vector<2560x32xf32>
    %mul3A_786 = arith.mulf %tanh3A_240, %tanh3A_240 : vector<2560x32xf32>
    %sub3A_787 = arith.constant 1.000000e+00 : f32
    %sub3A_788 = vector.broadcast %sub3A_787 : f32 to vector<2560x32xf32>
    %sub3A_789 = arith.subf %sub3A_788, %mul3A_786 : vector<2560x32xf32>
    %mul3A_790 = arith.mulf %sub3A_789, %mul3A_785 : vector<2560x32xf32>
    %slice3A_791 = vector.extract_strided_slice %mul3A_785 {offsets = [0, 0], sizes = [2560, 16], strides = [1, 1]} : vector<2560x32xf32> to vector<2560x16xf32>
    %slice3A_792 = vector.extract_strided_slice %mul3A_785 {offsets = [0, 16], sizes = [2560, 16], strides = [1, 1]} : vector<2560x32xf32> to vector<2560x16xf32>
    %add3A_793 = arith.addf %slice3A_791, %slice3A_792 : vector<2560x16xf32>
    %get3A_794 = arith.constant 0 : index
    %get3A_795 = arith.constant 0 : index
    %get3A_796 = vector.load %arg13[%get3A_794, %get3A_795] : memref<32x16xf32, #tpu.memory_space<vmem>>, vector<32x16xf32>
    %dot_general3A_797 = arith.constant dense<0.000000e+00> : vector<2560x16xf32>
    %dot_general3A_798 = tpu.matmul %mul3A_790, %get3A_796, %dot_general3A_797 {dimension_numbers = #tpu.dot_dimension_numbers<[1], [0], [0], [1], [0, 0, 1, 1], [], []>, transpose_lhs_hint = false} : vector<2560x32xf32>, vector<32x16xf32>, vector<2560x16xf32> -> vector<2560x16xf32>
    %add3A_799 = arith.addf %add3A_793, %dot_general3A_798 : vector<2560x16xf32>
    %mul3A_800 = arith.mulf %tanh3A_228, %tanh3A_228 : vector<2560x16xf32>
    %sub3A_801 = arith.constant 1.000000e+00 : f32
    %sub3A_802 = vector.broadcast %sub3A_801 : f32 to vector<2560x16xf32>
    %sub3A_803 = arith.subf %sub3A_802, %mul3A_800 : vector<2560x16xf32>
    %mul3A_804 = arith.mulf %sub3A_803, %add3A_799 : vector<2560x16xf32>
    %slice3A_805 = vector.extract_strided_slice %add3A_799 {offsets = [0, 0], sizes = [2560, 8], strides = [1, 1]} : vector<2560x16xf32> to vector<2560x8xf32>
    %slice3A_806 = vector.extract_strided_slice %add3A_799 {offsets = [0, 8], sizes = [2560, 8], strides = [1, 1]} : vector<2560x16xf32> to vector<2560x8xf32>
    %add3A_807 = arith.addf %slice3A_805, %slice3A_806 : vector<2560x8xf32>
    %get3A_808 = arith.constant 0 : index
    %get3A_809 = arith.constant 0 : index
    %get3A_810 = vector.load %arg12[%get3A_808, %get3A_809] : memref<16x8xf32, #tpu.memory_space<vmem>>, vector<16x8xf32>
    %dot_general3A_811 = arith.constant dense<0.000000e+00> : vector<2560x8xf32>
    %dot_general3A_812 = tpu.matmul %mul3A_804, %get3A_810, %dot_general3A_811 {dimension_numbers = #tpu.dot_dimension_numbers<[1], [0], [0], [1], [0, 0, 1, 1], [], []>, transpose_lhs_hint = false} : vector<2560x16xf32>, vector<16x8xf32>, vector<2560x8xf32> -> vector<2560x8xf32>
    %add3A_813 = arith.addf %add3A_807, %dot_general3A_812 : vector<2560x8xf32>
    %mul3A_814 = arith.mulf %tanh3A, %tanh3A : vector<2560x8xf32>
    %sub3A_815 = arith.constant 1.000000e+00 : f32
    %sub3A_816 = vector.broadcast %sub3A_815 : f32 to vector<2560x8xf32>
    %sub3A_817 = arith.subf %sub3A_816, %mul3A_814 : vector<2560x8xf32>
    %mul3A_818 = arith.mulf %sub3A_817, %add3A_813 : vector<2560x8xf32>
    %get3A_819 = arith.constant 0 : index
    %get3A_820 = arith.constant 0 : index
    %get3A_821 = vector.load %arg6[%get3A_819, %get3A_820] : memref<8x1xf32, #tpu.memory_space<vmem>>, vector<8x1xf32>
    %broadcast_in_dim3A_822 = vector.shape_cast %get3A_821 : vector<8x1xf32> to vector<8x1xf32>
    %broadcast_in_dim3A_823 = vector.broadcast %broadcast_in_dim3A_822 : vector<8x1xf32> to vector<8x64xf32>
    %mul3A_824 = arith.mulf %convert_element_type3A_251, %dot_general3A_769 : vector<2560x32xf32>
    %dot_general3A_825 = arith.constant dense<0.000000e+00> : vector<2560x64xf32>
    %dot_general3A_826 = tpu.matmul %mul3A_824, %broadcast_in_dim3A_86, %dot_general3A_825 {dimension_numbers = #tpu.dot_dimension_numbers<[1], [0], [0], [1], [0, 0, 1, 1], [], []>, precision = #tpu.contract_precision<fp32>, transpose_lhs_hint = false} : vector<2560x32xf32>, vector<32x64xf32>, vector<2560x64xf32> -> vector<2560x64xf32>
    %mul3A_827 = arith.mulf %convert_element_type3A_251, %dot_general3A_771 : vector<2560x32xf32>
    %dot_general3A_828 = arith.constant dense<0.000000e+00> : vector<2560x64xf32>
    %dot_general3A_829 = tpu.matmul %mul3A_827, %broadcast_in_dim3A_86, %dot_general3A_828 {dimension_numbers = #tpu.dot_dimension_numbers<[1], [0], [0], [1], [0, 0, 1, 1], [], []>, precision = #tpu.contract_precision<fp32>, transpose_lhs_hint = false} : vector<2560x32xf32>, vector<32x64xf32>, vector<2560x64xf32> -> vector<2560x64xf32>
    %mul3A_830 = arith.mulf %convert_element_type3A_251, %dot_general3A_773 : vector<2560x32xf32>
    %dot_general3A_831 = arith.constant dense<0.000000e+00> : vector<2560x64xf32>
    %dot_general3A_832 = tpu.matmul %mul3A_830, %broadcast_in_dim3A_86, %dot_general3A_831 {dimension_numbers = #tpu.dot_dimension_numbers<[1], [0], [0], [1], [0, 0, 1, 1], [], []>, precision = #tpu.contract_precision<fp32>, transpose_lhs_hint = false} : vector<2560x32xf32>, vector<32x64xf32>, vector<2560x64xf32> -> vector<2560x64xf32>
    %mul3A_833 = arith.mulf %convert_element_type3A_251, %dot_general3A_775 : vector<2560x32xf32>
    %dot_general3A_834 = arith.constant dense<0.000000e+00> : vector<2560x64xf32>
    %dot_general3A_835 = tpu.matmul %mul3A_833, %broadcast_in_dim3A_86, %dot_general3A_834 {dimension_numbers = #tpu.dot_dimension_numbers<[1], [0], [0], [1], [0, 0, 1, 1], [], []>, precision = #tpu.contract_precision<fp32>, transpose_lhs_hint = false} : vector<2560x32xf32>, vector<32x64xf32>, vector<2560x64xf32> -> vector<2560x64xf32>
    %mul3A_836 = arith.constant 1.562500e-02 : f32
    %mul3A_837 = vector.broadcast %mul3A_836 : f32 to vector<2560x64xf32>
    %mul3A_838 = arith.mulf %dot_general3A_826, %mul3A_837 : vector<2560x64xf32>
    %dot_general3A_839 = arith.constant dense<0.000000e+00> : vector<2560x64xf32>
    %dot_general3A_840 = tpu.matmul %mul3A_818, %broadcast_in_dim3A_823, %dot_general3A_839 {dimension_numbers = #tpu.dot_dimension_numbers<[1], [0], [0], [1], [0, 0, 1, 1], [], []>, precision = #tpu.contract_precision<fp32>, transpose_lhs_hint = false} : vector<2560x8xf32>, vector<8x64xf32>, vector<2560x64xf32> -> vector<2560x64xf32>
    %add3A_841 = arith.addf %mul3A_838, %dot_general3A_840 : vector<2560x64xf32>
    %mul3A_842 = arith.mulf %add3A_841, %select_n3A_43 : vector<2560x64xf32>
    %dot_general3A_843 = arith.constant dense<0.000000e+00> : vector<40x64xf32>
    %dot_general3A_844 = tpu.matmul %select_n3A_82, %mul3A_842, %dot_general3A_843 {dimension_numbers = #tpu.dot_dimension_numbers<[1], [0], [0], [1], [0, 0, 1, 1], [], []>, precision = #tpu.contract_precision<fp32>, transpose_lhs_hint = false} : vector<40x2560xf32>, vector<2560x64xf32>, vector<40x64xf32> -> vector<40x64xf32>
    %slice3A_845 = vector.extract_strided_slice %get3A_163 {offsets = [0, 0], sizes = [1, 1], strides = [1, 1]} : vector<1x4xf32> to vector<1x1xf32>
    %div3A_846 = vector.broadcast %slice3A_845 : vector<1x1xf32> to vector<40x64xf32>
    %div3A_847 = arith.divf %dot_general3A_844, %div3A_846 : vector<40x64xf32>
    %mul3A_848 = arith.mulf %dot_general3A_829, %select_n3A_43 : vector<2560x64xf32>
    %dot_general3A_849 = arith.constant dense<0.000000e+00> : vector<40x64xf32>
    %dot_general3A_850 = tpu.matmul %select_n3A_82, %mul3A_848, %dot_general3A_849 {dimension_numbers = #tpu.dot_dimension_numbers<[1], [0], [0], [1], [0, 0, 1, 1], [], []>, precision = #tpu.contract_precision<fp32>, transpose_lhs_hint = false} : vector<40x2560xf32>, vector<2560x64xf32>, vector<40x64xf32> -> vector<40x64xf32>
    %mul3A_851 = arith.constant 1.562500e-02 : f32
    %mul3A_852 = vector.broadcast %mul3A_851 : f32 to vector<40x64xf32>
    %mul3A_853 = arith.mulf %dot_general3A_850, %mul3A_852 : vector<40x64xf32>
    %slice3A_854 = vector.extract_strided_slice %get3A_163 {offsets = [0, 1], sizes = [1, 1], strides = [1, 1]} : vector<1x4xf32> to vector<1x1xf32>
    %div3A_855 = vector.broadcast %slice3A_854 : vector<1x1xf32> to vector<40x64xf32>
    %div3A_856 = arith.divf %mul3A_853, %div3A_855 : vector<40x64xf32>
    %mul3A_857 = arith.mulf %dot_general3A_832, %select_n3A_43 : vector<2560x64xf32>
    %dot_general3A_858 = arith.constant dense<0.000000e+00> : vector<40x64xf32>
    %dot_general3A_859 = tpu.matmul %select_n3A_82, %mul3A_857, %dot_general3A_858 {dimension_numbers = #tpu.dot_dimension_numbers<[1], [0], [0], [1], [0, 0, 1, 1], [], []>, precision = #tpu.contract_precision<fp32>, transpose_lhs_hint = false} : vector<40x2560xf32>, vector<2560x64xf32>, vector<40x64xf32> -> vector<40x64xf32>
    %mul3A_860 = arith.constant 1.562500e-02 : f32
    %mul3A_861 = vector.broadcast %mul3A_860 : f32 to vector<40x64xf32>
    %mul3A_862 = arith.mulf %dot_general3A_859, %mul3A_861 : vector<40x64xf32>
    %slice3A_863 = vector.extract_strided_slice %get3A_163 {offsets = [0, 2], sizes = [1, 1], strides = [1, 1]} : vector<1x4xf32> to vector<1x1xf32>
    %div3A_864 = vector.broadcast %slice3A_863 : vector<1x1xf32> to vector<40x64xf32>
    %div3A_865 = arith.divf %mul3A_862, %div3A_864 : vector<40x64xf32>
    %mul3A_866 = arith.mulf %dot_general3A_835, %select_n3A_43 : vector<2560x64xf32>
    %dot_general3A_867 = arith.constant dense<0.000000e+00> : vector<40x64xf32>
    %dot_general3A_868 = tpu.matmul %select_n3A_82, %mul3A_866, %dot_general3A_867 {dimension_numbers = #tpu.dot_dimension_numbers<[1], [0], [0], [1], [0, 0, 1, 1], [], []>, precision = #tpu.contract_precision<fp32>, transpose_lhs_hint = false} : vector<40x2560xf32>, vector<2560x64xf32>, vector<40x64xf32> -> vector<40x64xf32>
    %mul3A_869 = arith.constant 1.562500e-02 : f32
    %mul3A_870 = vector.broadcast %mul3A_869 : f32 to vector<40x64xf32>
    %mul3A_871 = arith.mulf %dot_general3A_868, %mul3A_870 : vector<40x64xf32>
    %slice3A_872 = vector.extract_strided_slice %get3A_163 {offsets = [0, 3], sizes = [1, 1], strides = [1, 1]} : vector<1x4xf32> to vector<1x1xf32>
    %div3A_873 = vector.broadcast %slice3A_872 : vector<1x1xf32> to vector<40x64xf32>
    %div3A_874 = arith.divf %mul3A_871, %div3A_873 : vector<40x64xf32>
    %mul3A_875 = arith.mulf %div3A_856, %sub3A_110 : vector<40x64xf32>
    %mul3A_876 = arith.mulf %div3A_865, %sub3A_113 : vector<40x64xf32>
    %add3A_877 = arith.addf %mul3A_875, %mul3A_876 : vector<40x64xf32>
    %mul3A_878 = arith.mulf %div3A_874, %sub3A_116 : vector<40x64xf32>
    %add3A_879 = arith.addf %add3A_877, %mul3A_878 : vector<40x64xf32>
    %mul3A_880 = arith.mulf %div3A_155, %add3A_879 : vector<40x64xf32>
    %add3A_881 = arith.addf %div3A_847, %mul3A_880 : vector<40x64xf32>
    %mul3A_882 = arith.mulf %div3A_856, %sub3A_110 : vector<40x64xf32>
    %mul3A_883 = arith.mulf %div3A_865, %sub3A_113 : vector<40x64xf32>
    %add3A_884 = arith.addf %mul3A_882, %mul3A_883 : vector<40x64xf32>
    %mul3A_885 = arith.mulf %div3A_874, %sub3A_116 : vector<40x64xf32>
    %add3A_886 = arith.addf %add3A_884, %mul3A_885 : vector<40x64xf32>
    %mul3A_887 = arith.mulf %mul3A_156, %add3A_886 : vector<40x64xf32>
    %mul3A_888 = arith.mulf %add3A_881, %add3A_149 : vector<40x64xf32>
    %add3A_889 = arith.addf %mul3A_887, %mul3A_888 : vector<40x64xf32>
    %mul3A_890 = arith.mulf %add3A_881, %div3A_155 : vector<40x64xf32>
    %gt3A = arith.constant 0.00999999977 : f32
    %gt3A_891 = vector.broadcast %gt3A : f32 to vector<40x64xf32>
    %gt3A_892 = arith.cmpf ogt, %sqrt3A, %gt3A_891 : vector<40x64xf32>
    %neg3A = arith.constant 0.000000e+00 : f32
    %neg3A_893 = vector.broadcast %neg3A : f32 to vector<40x64xf32>
    %neg3A_894 = arith.subf %neg3A_893, %div3A_155 : vector<40x64xf32>
    %mul3A_895 = arith.mulf %neg3A_894, %div3A_155 : vector<40x64xf32>
    %jit3A_896 = arith.constant 0.000000e+00 : f32
    %broadcast_in_dim3A_897 = vector.broadcast %jit3A_896 : f32 to vector<40x64xf32>
    %select_n3A_898 = arith.select %gt3A_892, %mul3A_895, %broadcast_in_dim3A_897 : vector<40x64xi1>, vector<40x64xf32>
    %sub3A_899 = arith.constant 1.000000e+00 : f32
    %sub3A_900 = vector.broadcast %sub3A_899 : f32 to vector<40x64xf32>
    %sub3A_901 = arith.subf %min3A_133, %sub3A_900 : vector<40x64xf32>
    %mul3A_902 = arith.constant -3.000000e+01 : f32
    %mul3A_903 = vector.broadcast %mul3A_902 : f32 to vector<40x64xf32>
    %mul3A_904 = arith.mulf %mul3A_903, %mul3A_134 : vector<40x64xf32>
    %mul3A_905 = arith.mulf %mul3A_904, %sub3A_901 : vector<40x64xf32>
    %mul3A_906 = arith.mulf %mul3A_905, %sub3A_901 : vector<40x64xf32>
    %gt3A_907 = arith.constant 0.000000e+00 : f32
    %gt3A_908 = vector.broadcast %gt3A_907 : f32 to vector<40x64xf32>
    %gt3A_909 = arith.cmpf ogt, %div3A_129, %gt3A_908 : vector<40x64xf32>
    %lt3A = arith.constant 1.000000e+00 : f32
    %lt3A_910 = vector.broadcast %lt3A : f32 to vector<40x64xf32>
    %lt3A_911 = arith.cmpf olt, %div3A_129, %lt3A_910 : vector<40x64xf32>
    %and3A_912 = arith.andi %gt3A_909, %lt3A_911 : vector<40x64xi1>
    %jit3A_913 = arith.constant 0.181818187 : f32
    %jit3A_914 = arith.constant 0.000000e+00 : f32
    %broadcast_in_dim3A_915 = vector.broadcast %jit3A_913 : f32 to vector<40x64xf32>
    %broadcast_in_dim3A_916 = vector.broadcast %jit3A_914 : f32 to vector<40x64xf32>
    %select_n3A_917 = arith.select %and3A_912, %broadcast_in_dim3A_915, %broadcast_in_dim3A_916 : vector<40x64xi1>, vector<40x64xf32>
    %mul3A_918 = arith.mulf %mul3A_890, %mul3A_906 : vector<40x64xf32>
    %mul3A_919 = arith.mulf %mul3A_918, %select_n3A_917 : vector<40x64xf32>
    %mul3A_920 = arith.mulf %add3A_889, %select_n3A_898 : vector<40x64xf32>
    %add3A_921 = arith.addf %mul3A_919, %mul3A_920 : vector<40x64xf32>
    %div3A_922 = arith.divf %add3A_921, %sqrt3A : vector<40x64xf32>
    %mul3A_923 = arith.mulf %div3A_856, %mul3A_157 : vector<40x64xf32>
    %mul3A_924 = arith.mulf %sub3A_110, %div3A_922 : vector<40x64xf32>
    %add3A_925 = arith.addf %mul3A_923, %mul3A_924 : vector<40x64xf32>
    %mul3A_926 = arith.mulf %div3A_865, %mul3A_157 : vector<40x64xf32>
    %mul3A_927 = arith.mulf %sub3A_113, %div3A_922 : vector<40x64xf32>
    %add3A_928 = arith.addf %mul3A_926, %mul3A_927 : vector<40x64xf32>
    %mul3A_929 = arith.mulf %div3A_874, %mul3A_157 : vector<40x64xf32>
    %mul3A_930 = arith.mulf %sub3A_116, %div3A_922 : vector<40x64xf32>
    %add3A_931 = arith.addf %mul3A_929, %mul3A_930 : vector<40x64xf32>
    %reduce_sum3A_932 = arith.constant dense<0.000000e+00> : vector<40xf32>
    %reduce_sum3A_933 = vector.multi_reduction <add>, %add3A_925, %reduce_sum3A_932 [1] : vector<40x64xf32> to vector<40xf32>
    %broadcast_in_dim3A_934 = vector.shape_cast %reduce_sum3A_933 : vector<40xf32> to vector<40x1xf32>
    %reduce_sum3A_935 = arith.constant dense<0.000000e+00> : vector<40xf32>
    %reduce_sum3A_936 = vector.multi_reduction <add>, %add3A_928, %reduce_sum3A_935 [1] : vector<40x64xf32> to vector<40xf32>
    %broadcast_in_dim3A_937 = vector.shape_cast %reduce_sum3A_936 : vector<40xf32> to vector<40x1xf32>
    %reduce_sum3A_938 = arith.constant dense<0.000000e+00> : vector<40xf32>
    %reduce_sum3A_939 = vector.multi_reduction <add>, %add3A_931, %reduce_sum3A_938 [1] : vector<40x64xf32> to vector<40xf32>
    %broadcast_in_dim3A_940 = vector.shape_cast %reduce_sum3A_939 : vector<40xf32> to vector<40x1xf32>
    %broadcast_in_dim3A_941 = arith.constant 0.000000e+00 : f32
    %broadcast_in_dim3A_942 = vector.broadcast %broadcast_in_dim3A_941 : f32 to vector<40x1xf32>
    %concatenate3A_943 = tpu.concatenate %broadcast_in_dim3A_934, %broadcast_in_dim3A_937, %broadcast_in_dim3A_940, %broadcast_in_dim3A_942 in 1 : vector<40x1xf32>, vector<40x1xf32>, vector<40x1xf32>, vector<40x1xf32> -> vector<40x4xf32>
    %swap3A_944 = arith.constant 0 : index
    %swap3A_945 = arith.constant 0 : index
    %swap3A_946 = vector.load %arg27[%swap3A_944, %swap3A_945] : memref<40x4xf32, #tpu.memory_space<vmem>>, vector<40x4xf32>
    tpu.vector_store %arg27[%swap3A_944, %swap3A_945], %concatenate3A_943 {strides = array<i32>} : memref<40x4xf32, #tpu.memory_space<vmem>>, vector<40x4xf32>,
    %iota3A_947 = tpu.iota {dimensions = array<i32: 1>} : vector<1x8xi32>
    %eq3A_948 = arith.constant 0 : i32
    %eq3A_949 = vector.broadcast %eq3A_948 : i32 to vector<1x8xi32>
    %eq3A_950 = arith.cmpi eq, %iota3A_947, %eq3A_949 : vector<1x8xi32>
    %jit3A_951 = arith.constant 1.000000e+00 : f32
    %jit3A_952 = arith.constant 0.000000e+00 : f32
    %broadcast_in_dim3A_953 = vector.broadcast %jit3A_951 : f32 to vector<1x8xf32>
    %broadcast_in_dim3A_954 = vector.broadcast %jit3A_952 : f32 to vector<1x8xf32>
    %select_n3A_955 = arith.select %eq3A_950, %broadcast_in_dim3A_953, %broadcast_in_dim3A_954 : vector<1x8xi1>, vector<1x8xf32>
    %broadcast_in_dim3A_956 = vector.shape_cast %select_n3A_955 : vector<1x8xf32> to vector<1x8xf32>
    %broadcast_in_dim3A_957 = vector.broadcast %broadcast_in_dim3A_956 : vector<1x8xf32> to vector<64x8xf32>
    %eq3A_958 = arith.constant 1 : i32
    %eq3A_959 = vector.broadcast %eq3A_958 : i32 to vector<1x8xi32>
    %eq3A_960 = arith.cmpi eq, %iota3A_947, %eq3A_959 : vector<1x8xi32>
    %jit3A_961 = arith.constant 1.000000e+00 : f32
    %jit3A_962 = arith.constant 0.000000e+00 : f32
    %broadcast_in_dim3A_963 = vector.broadcast %jit3A_961 : f32 to vector<1x8xf32>
    %broadcast_in_dim3A_964 = vector.broadcast %jit3A_962 : f32 to vector<1x8xf32>
    %select_n3A_965 = arith.select %eq3A_960, %broadcast_in_dim3A_963, %broadcast_in_dim3A_964 : vector<1x8xi1>, vector<1x8xf32>
    %broadcast_in_dim3A_966 = vector.shape_cast %select_n3A_965 : vector<1x8xf32> to vector<1x8xf32>
    %broadcast_in_dim3A_967 = vector.broadcast %broadcast_in_dim3A_966 : vector<1x8xf32> to vector<64x8xf32>
    %eq3A_968 = arith.constant 2 : i32
    %eq3A_969 = vector.broadcast %eq3A_968 : i32 to vector<1x8xi32>
    %eq3A_970 = arith.cmpi eq, %iota3A_947, %eq3A_969 : vector<1x8xi32>
    %jit3A_971 = arith.constant 1.000000e+00 : f32
    %jit3A_972 = arith.constant 0.000000e+00 : f32
    %broadcast_in_dim3A_973 = vector.broadcast %jit3A_971 : f32 to vector<1x8xf32>
    %broadcast_in_dim3A_974 = vector.broadcast %jit3A_972 : f32 to vector<1x8xf32>
    %select_n3A_975 = arith.select %eq3A_970, %broadcast_in_dim3A_973, %broadcast_in_dim3A_974 : vector<1x8xi1>, vector<1x8xf32>
    %broadcast_in_dim3A_976 = vector.shape_cast %select_n3A_975 : vector<1x8xf32> to vector<1x8xf32>
    %broadcast_in_dim3A_977 = vector.broadcast %broadcast_in_dim3A_976 : vector<1x8xf32> to vector<64x8xf32>
    %dot_general3A_978 = arith.constant dense<0.000000e+00> : vector<2560x64xf32>
    %dot_general3A_979 = tpu.matmul %select_n3A_35, %add3A_925, %dot_general3A_978 {dimension_numbers = #tpu.dot_dimension_numbers<[1], [0], [0], [1], [0, 0, 1, 1], [], []>, precision = #tpu.contract_precision<fp32>, transpose_lhs_hint = false} : vector<2560x40xf32>, vector<40x64xf32>, vector<2560x64xf32> -> vector<2560x64xf32>
    %mul3A_980 = arith.mulf %dot_general3A_979, %select_n3A_43 : vector<2560x64xf32>
    %dot_general3A_981 = arith.constant dense<0.000000e+00> : vector<2560x8xf32>
    %dot_general3A_982 = tpu.matmul %mul3A_980, %broadcast_in_dim3A_957, %dot_general3A_981 {dimension_numbers = #tpu.dot_dimension_numbers<[1], [0], [0], [1], [0, 0, 1, 1], [], []>, precision = #tpu.contract_precision<fp32>, transpose_lhs_hint = false} : vector<2560x64xf32>, vector<64x8xf32>, vector<2560x8xf32> -> vector<2560x8xf32>
    %dot_general3A_983 = arith.constant dense<0.000000e+00> : vector<2560x64xf32>
    %dot_general3A_984 = tpu.matmul %select_n3A_35, %add3A_928, %dot_general3A_983 {dimension_numbers = #tpu.dot_dimension_numbers<[1], [0], [0], [1], [0, 0, 1, 1], [], []>, precision = #tpu.contract_precision<fp32>, transpose_lhs_hint = false} : vector<2560x40xf32>, vector<40x64xf32>, vector<2560x64xf32> -> vector<2560x64xf32>
    %mul3A_985 = arith.mulf %dot_general3A_984, %select_n3A_43 : vector<2560x64xf32>
    %dot_general3A_986 = arith.constant dense<0.000000e+00> : vector<2560x8xf32>
    %dot_general3A_987 = tpu.matmul %mul3A_985, %broadcast_in_dim3A_967, %dot_general3A_986 {dimension_numbers = #tpu.dot_dimension_numbers<[1], [0], [0], [1], [0, 0, 1, 1], [], []>, precision = #tpu.contract_precision<fp32>, transpose_lhs_hint = false} : vector<2560x64xf32>, vector<64x8xf32>, vector<2560x8xf32> -> vector<2560x8xf32>
    %add3A_988 = arith.addf %dot_general3A_982, %dot_general3A_987 : vector<2560x8xf32>
    %dot_general3A_989 = arith.constant dense<0.000000e+00> : vector<2560x64xf32>
    %dot_general3A_990 = tpu.matmul %select_n3A_35, %add3A_931, %dot_general3A_989 {dimension_numbers = #tpu.dot_dimension_numbers<[1], [0], [0], [1], [0, 0, 1, 1], [], []>, precision = #tpu.contract_precision<fp32>, transpose_lhs_hint = false} : vector<2560x40xf32>, vector<40x64xf32>, vector<2560x64xf32> -> vector<2560x64xf32>
    %mul3A_991 = arith.mulf %dot_general3A_990, %select_n3A_43 : vector<2560x64xf32>
    %dot_general3A_992 = arith.constant dense<0.000000e+00> : vector<2560x8xf32>
    %dot_general3A_993 = tpu.matmul %mul3A_991, %broadcast_in_dim3A_977, %dot_general3A_992 {dimension_numbers = #tpu.dot_dimension_numbers<[1], [0], [0], [1], [0, 0, 1, 1], [], []>, precision = #tpu.contract_precision<fp32>, transpose_lhs_hint = false} : vector<2560x64xf32>, vector<64x8xf32>, vector<2560x8xf32> -> vector<2560x8xf32>
    %add3A_994 = arith.addf %add3A_988, %dot_general3A_993 : vector<2560x8xf32>
    %swap3A_995 = arith.constant 0 : index
    %swap3A_996 = arith.constant 0 : index
    %swap3A_997 = vector.load %arg28[%swap3A_995, %swap3A_996] : memref<2560x8xf32, #tpu.memory_space<vmem>>, vector<2560x8xf32>
    tpu.vector_store %arg28[%swap3A_995, %swap3A_996], %add3A_994 {strides = array<i32>} : memref<2560x8xf32, #tpu.memory_space<vmem>>, vector<2560x8xf32>,
    return
  }
  func.func @transform_0(%arg0: i32) -> (i32, i32) {
    %c0_i32 = arith.constant 0 : i32
    %c0_i32_0 = arith.constant 0 : i32
    return %arg0, %c0_i32 : i32, i32
  }
  func.func @transform_1(%arg0: i32) -> (i32, i32) {
    %c0_i32 = arith.constant 0 : i32
    %c0_i32_0 = arith.constant 0 : i32
    return %arg0, %c0_i32 : i32, i32
  }
  func.func @transform_2(%arg0: i32) -> (i32, i32) {
    %c0_i32 = arith.constant 0 : i32
    %c0_i32_0 = arith.constant 0 : i32
    %c0_i32_1 = arith.constant 0 : i32
    return %c0_i32, %c0_i32_0 : i32, i32
  }
  func.func @transform_3(%arg0: i32) -> (i32, i32) {
    %c0_i32 = arith.constant 0 : i32
    %c0_i32_0 = arith.constant 0 : i32
    %c0_i32_1 = arith.constant 0 : i32
    return %c0_i32, %c0_i32_0 : i32, i32
  }
  func.func @transform_4(%arg0: i32) -> (i32, i32) {
    %c0_i32 = arith.constant 0 : i32
    %c0_i32_0 = arith.constant 0 : i32
    %c0_i32_1 = arith.constant 0 : i32
    return %c0_i32, %c0_i32_0 : i32, i32
  }
  func.func @transform_5(%arg0: i32) -> (i32, i32) {
    %c0_i32 = arith.constant 0 : i32
    %c0_i32_0 = arith.constant 0 : i32
    %c0_i32_1 = arith.constant 0 : i32
    return %c0_i32, %c0_i32_0 : i32, i32
  }
  func.func @transform_6(%arg0: i32) -> (i32, i32) {
    %c0_i32 = arith.constant 0 : i32
    %c0_i32_0 = arith.constant 0 : i32
    %c0_i32_1 = arith.constant 0 : i32
    return %c0_i32, %c0_i32_0 : i32, i32
  }
  func.func @transform_7(%arg0: i32) -> (i32, i32) {
    %c0_i32 = arith.constant 0 : i32
    %c0_i32_0 = arith.constant 0 : i32
    %c0_i32_1 = arith.constant 0 : i32
    return %c0_i32, %c0_i32_0 : i32, i32
  }
  func.func @transform_8(%arg0: i32) -> (i32, i32) {
    %c0_i32 = arith.constant 0 : i32
    %c0_i32_0 = arith.constant 0 : i32
    %c0_i32_1 = arith.constant 0 : i32
    return %c0_i32, %c0_i32_0 : i32, i32
  }
  func.func @transform_9(%arg0: i32) -> (i32, i32) {
    %c0_i32 = arith.constant 0 : i32
    %c0_i32_0 = arith.constant 0 : i32
    %c0_i32_1 = arith.constant 0 : i32
    return %c0_i32, %c0_i32_0 : i32, i32
  }
  func.func @transform_10(%arg0: i32) -> (i32, i32) {
    %c0_i32 = arith.constant 0 : i32
    %c0_i32_0 = arith.constant 0 : i32
    %c0_i32_1 = arith.constant 0 : i32
    return %c0_i32, %c0_i32_0 : i32, i32
  }
  func.func @transform_11(%arg0: i32) -> (i32, i32) {
    %c0_i32 = arith.constant 0 : i32
    %c0_i32_0 = arith.constant 0 : i32
    %c0_i32_1 = arith.constant 0 : i32
    return %c0_i32, %c0_i32_0 : i32, i32
  }
  func.func @transform_12(%arg0: i32) -> (i32, i32) {
    %c0_i32 = arith.constant 0 : i32
    %c0_i32_0 = arith.constant 0 : i32
    %c0_i32_1 = arith.constant 0 : i32
    return %c0_i32, %c0_i32_0 : i32, i32
  }
  func.func @transform_13(%arg0: i32) -> (i32, i32) {
    %c0_i32 = arith.constant 0 : i32
    %c0_i32_0 = arith.constant 0 : i32
    %c0_i32_1 = arith.constant 0 : i32
    return %c0_i32, %c0_i32_0 : i32, i32
  }
  func.func @transform_14(%arg0: i32) -> (i32, i32) {
    %c0_i32 = arith.constant 0 : i32
    %c0_i32_0 = arith.constant 0 : i32
    %c0_i32_1 = arith.constant 0 : i32
    return %c0_i32, %c0_i32_0 : i32, i32
  }
  func.func @transform_15(%arg0: i32) -> (i32, i32) {
    %c0_i32 = arith.constant 0 : i32
    %c0_i32_0 = arith.constant 0 : i32
    %c0_i32_1 = arith.constant 0 : i32
    return %c0_i32, %c0_i32_0 : i32, i32
  }
  func.func @transform_16(%arg0: i32) -> (i32, i32) {
    %c0_i32 = arith.constant 0 : i32
    %c0_i32_0 = arith.constant 0 : i32
    %c0_i32_1 = arith.constant 0 : i32
    return %c0_i32, %c0_i32_0 : i32, i32
  }
  func.func @transform_17(%arg0: i32) -> (i32, i32) {
    %c0_i32 = arith.constant 0 : i32
    %c0_i32_0 = arith.constant 0 : i32
    %c0_i32_1 = arith.constant 0 : i32
    return %c0_i32, %c0_i32_0 : i32, i32
  }
  func.func @transform_18(%arg0: i32) -> (i32, i32) {
    %c0_i32 = arith.constant 0 : i32
    %c0_i32_0 = arith.constant 0 : i32
    %c0_i32_1 = arith.constant 0 : i32
    return %c0_i32, %c0_i32_0 : i32, i32
  }
  func.func @transform_19(%arg0: i32) -> (i32, i32) {
    %c0_i32 = arith.constant 0 : i32
    %c0_i32_0 = arith.constant 0 : i32
    %c0_i32_1 = arith.constant 0 : i32
    return %c0_i32, %c0_i32_0 : i32, i32
  }
  func.func @transform_20(%arg0: i32) -> (i32, i32) {
    %c0_i32 = arith.constant 0 : i32
    %c0_i32_0 = arith.constant 0 : i32
    %c0_i32_1 = arith.constant 0 : i32
    return %c0_i32, %c0_i32_0 : i32, i32
  }
  func.func @transform_21(%arg0: i32) -> (i32, i32) {
    %c0_i32 = arith.constant 0 : i32
    %c0_i32_0 = arith.constant 0 : i32
    %c0_i32_1 = arith.constant 0 : i32
    return %c0_i32, %c0_i32_0 : i32, i32
  }
  func.func @transform_22(%arg0: i32) -> (i32, i32) {
    %c0_i32 = arith.constant 0 : i32
    %c0_i32_0 = arith.constant 0 : i32
    %c0_i32_1 = arith.constant 0 : i32
    return %c0_i32, %c0_i32_0 : i32, i32
  }
  func.func @transform_23(%arg0: i32) -> (i32, i32) {
    %c0_i32 = arith.constant 0 : i32
    %c0_i32_0 = arith.constant 0 : i32
    %c0_i32_1 = arith.constant 0 : i32
    return %c0_i32, %c0_i32_0 : i32, i32
  }
  func.func @transform_24(%arg0: i32) -> (i32, i32) {
    %c0_i32 = arith.constant 0 : i32
    %c0_i32_0 = arith.constant 0 : i32
    return %arg0, %c0_i32 : i32, i32
  }
  func.func @transform_25(%arg0: i32) -> (i32, i32) {
    %c0_i32 = arith.constant 0 : i32
    %c0_i32_0 = arith.constant 0 : i32
    %c0_i32_1 = arith.constant 0 : i32
    return %c0_i32, %c0_i32_0 : i32, i32
  }
  func.func @transform_26(%arg0: i32) -> (i32, i32) {
    %c0_i32 = arith.constant 0 : i32
    %c0_i32_0 = arith.constant 0 : i32
    return %arg0, %c0_i32 : i32, i32
  }
  func.func @transform_27(%arg0: i32) -> (i32, i32) {
    %c0_i32 = arith.constant 0 : i32
    %c0_i32_0 = arith.constant 0 : i32
    return %arg0, %c0_i32 : i32, i32
  }
}

module attributes {stable_mosaic.version = 14 : i64} {
  func.func @_combine_kernel(%arg0: memref<10000x4xf32, #tpu.memory_space<vmem>>, %arg1: memref<20480x8xf32, #tpu.memory_space<vmem>>, %arg2: memref<10000x4xf32, #tpu.memory_space<vmem>>) attributes {dimension_semantics = [], scalar_prefetch = 0 : i64, scratch_operands = 0 : i64, tpu.core_type = #tpu.core_type<tc>} {
    %get3A = arith.constant 0 : index
    %get3A_0 = arith.constant 0 : index
    %get3A_1 = vector.load %arg1[%get3A, %get3A_0] : memref<20480x8xf32, #tpu.memory_space<vmem>>, vector<20480x8xf32>
    %get3A_2 = arith.constant 0 : index
    %get3A_3 = arith.constant 0 : index
    %get3A_4 = vector.load %arg0[%get3A_2, %get3A_3] : memref<10000x4xf32, #tpu.memory_space<vmem>>, vector<10000x4xf32>
    %slice3A = vector.extract_strided_slice %get3A_1 {offsets = [0, 0], sizes = [10000, 4], strides = [1, 1]} : vector<20480x8xf32> to vector<10000x4xf32>
    %sub3A = arith.subf %get3A_4, %slice3A : vector<10000x4xf32>
    %slice3A_5 = vector.extract_strided_slice %get3A_1 {offsets = [10240, 0], sizes = [10000, 4], strides = [1, 1]} : vector<20480x8xf32> to vector<10000x4xf32>
    %sub3A_6 = arith.subf %sub3A, %slice3A_5 : vector<10000x4xf32>
    %swap3A = arith.constant 0 : index
    %swap3A_7 = arith.constant 0 : index
    %swap3A_8 = vector.load %arg2[%swap3A, %swap3A_7] : memref<10000x4xf32, #tpu.memory_space<vmem>>, vector<10000x4xf32>
    tpu.vector_store %arg2[%swap3A, %swap3A_7], %sub3A_6 {strides = array<i32>} : memref<10000x4xf32, #tpu.memory_space<vmem>>, vector<10000x4xf32>,
    return
  }
}

</mosaic_0001>

<sc_bundles>
// kernel: kernel.6.cloned.1.call-start
scs
__scs_entry_jumppad:
0x0: {  	(pc) =	sbr.rel $0x88, $3  }
0x1: {  	(tag) =	ssettag $0x0;
	lr =	simm.s32 $0x1  }
0x2: {  	[smem:$0x3F8F] =	sst lr;
	_ =	strace $0xD0000000  }
0x3: {  	_ = 	snop  }
0x4: {  	_ = 	snop  }
0x5: {  	_ = 	snop  }
0x6: {  	_ = 	snop  }
0x7: {  	_ = 	snop  }
__scs_overlays_trampoline_lowered:
0x8: {  	[smem:$0x3F9E] =	sst s0  }
0x9: {  	[smem:$0x3F9F] =	sst s1  }
0xa: {  	[smem:$0x3FA0] =	sst s2  }
0xb: {  	[smem:$0x3FA1] =	sst s3  }
0xc: {  	[smem:$0x3FA2] =	sst s4  }
0xd: {  	[smem:$0x3FA3] =	sst s5  }
0xe: {  	[smem:$0x3FA4] =	sst s6  }
0xf: {  	[smem:$0x3FA5] =	sst s7  }
0x10: {  	[smem:$0x3FA6] =	sst s8  }
0x11: {  	[smem:$0x3FA7] =	sst s9;
	s0 =	simm.s32 @!p0 $0x0  }
0x12: {  	s1 =	sld [smem:$0x3F8D];
	s0 =	simm.s32 @p0 $0x1  }
0x13: {  	[smem:$0x3FA8] =	sst s0;
	s0 =	simm.s32 @!p1 $0x0  }
0x14: {  	s2 =	sld [smem:$0x3F8C];
	s0 =	simm.s32 @p1 $0x1  }
0x15: {  	[smem:$0x3FA9] =	sst s0;
	s0 =	simm.s32 @!p2 $0x0  }
0x16: {  	s3 =	sld [smem:$0x3FDB];
	s0 =	simm.s32 @p2 $0x1  }
0x17: {  	s4 =	simm.s32 $0x1BF5;
	[smem:$0x3FAB] =	sst s0  }
0x18: {  	s0 =	sld [smem:$0x3F8E];
	_ =	swait.ge [sflag:s4], $0x0  }
0x19: {  	s7 =	sld [smem:$0x3F8F]  }
0x1a: {  	s8 =	sadd.s32 $0xFFFFE003, lr  }
0x1b: {  	s9 =	sadd.s32 $0xFFFFFEF7, lr;
	s5 =	simm.s32 $0xFFFFFFFF;
	p2 =	slt.u32 s8, $0xFFFFF086  }
0x1c: {  	p1 =	slt.u32 s9, $0xF7A;
	s5 =	simm.s32 @!p2 $0x0  }
0x1d: {  	s5 =	simm.s32 @p1 $0x1;
	p0 =	seq.s32 s7, s2  }
0x1e: {  	s7 =	smul.u32 @!p0 $0xF7A, s2;
	p2 =	seq.s32 @!p0 s5, $0x0  }
0x1f: {  	s9 =	smul.u32 $0xF7A, s1;
	s8 =	simm.s32 @!p0 $0x1BF5;
	p2 =	por !p2, p0  }
0x20: {  	[sflag:s8] =	ssyncset.s32 @!p0 $0xFFFFF086;
	s6 =	sadd.s32 @!p0 s3, s7;
	s7 =	simm.s32 @!p0 $0x108  }
0x21: {  	s3 =	sadd.s32 s3, s9;
	s6 =	sadd.s32 @!p0 $0x88, s6;
	s7 =	simm.s32 @p2 $0x1082  }
0x22: {  	[simem:s7], [sflag:s8] =	dma.local @!p0 [hbm:s6], $0xF7A  }
0x23: {  	s9 =	sor.u32 $0xD0000000, s2;
	s6 =	simm.s32 $0x108;
	_ =	swait.ge @!p0 [sflag:s8], $0x0  }
0x24: {  	s3 =	sadd.s32 $0x88, s3;
	s6 =	simm.s32 @!p1 $0x1082;
	[sflag:s4] =	ssyncset.s32 $0xFFFFF086  }
0x25: {  	[simem:s6], [sflag:s4] =	dma.local [hbm:s3], $0xF7A  }
0x26: {  	[smem:$0x3F8F] =	sst s1;
	(tag) =	ssettag s2;
	_ =	strace s9  }
0x27: {  	s1 =	sld [smem:$0x3F9F]  }
0x28: {  	s2 =	sld [smem:$0x3FA0]  }
0x29: {  	s4 =	sld [smem:$0x3FA2]  }
0x2a: {  	p0 =	seq.s32 s5, $0x0;
	s5 =	sld [smem:$0x3FA3]  }
0x2b: {  	s6 =	sld [smem:$0x3FA4]  }
0x2c: {  	s7 =	sld [smem:$0x3FA5]  }
0x2d: {  	s3 =	simm.s32 $0x108;
	s8 =	sld [smem:$0x3FA6]  }
0x2e: {  	s3 =	simm.s32 @!p0 $0x1082;
	s9 =	sld [smem:$0x3FA7]  }
0x2f: {  	lr =	sadd.s32 s0, s3;
	s0 =	sld [smem:$0x3F9E]  }
0x30: {  	s3 =	sld [smem:$0x3FA1]  }
0x31: {  	[smem:$0x3FAA] =	sst s10  }
0x32: {  	s10 =	sld [smem:$0x3FA8];
	_ =	sdelay $0x3  }
0x33: {  	p0 =	seq.s32 s10, $0x1;
	s10 =	sld [smem:$0x3FAA];
	_ =	sdelay $0x3  }
0x34: {  	[smem:$0x3FAA] =	sst s10  }
0x35: {  	s10 =	sld [smem:$0x3FA9];
	_ =	sdelay $0x3  }
0x36: {  	p1 =	seq.s32 s10, $0x1;
	s10 =	sld [smem:$0x3FAA];
	_ =	sdelay $0x3  }
0x37: {  	[smem:$0x3FAA] =	sst s10  }
0x38: {  	s10 =	sld [smem:$0x3FAB]  }
0x39: {  	_ = 	snop;
	(pc) =	sbr.ind lr, $3  }
0x3a: {  	_ = 	snop  }
0x3b: {  	_ = 	snop  }
0x3c: {  	p2 =	seq.s32 s10, $0x1;
	s10 =	sld [smem:$0x3FAA]  }
0x3d: {  	_ =	shalt  }
0x3e: {  	_ =	shalt  }
0x3f: {  	_ =	shalt  }
0x40: {  	_ =	shalt  }
0x41: {  	_ =	shalt  }
0x42: {  	_ =	shalt  }
0x43: {  	_ =	shalt  }
0x44: {  	_ =	shalt  }
0x45: {  	_ =	shalt  }
0x46: {  	_ =	shalt  }
0x47: {  	_ =	shalt  }
0x48: {  	_ =	shalt  }
0x49: {  	_ =	shalt  }
0x4a: {  	_ =	shalt  }
0x4b: {  	_ =	shalt  }
0x4c: {  	_ =	shalt  }
0x4d: {  	_ =	shalt  }
0x4e: {  	_ =	shalt  }
0x4f: {  	_ =	shalt  }
0x50: {  	_ =	shalt  }
0x51: {  	_ =	shalt  }
0x52: {  	_ =	shalt  }
0x53: {  	_ =	shalt  }
0x54: {  	_ =	shalt  }
0x55: {  	_ =	shalt  }
0x56: {  	_ =	shalt  }
0x57: {  	_ =	shalt  }
0x58: {  	_ =	shalt  }
0x59: {  	_ =	shalt  }
0x5a: {  	_ =	shalt  }
0x5b: {  	_ =	shalt  }
0x5c: {  	_ =	shalt  }
0x5d: {  	_ =	shalt  }
0x5e: {  	_ =	shalt  }
0x5f: {  	_ =	shalt  }
0x60: {  	_ =	shalt  }
0x61: {  	_ =	shalt  }
0x62: {  	_ =	shalt  }
0x63: {  	_ =	shalt  }
0x64: {  	_ =	shalt  }
0x65: {  	_ =	shalt  }
0x66: {  	_ =	shalt  }
0x67: {  	_ =	shalt  }
0x68: {  	_ =	shalt  }
0x69: {  	_ =	shalt  }
0x6a: {  	_ =	shalt  }
0x6b: {  	_ =	shalt  }
0x6c: {  	_ =	shalt  }
0x6d: {  	_ =	shalt  }
0x6e: {  	_ =	shalt  }
0x6f: {  	_ =	shalt  }
0x70: {  	_ =	shalt  }
0x71: {  	_ =	shalt  }
0x72: {  	_ =	shalt  }
0x73: {  	_ =	shalt  }
0x74: {  	_ =	shalt  }
0x75: {  	_ =	shalt  }
0x76: {  	_ =	shalt  }
0x77: {  	_ =	shalt  }
0x78: {  	_ =	shalt  }
0x79: {  	_ =	shalt  }
0x7a: {  	_ =	shalt  }
0x7b: {  	_ =	shalt  }
0x7c: {  	_ =	shalt  }
0x7d: {  	_ =	shalt  }
0x7e: {  	_ =	shalt  }
0x7f: {  	_ =	shalt  }
0x80: {  	_ =	shalt  }
0x81: {  	_ =	shalt  }
0x82: {  	_ =	shalt  }
0x83: {  	_ =	shalt  }
0x84: {  	_ =	shalt  }
0x85: {  	_ =	shalt  }
0x86: {  	_ =	shalt  }
0x87: {  	_ =	shalt  }
.Lfunc_end0:
.L_simem_size_0:
called_computation_lowered:
.L_overlay_start_0:
0x88: {  	s2 =	sld [smem:$0x3FD9]  }
0x89: {  	s3 =	sld [smem:$0x3FFE];
	_ =	sdelay $0x1  }
0x8a: {  	s1 =	srdreg.scid  }
0x8b: {  	s0 =	sand.u32 $0x1, s1  }
0x8c: {  	s16 =	sshll.u32 s0, $0xA;
	s2 =	sadd.s32 s3, s2  }
0x8d: {  	s2 =	sadd.s32 s2, s16  }
0x8e: {  	[smem:$0x3FB6] =	sst s2  }
0x8f: {  	_ = 	snop  }
0x90: {  	(tm) =	ssettm $0x1  }
0x91: {  	s17 =	sld [smem:$0x3FFB];
	_ =	sdelay $0x3  }
0x92: {  	_ =	strace s17  }
0x93: {  	s2 =	sld [smem:$0x3FFC];
	_ =	sdelay $0x3  }
0x94: {  	_ =	strace s2  }
0x95: {  	s2 =	sld [smem:$0x3FFD];
	_ =	sdelay $0x3  }
0x96: {  	_ =	strace s2  }
0x97: {  	_ =	strace $0x8FFFFFFF  }
0x98: {  	s18 =	sld [smem:$0x3FDB];
	_ =	sdelay $0x1  }
0x99: {  	s19 =	simm.s32 $_scs_section_size  }
0x9a: {  	s4 =	simm.s32 $_size__tile_overlayer_lowered;
	s5 =	simm.s32 $_tile_overlayer_lowered  }
0x9b: {  	s22 =	simm.s32 $0x1BFF;
	s21 =	sshll.u32 s5, $0x1;
	s2 =	sadd.s32 s19, s18  }
0x9c: {  	s6 =	simm.s32 $0x0;
	s20 =	sshll.u32 s4, $0x1;
	s4 =	sadd.s32 s21, s2  }
0x9d: {  	[timem:s6], [sflag:s22] =	dma.local [hbm:s4], s20  }
0x9e: {  	_ =	swait.ge [sflag:s22], s20  }
0x9f: {  	s3 =	ssub.s32 $0x0, s20;
	[sflag:s22] =	ssyncset.done $0x0  }
0xa0: {  	[sflag:s22] =	ssyncadd.s32 s3;
	_ =	sdelay $0x1  }
0xa1: {  	s23 =	simm.s32 $0x1B8B  }
0xa2: {  	_ =	swait.ge [sflag:s23], $0x1  }
0xa3: {  	[sflag:s23] =	ssyncset.done $0x0  }
0xa4: {  	s25 =	simm.s32 $0x1B8E;
	s24 =	sld [smem:$0x3FFE];
	[sflag:s23] =	ssyncadd.s32 $0xFFFFFFFF  }
0xa5: {  	s26 =	simm.s32 $execute0_lowered;
	[smem:$0x3FD2] =	sst s25  }
0xa6: {  	s4 =	sshll.u32 s26, $0x1;
	_ =	strace $0x80000046;
	[dreg:$0x1] =	wrdreg $0xFFFFFFFF  }
0xa7: {  	s28 =	simm.s32 $_size_execute0_lowered;
	s2 =	sadd.s32 s2, s4;
	[dreg:$0x0] =	wrdreg $0x0  }
0xa8: {  	s4 =	sshll.u32 s28, $0x1;
	[dreg:$0x2] =	wrdreg s2  }
0xa9: {  	[dreg:$0x3] =	wrdreg s4  }
0xaa: {  	[dreg:$0x4] =	wrdreg $0xC0  }
0xab: {  	_ =	task [dreg:s6], $0x5FFFF  }
0xac: {  	[dreg:$0x1] =	wrdreg $0xFFFFFFFF  }
0xad: {  	[dreg:$0x0] =	wrdreg $0x60  }
0xae: {  	[dreg:$0x2] =	wrdreg s24  }
0xaf: {  	[dreg:$0x3] =	wrdreg $0x9  }
0xb0: {  	_ =	task.clear_ibuf [dreg:s6], $0x4FFFF;
	_ =	strace $0x90000046  }
0xb1: {  	s29 =	simm.s32 $0x9;
	_ =	strace $0x80000048  }
0xb2: {  	_ =	swait.ge [sflag:s29], $0x1  }
0xb3: {  	[sflag:s29] =	ssyncadd.s32 $0xFFFFFFFF  }
0xb4: {  	_ =	strace $0x90000048  }
0xb5: {  	_ =	sfence  }
0xb6: {  	s30 =	sld [smem:$0x0];
	_ =	sdelay $0x2  }
0xb7: {  	s31 =	sshll.u32 s1, $0xD;
	s1 =	sshrl.u32 s1, $0x2  }
0xb8: {  	s3 =	sand.u32 $0x4000, s31;
	s1 =	sadd.s32 s1, s30  }
0xb9: {  	s0 =	sor.u32 s3, s0;
	s1 =	sshll.u32 s1, $0x11  }
0xba: {  	s0 =	sor.u32 s1, s0  }
0xbb: {  	s0 =	sadd.s32 $0x8F2B, s0  }
0xbc: {  	[sflag:s0] =	ssyncadd.remote.s32 $0x1  }
0xbd: {  	_ =	sfence.sel $0xFFFF  }
0xbe: {  	[dreg:$0x0] =	wrdreg $0xFFFFFFFF;
	(pc) =	sbr.abs _section_cstart, $3  }
0xbf: {  	[dreg:$0x1] =	wrdreg $0xFFFFFFFF  }
0xc0: {  	_ =	task.clear_ibuf [dreg:s6], $0x2FFFF;
	_ =	strace $0x9FFFFFFF  }
0xc1: {  	(tm) =	ssettm $0x7FFFFFFF  }
tec
execute0_lowered:
.L_overlay_start_1:
0x0: {  	(tag) =	ssettag $0x1  }
0x1: {  	s0 =	srdreg.scid;
	s1 =	stileid.u32  }
0x2: {  	s0 =	sand.u32 $0x1, s0;
	s1 =	smul.u32 $0x9C40, s1  }
0x3: {  	s2 =	smul.u32 $0x4E20, s0;
	_ =	sdelay $0x1  }
0x4: {  	s4 =	rddreg [dreg:$0x0];
	s1 =	sadd.s32 s2, s1;
	s2 =	simm.s32 $0x0  }
0x5: {  	s23 =	simm.s32 $0xA50;
	[smem:$0x7FF] =	sst s2  }
0x6: {  	s24 =	simm.s32 $0xA0;
	_ =	strace $0x80000047;
	[dreg:$0x3] =	wrdreg s23  }
0x7: {  	s25 =	simm.s32 $0xCD0;
	[dreg:$0x4] =	wrdreg s24  }
0x8: {  	s26 =	simm.s32 $0xF0;
	[dreg:$0x5] =	wrdreg s25  }
0x9: {  	s31 =	simm.s32 $0xF50;
	[dreg:$0x6] =	wrdreg s26  }
0xa: {  	s5 =	simm.s32 $0x140;
	[dreg:$0x7] =	wrdreg s31  }
0xb: {  	s6 =	simm.s32 $0x11D0;
	[dreg:$0x8] =	wrdreg s5  }
0xc: {  	s7 =	simm.s32 $0x190;
	[dreg:$0x9] =	wrdreg s6  }
0xd: {  	s8 =	simm.s32 $0x1450;
	[dreg:$0xa] =	wrdreg s7  }
0xe: {  	s9 =	simm.s32 $0x1E0;
	[dreg:$0xb] =	wrdreg s8  }
0xf: {  	s10 =	simm.s32 $0x16D0;
	[dreg:$0xc] =	wrdreg s9  }
0x10: {  	s11 =	simm.s32 $0x230;
	[dreg:$0xd] =	wrdreg s10  }
0x11: {  	s12 =	simm.s32 $0x1950;
	[dreg:$0xe] =	wrdreg s11  }
0x12: {  	s13 =	simm.s32 $0x280;
	s14 =	simm.s32 $0x1BD0;
	[dreg:$0xf] =	wrdreg s12  }
0x13: {  	s15 =	simm.s32 $0x2D0;
	s16 =	simm.s32 $0x1E50;
	[dreg:$0x10] =	wrdreg s13  }
0x14: {  	s17 =	simm.s32 $0x320;
	s18 =	simm.s32 $0x370;
	[dreg:$0x11] =	wrdreg s14  }
0x15: {  	s19 =	simm.s32 $0x2350;
	s20 =	simm.s32 $0x3C0;
	[dreg:$0x12] =	wrdreg s15  }
0x16: {  	s22 =	simm.s32 $0x25D0;
	s28 =	simm.s32 $0x43D0;
	[dreg:$0x13] =	wrdreg s16  }
0x17: {  	s29 =	simm.s32 $0x1;
	s0 =	ssub.s32 $0x2, s0;
	[dreg:$0x14] =	wrdreg s17  }
0x18: {  	s30 =	simm.s32 $0x2;
	s21 =	sshrl.u32 s0, $0x1;
	[dreg:$0x16] =	wrdreg s18  }
0x19: {  	s0 =	ssub.s32 s0, s21;
	s21 =	simm.s32 $0x3C50;
	[dreg:$0x17] =	wrdreg s19  }
0x1a: {  	s3 =	sshrl.u32 s1, $0x3;
	s1 =	sadd.s32 s1, s4;
	[dreg:$0x18] =	wrdreg s20  }
0x1b: {  	s0 =	smax.u32 s0, $0x1;
	s3 =	sadd.s32 s3, s4;
	[dreg:$0x19] =	wrdreg s22  }
0x1c: {  	s5 =	simm.s32 $0x20D0;
	s23 =	simm.s32 $0x410;
	[dreg:$0x1f] =	wrdreg s0  }
0x1d: {  	s24 =	simm.s32 $0x2850;
	s1 =	sadd.s32 $0x18400, s1;
	s25 =	simm.s32 $0x460  }
0x1e: {  	s6 =	simm.s32 $0x3;
	s26 =	simm.s32 $0x2AD0;
	s7 =	simm.s32 $0x50  }
0x1f: {  	s31 =	simm.s32 $0x4B0;
	s8 =	simm.s32 $0x7D0;
	s9 =	simm.s32 $0x2D50  }
0x20: {  	s10 =	simm.s32 $0x500;
	s11 =	simm.s32 $0x2FD0;
	[dreg:$0x15] =	wrdreg s5  }
0x21: {  	s12 =	simm.s32 $0x550;
	s13 =	simm.s32 $0x3250;
	[dreg:$0x1a] =	wrdreg s23  }
0x22: {  	s14 =	simm.s32 $0x5A0;
	s15 =	simm.s32 $0x34D0;
	[smem:$0x7FD] =	sst s1  }
0x23: {  	s16 =	simm.s32 $0x5F0;
	s17 =	simm.s32 $0x3750;
	[dreg:$0x1b] =	wrdreg s24  }
0x24: {  	s18 =	simm.s32 $0x640;
	s19 =	simm.s32 $0x39D0;
	[dreg:$0x1c] =	wrdreg s25  }
0x25: {  	s20 =	simm.s32 $0x690;
	s22 =	simm.s32 $0x6E0;
	[dreg:$0x1d] =	wrdreg s26  }
0x26: {  	s3 =	sadd.s32 $0x4A00, s3;
	[dreg:$0x1e] =	wrdreg s31;
	s23 =	simm.s32 $0x3ED0  }
0x27: {  	s24 =	simm.s32 $0x730;
	s25 =	simm.s32 $0x4150;
	s26 =	simm.s32 $0x780  }
0x28: {  	s1 =	simm.s32 $0x0;
	[dreg:$0x2] =	wrdreg s3;
	s3 =	sadd.s32 $0x2200, s4  }
.LBB2_1:
0x29: {  	s0 =	rddreg [dreg:$0x2]  }
0x2a: {  	[smem:$0x7FC] =	sst s1;
	s0 =	sadd.s32 $0x0, s0  }
0x2b: {  	[tilespmem:s2], [sflag:$0x3] =	stream.linear.gather [hbm4b:s0+s2], $0x7D0, $0x38;
	[tilespmem:$0x4650] =	vst v63  }
0x2c: {  	_ =	swait.ge [sflag:s6], $0x7D0  }
0x2d: {  	s0 =	rddreg [dreg:$0x4]  }
0x2e: {  	[sflag:s6] =	ssyncset.done $0x0;
	s31 =	rddreg [dreg:$0x3]  }
0x2f: {  	s4 =	rddreg [dreg:$0x5];
	[sflag:s6] =	ssyncadd.s32 $0xFFFFF830  }
0x30: {  	[tilespmem:s8], [sflag:$0x1] =	stream.indirect.gather [hbm4b:s3+s7], $0x8, s2, s7, $0xb8;
	[tilespmem:$0x4650] =	vst v63  }
0x31: {  	s5 =	rddreg [dreg:$0x7]  }
0x32: {  	[tilespmem:s31], [sflag:$0x1] =	stream.indirect.gather [hbm4b:s3+s7], $0x8, s7, s7, $0xb8;
	[tilespmem:$0x4650] =	vst v63  }
0x33: {  	s31 =	rddreg [dreg:$0x6]  }
0x34: {  	[tilespmem:s4], [sflag:$0x1] =	stream.indirect.gather [hbm4b:s3+s7], $0x8, s0, s7, $0xb8;
	[tilespmem:$0x4650] =	vst v63  }
0x35: {  	s0 =	rddreg [dreg:$0x9]  }
0x36: {  	s4 =	rddreg [dreg:$0x8]  }
0x37: {  	[tilespmem:s5], [sflag:$0x1] =	stream.indirect.gather [hbm4b:s3+s7], $0x8, s31, s7, $0xb8;
	[tilespmem:$0x4650] =	vst v63  }
0x38: {  	s5 =	rddreg [dreg:$0xb]  }
0x39: {  	s31 =	rddreg [dreg:$0xa]  }
0x3a: {  	[tilespmem:s0], [sflag:$0x1] =	stream.indirect.gather [hbm4b:s3+s7], $0x8, s4, s7, $0xb8;
	[tilespmem:$0x4650] =	vst v63  }
0x3b: {  	s0 =	rddreg [dreg:$0xd]  }
0x3c: {  	s4 =	rddreg [dreg:$0xc]  }
0x3d: {  	[tilespmem:s5], [sflag:$0x1] =	stream.indirect.gather [hbm4b:s3+s7], $0x8, s31, s7, $0xb8;
	[tilespmem:$0x4650] =	vst v63  }
0x3e: {  	s5 =	rddreg [dreg:$0xf]  }
0x3f: {  	s31 =	rddreg [dreg:$0xe]  }
0x40: {  	[tilespmem:s0], [sflag:$0x1] =	stream.indirect.gather [hbm4b:s3+s7], $0x8, s4, s7, $0xb8;
	[tilespmem:$0x4650] =	vst v63  }
0x41: {  	s0 =	rddreg [dreg:$0x11]  }
0x42: {  	s4 =	rddreg [dreg:$0x10]  }
0x43: {  	[tilespmem:s5], [sflag:$0x1] =	stream.indirect.gather [hbm4b:s3+s7], $0x8, s31, s7, $0xb8;
	[tilespmem:$0x4650] =	vst v63  }
0x44: {  	s5 =	rddreg [dreg:$0x13]  }
0x45: {  	s31 =	rddreg [dreg:$0x12]  }
0x46: {  	[tilespmem:s0], [sflag:$0x1] =	stream.indirect.gather [hbm4b:s3+s7], $0x8, s4, s7, $0xb8;
	[tilespmem:$0x4650] =	vst v63  }
0x47: {  	s0 =	rddreg [dreg:$0x15]  }
0x48: {  	s4 =	rddreg [dreg:$0x14]  }
0x49: {  	[tilespmem:s5], [sflag:$0x1] =	stream.indirect.gather [hbm4b:s3+s7], $0x8, s31, s7, $0xb8;
	[tilespmem:$0x4650] =	vst v63  }
0x4a: {  	s5 =	rddreg [dreg:$0x17]  }
0x4b: {  	s31 =	rddreg [dreg:$0x16]  }
0x4c: {  	[tilespmem:s0], [sflag:$0x1] =	stream.indirect.gather [hbm4b:s3+s7], $0x8, s4, s7, $0xb8;
	[tilespmem:$0x4650] =	vst v63  }
0x4d: {  	s0 =	rddreg [dreg:$0x19]  }
0x4e: {  	s4 =	rddreg [dreg:$0x18]  }
0x4f: {  	[tilespmem:s5], [sflag:$0x1] =	stream.indirect.gather [hbm4b:s3+s7], $0x8, s31, s7, $0xb8;
	[tilespmem:$0x4650] =	vst v63  }
0x50: {  	s5 =	rddreg [dreg:$0x1b]  }
0x51: {  	s31 =	rddreg [dreg:$0x1a]  }
0x52: {  	[tilespmem:s0], [sflag:$0x1] =	stream.indirect.gather [hbm4b:s3+s7], $0x8, s4, s7, $0xb8;
	[tilespmem:$0x4650] =	vst v63  }
0x53: {  	s0 =	rddreg [dreg:$0x1d]  }
0x54: {  	[tilespmem:s5], [sflag:$0x1] =	stream.indirect.gather [hbm4b:s3+s7], $0x8, s31, s7, $0xb8;
	[tilespmem:$0x4650] =	vst v63  }
0x55: {  	s4 =	rddreg [dreg:$0x1c]  }
0x56: {  	[tilespmem:s0], [sflag:$0x1] =	stream.indirect.gather [hbm4b:s3+s7], $0x8, s4, s7, $0xb8;
	[tilespmem:$0x4650] =	vst v63  }
0x57: {  	s31 =	rddreg [dreg:$0x1e]  }
0x58: {  	[tilespmem:s9], [sflag:$0x1] =	stream.indirect.gather [hbm4b:s3+s7], $0x8, s31, s7, $0xb8;
	[tilespmem:$0x4650] =	vst v63  }
0x59: {  	_ = 	snop  }
0x5a: {  	[tilespmem:s11], [sflag:$0x1] =	stream.indirect.gather [hbm4b:s3+s7], $0x8, s10, s7, $0xb8;
	[tilespmem:$0x4650] =	vst v63  }
0x5b: {  	_ = 	snop  }
0x5c: {  	[tilespmem:s13], [sflag:$0x1] =	stream.indirect.gather [hbm4b:s3+s7], $0x8, s12, s7, $0xb8;
	[tilespmem:$0x4650] =	vst v63  }
0x5d: {  	_ = 	snop  }
0x5e: {  	[tilespmem:s15], [sflag:$0x1] =	stream.indirect.gather [hbm4b:s3+s7], $0x8, s14, s7, $0xb8;
	[tilespmem:$0x4650] =	vst v63  }
0x5f: {  	_ = 	snop  }
0x60: {  	[tilespmem:s17], [sflag:$0x1] =	stream.indirect.gather [hbm4b:s3+s7], $0x8, s16, s7, $0xb8;
	[tilespmem:$0x4650] =	vst v63  }
0x61: {  	_ = 	snop  }
0x62: {  	[tilespmem:s19], [sflag:$0x1] =	stream.indirect.gather [hbm4b:s3+s7], $0x8, s18, s7, $0xb8;
	[tilespmem:$0x4650] =	vst v63  }
0x63: {  	_ = 	snop  }
0x64: {  	[tilespmem:s21], [sflag:$0x1] =	stream.indirect.gather [hbm4b:s3+s7], $0x8, s20, s7, $0xb8;
	[tilespmem:$0x4650] =	vst v63  }
0x65: {  	_ = 	snop  }
0x66: {  	[tilespmem:s23], [sflag:$0x1] =	stream.indirect.gather [hbm4b:s3+s7], $0x8, s22, s7, $0xb8;
	[tilespmem:$0x4650] =	vst v63  }
0x67: {  	_ = 	snop  }
0x68: {  	[tilespmem:s25], [sflag:$0x1] =	stream.indirect.gather [hbm4b:s3+s7], $0x8, s24, s7, $0xb8;
	[tilespmem:$0x4650] =	vst v63  }
0x69: {  	_ = 	snop  }
0x6a: {  	[tilespmem:s28], [sflag:$0x1] =	stream.indirect.gather [hbm4b:s3+s7], $0x8, s26, s7, $0xb8;
	[tilespmem:$0x4650] =	vst v63  }
0x6b: {  	_ =	swait.ge [sflag:s29], $0x280  }
0x6c: {  	[sflag:s29] =	ssyncset.done $0x0  }
0x6d: {  	[sflag:s29] =	ssyncadd.s32 $0xFFFFFD80  }
0x6e: {  	_ =	swait.ge [sflag:s29], $0x280  }
0x6f: {  	[sflag:s29] =	ssyncset.done $0x0  }
0x70: {  	[sflag:s29] =	ssyncadd.s32 $0xFFFFFD80  }
0x71: {  	_ =	swait.ge [sflag:s29], $0x280  }
0x72: {  	[sflag:s29] =	ssyncset.done $0x0  }
0x73: {  	[sflag:s29] =	ssyncadd.s32 $0xFFFFFD80  }
0x74: {  	_ =	swait.ge [sflag:s29], $0x280  }
0x75: {  	[sflag:s29] =	ssyncset.done $0x0  }
0x76: {  	[sflag:s29] =	ssyncadd.s32 $0xFFFFFD80  }
0x77: {  	_ =	swait.ge [sflag:s29], $0x280  }
0x78: {  	[sflag:s29] =	ssyncset.done $0x0  }
0x79: {  	[sflag:s29] =	ssyncadd.s32 $0xFFFFFD80  }
0x7a: {  	_ =	swait.ge [sflag:s29], $0x280  }
0x7b: {  	[sflag:s29] =	ssyncset.done $0x0  }
0x7c: {  	[sflag:s29] =	ssyncadd.s32 $0xFFFFFD80  }
0x7d: {  	_ =	swait.ge [sflag:s29], $0x280  }
0x7e: {  	[sflag:s29] =	ssyncset.done $0x0  }
0x7f: {  	[sflag:s29] =	ssyncadd.s32 $0xFFFFFD80  }
0x80: {  	_ =	swait.ge [sflag:s29], $0x280  }
0x81: {  	[sflag:s29] =	ssyncset.done $0x0  }
0x82: {  	[sflag:s29] =	ssyncadd.s32 $0xFFFFFD80  }
0x83: {  	_ =	swait.ge [sflag:s29], $0x280  }
0x84: {  	[sflag:s29] =	ssyncset.done $0x0  }
0x85: {  	[sflag:s29] =	ssyncadd.s32 $0xFFFFFD80  }
0x86: {  	_ =	swait.ge [sflag:s29], $0x280  }
0x87: {  	[sflag:s29] =	ssyncset.done $0x0  }
0x88: {  	[sflag:s29] =	ssyncadd.s32 $0xFFFFFD80  }
0x89: {  	_ =	swait.ge [sflag:s29], $0x280  }
0x8a: {  	[sflag:s29] =	ssyncset.done $0x0  }
0x8b: {  	[sflag:s29] =	ssyncadd.s32 $0xFFFFFD80  }
0x8c: {  	_ =	swait.ge [sflag:s29], $0x280  }
0x8d: {  	[sflag:s29] =	ssyncset.done $0x0  }
0x8e: {  	[sflag:s29] =	ssyncadd.s32 $0xFFFFFD80  }
0x8f: {  	_ =	swait.ge [sflag:s29], $0x280  }
0x90: {  	[sflag:s29] =	ssyncset.done $0x0  }
0x91: {  	[sflag:s29] =	ssyncadd.s32 $0xFFFFFD80  }
0x92: {  	_ =	swait.ge [sflag:s29], $0x280  }
0x93: {  	[sflag:s29] =	ssyncset.done $0x0  }
0x94: {  	[sflag:s29] =	ssyncadd.s32 $0xFFFFFD80  }
0x95: {  	_ =	swait.ge [sflag:s29], $0x280  }
0x96: {  	[sflag:s29] =	ssyncset.done $0x0  }
0x97: {  	[sflag:s29] =	ssyncadd.s32 $0xFFFFFD80  }
0x98: {  	_ =	swait.ge [sflag:s29], $0x280  }
0x99: {  	[sflag:s29] =	ssyncset.done $0x0  }
0x9a: {  	[sflag:s29] =	ssyncadd.s32 $0xFFFFFD80  }
0x9b: {  	_ =	swait.ge [sflag:s29], $0x280  }
0x9c: {  	[sflag:s29] =	ssyncset.done $0x0  }
0x9d: {  	[sflag:s29] =	ssyncadd.s32 $0xFFFFFD80  }
0x9e: {  	_ =	swait.ge [sflag:s29], $0x280  }
0x9f: {  	[sflag:s29] =	ssyncset.done $0x0  }
0xa0: {  	[sflag:s29] =	ssyncadd.s32 $0xFFFFFD80  }
0xa1: {  	_ =	swait.ge [sflag:s29], $0x280  }
0xa2: {  	[sflag:s29] =	ssyncset.done $0x0  }
0xa3: {  	[sflag:s29] =	ssyncadd.s32 $0xFFFFFD80  }
0xa4: {  	_ =	swait.ge [sflag:s29], $0x280  }
0xa5: {  	[sflag:s29] =	ssyncset.done $0x0  }
0xa6: {  	[sflag:s29] =	ssyncadd.s32 $0xFFFFFD80  }
0xa7: {  	_ =	swait.ge [sflag:s29], $0x280  }
0xa8: {  	[sflag:s29] =	ssyncset.done $0x0  }
0xa9: {  	[sflag:s29] =	ssyncadd.s32 $0xFFFFFD80  }
0xaa: {  	_ =	swait.ge [sflag:s29], $0x280  }
0xab: {  	s5 =	sld [smem:$0x7FD];
	_ =	sdelay $0x2  }
0xac: {  	s0 =	simm.s32 $0xFA;
	[sflag:s29] =	ssyncset.done $0x0;
	s1 =	smov.u32 s5  }
.LBB2_2:
0xad: {  	[sflag:s29] =	ssyncadd.s32 $0xFFFFFD80  }
0xae: {  	_ =	swait.ge [sflag:s29], $0x280  }
0xaf: {  	[sflag:s29] =	ssyncset.done $0x0  }
0xb0: {  	[sflag:s29] =	ssyncadd.s32 $0xFFFFFD80  }
0xb1: {  	_ =	swait.ge [sflag:s29], $0x280  }
0xb2: {  	[sflag:s29] =	ssyncset.done $0x0  }
0xb3: {  	[sflag:s29] =	ssyncadd.s32 $0xFFFFFD80  }
0xb4: {  	_ =	swait.ge [sflag:s29], $0x280  }
0xb5: {  	[sflag:s29] =	ssyncset.done $0x0  }
0xb6: {  	[sflag:s29] =	ssyncadd.s32 $0xFFFFFD80  }
0xb7: {  	[hbm4b:s5+s2] =	stream.linear.scatter [tilespmem:s8], [sflag:$0x2], $0x3E80, $0x38;
	[tilespmem:$0x4650] =	vst v63  }
0xb8: {  	_ =	swait.ge [sflag:s30], $0x3E80  }
0xb9: {  	s4 =	smov.u32 s0;
	s9 =	rddreg [dreg:$0x2];
	[sflag:s30] =	ssyncset.done $0x0  }
0xba: {  	[sflag:s30] =	ssyncadd.s32 $0xFFFFC180;
	s4 =	sadd.s32 s4, s9  }
0xbb: {  	[tilespmem:s2], [sflag:$0x3] =	stream.linear.gather [hbm4b:s4+s2], $0x7D0, $0x38;
	[tilespmem:$0x4650] =	vst v63  }
0xbc: {  	_ =	swait.ge [sflag:s6], $0x7D0  }
0xbd: {  	s4 =	rddreg [dreg:$0x1d]  }
0xbe: {  	s31 =	rddreg [dreg:$0x1b]  }
0xbf: {  	s9 =	rddreg [dreg:$0x19]  }
0xc0: {  	s10 =	rddreg [dreg:$0x17]  }
0xc1: {  	s11 =	rddreg [dreg:$0x15]  }
0xc2: {  	s12 =	rddreg [dreg:$0x13]  }
0xc3: {  	s13 =	rddreg [dreg:$0x11]  }
0xc4: {  	s14 =	rddreg [dreg:$0xf]  }
0xc5: {  	s15 =	rddreg [dreg:$0xd]  }
0xc6: {  	s16 =	rddreg [dreg:$0xb]  }
0xc7: {  	s17 =	rddreg [dreg:$0x9]  }
0xc8: {  	s18 =	rddreg [dreg:$0x4];
	[sflag:s6] =	ssyncset.done $0x0  }
0xc9: {  	s19 =	rddreg [dreg:$0x3];
	[sflag:s6] =	ssyncadd.s32 $0xFFFFF830  }
0xca: {  	[tilespmem:s8], [sflag:$0x1] =	stream.indirect.gather [hbm4b:s3+s7], $0x8, s2, s7, $0xb8;
	[tilespmem:$0x4650] =	vst v63  }
0xcb: {  	s20 =	rddreg [dreg:$0x5]  }
0xcc: {  	[tilespmem:s19], [sflag:$0x1] =	stream.indirect.gather [hbm4b:s3+s7], $0x8, s7, s7, $0xb8;
	[tilespmem:$0x4650] =	vst v63  }
0xcd: {  	s21 =	rddreg [dreg:$0x7]  }
0xce: {  	[tilespmem:s20], [sflag:$0x1] =	stream.indirect.gather [hbm4b:s3+s7], $0x8, s18, s7, $0xb8;
	[tilespmem:$0x4650] =	vst v63  }
0xcf: {  	s19 =	rddreg [dreg:$0x6]  }
0xd0: {  	[tilespmem:s21], [sflag:$0x1] =	stream.indirect.gather [hbm4b:s3+s7], $0x8, s19, s7, $0xb8;
	[tilespmem:$0x4650] =	vst v63  }
0xd1: {  	s18 =	rddreg [dreg:$0x8]  }
0xd2: {  	[tilespmem:s17], [sflag:$0x1] =	stream.indirect.gather [hbm4b:s3+s7], $0x8, s18, s7, $0xb8;
	[tilespmem:$0x4650] =	vst v63  }
0xd3: {  	s19 =	rddreg [dreg:$0xa]  }
0xd4: {  	[tilespmem:s16], [sflag:$0x1] =	stream.indirect.gather [hbm4b:s3+s7], $0x8, s19, s7, $0xb8;
	[tilespmem:$0x4650] =	vst v63  }
0xd5: {  	s17 =	rddreg [dreg:$0xc]  }
0xd6: {  	[tilespmem:s15], [sflag:$0x1] =	stream.indirect.gather [hbm4b:s3+s7], $0x8, s17, s7, $0xb8;
	[tilespmem:$0x4650] =	vst v63  }
0xd7: {  	s16 =	rddreg [dreg:$0xe]  }
0xd8: {  	[tilespmem:s14], [sflag:$0x1] =	stream.indirect.gather [hbm4b:s3+s7], $0x8, s16, s7, $0xb8;
	[tilespmem:$0x4650] =	vst v63  }
0xd9: {  	s15 =	rddreg [dreg:$0x10]  }
0xda: {  	[tilespmem:s13], [sflag:$0x1] =	stream.indirect.gather [hbm4b:s3+s7], $0x8, s15, s7, $0xb8;
	[tilespmem:$0x4650] =	vst v63  }
0xdb: {  	s14 =	rddreg [dreg:$0x12]  }
0xdc: {  	[tilespmem:s12], [sflag:$0x1] =	stream.indirect.gather [hbm4b:s3+s7], $0x8, s14, s7, $0xb8;
	[tilespmem:$0x4650] =	vst v63  }
0xdd: {  	s13 =	rddreg [dreg:$0x14]  }
0xde: {  	[tilespmem:s11], [sflag:$0x1] =	stream.indirect.gather [hbm4b:s3+s7], $0x8, s13, s7, $0xb8;
	[tilespmem:$0x4650] =	vst v63  }
0xdf: {  	s12 =	rddreg [dreg:$0x16]  }
0xe0: {  	[tilespmem:s10], [sflag:$0x1] =	stream.indirect.gather [hbm4b:s3+s7], $0x8, s12, s7, $0xb8;
	[tilespmem:$0x4650] =	vst v63  }
0xe1: {  	s11 =	rddreg [dreg:$0x18]  }
0xe2: {  	[tilespmem:s9], [sflag:$0x1] =	stream.indirect.gather [hbm4b:s3+s7], $0x8, s11, s7, $0xb8;
	[tilespmem:$0x4650] =	vst v63  }
0xe3: {  	s10 =	rddreg [dreg:$0x1a]  }
0xe4: {  	[tilespmem:s31], [sflag:$0x1] =	stream.indirect.gather [hbm4b:s3+s7], $0x8, s10, s7, $0xb8;
	[tilespmem:$0x4650] =	vst v63  }
0xe5: {  	s9 =	rddreg [dreg:$0x1c]  }
0xe6: {  	[tilespmem:s4], [sflag:$0x1] =	stream.indirect.gather [hbm4b:s3+s7], $0x8, s9, s7, $0xb8;
	[tilespmem:$0x4650] =	vst v63  }
0xe7: {  	s31 =	rddreg [dreg:$0x1e];
	s9 =	simm.s32 $0x2D50  }
0xe8: {  	[tilespmem:s9], [sflag:$0x1] =	stream.indirect.gather [hbm4b:s3+s7], $0x8, s31, s7, $0xb8;
	[tilespmem:$0x4650] =	vst v63  }
0xe9: {  	s11 =	simm.s32 $0x2FD0;
	s10 =	simm.s32 $0x500  }
0xea: {  	[tilespmem:s11], [sflag:$0x1] =	stream.indirect.gather [hbm4b:s3+s7], $0x8, s10, s7, $0xb8;
	[tilespmem:$0x4650] =	vst v63  }
0xeb: {  	s13 =	simm.s32 $0x3250;
	s12 =	simm.s32 $0x550  }
0xec: {  	[tilespmem:s13], [sflag:$0x1] =	stream.indirect.gather [hbm4b:s3+s7], $0x8, s12, s7, $0xb8;
	[tilespmem:$0x4650] =	vst v63  }
0xed: {  	s15 =	simm.s32 $0x34D0;
	s14 =	simm.s32 $0x5A0  }
0xee: {  	[tilespmem:s15], [sflag:$0x1] =	stream.indirect.gather [hbm4b:s3+s7], $0x8, s14, s7, $0xb8;
	[tilespmem:$0x4650] =	vst v63  }
0xef: {  	s17 =	simm.s32 $0x3750;
	s16 =	simm.s32 $0x5F0  }
0xf0: {  	[tilespmem:s17], [sflag:$0x1] =	stream.indirect.gather [hbm4b:s3+s7], $0x8, s16, s7, $0xb8;
	[tilespmem:$0x4650] =	vst v63  }
0xf1: {  	s18 =	simm.s32 $0x640;
	s19 =	simm.s32 $0x39D0  }
0xf2: {  	[tilespmem:s19], [sflag:$0x1] =	stream.indirect.gather [hbm4b:s3+s7], $0x8, s18, s7, $0xb8;
	[tilespmem:$0x4650] =	vst v63  }
0xf3: {  	s20 =	simm.s32 $0x690;
	s21 =	simm.s32 $0x3C50  }
0xf4: {  	[tilespmem:s21], [sflag:$0x1] =	stream.indirect.gather [hbm4b:s3+s7], $0x8, s20, s7, $0xb8;
	[tilespmem:$0x4650] =	vst v63  }
0xf5: {  	_ = 	snop  }
0xf6: {  	[tilespmem:s23], [sflag:$0x1] =	stream.indirect.gather [hbm4b:s3+s7], $0x8, s22, s7, $0xb8;
	[tilespmem:$0x4650] =	vst v63  }
0xf7: {  	_ = 	snop  }
0xf8: {  	[tilespmem:s25], [sflag:$0x1] =	stream.indirect.gather [hbm4b:s3+s7], $0x8, s24, s7, $0xb8;
	[tilespmem:$0x4650] =	vst v63  }
0xf9: {  	_ = 	snop  }
0xfa: {  	[tilespmem:s28], [sflag:$0x1] =	stream.indirect.gather [hbm4b:s3+s7], $0x8, s26, s7, $0xb8;
	[tilespmem:$0x4650] =	vst v63  }
0xfb: {  	_ =	swait.ge [sflag:s29], $0x280  }
0xfc: {  	[sflag:s29] =	ssyncset.done $0x0  }
0xfd: {  	[sflag:s29] =	ssyncadd.s32 $0xFFFFFD80  }
0xfe: {  	_ =	swait.ge [sflag:s29], $0x280  }
0xff: {  	[sflag:s29] =	ssyncset.done $0x0  }
0x100: {  	[sflag:s29] =	ssyncadd.s32 $0xFFFFFD80  }
0x101: {  	_ =	swait.ge [sflag:s29], $0x280  }
0x102: {  	[sflag:s29] =	ssyncset.done $0x0  }
0x103: {  	[sflag:s29] =	ssyncadd.s32 $0xFFFFFD80  }
0x104: {  	_ =	swait.ge [sflag:s29], $0x280  }
0x105: {  	[sflag:s29] =	ssyncset.done $0x0  }
0x106: {  	[sflag:s29] =	ssyncadd.s32 $0xFFFFFD80  }
0x107: {  	_ =	swait.ge [sflag:s29], $0x280  }
0x108: {  	[sflag:s29] =	ssyncset.done $0x0  }
0x109: {  	[sflag:s29] =	ssyncadd.s32 $0xFFFFFD80  }
0x10a: {  	_ =	swait.ge [sflag:s29], $0x280  }
0x10b: {  	[sflag:s29] =	ssyncset.done $0x0  }
0x10c: {  	[sflag:s29] =	ssyncadd.s32 $0xFFFFFD80  }
0x10d: {  	_ =	swait.ge [sflag:s29], $0x280  }
0x10e: {  	[sflag:s29] =	ssyncset.done $0x0  }
0x10f: {  	[sflag:s29] =	ssyncadd.s32 $0xFFFFFD80  }
0x110: {  	_ =	swait.ge [sflag:s29], $0x280  }
0x111: {  	[sflag:s29] =	ssyncset.done $0x0  }
0x112: {  	[sflag:s29] =	ssyncadd.s32 $0xFFFFFD80  }
0x113: {  	_ =	swait.ge [sflag:s29], $0x280  }
0x114: {  	[sflag:s29] =	ssyncset.done $0x0  }
0x115: {  	[sflag:s29] =	ssyncadd.s32 $0xFFFFFD80  }
0x116: {  	_ =	swait.ge [sflag:s29], $0x280  }
0x117: {  	[sflag:s29] =	ssyncset.done $0x0  }
0x118: {  	[sflag:s29] =	ssyncadd.s32 $0xFFFFFD80  }
0x119: {  	_ =	swait.ge [sflag:s29], $0x280  }
0x11a: {  	[sflag:s29] =	ssyncset.done $0x0  }
0x11b: {  	[sflag:s29] =	ssyncadd.s32 $0xFFFFFD80  }
0x11c: {  	_ =	swait.ge [sflag:s29], $0x280  }
0x11d: {  	[sflag:s29] =	ssyncset.done $0x0  }
0x11e: {  	[sflag:s29] =	ssyncadd.s32 $0xFFFFFD80  }
0x11f: {  	_ =	swait.ge [sflag:s29], $0x280  }
0x120: {  	[sflag:s29] =	ssyncset.done $0x0  }
0x121: {  	[sflag:s29] =	ssyncadd.s32 $0xFFFFFD80  }
0x122: {  	_ =	swait.ge [sflag:s29], $0x280  }
0x123: {  	[sflag:s29] =	ssyncset.done $0x0  }
0x124: {  	[sflag:s29] =	ssyncadd.s32 $0xFFFFFD80  }
0x125: {  	_ =	swait.ge [sflag:s29], $0x280  }
0x126: {  	[sflag:s29] =	ssyncset.done $0x0  }
0x127: {  	[sflag:s29] =	ssyncadd.s32 $0xFFFFFD80  }
0x128: {  	_ =	swait.ge [sflag:s29], $0x280  }
0x129: {  	[sflag:s29] =	ssyncset.done $0x0  }
0x12a: {  	[sflag:s29] =	ssyncadd.s32 $0xFFFFFD80  }
0x12b: {  	_ =	swait.ge [sflag:s29], $0x280  }
0x12c: {  	[sflag:s29] =	ssyncset.done $0x0  }
0x12d: {  	[sflag:s29] =	ssyncadd.s32 $0xFFFFFD80  }
0x12e: {  	_ =	swait.ge [sflag:s29], $0x280  }
0x12f: {  	[sflag:s29] =	ssyncset.done $0x0  }
0x130: {  	[sflag:s29] =	ssyncadd.s32 $0xFFFFFD80  }
0x131: {  	_ =	swait.ge [sflag:s29], $0x280  }
0x132: {  	[sflag:s29] =	ssyncset.done $0x0  }
0x133: {  	[sflag:s29] =	ssyncadd.s32 $0xFFFFFD80  }
0x134: {  	_ =	swait.ge [sflag:s29], $0x280  }
0x135: {  	[sflag:s29] =	ssyncset.done $0x0  }
0x136: {  	p0 =	sne.s32 s0, $0x8CA;
	[sflag:s29] =	ssyncadd.s32 $0xFFFFFD80  }
.Ltmp0:
0x137: {  	_ =	swait.ge [sflag:s29], $0x280;
	(pc) =	sbr.rel @p0 .LBB2_2-.Ltmp0, $4  }
0x138: {  	[sflag:s29] =	ssyncset.done $0x0  }
0x139: {  	[sflag:s29] =	ssyncadd.s32 $0xFFFFFD80  }
0x13a: {  	s1 =	sadd.s32 $0x7D0, s1;
	_ =	swait.ge [sflag:s29], $0x280  }
0x13b: {  	s0 =	sadd.s32 $0xFA, s0;
	s5 =	smov.u32 s1;
	[sflag:s29] =	ssyncset.done $0x0  }
0x13c: {  	[sflag:s29] =	ssyncadd.s32 $0xFFFFFD80  }
0x13d: {  	_ =	swait.ge [sflag:s29], $0x280  }
0x13e: {  	[sflag:s29] =	ssyncset.done $0x0  }
0x13f: {  	[sflag:s29] =	ssyncadd.s32 $0xFFFFFD80  }
0x140: {  	_ =	swait.ge [sflag:s29], $0x280  }
0x141: {  	[sflag:s29] =	ssyncset.done $0x0  }
0x142: {  	[sflag:s29] =	ssyncadd.s32 $0xFFFFFD80  }
0x143: {  	_ =	swait.ge [sflag:s29], $0x280  }
0x144: {  	[sflag:s29] =	ssyncset.done $0x0  }
0x145: {  	[sflag:s29] =	ssyncadd.s32 $0xFFFFFD80  }
0x146: {  	[hbm4b:s5+s2] =	stream.linear.scatter [tilespmem:s8], [sflag:$0x2], $0x3E80, $0x38;
	[tilespmem:$0x4650] =	vst v63  }
0x147: {  	_ =	swait.ge [sflag:s30], $0x3E80  }
0x148: {  	s1 =	sld [smem:$0x7FC];
	_ =	sdelay $0x2  }
0x149: {  	s0 =	rddreg [dreg:$0x1f];
	s1 =	sadd.s32 $0x1, s1  }
0x14a: {  	p0 =	sne.s32 s1, s0  }
.Ltmp1:
0x14b: {  	_ = 	snop;
	(pc) =	sbr.rel @p0 .LBB2_1-.Ltmp1, $3  }
0x14c: {  	_ =	sdelay $0x1  }
0x14d: {  	[sflag:s30] =	ssyncset.done $0x0  }
0x14e: {  	[sflag:s30] =	ssyncadd.s32 $0xFFFFC180  }
0x14f: {  	_ =	sfence.sel $0x180000  }
0x150: {  	[bflag:$0x0] =	sbarrier.arrive $0xFFFF  }
0x151: {  	_ =	strace $0x90000047  }
0x152: {  	s0 =	stileid.u32;
	[bflag:$0x2] =	sbarrier.arrive $0xFFFF  }
0x153: {  	p0 =	sne.s32 s0, $0x0;
	s0 =	rddreg [dreg:$0x1]  }
0x154: {  	s0 =	sadd.s32 @!p0 $0x100000, s0  }
0x155: {  	[sflag:s0] =	ssyncadd.tile.s32 @!p0 $0x1;
	_ =	shalt  }
.Lfunc_end2:
_tile_overlayer_lowered:
.L_overlay_start_2:
0x156: {  	(tag) =	ssettag $0x2  }
0x157: {  	s0 =	rddreg [dreg:$0x0];
	s2 =	stileid.u32  }
0x158: {  	s1 =	rddreg [dreg:$0x1];
	p0 =	sne.s32 s2, $0x0  }
0x159: {  	s3 =	rddreg [dreg:$0x2];
	[bflag:$0x3] =	sbarrier.arrive $0xFFFF;
	s2 =	simm.s32 @!p0 $0x1C03  }
0x15a: {  	[timem:s3], [sflag:s2] =	dma.local @!p0 [hbm:s0], s1  }
0x15b: {  	s0 =	simm.s32 @!p0 $0x3  }
0x15c: {  	_ =	swait.ge @!p0 [sflag:s0], s1  }
0x15d: {  	s1 =	ssub.s32 @!p0 $0x0, s1;
	[sflag:s0] =	ssyncset.done @!p0 $0x0  }
0x15e: {  	[sflag:s0] =	ssyncadd.s32 @!p0 s1  }
0x15f: {  	[bflag:$0x3] =	sbarrier.arrive $0xFFFF  }
0x160: {  	_ =	shalt  }

// kernel: kernel.9.cloned.1.call-start
scs
__scs_entry_jumppad:
0x0: {  	(pc) =	sbr.rel $0x88, $3  }
0x1: {  	(tag) =	ssettag $0x0;
	lr =	simm.s32 $0x1  }
0x2: {  	[smem:$0x3F8F] =	sst lr;
	_ =	strace $0xD0000000  }
0x3: {  	_ = 	snop  }
0x4: {  	_ = 	snop  }
0x5: {  	_ = 	snop  }
0x6: {  	_ = 	snop  }
0x7: {  	_ = 	snop  }
__scs_overlays_trampoline_lowered:
0x8: {  	[smem:$0x3F9E] =	sst s0  }
0x9: {  	[smem:$0x3F9F] =	sst s1  }
0xa: {  	[smem:$0x3FA0] =	sst s2  }
0xb: {  	[smem:$0x3FA1] =	sst s3  }
0xc: {  	[smem:$0x3FA2] =	sst s4  }
0xd: {  	[smem:$0x3FA3] =	sst s5  }
0xe: {  	[smem:$0x3FA4] =	sst s6  }
0xf: {  	[smem:$0x3FA5] =	sst s7  }
0x10: {  	[smem:$0x3FA6] =	sst s8  }
0x11: {  	[smem:$0x3FA7] =	sst s9;
	s0 =	simm.s32 @!p0 $0x0  }
0x12: {  	s1 =	sld [smem:$0x3F8D];
	s0 =	simm.s32 @p0 $0x1  }
0x13: {  	[smem:$0x3FA8] =	sst s0;
	s0 =	simm.s32 @!p1 $0x0  }
0x14: {  	s2 =	sld [smem:$0x3F8C];
	s0 =	simm.s32 @p1 $0x1  }
0x15: {  	[smem:$0x3FA9] =	sst s0;
	s0 =	simm.s32 @!p2 $0x0  }
0x16: {  	s3 =	sld [smem:$0x3FDB];
	s0 =	simm.s32 @p2 $0x1  }
0x17: {  	s4 =	simm.s32 $0x1BF5;
	[smem:$0x3FAB] =	sst s0  }
0x18: {  	s0 =	sld [smem:$0x3F8E];
	_ =	swait.ge [sflag:s4], $0x0  }
0x19: {  	s7 =	sld [smem:$0x3F8F]  }
0x1a: {  	s8 =	sadd.s32 $0xFFFFE003, lr  }
0x1b: {  	s9 =	sadd.s32 $0xFFFFFEF7, lr;
	s5 =	simm.s32 $0xFFFFFFFF;
	p2 =	slt.u32 s8, $0xFFFFF086  }
0x1c: {  	p1 =	slt.u32 s9, $0xF7A;
	s5 =	simm.s32 @!p2 $0x0  }
0x1d: {  	s5 =	simm.s32 @p1 $0x1;
	p0 =	seq.s32 s7, s2  }
0x1e: {  	s7 =	smul.u32 @!p0 $0xF7A, s2;
	p2 =	seq.s32 @!p0 s5, $0x0  }
0x1f: {  	s9 =	smul.u32 $0xF7A, s1;
	s8 =	simm.s32 @!p0 $0x1BF5;
	p2 =	por !p2, p0  }
0x20: {  	[sflag:s8] =	ssyncset.s32 @!p0 $0xFFFFF086;
	s6 =	sadd.s32 @!p0 s3, s7;
	s7 =	simm.s32 @!p0 $0x108  }
0x21: {  	s3 =	sadd.s32 s3, s9;
	s6 =	sadd.s32 @!p0 $0x88, s6;
	s7 =	simm.s32 @p2 $0x1082  }
0x22: {  	[simem:s7], [sflag:s8] =	dma.local @!p0 [hbm:s6], $0xF7A  }
0x23: {  	s9 =	sor.u32 $0xD0000000, s2;
	s6 =	simm.s32 $0x108;
	_ =	swait.ge @!p0 [sflag:s8], $0x0  }
0x24: {  	s3 =	sadd.s32 $0x88, s3;
	s6 =	simm.s32 @!p1 $0x1082;
	[sflag:s4] =	ssyncset.s32 $0xFFFFF086  }
0x25: {  	[simem:s6], [sflag:s4] =	dma.local [hbm:s3], $0xF7A  }
0x26: {  	[smem:$0x3F8F] =	sst s1;
	(tag) =	ssettag s2;
	_ =	strace s9  }
0x27: {  	s1 =	sld [smem:$0x3F9F]  }
0x28: {  	s2 =	sld [smem:$0x3FA0]  }
0x29: {  	s4 =	sld [smem:$0x3FA2]  }
0x2a: {  	p0 =	seq.s32 s5, $0x0;
	s5 =	sld [smem:$0x3FA3]  }
0x2b: {  	s6 =	sld [smem:$0x3FA4]  }
0x2c: {  	s7 =	sld [smem:$0x3FA5]  }
0x2d: {  	s3 =	simm.s32 $0x108;
	s8 =	sld [smem:$0x3FA6]  }
0x2e: {  	s3 =	simm.s32 @!p0 $0x1082;
	s9 =	sld [smem:$0x3FA7]  }
0x2f: {  	lr =	sadd.s32 s0, s3;
	s0 =	sld [smem:$0x3F9E]  }
0x30: {  	s3 =	sld [smem:$0x3FA1]  }
0x31: {  	[smem:$0x3FAA] =	sst s10  }
0x32: {  	s10 =	sld [smem:$0x3FA8];
	_ =	sdelay $0x3  }
0x33: {  	p0 =	seq.s32 s10, $0x1;
	s10 =	sld [smem:$0x3FAA];
	_ =	sdelay $0x3  }
0x34: {  	[smem:$0x3FAA] =	sst s10  }
0x35: {  	s10 =	sld [smem:$0x3FA9];
	_ =	sdelay $0x3  }
0x36: {  	p1 =	seq.s32 s10, $0x1;
	s10 =	sld [smem:$0x3FAA];
	_ =	sdelay $0x3  }
0x37: {  	[smem:$0x3FAA] =	sst s10  }
0x38: {  	s10 =	sld [smem:$0x3FAB]  }
0x39: {  	_ = 	snop;
	(pc) =	sbr.ind lr, $3  }
0x3a: {  	_ = 	snop  }
0x3b: {  	_ = 	snop  }
0x3c: {  	p2 =	seq.s32 s10, $0x1;
	s10 =	sld [smem:$0x3FAA]  }
0x3d: {  	_ =	shalt  }
0x3e: {  	_ =	shalt  }
0x3f: {  	_ =	shalt  }
0x40: {  	_ =	shalt  }
0x41: {  	_ =	shalt  }
0x42: {  	_ =	shalt  }
0x43: {  	_ =	shalt  }
0x44: {  	_ =	shalt  }
0x45: {  	_ =	shalt  }
0x46: {  	_ =	shalt  }
0x47: {  	_ =	shalt  }
0x48: {  	_ =	shalt  }
0x49: {  	_ =	shalt  }
0x4a: {  	_ =	shalt  }
0x4b: {  	_ =	shalt  }
0x4c: {  	_ =	shalt  }
0x4d: {  	_ =	shalt  }
0x4e: {  	_ =	shalt  }
0x4f: {  	_ =	shalt  }
0x50: {  	_ =	shalt  }
0x51: {  	_ =	shalt  }
0x52: {  	_ =	shalt  }
0x53: {  	_ =	shalt  }
0x54: {  	_ =	shalt  }
0x55: {  	_ =	shalt  }
0x56: {  	_ =	shalt  }
0x57: {  	_ =	shalt  }
0x58: {  	_ =	shalt  }
0x59: {  	_ =	shalt  }
0x5a: {  	_ =	shalt  }
0x5b: {  	_ =	shalt  }
0x5c: {  	_ =	shalt  }
0x5d: {  	_ =	shalt  }
0x5e: {  	_ =	shalt  }
0x5f: {  	_ =	shalt  }
0x60: {  	_ =	shalt  }
0x61: {  	_ =	shalt  }
0x62: {  	_ =	shalt  }
0x63: {  	_ =	shalt  }
0x64: {  	_ =	shalt  }
0x65: {  	_ =	shalt  }
0x66: {  	_ =	shalt  }
0x67: {  	_ =	shalt  }
0x68: {  	_ =	shalt  }
0x69: {  	_ =	shalt  }
0x6a: {  	_ =	shalt  }
0x6b: {  	_ =	shalt  }
0x6c: {  	_ =	shalt  }
0x6d: {  	_ =	shalt  }
0x6e: {  	_ =	shalt  }
0x6f: {  	_ =	shalt  }
0x70: {  	_ =	shalt  }
0x71: {  	_ =	shalt  }
0x72: {  	_ =	shalt  }
0x73: {  	_ =	shalt  }
0x74: {  	_ =	shalt  }
0x75: {  	_ =	shalt  }
0x76: {  	_ =	shalt  }
0x77: {  	_ =	shalt  }
0x78: {  	_ =	shalt  }
0x79: {  	_ =	shalt  }
0x7a: {  	_ =	shalt  }
0x7b: {  	_ =	shalt  }
0x7c: {  	_ =	shalt  }
0x7d: {  	_ =	shalt  }
0x7e: {  	_ =	shalt  }
0x7f: {  	_ =	shalt  }
0x80: {  	_ =	shalt  }
0x81: {  	_ =	shalt  }
0x82: {  	_ =	shalt  }
0x83: {  	_ =	shalt  }
0x84: {  	_ =	shalt  }
0x85: {  	_ =	shalt  }
0x86: {  	_ =	shalt  }
0x87: {  	_ =	shalt  }
.Lfunc_end0:
.L_simem_size_0:
called_computation.1_lowered:
.L_overlay_start_0:
0x88: {  	s2 =	sld [smem:$0x3FD9]  }
0x89: {  	s3 =	sld [smem:$0x3FFE];
	_ =	sdelay $0x1  }
0x8a: {  	s1 =	srdreg.scid  }
0x8b: {  	s0 =	sand.u32 $0x1, s1  }
0x8c: {  	s16 =	sshll.u32 s0, $0xA;
	s2 =	sadd.s32 s3, s2  }
0x8d: {  	s2 =	sadd.s32 s2, s16  }
0x8e: {  	[smem:$0x3FB6] =	sst s2  }
0x8f: {  	_ = 	snop  }
0x90: {  	(tm) =	ssettm $0x1  }
0x91: {  	s17 =	sld [smem:$0x3FFB];
	_ =	sdelay $0x3  }
0x92: {  	_ =	strace s17  }
0x93: {  	s2 =	sld [smem:$0x3FFC];
	_ =	sdelay $0x3  }
0x94: {  	_ =	strace s2  }
0x95: {  	s2 =	sld [smem:$0x3FFD];
	_ =	sdelay $0x3  }
0x96: {  	_ =	strace s2  }
0x97: {  	_ =	strace $0x8FFFFFFF  }
0x98: {  	s18 =	sld [smem:$0x3FDB];
	_ =	sdelay $0x1  }
0x99: {  	s19 =	simm.s32 $_scs_section_size  }
0x9a: {  	s4 =	simm.s32 $_size__tile_overlayer_lowered;
	s5 =	simm.s32 $_tile_overlayer_lowered  }
0x9b: {  	s22 =	simm.s32 $0x1BFF;
	s21 =	sshll.u32 s5, $0x1;
	s2 =	sadd.s32 s19, s18  }
0x9c: {  	s6 =	simm.s32 $0x0;
	s20 =	sshll.u32 s4, $0x1;
	s4 =	sadd.s32 s21, s2  }
0x9d: {  	[timem:s6], [sflag:s22] =	dma.local [hbm:s4], s20  }
0x9e: {  	_ =	swait.ge [sflag:s22], s20  }
0x9f: {  	s3 =	ssub.s32 $0x0, s20;
	[sflag:s22] =	ssyncset.done $0x0  }
0xa0: {  	[sflag:s22] =	ssyncadd.s32 s3;
	_ =	sdelay $0x1  }
0xa1: {  	s23 =	simm.s32 $0x1B8B  }
0xa2: {  	_ =	swait.ge [sflag:s23], $0x1  }
0xa3: {  	[sflag:s23] =	ssyncset.done $0x0  }
0xa4: {  	s25 =	simm.s32 $0x1B8E;
	s24 =	sld [smem:$0x3FFE];
	[sflag:s23] =	ssyncadd.s32 $0xFFFFFFFF  }
0xa5: {  	s26 =	simm.s32 $execute0_lowered;
	[smem:$0x3FD2] =	sst s25  }
0xa6: {  	s4 =	sshll.u32 s26, $0x1;
	_ =	strace $0x80000049;
	[dreg:$0x1] =	wrdreg $0xFFFFFFFF  }
0xa7: {  	s28 =	simm.s32 $_size_execute0_lowered;
	s2 =	sadd.s32 s2, s4;
	[dreg:$0x0] =	wrdreg $0x0  }
0xa8: {  	s4 =	sshll.u32 s28, $0x1;
	[dreg:$0x2] =	wrdreg s2  }
0xa9: {  	[dreg:$0x3] =	wrdreg s4  }
0xaa: {  	[dreg:$0x4] =	wrdreg $0xC0  }
0xab: {  	_ =	task [dreg:s6], $0x5FFFF  }
0xac: {  	[dreg:$0x1] =	wrdreg $0xFFFFFFFF  }
0xad: {  	[dreg:$0x0] =	wrdreg $0x60  }
0xae: {  	[dreg:$0x2] =	wrdreg s24  }
0xaf: {  	[dreg:$0x3] =	wrdreg $0x46500  }
0xb0: {  	[dreg:$0x4] =	wrdreg $0x9  }
0xb1: {  	_ =	task.clear_ibuf [dreg:s6], $0x5FFFF;
	_ =	strace $0x90000049  }
0xb2: {  	s29 =	simm.s32 $0x9;
	_ =	strace $0x8000004B  }
0xb3: {  	_ =	swait.ge [sflag:s29], $0x1  }
0xb4: {  	[sflag:s29] =	ssyncadd.s32 $0xFFFFFFFF  }
0xb5: {  	_ =	strace $0x9000004B  }
0xb6: {  	_ =	sfence  }
0xb7: {  	s30 =	sld [smem:$0x0];
	_ =	sdelay $0x2  }
0xb8: {  	s31 =	sshll.u32 s1, $0xD;
	s1 =	sshrl.u32 s1, $0x2  }
0xb9: {  	s3 =	sand.u32 $0x4000, s31;
	s1 =	sadd.s32 s1, s30  }
0xba: {  	s0 =	sor.u32 s3, s0;
	s1 =	sshll.u32 s1, $0x11  }
0xbb: {  	s0 =	sor.u32 s1, s0  }
0xbc: {  	s0 =	sadd.s32 $0x8F2B, s0  }
0xbd: {  	[sflag:s0] =	ssyncadd.remote.s32 $0x1  }
0xbe: {  	_ =	sfence.sel $0xFFFF  }
0xbf: {  	[dreg:$0x0] =	wrdreg $0xFFFFFFFF;
	(pc) =	sbr.abs _section_cstart, $3  }
0xc0: {  	[dreg:$0x1] =	wrdreg $0xFFFFFFFF  }
0xc1: {  	_ =	task.clear_ibuf [dreg:s6], $0x2FFFF;
	_ =	strace $0x9FFFFFFF  }
0xc2: {  	(tm) =	ssettm $0x7FFFFFFF  }
0xc3: {  	_ =	shalt  }
tec
execute0_lowered:
.L_overlay_start_1:
0x0: {  	(tag) =	ssettag $0x1  }
0x1: {  	s0 =	srdreg.scid;
	s8 =	stileid.u32  }
0x2: {  	s0 =	sand.u32 $0x1, s0;
	s1 =	smul.u32 $0x9C40, s8  }
0x3: {  	s3 =	smul.u32 $0x4E20, s0  }
0x4: {  	s4 =	rddreg [dreg:$0x0]  }
0x5: {  	s2 =	rddreg [dreg:$0x1];
	s1 =	sadd.s32 s3, s1;
	s3 =	simm.s32 $0x0  }
0x6: {  	s12 =	simm.s32 $0xA50;
	[smem:$0x7FF] =	sst s3  }
0x7: {  	s13 =	simm.s32 $0xA0;
	_ =	strace $0x8000004A;
	[dreg:$0x4] =	wrdreg s12  }
0x8: {  	s14 =	simm.s32 $0xCD0;
	[dreg:$0x5] =	wrdreg s13  }
0x9: {  	s15 =	simm.s32 $0xF0;
	[dreg:$0x6] =	wrdreg s14  }
0xa: {  	s16 =	simm.s32 $0xF50;
	[dreg:$0x7] =	wrdreg s15  }
0xb: {  	s17 =	simm.s32 $0x140;
	[dreg:$0x8] =	wrdreg s16  }
0xc: {  	s18 =	simm.s32 $0x11D0;
	[dreg:$0x9] =	wrdreg s17  }
0xd: {  	s19 =	simm.s32 $0x190;
	[dreg:$0xa] =	wrdreg s18  }
0xe: {  	s7 =	sadd.s32 $0xB4800, s4;
	[dreg:$0xb] =	wrdreg s19  }
0xf: {  	s20 =	simm.s32 $0x1450;
	s21 =	simm.s32 $0x1E0;
	[dreg:$0x1f] =	wrdreg s7  }
0x10: {  	s22 =	simm.s32 $0x16D0;
	s24 =	simm.s32 $0x230;
	[dreg:$0xc] =	wrdreg s20  }
0x11: {  	s26 =	simm.s32 $0x1950;
	s9 =	simm.s32 $0x280;
	[dreg:$0xd] =	wrdreg s21  }
0x12: {  	s10 =	simm.s32 $0x1BD0;
	s11 =	simm.s32 $0x2D0;
	[dreg:$0xe] =	wrdreg s22  }
0x13: {  	s28 =	simm.s32 $0x3C50;
	s29 =	simm.s32 $0x6E0;
	[dreg:$0xf] =	wrdreg s24  }
0x14: {  	s30 =	simm.s32 $0x3ED0;
	s31 =	simm.s32 $0x730;
	[dreg:$0x10] =	wrdreg s26  }
0x15: {  	s6 =	smul.u32 $0x280, s8;
	p0 =	sne.s32 s8, $0x0;
	[dreg:$0x11] =	wrdreg s9  }
0x16: {  	s23 =	ssub.s32 $0x2, s0;
	s0 =	smul.u32 $0x2800, s0;
	[dreg:$0x12] =	wrdreg s10  }
0x17: {  	s25 =	sshrl.u32 s23, $0x1;
	[dreg:$0x13] =	wrdreg s11;
	s13 =	simm.s32 $0x1E50  }
0x18: {  	s5 =	sshrl.u32 s1, $0x3;
	s14 =	simm.s32 $0x320;
	[dreg:$0x14] =	wrdreg s13  }
0x19: {  	s1 =	sadd.s32 s1, s4;
	s16 =	simm.s32 $0x20D0;
	[dreg:$0x15] =	wrdreg s14  }
0x1a: {  	s5 =	sadd.s32 s5, s4;
	s17 =	simm.s32 $0x370;
	[dreg:$0x16] =	wrdreg s16  }
0x1b: {  	s4 =	sadd.s32 s6, s4;
	s1 =	sadd.s32 $0x18400, s1;
	[dreg:$0x17] =	wrdreg s17  }
0x1c: {  	s6 =	ssub.s32 s23, s25;
	s19 =	simm.s32 $0x2350;
	[smem:$0x7FB] =	sst s1  }
0x1d: {  	s12 =	smul.u32 $0x5000, s8;
	s20 =	simm.s32 $0x3C0;
	[dreg:$0x18] =	wrdreg s19  }
0x1e: {  	s21 =	simm.s32 $0x25D0;
	s22 =	simm.s32 $0x410;
	[dreg:$0x19] =	wrdreg s20  }
0x1f: {  	s9 =	simm.s32 $0x2;
	s23 =	simm.s32 $0x2850;
	[dreg:$0x1a] =	wrdreg s21  }
0x20: {  	s10 =	simm.s32 $0x7D0;
	s24 =	simm.s32 $0x460;
	[dreg:$0x1b] =	wrdreg s22  }
0x21: {  	s11 =	simm.s32 $0x1;
	s25 =	simm.s32 $0x2AD0;
	[dreg:$0x1c] =	wrdreg s23  }
0x22: {  	s5 =	sadd.s32 $0x4A00, s5;
	s0 =	sadd.s32 s0, s4;
	[dreg:$0x1d] =	wrdreg s24  }
0x23: {  	s18 =	smax.u32 s6, $0x1;
	s1 =	sshrl.u32 @!p0 s2, $0x3;
	[dreg:$0x1e] =	wrdreg s25  }
0x24: {  	s13 =	simm.s32 $0x4B0;
	s14 =	simm.s32 $0x2D50;
	s16 =	simm.s32 $0x2FD0  }
0x25: {  	s17 =	simm.s32 $0x550;
	s19 =	simm.s32 $0x5A0;
	s20 =	simm.s32 $0x34D0  }
0x26: {  	s21 =	simm.s32 $0x5F0;
	s22 =	simm.s32 $0x3750;
	[dreg:$0x3] =	wrdreg s5  }
0x27: {  	s23 =	simm.s32 $0x640;
	s24 =	simm.s32 $0x39D0;
	[smem:$0x7FA] =	sst s18  }
0x28: {  	s0 =	sadd.s32 $0xB7000, s0;
	s15 =	sshrl.u32 s12, $0x2;
	[smem:$0x7FC] =	sst s1  }
0x29: {  	s12 =	simm.s32 $0x50;
	s18 =	simm.s32 $0x3250;
	s1 =	simm.s32 $0x4150  }
0x2a: {  	s5 =	simm.s32 $0x0;
	[smem:$0x7F9] =	sst s0;
	s4 =	sadd.s32 s15, s2  }
0x2b: {  	s15 =	simm.s32 $0x500;
	s0 =	simm.s32 $0x780;
	s26 =	sshrl.u32 s4, $0x3  }
0x2c: {  	s4 =	simm.s32 $0x43D0;
	[smem:$0x7FD] =	sst s26;
	s26 =	simm.s32 $0x690  }
.LBB2_1:
0x2d: {  	s8 =	sld [smem:$0x7FC];
	_ =	sdelay $0x1  }
0x2e: {  	s6 =	simm.s32 @!p0 $0x1C02;
	s7 =	rddreg [dreg:$0x1f]  }
0x2f: {  	[spmem:s8], [sflag:s6] =	dma.local @!p0 [hbm:s7], $0x2800  }
0x30: {  	s6 =	simm.s32 @!p0 $0x2  }
0x31: {  	_ =	swait.ge @!p0 [sflag:s6], $0x2800  }
0x32: {  	[sflag:s6] =	ssyncset.done @!p0 $0x0  }
0x33: {  	[sflag:s6] =	ssyncadd.s32 @!p0 $0xFFFFD800  }
0x34: {  	[bflag:$0x0] =	sbarrier.arrive $0xFFFF  }
0x35: {  	s8 =	rddreg [dreg:$0x3]  }
0x36: {  	s6 =	sadd.s32 $0x0, s8  }
0x37: {  	[tilespmem:s3], [sflag:$0x2] =	stream.linear.gather [hbm4b:s6+s3], $0x7D0, $0x38;
	[tilespmem:$0x5A50] =	vst v63  }
0x38: {  	_ =	swait.ge [sflag:s9], $0x7D0  }
0x39: {  	s8 =	sld [smem:$0x7FB]  }
0x3a: {  	[sflag:s9] =	ssyncset.done $0x0  }
0x3b: {  	[sflag:s9] =	ssyncadd.s32 $0xFFFFF830  }
0x3c: {  	[tilespmem:s10], [sflag:$0x1] =	stream.linear.gather [hbm4b:s8+s3], $0x3E80, $0x38;
	[tilespmem:$0x5A50] =	vst v63  }
0x3d: {  	_ =	swait.ge [sflag:s11], $0x3E80  }
0x3e: {  	[sflag:s11] =	ssyncset.done $0x0  }
0x3f: {  	[sflag:s11] =	ssyncadd.s32 $0xFFFFC180  }
0x40: {  	[spmem:s2] =	stream.indirect.scatter.add.f32 [tilespmem:s10], [sflag:$0x2], $0x8, s3, s12, $0xb8;
	[tilespmem:$0x5A50] =	vst v63  }
0x41: {  	_ =	swait.ge [sflag:s9], $0x280  }
0x42: {  	[sflag:s9] =	ssyncset.done $0x0  }
0x43: {  	s25 =	rddreg [dreg:$0x4];
	[sflag:s9] =	ssyncadd.s32 $0xFFFFFD80  }
0x44: {  	[spmem:s2] =	stream.indirect.scatter.add.f32 [tilespmem:s25], [sflag:$0x2], $0x8, s12, s12, $0xb8;
	[tilespmem:$0x5A50] =	vst v63  }
0x45: {  	_ =	swait.ge [sflag:s9], $0x280  }
0x46: {  	s7 =	rddreg [dreg:$0x5];
	[sflag:s9] =	ssyncset.done $0x0  }
0x47: {  	s25 =	rddreg [dreg:$0x6];
	[sflag:s9] =	ssyncadd.s32 $0xFFFFFD80  }
0x48: {  	[spmem:s2] =	stream.indirect.scatter.add.f32 [tilespmem:s25], [sflag:$0x2], $0x8, s7, s12, $0xb8;
	[tilespmem:$0x5A50] =	vst v63  }
0x49: {  	_ =	swait.ge [sflag:s9], $0x280  }
0x4a: {  	s7 =	rddreg [dreg:$0x7];
	[sflag:s9] =	ssyncset.done $0x0  }
0x4b: {  	s25 =	rddreg [dreg:$0x8];
	[sflag:s9] =	ssyncadd.s32 $0xFFFFFD80  }
0x4c: {  	[spmem:s2] =	stream.indirect.scatter.add.f32 [tilespmem:s25], [sflag:$0x2], $0x8, s7, s12, $0xb8;
	[tilespmem:$0x5A50] =	vst v63  }
0x4d: {  	_ =	swait.ge [sflag:s9], $0x280  }
0x4e: {  	s7 =	rddreg [dreg:$0x9];
	[sflag:s9] =	ssyncset.done $0x0  }
0x4f: {  	s25 =	rddreg [dreg:$0xa];
	[sflag:s9] =	ssyncadd.s32 $0xFFFFFD80  }
0x50: {  	[spmem:s2] =	stream.indirect.scatter.add.f32 [tilespmem:s25], [sflag:$0x2], $0x8, s7, s12, $0xb8;
	[tilespmem:$0x5A50] =	vst v63  }
0x51: {  	_ =	swait.ge [sflag:s9], $0x280  }
0x52: {  	s7 =	rddreg [dreg:$0xb];
	[sflag:s9] =	ssyncset.done $0x0  }
0x53: {  	s25 =	rddreg [dreg:$0xc];
	[sflag:s9] =	ssyncadd.s32 $0xFFFFFD80  }
0x54: {  	[spmem:s2] =	stream.indirect.scatter.add.f32 [tilespmem:s25], [sflag:$0x2], $0x8, s7, s12, $0xb8;
	[tilespmem:$0x5A50] =	vst v63  }
0x55: {  	_ =	swait.ge [sflag:s9], $0x280  }
0x56: {  	s7 =	rddreg [dreg:$0xd];
	[sflag:s9] =	ssyncset.done $0x0  }
0x57: {  	s25 =	rddreg [dreg:$0xe];
	[sflag:s9] =	ssyncadd.s32 $0xFFFFFD80  }
0x58: {  	[spmem:s2] =	stream.indirect.scatter.add.f32 [tilespmem:s25], [sflag:$0x2], $0x8, s7, s12, $0xb8;
	[tilespmem:$0x5A50] =	vst v63  }
0x59: {  	_ =	swait.ge [sflag:s9], $0x280  }
0x5a: {  	s7 =	rddreg [dreg:$0xf];
	[sflag:s9] =	ssyncset.done $0x0  }
0x5b: {  	s25 =	rddreg [dreg:$0x10];
	[sflag:s9] =	ssyncadd.s32 $0xFFFFFD80  }
0x5c: {  	[spmem:s2] =	stream.indirect.scatter.add.f32 [tilespmem:s25], [sflag:$0x2], $0x8, s7, s12, $0xb8;
	[tilespmem:$0x5A50] =	vst v63  }
0x5d: {  	_ =	swait.ge [sflag:s9], $0x280  }
0x5e: {  	s7 =	rddreg [dreg:$0x11];
	[sflag:s9] =	ssyncset.done $0x0  }
0x5f: {  	s25 =	rddreg [dreg:$0x12];
	[sflag:s9] =	ssyncadd.s32 $0xFFFFFD80  }
0x60: {  	[spmem:s2] =	stream.indirect.scatter.add.f32 [tilespmem:s25], [sflag:$0x2], $0x8, s7, s12, $0xb8;
	[tilespmem:$0x5A50] =	vst v63  }
0x61: {  	_ =	swait.ge [sflag:s9], $0x280  }
0x62: {  	s7 =	rddreg [dreg:$0x13];
	[sflag:s9] =	ssyncset.done $0x0  }
0x63: {  	s25 =	rddreg [dreg:$0x14];
	[sflag:s9] =	ssyncadd.s32 $0xFFFFFD80  }
0x64: {  	[spmem:s2] =	stream.indirect.scatter.add.f32 [tilespmem:s25], [sflag:$0x2], $0x8, s7, s12, $0xb8;
	[tilespmem:$0x5A50] =	vst v63  }
0x65: {  	_ =	swait.ge [sflag:s9], $0x280  }
0x66: {  	s7 =	rddreg [dreg:$0x15];
	[sflag:s9] =	ssyncset.done $0x0  }
0x67: {  	s25 =	rddreg [dreg:$0x16];
	[sflag:s9] =	ssyncadd.s32 $0xFFFFFD80  }
0x68: {  	[spmem:s2] =	stream.indirect.scatter.add.f32 [tilespmem:s25], [sflag:$0x2], $0x8, s7, s12, $0xb8;
	[tilespmem:$0x5A50] =	vst v63  }
0x69: {  	_ =	swait.ge [sflag:s9], $0x280  }
0x6a: {  	s7 =	rddreg [dreg:$0x17];
	[sflag:s9] =	ssyncset.done $0x0  }
0x6b: {  	s25 =	rddreg [dreg:$0x18];
	[sflag:s9] =	ssyncadd.s32 $0xFFFFFD80  }
0x6c: {  	[spmem:s2] =	stream.indirect.scatter.add.f32 [tilespmem:s25], [sflag:$0x2], $0x8, s7, s12, $0xb8;
	[tilespmem:$0x5A50] =	vst v63  }
0x6d: {  	_ =	swait.ge [sflag:s9], $0x280  }
0x6e: {  	s7 =	rddreg [dreg:$0x19];
	[sflag:s9] =	ssyncset.done $0x0  }
0x6f: {  	s25 =	rddreg [dreg:$0x1a];
	[sflag:s9] =	ssyncadd.s32 $0xFFFFFD80  }
0x70: {  	[spmem:s2] =	stream.indirect.scatter.add.f32 [tilespmem:s25], [sflag:$0x2], $0x8, s7, s12, $0xb8;
	[tilespmem:$0x5A50] =	vst v63  }
0x71: {  	_ =	swait.ge [sflag:s9], $0x280  }
0x72: {  	s7 =	rddreg [dreg:$0x1b];
	[sflag:s9] =	ssyncset.done $0x0  }
0x73: {  	s25 =	rddreg [dreg:$0x1c];
	[sflag:s9] =	ssyncadd.s32 $0xFFFFFD80  }
0x74: {  	[spmem:s2] =	stream.indirect.scatter.add.f32 [tilespmem:s25], [sflag:$0x2], $0x8, s7, s12, $0xb8;
	[tilespmem:$0x5A50] =	vst v63  }
0x75: {  	_ =	swait.ge [sflag:s9], $0x280  }
0x76: {  	s7 =	rddreg [dreg:$0x1d];
	[sflag:s9] =	ssyncset.done $0x0  }
0x77: {  	s25 =	rddreg [dreg:$0x1e];
	[sflag:s9] =	ssyncadd.s32 $0xFFFFFD80  }
0x78: {  	[spmem:s2] =	stream.indirect.scatter.add.f32 [tilespmem:s25], [sflag:$0x2], $0x8, s7, s12, $0xb8;
	[tilespmem:$0x5A50] =	vst v63  }
0x79: {  	_ =	swait.ge [sflag:s9], $0x280  }
0x7a: {  	[sflag:s9] =	ssyncset.done $0x0  }
0x7b: {  	[sflag:s9] =	ssyncadd.s32 $0xFFFFFD80  }
0x7c: {  	[spmem:s2] =	stream.indirect.scatter.add.f32 [tilespmem:s14], [sflag:$0x2], $0x8, s13, s12, $0xb8;
	[tilespmem:$0x5A50] =	vst v63  }
0x7d: {  	_ =	swait.ge [sflag:s9], $0x280  }
0x7e: {  	[sflag:s9] =	ssyncset.done $0x0  }
0x7f: {  	[sflag:s9] =	ssyncadd.s32 $0xFFFFFD80  }
0x80: {  	[spmem:s2] =	stream.indirect.scatter.add.f32 [tilespmem:s16], [sflag:$0x2], $0x8, s15, s12, $0xb8;
	[tilespmem:$0x5A50] =	vst v63  }
0x81: {  	_ =	swait.ge [sflag:s9], $0x280  }
0x82: {  	[sflag:s9] =	ssyncset.done $0x0  }
0x83: {  	[sflag:s9] =	ssyncadd.s32 $0xFFFFFD80  }
0x84: {  	[spmem:s2] =	stream.indirect.scatter.add.f32 [tilespmem:s18], [sflag:$0x2], $0x8, s17, s12, $0xb8;
	[tilespmem:$0x5A50] =	vst v63  }
0x85: {  	_ =	swait.ge [sflag:s9], $0x280  }
0x86: {  	[sflag:s9] =	ssyncset.done $0x0  }
0x87: {  	[sflag:s9] =	ssyncadd.s32 $0xFFFFFD80  }
0x88: {  	[spmem:s2] =	stream.indirect.scatter.add.f32 [tilespmem:s20], [sflag:$0x2], $0x8, s19, s12, $0xb8;
	[tilespmem:$0x5A50] =	vst v63  }
0x89: {  	_ =	swait.ge [sflag:s9], $0x280  }
0x8a: {  	[sflag:s9] =	ssyncset.done $0x0  }
0x8b: {  	[sflag:s9] =	ssyncadd.s32 $0xFFFFFD80  }
0x8c: {  	[spmem:s2] =	stream.indirect.scatter.add.f32 [tilespmem:s22], [sflag:$0x2], $0x8, s21, s12, $0xb8;
	[tilespmem:$0x5A50] =	vst v63  }
0x8d: {  	_ =	swait.ge [sflag:s9], $0x280  }
0x8e: {  	[sflag:s9] =	ssyncset.done $0x0  }
0x8f: {  	[sflag:s9] =	ssyncadd.s32 $0xFFFFFD80  }
0x90: {  	[spmem:s2] =	stream.indirect.scatter.add.f32 [tilespmem:s24], [sflag:$0x2], $0x8, s23, s12, $0xb8;
	[tilespmem:$0x5A50] =	vst v63  }
0x91: {  	_ =	swait.ge [sflag:s9], $0x280  }
0x92: {  	[sflag:s9] =	ssyncset.done $0x0  }
0x93: {  	[sflag:s9] =	ssyncadd.s32 $0xFFFFFD80  }
0x94: {  	[spmem:s2] =	stream.indirect.scatter.add.f32 [tilespmem:s28], [sflag:$0x2], $0x8, s26, s12, $0xb8;
	[tilespmem:$0x5A50] =	vst v63  }
0x95: {  	s6 =	simm.s32 $0xFA;
	s7 =	smov.u32 s8;
	_ =	swait.ge [sflag:s9], $0x280  }
.LBB2_2:
0x96: {  	[sflag:s9] =	ssyncset.done $0x0  }
0x97: {  	[sflag:s9] =	ssyncadd.s32 $0xFFFFFD80  }
0x98: {  	[spmem:s2] =	stream.indirect.scatter.add.f32 [tilespmem:s30], [sflag:$0x2], $0x8, s29, s12, $0xb8;
	[tilespmem:$0x5A50] =	vst v63  }
0x99: {  	_ =	swait.ge [sflag:s9], $0x280  }
0x9a: {  	[sflag:s9] =	ssyncset.done $0x0  }
0x9b: {  	[sflag:s9] =	ssyncadd.s32 $0xFFFFFD80  }
0x9c: {  	[spmem:s2] =	stream.indirect.scatter.add.f32 [tilespmem:s1], [sflag:$0x2], $0x8, s31, s12, $0xb8;
	[tilespmem:$0x5A50] =	vst v63  }
0x9d: {  	_ =	swait.ge [sflag:s9], $0x280  }
0x9e: {  	[sflag:s9] =	ssyncset.done $0x0  }
0x9f: {  	[sflag:s9] =	ssyncadd.s32 $0xFFFFFD80  }
0xa0: {  	[spmem:s2] =	stream.indirect.scatter.add.f32 [tilespmem:s4], [sflag:$0x2], $0x8, s0, s12, $0xb8;
	[tilespmem:$0x5A50] =	vst v63  }
0xa1: {  	_ =	swait.ge [sflag:s9], $0x280  }
0xa2: {  	s25 =	smov.u32 s6;
	s8 =	rddreg [dreg:$0x3];
	[sflag:s9] =	ssyncset.done $0x0  }
0xa3: {  	[sflag:s9] =	ssyncadd.s32 $0xFFFFFD80;
	s8 =	sadd.s32 s25, s8  }
0xa4: {  	[tilespmem:s3], [sflag:$0x2] =	stream.linear.gather [hbm4b:s8+s3], $0x7D0, $0x38;
	[tilespmem:$0x5A50] =	vst v63  }
0xa5: {  	_ =	swait.ge [sflag:s9], $0x7D0  }
0xa6: {  	[sflag:s9] =	ssyncset.done $0x0  }
0xa7: {  	s7 =	sadd.s32 $0x7D0, s7;
	[sflag:s9] =	ssyncadd.s32 $0xFFFFF830  }
0xa8: {  	[tilespmem:s10], [sflag:$0x1] =	stream.linear.gather [hbm4b:s7+s3], $0x3E80, $0x38;
	[tilespmem:$0x5A50] =	vst v63  }
0xa9: {  	_ =	swait.ge [sflag:s11], $0x3E80  }
0xaa: {  	[sflag:s11] =	ssyncset.done $0x0  }
0xab: {  	[sflag:s11] =	ssyncadd.s32 $0xFFFFC180  }
0xac: {  	[spmem:s2] =	stream.indirect.scatter.add.f32 [tilespmem:s10], [sflag:$0x2], $0x8, s3, s12, $0xb8;
	[tilespmem:$0x5A50] =	vst v63  }
0xad: {  	_ =	swait.ge [sflag:s9], $0x280  }
0xae: {  	[sflag:s9] =	ssyncset.done $0x0  }
0xaf: {  	s25 =	rddreg [dreg:$0x4];
	[sflag:s9] =	ssyncadd.s32 $0xFFFFFD80  }
0xb0: {  	[spmem:s2] =	stream.indirect.scatter.add.f32 [tilespmem:s25], [sflag:$0x2], $0x8, s12, s12, $0xb8;
	[tilespmem:$0x5A50] =	vst v63  }
0xb1: {  	_ =	swait.ge [sflag:s9], $0x280  }
0xb2: {  	s8 =	rddreg [dreg:$0x5];
	[sflag:s9] =	ssyncset.done $0x0  }
0xb3: {  	s25 =	rddreg [dreg:$0x6];
	[sflag:s9] =	ssyncadd.s32 $0xFFFFFD80  }
0xb4: {  	[spmem:s2] =	stream.indirect.scatter.add.f32 [tilespmem:s25], [sflag:$0x2], $0x8, s8, s12, $0xb8;
	[tilespmem:$0x5A50] =	vst v63  }
0xb5: {  	_ =	swait.ge [sflag:s9], $0x280  }
0xb6: {  	[sflag:s9] =	ssyncset.done $0x0;
	s8 =	rddreg [dreg:$0x7]  }
0xb7: {  	s25 =	rddreg [dreg:$0x8];
	[sflag:s9] =	ssyncadd.s32 $0xFFFFFD80  }
0xb8: {  	[spmem:s2] =	stream.indirect.scatter.add.f32 [tilespmem:s25], [sflag:$0x2], $0x8, s8, s12, $0xb8;
	[tilespmem:$0x5A50] =	vst v63  }
0xb9: {  	_ =	swait.ge [sflag:s9], $0x280  }
0xba: {  	[sflag:s9] =	ssyncset.done $0x0;
	s8 =	rddreg [dreg:$0x9]  }
0xbb: {  	s25 =	rddreg [dreg:$0xa];
	[sflag:s9] =	ssyncadd.s32 $0xFFFFFD80  }
0xbc: {  	[spmem:s2] =	stream.indirect.scatter.add.f32 [tilespmem:s25], [sflag:$0x2], $0x8, s8, s12, $0xb8;
	[tilespmem:$0x5A50] =	vst v63  }
0xbd: {  	_ =	swait.ge [sflag:s9], $0x280  }
0xbe: {  	[sflag:s9] =	ssyncset.done $0x0;
	s8 =	rddreg [dreg:$0xb]  }
0xbf: {  	s25 =	rddreg [dreg:$0xc];
	[sflag:s9] =	ssyncadd.s32 $0xFFFFFD80  }
0xc0: {  	[spmem:s2] =	stream.indirect.scatter.add.f32 [tilespmem:s25], [sflag:$0x2], $0x8, s8, s12, $0xb8;
	[tilespmem:$0x5A50] =	vst v63  }
0xc1: {  	_ =	swait.ge [sflag:s9], $0x280  }
0xc2: {  	[sflag:s9] =	ssyncset.done $0x0;
	s8 =	rddreg [dreg:$0xd]  }
0xc3: {  	s25 =	rddreg [dreg:$0xe];
	[sflag:s9] =	ssyncadd.s32 $0xFFFFFD80  }
0xc4: {  	[spmem:s2] =	stream.indirect.scatter.add.f32 [tilespmem:s25], [sflag:$0x2], $0x8, s8, s12, $0xb8;
	[tilespmem:$0x5A50] =	vst v63  }
0xc5: {  	_ =	swait.ge [sflag:s9], $0x280  }
0xc6: {  	[sflag:s9] =	ssyncset.done $0x0;
	s8 =	rddreg [dreg:$0xf]  }
0xc7: {  	s25 =	rddreg [dreg:$0x10];
	[sflag:s9] =	ssyncadd.s32 $0xFFFFFD80  }
0xc8: {  	[spmem:s2] =	stream.indirect.scatter.add.f32 [tilespmem:s25], [sflag:$0x2], $0x8, s8, s12, $0xb8;
	[tilespmem:$0x5A50] =	vst v63  }
0xc9: {  	_ =	swait.ge [sflag:s9], $0x280  }
0xca: {  	[sflag:s9] =	ssyncset.done $0x0;
	s8 =	rddreg [dreg:$0x11]  }
0xcb: {  	s25 =	rddreg [dreg:$0x12];
	[sflag:s9] =	ssyncadd.s32 $0xFFFFFD80  }
0xcc: {  	[spmem:s2] =	stream.indirect.scatter.add.f32 [tilespmem:s25], [sflag:$0x2], $0x8, s8, s12, $0xb8;
	[tilespmem:$0x5A50] =	vst v63  }
0xcd: {  	_ =	swait.ge [sflag:s9], $0x280  }
0xce: {  	[sflag:s9] =	ssyncset.done $0x0;
	s8 =	rddreg [dreg:$0x13]  }
0xcf: {  	s25 =	rddreg [dreg:$0x14];
	[sflag:s9] =	ssyncadd.s32 $0xFFFFFD80  }
0xd0: {  	[spmem:s2] =	stream.indirect.scatter.add.f32 [tilespmem:s25], [sflag:$0x2], $0x8, s8, s12, $0xb8;
	[tilespmem:$0x5A50] =	vst v63  }
0xd1: {  	_ =	swait.ge [sflag:s9], $0x280  }
0xd2: {  	[sflag:s9] =	ssyncset.done $0x0;
	s8 =	rddreg [dreg:$0x15]  }
0xd3: {  	s25 =	rddreg [dreg:$0x16];
	[sflag:s9] =	ssyncadd.s32 $0xFFFFFD80  }
0xd4: {  	[spmem:s2] =	stream.indirect.scatter.add.f32 [tilespmem:s25], [sflag:$0x2], $0x8, s8, s12, $0xb8;
	[tilespmem:$0x5A50] =	vst v63  }
0xd5: {  	_ =	swait.ge [sflag:s9], $0x280  }
0xd6: {  	[sflag:s9] =	ssyncset.done $0x0;
	s8 =	rddreg [dreg:$0x17]  }
0xd7: {  	s25 =	rddreg [dreg:$0x18];
	[sflag:s9] =	ssyncadd.s32 $0xFFFFFD80  }
0xd8: {  	[spmem:s2] =	stream.indirect.scatter.add.f32 [tilespmem:s25], [sflag:$0x2], $0x8, s8, s12, $0xb8;
	[tilespmem:$0x5A50] =	vst v63  }
0xd9: {  	_ =	swait.ge [sflag:s9], $0x280  }
0xda: {  	[sflag:s9] =	ssyncset.done $0x0;
	s8 =	rddreg [dreg:$0x19]  }
0xdb: {  	s25 =	rddreg [dreg:$0x1a];
	[sflag:s9] =	ssyncadd.s32 $0xFFFFFD80  }
0xdc: {  	[spmem:s2] =	stream.indirect.scatter.add.f32 [tilespmem:s25], [sflag:$0x2], $0x8, s8, s12, $0xb8;
	[tilespmem:$0x5A50] =	vst v63  }
0xdd: {  	_ =	swait.ge [sflag:s9], $0x280  }
0xde: {  	[sflag:s9] =	ssyncset.done $0x0;
	s8 =	rddreg [dreg:$0x1b]  }
0xdf: {  	s25 =	rddreg [dreg:$0x1c];
	[sflag:s9] =	ssyncadd.s32 $0xFFFFFD80  }
0xe0: {  	[spmem:s2] =	stream.indirect.scatter.add.f32 [tilespmem:s25], [sflag:$0x2], $0x8, s8, s12, $0xb8;
	[tilespmem:$0x5A50] =	vst v63  }
0xe1: {  	_ =	swait.ge [sflag:s9], $0x280  }
0xe2: {  	[sflag:s9] =	ssyncset.done $0x0;
	s8 =	rddreg [dreg:$0x1d]  }
0xe3: {  	s25 =	rddreg [dreg:$0x1e];
	[sflag:s9] =	ssyncadd.s32 $0xFFFFFD80  }
0xe4: {  	[spmem:s2] =	stream.indirect.scatter.add.f32 [tilespmem:s25], [sflag:$0x2], $0x8, s8, s12, $0xb8;
	[tilespmem:$0x5A50] =	vst v63  }
0xe5: {  	_ =	swait.ge [sflag:s9], $0x280  }
0xe6: {  	[sflag:s9] =	ssyncset.done $0x0  }
0xe7: {  	[sflag:s9] =	ssyncadd.s32 $0xFFFFFD80  }
0xe8: {  	[spmem:s2] =	stream.indirect.scatter.add.f32 [tilespmem:s14], [sflag:$0x2], $0x8, s13, s12, $0xb8;
	[tilespmem:$0x5A50] =	vst v63  }
0xe9: {  	_ =	swait.ge [sflag:s9], $0x280  }
0xea: {  	[sflag:s9] =	ssyncset.done $0x0  }
0xeb: {  	[sflag:s9] =	ssyncadd.s32 $0xFFFFFD80  }
0xec: {  	[spmem:s2] =	stream.indirect.scatter.add.f32 [tilespmem:s16], [sflag:$0x2], $0x8, s15, s12, $0xb8;
	[tilespmem:$0x5A50] =	vst v63  }
0xed: {  	_ =	swait.ge [sflag:s9], $0x280  }
0xee: {  	[sflag:s9] =	ssyncset.done $0x0  }
0xef: {  	[sflag:s9] =	ssyncadd.s32 $0xFFFFFD80  }
0xf0: {  	[spmem:s2] =	stream.indirect.scatter.add.f32 [tilespmem:s18], [sflag:$0x2], $0x8, s17, s12, $0xb8;
	[tilespmem:$0x5A50] =	vst v63  }
0xf1: {  	_ =	swait.ge [sflag:s9], $0x280  }
0xf2: {  	[sflag:s9] =	ssyncset.done $0x0  }
0xf3: {  	[sflag:s9] =	ssyncadd.s32 $0xFFFFFD80  }
0xf4: {  	[spmem:s2] =	stream.indirect.scatter.add.f32 [tilespmem:s20], [sflag:$0x2], $0x8, s19, s12, $0xb8;
	[tilespmem:$0x5A50] =	vst v63  }
0xf5: {  	_ =	swait.ge [sflag:s9], $0x280  }
0xf6: {  	[sflag:s9] =	ssyncset.done $0x0  }
0xf7: {  	[sflag:s9] =	ssyncadd.s32 $0xFFFFFD80  }
0xf8: {  	[spmem:s2] =	stream.indirect.scatter.add.f32 [tilespmem:s22], [sflag:$0x2], $0x8, s21, s12, $0xb8;
	[tilespmem:$0x5A50] =	vst v63  }
0xf9: {  	_ =	swait.ge [sflag:s9], $0x280  }
0xfa: {  	[sflag:s9] =	ssyncset.done $0x0  }
0xfb: {  	p1 =	sne.s32 s6, $0x8CA;
	[sflag:s9] =	ssyncadd.s32 $0xFFFFFD80  }
0xfc: {  	[spmem:s2] =	stream.indirect.scatter.add.f32 [tilespmem:s24], [sflag:$0x2], $0x8, s23, s12, $0xb8;
	[tilespmem:$0x5A50] =	vst v63  }
.Ltmp0:
0xfd: {  	_ =	swait.ge [sflag:s9], $0x280;
	(pc) =	sbr.rel @p1 .LBB2_2-.Ltmp0, $4  }
0xfe: {  	[sflag:s9] =	ssyncset.done $0x0  }
0xff: {  	[sflag:s9] =	ssyncadd.s32 $0xFFFFFD80  }
0x100: {  	[spmem:s2] =	stream.indirect.scatter.add.f32 [tilespmem:s28], [sflag:$0x2], $0x8, s26, s12, $0xb8;
	[tilespmem:$0x5A50] =	vst v63  }
0x101: {  	s6 =	sadd.s32 $0xFA, s6;
	_ =	swait.ge [sflag:s9], $0x280  }
0x102: {  	[sflag:s9] =	ssyncset.done $0x0  }
0x103: {  	[sflag:s9] =	ssyncadd.s32 $0xFFFFFD80  }
0x104: {  	[spmem:s2] =	stream.indirect.scatter.add.f32 [tilespmem:s30], [sflag:$0x2], $0x8, s29, s12, $0xb8;
	[tilespmem:$0x5A50] =	vst v63  }
0x105: {  	_ =	swait.ge [sflag:s9], $0x280  }
0x106: {  	[sflag:s9] =	ssyncset.done $0x0  }
0x107: {  	[sflag:s9] =	ssyncadd.s32 $0xFFFFFD80  }
0x108: {  	[spmem:s2] =	stream.indirect.scatter.add.f32 [tilespmem:s1], [sflag:$0x2], $0x8, s31, s12, $0xb8;
	[tilespmem:$0x5A50] =	vst v63  }
0x109: {  	_ =	swait.ge [sflag:s9], $0x280  }
0x10a: {  	[sflag:s9] =	ssyncset.done $0x0  }
0x10b: {  	[sflag:s9] =	ssyncadd.s32 $0xFFFFFD80  }
0x10c: {  	[spmem:s2] =	stream.indirect.scatter.add.f32 [tilespmem:s4], [sflag:$0x2], $0x8, s0, s12, $0xb8;
	[tilespmem:$0x5A50] =	vst v63  }
0x10d: {  	_ =	swait.ge [sflag:s9], $0x280  }
0x10e: {  	[sflag:s9] =	ssyncset.done $0x0  }
0x10f: {  	[sflag:s9] =	ssyncadd.s32 $0xFFFFFD80  }
0x110: {  	[bflag:$0x0] =	sbarrier.arrive $0xFFFF  }
0x111: {  	s7 =	sld [smem:$0x7F9]  }
0x112: {  	s6 =	stileid.u32;
	s8 =	sld [smem:$0x7FD]  }
0x113: {  	s6 =	sshll.u32 s6, $0x6  }
0x114: {  	s6 =	sor.u32 $0x1C02, s6  }
0x115: {  	[hbm:s7], [sflag:s6] =	dma.local [spmem:s8], $0x280  }
0x116: {  	_ =	swait.ge [sflag:s9], $0x280  }
0x117: {  	s25 =	sld [smem:$0x7FA];
	_ =	sdelay $0x1  }
0x118: {  	s5 =	sadd.s32 $0x1, s5  }
0x119: {  	p1 =	sne.s32 s5, s25  }
.Ltmp1:
0x11a: {  	_ = 	snop;
	(pc) =	sbr.rel @p1 .LBB2_1-.Ltmp1, $3  }
0x11b: {  	_ =	sdelay $0x1  }
0x11c: {  	[sflag:s9] =	ssyncset.done $0x0  }
0x11d: {  	[sflag:s9] =	ssyncadd.s32 $0xFFFFFD80  }
0x11e: {  	_ =	sfence.sel $0x180000  }
0x11f: {  	[bflag:$0x0] =	sbarrier.arrive $0xFFFF  }
0x120: {  	_ =	strace $0x9000004A  }
0x121: {  	[bflag:$0x2] =	sbarrier.arrive $0xFFFF  }
0x122: {  	s0 =	rddreg [dreg:$0x2]  }
0x123: {  	s0 =	sadd.s32 @!p0 $0x100000, s0  }
0x124: {  	[sflag:s0] =	ssyncadd.tile.s32 @!p0 $0x1;
	_ =	shalt  }
.Lfunc_end2:
_tile_overlayer_lowered:
.L_overlay_start_2:
0x125: {  	(tag) =	ssettag $0x2  }
0x126: {  	s0 =	rddreg [dreg:$0x0];
	s2 =	stileid.u32  }
0x127: {  	s1 =	rddreg [dreg:$0x1];
	p0 =	sne.s32 s2, $0x0  }
0x128: {  	s3 =	rddreg [dreg:$0x2];
	[bflag:$0x3] =	sbarrier.arrive $0xFFFF;
	s2 =	simm.s32 @!p0 $0x1C02  }
0x129: {  	[timem:s3], [sflag:s2] =	dma.local @!p0 [hbm:s0], s1  }
0x12a: {  	s0 =	simm.s32 @!p0 $0x2  }
0x12b: {  	_ =	swait.ge @!p0 [sflag:s0], s1  }
0x12c: {  	s1 =	ssub.s32 @!p0 $0x0, s1;
	[sflag:s0] =	ssyncset.done @!p0 $0x0  }
0x12d: {  	[sflag:s0] =	ssyncadd.s32 @!p0 s1  }
0x12e: {  	[bflag:$0x3] =	sbarrier.arrive $0xFFFF  }
0x12f: {  	_ =	shalt  }

</sc_bundles>
